<compile_context>
chip_gen: v7x
topology: tpu7x:2x2x1
jax: 0.10.2.dev20260603
libtpu: 0.0.44.dev20260713+nightly
codegen_flags: <defaults>
</compile_context>

<pallas_src>
import functools

import jax
import jax.numpy as jnp
from jax import lax
from jax.experimental import pallas as pl
from jax.experimental.pallas import tpu as pltpu
from jax.experimental.pallas import tpu_sc as plsc

_NC = 2
_NS = 16
_CH = 128
_NBUF = 8


def _sc_mesh():
    return plsc.VectorSubcoreMesh(
        core_axis_name="c", subcore_axis_name="s", num_cores=_NC, num_subcores=_NS
    )


@functools.lru_cache(maxsize=None)
def _make_deg(n_pad, k, dh):
    zr = n_pad // _NS

    @functools.partial(
        pl.kernel,
        out_type=jax.ShapeDtypeStruct((_NC, n_pad, dh), jnp.float32),
        mesh=_sc_mesh(),
        compiler_params=pltpu.CompilerParams(use_tc_tiling_on_sc=False),
        scratch_types=[
            pltpu.VMEM((k, _CH), jnp.int32),
            pltpu.VMEM((_CH, dh), jnp.float32),
            pltpu.VMEM_SHARED((n_pad, dh), jnp.float32),
            pltpu.SemaphoreType.DMA,
        ],
    )
    def deg_kernel(dst_in, ones_in, zeros_in, out, idx_d, ones_v, acc, sem):
        cid = lax.axis_index("c")
        sid = lax.axis_index("s")
        wid = sid * _NC + cid
        pltpu.sync_copy(dst_in.at[wid], idx_d)
        pltpu.sync_copy(ones_in, ones_v)
        pltpu.sync_copy(
            zeros_in.at[pl.ds(sid * zr, zr)], acc.at[pl.ds(sid * zr, zr)]
        )
        plsc.subcore_barrier()

        def fire(j, carry):
            pltpu.async_copy(ones_v, acc.at[idx_d.at[j]], sem, add=True)
            return carry

        def drain(j, carry):
            pltpu.make_async_copy(ones_v, acc.at[idx_d.at[j]], sem).wait()
            return carry

        lax.fori_loop(0, k, fire, 0)
        lax.fori_loop(0, k, drain, 0)
        plsc.subcore_barrier()
        pltpu.sync_copy(
            acc.at[pl.ds(sid * zr, zr)], out.at[cid, pl.ds(sid * zr, zr)]
        )

    return deg_kernel


@functools.lru_cache(maxsize=None)
def _make_prop(n, n_pad, k, dh):
    zr = n_pad // _NS
    tr = n // _NS

    @functools.partial(
        pl.kernel,
        out_type=jax.ShapeDtypeStruct((_NC, n_pad, dh), jnp.float32),
        mesh=_sc_mesh(),
        compiler_params=pltpu.CompilerParams(use_tc_tiling_on_sc=False),
        scratch_types=[
            pltpu.VMEM((k, _CH), jnp.int32),
            pltpu.VMEM((k, _CH), jnp.int32),
            pltpu.VMEM((_NBUF, _CH, dh), jnp.float32),
            pltpu.VMEM_SHARED((n_pad, dh), jnp.float32),
            pltpu.VMEM_SHARED((n, dh), jnp.float32),
            pltpu.SemaphoreType.DMA((_NBUF,)),
            pltpu.SemaphoreType.DMA((_NBUF,)),
        ],
    )
    def prop_kernel(table, src_in, dst_in, zeros_in, out,
                    idx_s, idx_d, rows, acc, tab, gs, ss):
        cid = lax.axis_index("c")
        sid = lax.axis_index("s")
        wid = sid * _NC + cid
        pltpu.sync_copy(src_in.at[wid], idx_s)
        pltpu.sync_copy(dst_in.at[wid], idx_d)
        pltpu.sync_copy(
            table.at[pl.ds(sid * tr, tr)], tab.at[pl.ds(sid * tr, tr)]
        )
        pltpu.sync_copy(
            zeros_in.at[pl.ds(sid * zr, zr)], acc.at[pl.ds(sid * zr, zr)]
        )
        plsc.subcore_barrier()

        def gather(j, b):
            pltpu.async_copy(tab.at[idx_s.at[j]], rows.at[b], gs.at[b])

        def wait_gather(j, b):
            pltpu.make_async_copy(tab.at[idx_s.at[j]], rows.at[b],
                                  gs.at[b]).wait()

        def scatter(j, b):
            pltpu.async_copy(rows.at[b], acc.at[idx_d.at[j]], ss.at[b],
                             add=True)

        def wait_scatter(j, b):
            pltpu.make_async_copy(rows.at[b], acc.at[idx_d.at[j]],
                                  ss.at[b]).wait()

        for b in range(_NBUF):
            gather(b, b)
        wait_gather(0, 0)
        scatter(0, 0)

        def body(j, carry):
            b = lax.rem(j, _NBUF)
            bp = lax.rem(j - 1, _NBUF)
            wait_gather(j, b)
            scatter(j, b)
            wait_scatter(j - 1, bp)
            gather(j - 1 + _NBUF, bp)
            return carry

        lax.fori_loop(1, k - _NBUF + 1, body, 0)
        for j in range(k - _NBUF + 1, k):
            wait_gather(j, j % _NBUF)
            scatter(j, j % _NBUF)
        for j in range(k - _NBUF, k):
            wait_scatter(j, j % _NBUF)
        plsc.subcore_barrier()
        pltpu.sync_copy(
            acc.at[pl.ds(sid * zr, zr)], out.at[cid, pl.ds(sid * zr, zr)]
        )

    return prop_kernel


def _tc0a_body(x_ref, w_ref, rb_ref, xg0_ref, r0_ref, r1_ref):
    dh = xg0_ref.shape[1]
    xw = jnp.dot(x_ref[...], w_ref[...], preferred_element_type=jnp.float32)
    xg0_ref[...] = xw[:, :dh]
    r0_ref[...] = xw[:, dh:2 * dh] + rb_ref[0:1, :]
    r1_ref[...] = xw[:, 2 * dh:3 * dh] + rb_ref[1:2, :]


def _tc0b_body(degp_ref, xg0_ref, hs0_ref, dinv_ref):
    n = hs0_ref.shape[0]
    deg = degp_ref[0, :n, 0:1] + degp_ref[1, :n, 0:1] + 1.0
    dinv = lax.rsqrt(deg)
    dinv_ref[...] = dinv
    hs0_ref[...] = xg0_ref[...] * dinv


def _tc_mid_body(a_ref, hs_ref, dinv_ref, r_ref, b_ref, gw_ref, w_ref,
                 out_ref, *, normalize_gate, apply_w):
    dh = hs_ref.shape[1]
    n = hs_ref.shape[0]
    dinv = dinv_ref[...]
    asum = a_ref[0, :n, :] + a_ref[1, :n, :]
    h1 = jnp.maximum((asum + hs_ref[...]) * dinv + b_ref[...], 0.0)
    r = r_ref[...]
    gw = gw_ref[...]
    s = (jnp.dot(h1, gw[:dh], preferred_element_type=jnp.float32)
         + jnp.dot(r, gw[dh:], preferred_element_type=jnp.float32))
    if normalize_gate:
        s = s * lax.rsqrt(jnp.sum(gw * gw))
    g = jax.nn.sigmoid(s)
    h = g * h1 + (1.0 - g) * r
    if apply_w:
        out_ref[...] = jnp.dot(h, w_ref[...], preferred_element_type=jnp.float32) * dinv
    else:
        out_ref[...] = h * dinv


def _tc4_body(a_ref, hs2_ref, dinv_ref, w2_ref, b2_ref, out_ref):
    n = hs2_ref.shape[0]
    agg = (a_ref[0, :n, :] + a_ref[1, :n, :] + hs2_ref[...]) * dinv_ref[...]
    pre = jnp.dot(agg, w2_ref[...], preferred_element_type=jnp.float32) + b2_ref[...]
    m = jnp.max(pre, axis=1, keepdims=True)
    out_ref[...] = pre - m - jnp.log(jnp.sum(jnp.exp(pre - m), axis=1, keepdims=True))


def kernel(x, edge_index, gcn_W0, gcn_b0, gcn_W1, gcn_b1, gcn_W2, gcn_b2,
           red_W0, red_b0, red_W1, red_b1, gate_W0, gate_W1):
    n, din = x.shape
    dh = gcn_W0.shape[1]
    dout = gcn_W2.shape[1]
    e = edge_index.shape[1]
    nw = _NC * _NS
    k = -(-e // (nw * _CH))
    e_pad = nw * k * _CH
    n_pad = -(-(n + 1) // (_NS * 8)) * (_NS * 8)

    src = edge_index[0].astype(jnp.int32)
    dst = edge_index[1].astype(jnp.int32)
    pad = e_pad - e
    srcp = jnp.concatenate([src, jnp.zeros((pad,), jnp.int32)]).reshape(nw, k, _CH)
    dstp = jnp.concatenate([dst, jnp.full((pad,), n, jnp.int32)]).reshape(nw, k, _CH)
    zeros16 = jnp.zeros((n_pad, dh), jnp.float32)
    ones16 = jnp.ones((_CH, dh), jnp.float32)

    deg_k = _make_deg(n_pad, k, dh)
    prop_k = _make_prop(n, n_pad, k, dh)

    degp = deg_k(dstp, ones16, zeros16)

    wcat = jnp.concatenate([gcn_W0, red_W0, red_W1], axis=1)
    rb = jnp.stack([red_b0, red_b1])
    f32 = jnp.float32
    xg0, r0, r1 = pl.pallas_call(
        _tc0a_body,
        out_shape=[jax.ShapeDtypeStruct((n, dh), f32)] * 3,
    )(x, wcat, rb)
    hs0, dinv = pl.pallas_call(
        _tc0b_body,
        out_shape=[jax.ShapeDtypeStruct((n, dh), f32),
                   jax.ShapeDtypeStruct((n, 1), f32)],
    )(degp, xg0)

    a = prop_k(hs0, srcp, dstp, zeros16)
    hs1 = pl.pallas_call(
        functools.partial(_tc_mid_body, normalize_gate=False, apply_w=True),
        out_shape=jax.ShapeDtypeStruct((n, dh), f32),
    )(a, hs0, dinv, r0, gcn_b0.reshape(1, dh), gate_W0, gcn_W1)

    a = prop_k(hs1, srcp, dstp, zeros16)
    hs2 = pl.pallas_call(
        functools.partial(_tc_mid_body, normalize_gate=True, apply_w=False),
        out_shape=jax.ShapeDtypeStruct((n, dh), f32),
    )(a, hs1, dinv, r1, gcn_b1.reshape(1, dh), gate_W1, gcn_W1)

    a = prop_k(hs2, srcp, dstp, zeros16)
    out = pl.pallas_call(
        _tc4_body,
        out_shape=jax.ShapeDtypeStruct((n, dout), f32),
    )(a, hs2, dinv, gcn_W2, gcn_b2.reshape(1, dout))
    return out

# --- scband reference (transcript-rebuilt; emitter-appended) ---
"""Pipeline reference for scband-magcn-24283745091827 (READ-ONLY COPY).

The authoritative reference and input builder live on the scoring server;
editing this copy changes nothing except your own understanding.
"""

import jax, jax.numpy as jnp
import numpy as np

N = 10000
E = 320000
DIN = 128
DH = 16
DOUT = 64


def _gcn_conv(x, src, dst, W, b, num_nodes):
    # PyG GCNConv: x @ W, symmetric normalization with self-loops (added by caller), sum-aggregate, + bias
    h = x @ W
    deg = jnp.zeros((num_nodes,), x.dtype).at[dst].add(1.0)
    dinv = jnp.where(deg > 0, 1.0 / jnp.sqrt(deg), 0.0)
    norm = dinv[src] * dinv[dst]
    msg = jnp.take(h, src, axis=0) * norm[:, None]
    out = jax.ops.segment_sum(msg, dst, num_segments=num_nodes)
    return out + b


def setup_inputs(seed: int = 0) -> dict:
    key = jax.random.key(seed)
    ks = jax.random.split(key, 16)
    x = jax.random.normal(ks[0], (N, DIN), dtype=jnp.float32)
    edge_index = jax.random.randint(ks[1], (2, E), 0, N, dtype=jnp.int64)
    s = 0.1
    params = {
        'gcn_W0': jax.random.normal(ks[2], (DIN, DH), dtype=jnp.float32) * s,
        'gcn_b0': jnp.zeros((DH,), jnp.float32),
        'gcn_W1': jax.random.normal(ks[3], (DH, DH), dtype=jnp.float32) * s,
        'gcn_b1': jnp.zeros((DH,), jnp.float32),
        'gcn_W2': jax.random.normal(ks[4], (DH, DOUT), dtype=jnp.float32) * s,
        'gcn_b2': jnp.zeros((DOUT,), jnp.float32),
        'red_W0': jax.random.normal(ks[5], (DIN, DH), dtype=jnp.float32) * s,
        'red_b0': jnp.zeros((DH,), jnp.float32),
        'red_W1': jax.random.normal(ks[6], (DIN, DH), dtype=jnp.float32) * s,
        'red_b1': jnp.zeros((DH,), jnp.float32),
        'gate_W0': jax.random.normal(ks[7], (2 * DH, 1), dtype=jnp.float32) * s,
        'gate_W1': jax.random.normal(ks[8], (2 * DH, 1), dtype=jnp.float32) * s,
    }
    return {'x': x, 'edge_index': edge_index, **params}


def reference(x, edge_index, gcn_W0, gcn_b0, gcn_W1, gcn_b1, gcn_W2, gcn_b2,
              red_W0, red_b0, red_W1, red_b1, gate_W0, gate_W1):
    # add self loops once
    loop = jnp.arange(N, dtype=edge_index.dtype)
    src = jnp.concatenate([edge_index[0], loop])
    dst = jnp.concatenate([edge_index[1], loop])
    h = x
    # layer 0
    h0 = x @ red_W0 + red_b0
    h1 = jax.nn.relu(_gcn_conv(h, src, dst, gcn_W0, gcn_b0, N))
    g = jax.nn.sigmoid(jnp.concatenate([h1, h0], axis=1) @ gate_W0)
    h = g * h1 + (1.0 - g) * h0
    # layer 1 (model_num - 2 = 1 iteration); dropout is identity in eval mode
    h0 = x @ red_W1 + red_b1
    h1 = jax.nn.relu(_gcn_conv(h, src, dst, gcn_W1, gcn_b1, N))
    wnorm = jnp.linalg.norm(gate_W1)
    g = jax.nn.sigmoid((jnp.concatenate([h1, h0], axis=1) @ gate_W1) / wnorm)
    h = g * h1 + (1.0 - g) * h0
    # final layer + log_softmax (node_classify)
    out = _gcn_conv(h, src, dst, gcn_W2, gcn_b2, N)
    return jax.nn.log_softmax(out, axis=1)

if __name__ == "__main__":
    import jax
    _d = setup_inputs()
    print(jax.jit(kernel)(*tuple(_d.values())))

</pallas_src>

<mosaic_0001>
#map = affine_map<(d0, d1) -> (0, 0)>
#map1 = affine_map<(d0, d1) -> (0, 0, 0)>
module attributes {stable_mosaic.version = 14 : i64} {
  func.func @prop_kernel(%arg0: i32, %arg1: i32, %arg2: memref<10000x16xf32, #tpu.memory_space<hbm>>, %arg3: memref<32x79x128xi32, #tpu.memory_space<hbm>>, %arg4: memref<32x79x128xi32, #tpu.memory_space<hbm>>, %arg5: memref<10112x16xf32, #tpu.memory_space<hbm>>, %arg6: memref<2x10112x16xf32, #tpu.memory_space<hbm>>, %arg7: memref<79x128xi32, #tpu.memory_space<vmem>>, %arg8: memref<79x128xi32, #tpu.memory_space<vmem>>, %arg9: memref<8x128x16xf32, #tpu.memory_space<vmem>>, %arg10: memref<10112x16xf32, #tpu.memory_space<vmem_shared>>, %arg11: memref<10000x16xf32, #tpu.memory_space<vmem_shared>>, %arg12: memref<8x!tpu.dma_semaphore, #tpu.memory_space<semaphore_mem>>, %arg13: memref<8x!tpu.dma_semaphore, #tpu.memory_space<semaphore_mem>>) attributes {dimension_semantics = [#tpu.dimension_semantics<core_parallel>, #tpu.dimension_semantics<subcore_parallel>], iteration_bounds = array<i64: 2, 16>, scalar_prefetch = 0 : i64, scratch_operands = 7 : i64, tpu.core_type = #tpu.core_type<sc_vector_subcore>, window_params = [{transform_indices = #map}, {transform_indices = #map1}, {transform_indices = #map1}, {transform_indices = #map}, {transform_indices = #map1}]} {
    %mul3A = arith.constant 2 : i32
    %mul3A_0 = arith.muli %arg1, %mul3A : i32
    %add3A = arith.addi %mul3A_0, %arg0 : i32
    "tpu.region"() ({
      %run_scoped3A = tpu.sem_alloc : memref<!tpu.dma_semaphore, #tpu.memory_space<semaphore_mem>>
      %dma_start3A_497 = arith.constant 0 : i32
      %dma_start3A_498 = arith.constant 0 : i32
      %dma_start3A_499 = tpu.memref_slice %arg3[%add3A, %dma_start3A_497, %dma_start3A_498] : memref<32x79x128xi32, #tpu.memory_space<hbm>> -> memref<1x79x128xi32, #tpu.memory_space<hbm>>
      %dma_start3A_500 = tpu.memref_squeeze %dma_start3A_499 : memref<1x79x128xi32, #tpu.memory_space<hbm>> -> memref<79x128xi32, #tpu.memory_space<hbm>>
      %dma_start3A_501 = arith.constant 0 : i32
      %dma_start3A_502 = arith.constant 0 : i32
      %dma_start3A_503 = tpu.memref_slice %arg3[%add3A, %dma_start3A_501, %dma_start3A_502] : memref<32x79x128xi32, #tpu.memory_space<hbm>> -> memref<1x79x128xi32, #tpu.memory_space<hbm>>
      %dma_start3A_504 = tpu.memref_squeeze %dma_start3A_503 : memref<1x79x128xi32, #tpu.memory_space<hbm>> -> memref<79x128xi32, #tpu.memory_space<hbm>>
      tpu.enqueue_dma source(%dma_start3A_504 : memref<79x128xi32, #tpu.memory_space<hbm>>) target(%arg7 : memref<79x128xi32, #tpu.memory_space<vmem>>) target_semaphore(%run_scoped3A : memref<!tpu.dma_semaphore, #tpu.memory_space<semaphore_mem>>)
      %dma_wait3A_505 = arith.constant 0 : i32
      %dma_wait3A_506 = arith.constant 0 : i32
      %dma_wait3A_507 = tpu.memref_slice %arg3[%add3A, %dma_wait3A_505, %dma_wait3A_506] : memref<32x79x128xi32, #tpu.memory_space<hbm>> -> memref<1x79x128xi32, #tpu.memory_space<hbm>>
      %dma_wait3A_508 = tpu.memref_squeeze %dma_wait3A_507 : memref<1x79x128xi32, #tpu.memory_space<hbm>> -> memref<79x128xi32, #tpu.memory_space<hbm>>
      %dma_wait3A_509 = arith.constant 0 : i32
      %dma_wait3A_510 = arith.constant 0 : i32
      %dma_wait3A_511 = tpu.memref_slice %arg3[%add3A, %dma_wait3A_509, %dma_wait3A_510] : memref<32x79x128xi32, #tpu.memory_space<hbm>> -> memref<1x79x128xi32, #tpu.memory_space<hbm>>
      %dma_wait3A_512 = tpu.memref_squeeze %dma_wait3A_511 : memref<1x79x128xi32, #tpu.memory_space<hbm>> -> memref<79x128xi32, #tpu.memory_space<hbm>>
      tpu.wait_dma2 semaphore(%run_scoped3A : memref<!tpu.dma_semaphore, #tpu.memory_space<semaphore_mem>>) src(%dma_wait3A_512 : memref<79x128xi32, #tpu.memory_space<hbm>>) dst(%arg7 : memref<79x128xi32, #tpu.memory_space<vmem>>)
      tpu.yield
    }) : () -> ()
    "tpu.region"() ({
      %run_scoped3A = tpu.sem_alloc : memref<!tpu.dma_semaphore, #tpu.memory_space<semaphore_mem>>
      %dma_start3A_497 = arith.constant 0 : i32
      %dma_start3A_498 = arith.constant 0 : i32
      %dma_start3A_499 = tpu.memref_slice %arg4[%add3A, %dma_start3A_497, %dma_start3A_498] : memref<32x79x128xi32, #tpu.memory_space<hbm>> -> memref<1x79x128xi32, #tpu.memory_space<hbm>>
      %dma_start3A_500 = tpu.memref_squeeze %dma_start3A_499 : memref<1x79x128xi32, #tpu.memory_space<hbm>> -> memref<79x128xi32, #tpu.memory_space<hbm>>
      %dma_start3A_501 = arith.constant 0 : i32
      %dma_start3A_502 = arith.constant 0 : i32
      %dma_start3A_503 = tpu.memref_slice %arg4[%add3A, %dma_start3A_501, %dma_start3A_502] : memref<32x79x128xi32, #tpu.memory_space<hbm>> -> memref<1x79x128xi32, #tpu.memory_space<hbm>>
      %dma_start3A_504 = tpu.memref_squeeze %dma_start3A_503 : memref<1x79x128xi32, #tpu.memory_space<hbm>> -> memref<79x128xi32, #tpu.memory_space<hbm>>
      tpu.enqueue_dma source(%dma_start3A_504 : memref<79x128xi32, #tpu.memory_space<hbm>>) target(%arg8 : memref<79x128xi32, #tpu.memory_space<vmem>>) target_semaphore(%run_scoped3A : memref<!tpu.dma_semaphore, #tpu.memory_space<semaphore_mem>>)
      %dma_wait3A_505 = arith.constant 0 : i32
      %dma_wait3A_506 = arith.constant 0 : i32
      %dma_wait3A_507 = tpu.memref_slice %arg4[%add3A, %dma_wait3A_505, %dma_wait3A_506] : memref<32x79x128xi32, #tpu.memory_space<hbm>> -> memref<1x79x128xi32, #tpu.memory_space<hbm>>
      %dma_wait3A_508 = tpu.memref_squeeze %dma_wait3A_507 : memref<1x79x128xi32, #tpu.memory_space<hbm>> -> memref<79x128xi32, #tpu.memory_space<hbm>>
      %dma_wait3A_509 = arith.constant 0 : i32
      %dma_wait3A_510 = arith.constant 0 : i32
      %dma_wait3A_511 = tpu.memref_slice %arg4[%add3A, %dma_wait3A_509, %dma_wait3A_510] : memref<32x79x128xi32, #tpu.memory_space<hbm>> -> memref<1x79x128xi32, #tpu.memory_space<hbm>>
      %dma_wait3A_512 = tpu.memref_squeeze %dma_wait3A_511 : memref<1x79x128xi32, #tpu.memory_space<hbm>> -> memref<79x128xi32, #tpu.memory_space<hbm>>
      tpu.wait_dma2 semaphore(%run_scoped3A : memref<!tpu.dma_semaphore, #tpu.memory_space<semaphore_mem>>) src(%dma_wait3A_512 : memref<79x128xi32, #tpu.memory_space<hbm>>) dst(%arg8 : memref<79x128xi32, #tpu.memory_space<vmem>>)
      tpu.yield
    }) : () -> ()
    %mul3A_1 = arith.constant 625 : i32
    %mul3A_2 = arith.muli %arg1, %mul3A_1 : i32
    %mul3A_3 = arith.constant 625 : i32
    %mul3A_4 = arith.muli %arg1, %mul3A_3 : i32
    "tpu.region"() ({
      %run_scoped3A = tpu.sem_alloc : memref<!tpu.dma_semaphore, #tpu.memory_space<semaphore_mem>>
      %dma_start3A_497 = arith.constant 0 : i32
      %dma_start3A_498 = tpu.memref_slice %arg11[%mul3A_4, %dma_start3A_497] : memref<10000x16xf32, #tpu.memory_space<vmem_shared>> -> memref<625x16xf32, #tpu.memory_space<vmem_shared>>
      %dma_start3A_499 = arith.constant 0 : i32
      %dma_start3A_500 = tpu.memref_slice %arg2[%mul3A_2, %dma_start3A_499] : memref<10000x16xf32, #tpu.memory_space<hbm>> -> memref<625x16xf32, #tpu.memory_space<hbm>>
      tpu.enqueue_dma source(%dma_start3A_500 : memref<625x16xf32, #tpu.memory_space<hbm>>) target(%dma_start3A_498 : memref<625x16xf32, #tpu.memory_space<vmem_shared>>) target_semaphore(%run_scoped3A : memref<!tpu.dma_semaphore, #tpu.memory_space<semaphore_mem>>)
      %dma_wait3A_501 = arith.constant 0 : i32
      %dma_wait3A_502 = tpu.memref_slice %arg11[%mul3A_4, %dma_wait3A_501] : memref<10000x16xf32, #tpu.memory_space<vmem_shared>> -> memref<625x16xf32, #tpu.memory_space<vmem_shared>>
      %dma_wait3A_503 = arith.constant 0 : i32
      %dma_wait3A_504 = tpu.memref_slice %arg2[%mul3A_2, %dma_wait3A_503] : memref<10000x16xf32, #tpu.memory_space<hbm>> -> memref<625x16xf32, #tpu.memory_space<hbm>>
      tpu.wait_dma2 semaphore(%run_scoped3A : memref<!tpu.dma_semaphore, #tpu.memory_space<semaphore_mem>>) src(%dma_wait3A_504 : memref<625x16xf32, #tpu.memory_space<hbm>>) dst(%dma_wait3A_502 : memref<625x16xf32, #tpu.memory_space<vmem_shared>>)
      tpu.yield
    }) : () -> ()
    %mul3A_5 = arith.constant 632 : i32
    %mul3A_6 = arith.muli %arg1, %mul3A_5 : i32
    %mul3A_7 = arith.constant 632 : i32
    %mul3A_8 = arith.muli %arg1, %mul3A_7 : i32
    "tpu.region"() ({
      %run_scoped3A = tpu.sem_alloc : memref<!tpu.dma_semaphore, #tpu.memory_space<semaphore_mem>>
      %dma_start3A_497 = arith.constant 0 : i32
      %dma_start3A_498 = tpu.memref_slice %arg10[%mul3A_8, %dma_start3A_497] : memref<10112x16xf32, #tpu.memory_space<vmem_shared>> -> memref<632x16xf32, #tpu.memory_space<vmem_shared>>
      %dma_start3A_499 = arith.constant 0 : i32
      %dma_start3A_500 = tpu.memref_slice %arg5[%mul3A_6, %dma_start3A_499] : memref<10112x16xf32, #tpu.memory_space<hbm>> -> memref<632x16xf32, #tpu.memory_space<hbm>>
      tpu.enqueue_dma source(%dma_start3A_500 : memref<632x16xf32, #tpu.memory_space<hbm>>) target(%dma_start3A_498 : memref<632x16xf32, #tpu.memory_space<vmem_shared>>) target_semaphore(%run_scoped3A : memref<!tpu.dma_semaphore, #tpu.memory_space<semaphore_mem>>)
      %dma_wait3A_501 = arith.constant 0 : i32
      %dma_wait3A_502 = tpu.memref_slice %arg10[%mul3A_8, %dma_wait3A_501] : memref<10112x16xf32, #tpu.memory_space<vmem_shared>> -> memref<632x16xf32, #tpu.memory_space<vmem_shared>>
      %dma_wait3A_503 = arith.constant 0 : i32
      %dma_wait3A_504 = tpu.memref_slice %arg5[%mul3A_6, %dma_wait3A_503] : memref<10112x16xf32, #tpu.memory_space<hbm>> -> memref<632x16xf32, #tpu.memory_space<hbm>>
      tpu.wait_dma2 semaphore(%run_scoped3A : memref<!tpu.dma_semaphore, #tpu.memory_space<semaphore_mem>>) src(%dma_wait3A_504 : memref<632x16xf32, #tpu.memory_space<hbm>>) dst(%dma_wait3A_502 : memref<632x16xf32, #tpu.memory_space<vmem_shared>>)
      tpu.yield
    }) : () -> ()
    %barrier3A = arith.constant 0 : index
    tpu.barrier barrier_id(%barrier3A)
    %dma_start3A = arith.constant 0 : i32
    %dma_start3A_9 = arith.constant 0 : i32
    %dma_start3A_10 = arith.constant 0 : i32
    %dma_start3A_11 = arith.constant 0 : i32
    %dma_start3A_12 = arith.constant 0 : i32
    %dma_start3A_13 = tpu.memref_slice %arg9[%dma_start3A_9, %dma_start3A_11, %dma_start3A_12] : memref<8x128x16xf32, #tpu.memory_space<vmem>> -> memref<1x128x16xf32, #tpu.memory_space<vmem>>
    %dma_start3A_14 = tpu.memref_squeeze %dma_start3A_13 : memref<1x128x16xf32, #tpu.memory_space<vmem>> -> memref<128x16xf32, #tpu.memory_space<vmem>>
    %dma_start3A_15 = arith.constant 0 : i32
    %dma_start3A_16 = tpu.memref_slice %arg7[%dma_start3A, %dma_start3A_15] : memref<79x128xi32, #tpu.memory_space<vmem>> -> memref<1x128xi32, #tpu.memory_space<vmem>>
    %dma_start3A_17 = tpu.memref_squeeze %dma_start3A_16 : memref<1x128xi32, #tpu.memory_space<vmem>> -> memref<128xi32, #tpu.memory_space<vmem>>
    %dma_start3A_18 = arith.constant 0 : i32
    %dma_start3A_19 = arith.constant 0 : i32
    %dma_start3A_20 = tpu.memref_slice %arg11[%dma_start3A_18, %dma_start3A_19] : memref<10000x16xf32, #tpu.memory_space<vmem_shared>> -> memref<10000x16xf32, #tpu.memory_space<vmem_shared>>
    %dma_start3A_21 = tpu.memref_slice %arg12[%dma_start3A_10] : memref<8x!tpu.dma_semaphore, #tpu.memory_space<semaphore_mem>> -> memref<1x!tpu.dma_semaphore, #tpu.memory_space<semaphore_mem>>
    %dma_start3A_22 = tpu.memref_squeeze %dma_start3A_21 : memref<1x!tpu.dma_semaphore, #tpu.memory_space<semaphore_mem>> -> memref<!tpu.dma_semaphore, #tpu.memory_space<semaphore_mem>>
    tpu.enqueue_indirect_dma source(%dma_start3A_20 : memref<10000x16xf32, #tpu.memory_space<vmem_shared>>) target(%dma_start3A_14 : memref<128x16xf32, #tpu.memory_space<vmem>>) offsets(%dma_start3A_17 : memref<128xi32, #tpu.memory_space<vmem>>) semaphore(%dma_start3A_22 : memref<!tpu.dma_semaphore, #tpu.memory_space<semaphore_mem>>)
    %dma_start3A_23 = arith.constant 1 : i32
    %dma_start3A_24 = arith.constant 1 : i32
    %dma_start3A_25 = arith.constant 1 : i32
    %dma_start3A_26 = arith.constant 0 : i32
    %dma_start3A_27 = arith.constant 0 : i32
    %dma_start3A_28 = tpu.memref_slice %arg9[%dma_start3A_24, %dma_start3A_26, %dma_start3A_27] : memref<8x128x16xf32, #tpu.memory_space<vmem>> -> memref<1x128x16xf32, #tpu.memory_space<vmem>>
    %dma_start3A_29 = tpu.memref_squeeze %dma_start3A_28 : memref<1x128x16xf32, #tpu.memory_space<vmem>> -> memref<128x16xf32, #tpu.memory_space<vmem>>
    %dma_start3A_30 = arith.constant 0 : i32
    %dma_start3A_31 = tpu.memref_slice %arg7[%dma_start3A_23, %dma_start3A_30] : memref<79x128xi32, #tpu.memory_space<vmem>> -> memref<1x128xi32, #tpu.memory_space<vmem>>
    %dma_start3A_32 = tpu.memref_squeeze %dma_start3A_31 : memref<1x128xi32, #tpu.memory_space<vmem>> -> memref<128xi32, #tpu.memory_space<vmem>>
    %dma_start3A_33 = arith.constant 0 : i32
    %dma_start3A_34 = arith.constant 0 : i32
    %dma_start3A_35 = tpu.memref_slice %arg11[%dma_start3A_33, %dma_start3A_34] : memref<10000x16xf32, #tpu.memory_space<vmem_shared>> -> memref<10000x16xf32, #tpu.memory_space<vmem_shared>>
    %dma_start3A_36 = tpu.memref_slice %arg12[%dma_start3A_25] : memref<8x!tpu.dma_semaphore, #tpu.memory_space<semaphore_mem>> -> memref<1x!tpu.dma_semaphore, #tpu.memory_space<semaphore_mem>>
    %dma_start3A_37 = tpu.memref_squeeze %dma_start3A_36 : memref<1x!tpu.dma_semaphore, #tpu.memory_space<semaphore_mem>> -> memref<!tpu.dma_semaphore, #tpu.memory_space<semaphore_mem>>
    tpu.enqueue_indirect_dma source(%dma_start3A_35 : memref<10000x16xf32, #tpu.memory_space<vmem_shared>>) target(%dma_start3A_29 : memref<128x16xf32, #tpu.memory_space<vmem>>) offsets(%dma_start3A_32 : memref<128xi32, #tpu.memory_space<vmem>>) semaphore(%dma_start3A_37 : memref<!tpu.dma_semaphore, #tpu.memory_space<semaphore_mem>>)
    %dma_start3A_38 = arith.constant 2 : i32
    %dma_start3A_39 = arith.constant 2 : i32
    %dma_start3A_40 = arith.constant 2 : i32
    %dma_start3A_41 = arith.constant 0 : i32
    %dma_start3A_42 = arith.constant 0 : i32
    %dma_start3A_43 = tpu.memref_slice %arg9[%dma_start3A_39, %dma_start3A_41, %dma_start3A_42] : memref<8x128x16xf32, #tpu.memory_space<vmem>> -> memref<1x128x16xf32, #tpu.memory_space<vmem>>
    %dma_start3A_44 = tpu.memref_squeeze %dma_start3A_43 : memref<1x128x16xf32, #tpu.memory_space<vmem>> -> memref<128x16xf32, #tpu.memory_space<vmem>>
    %dma_start3A_45 = arith.constant 0 : i32
    %dma_start3A_46 = tpu.memref_slice %arg7[%dma_start3A_38, %dma_start3A_45] : memref<79x128xi32, #tpu.memory_space<vmem>> -> memref<1x128xi32, #tpu.memory_space<vmem>>
    %dma_start3A_47 = tpu.memref_squeeze %dma_start3A_46 : memref<1x128xi32, #tpu.memory_space<vmem>> -> memref<128xi32, #tpu.memory_space<vmem>>
    %dma_start3A_48 = arith.constant 0 : i32
    %dma_start3A_49 = arith.constant 0 : i32
    %dma_start3A_50 = tpu.memref_slice %arg11[%dma_start3A_48, %dma_start3A_49] : memref<10000x16xf32, #tpu.memory_space<vmem_shared>> -> memref<10000x16xf32, #tpu.memory_space<vmem_shared>>
    %dma_start3A_51 = tpu.memref_slice %arg12[%dma_start3A_40] : memref<8x!tpu.dma_semaphore, #tpu.memory_space<semaphore_mem>> -> memref<1x!tpu.dma_semaphore, #tpu.memory_space<semaphore_mem>>
    %dma_start3A_52 = tpu.memref_squeeze %dma_start3A_51 : memref<1x!tpu.dma_semaphore, #tpu.memory_space<semaphore_mem>> -> memref<!tpu.dma_semaphore, #tpu.memory_space<semaphore_mem>>
    tpu.enqueue_indirect_dma source(%dma_start3A_50 : memref<10000x16xf32, #tpu.memory_space<vmem_shared>>) target(%dma_start3A_44 : memref<128x16xf32, #tpu.memory_space<vmem>>) offsets(%dma_start3A_47 : memref<128xi32, #tpu.memory_space<vmem>>) semaphore(%dma_start3A_52 : memref<!tpu.dma_semaphore, #tpu.memory_space<semaphore_mem>>)
    %dma_start3A_53 = arith.constant 3 : i32
    %dma_start3A_54 = arith.constant 3 : i32
    %dma_start3A_55 = arith.constant 3 : i32
    %dma_start3A_56 = arith.constant 0 : i32
    %dma_start3A_57 = arith.constant 0 : i32
    %dma_start3A_58 = tpu.memref_slice %arg9[%dma_start3A_54, %dma_start3A_56, %dma_start3A_57] : memref<8x128x16xf32, #tpu.memory_space<vmem>> -> memref<1x128x16xf32, #tpu.memory_space<vmem>>
    %dma_start3A_59 = tpu.memref_squeeze %dma_start3A_58 : memref<1x128x16xf32, #tpu.memory_space<vmem>> -> memref<128x16xf32, #tpu.memory_space<vmem>>
    %dma_start3A_60 = arith.constant 0 : i32
    %dma_start3A_61 = tpu.memref_slice %arg7[%dma_start3A_53, %dma_start3A_60] : memref<79x128xi32, #tpu.memory_space<vmem>> -> memref<1x128xi32, #tpu.memory_space<vmem>>
    %dma_start3A_62 = tpu.memref_squeeze %dma_start3A_61 : memref<1x128xi32, #tpu.memory_space<vmem>> -> memref<128xi32, #tpu.memory_space<vmem>>
    %dma_start3A_63 = arith.constant 0 : i32
    %dma_start3A_64 = arith.constant 0 : i32
    %dma_start3A_65 = tpu.memref_slice %arg11[%dma_start3A_63, %dma_start3A_64] : memref<10000x16xf32, #tpu.memory_space<vmem_shared>> -> memref<10000x16xf32, #tpu.memory_space<vmem_shared>>
    %dma_start3A_66 = tpu.memref_slice %arg12[%dma_start3A_55] : memref<8x!tpu.dma_semaphore, #tpu.memory_space<semaphore_mem>> -> memref<1x!tpu.dma_semaphore, #tpu.memory_space<semaphore_mem>>
    %dma_start3A_67 = tpu.memref_squeeze %dma_start3A_66 : memref<1x!tpu.dma_semaphore, #tpu.memory_space<semaphore_mem>> -> memref<!tpu.dma_semaphore, #tpu.memory_space<semaphore_mem>>
    tpu.enqueue_indirect_dma source(%dma_start3A_65 : memref<10000x16xf32, #tpu.memory_space<vmem_shared>>) target(%dma_start3A_59 : memref<128x16xf32, #tpu.memory_space<vmem>>) offsets(%dma_start3A_62 : memref<128xi32, #tpu.memory_space<vmem>>) semaphore(%dma_start3A_67 : memref<!tpu.dma_semaphore, #tpu.memory_space<semaphore_mem>>)
    %dma_start3A_68 = arith.constant 4 : i32
    %dma_start3A_69 = arith.constant 4 : i32
    %dma_start3A_70 = arith.constant 4 : i32
    %dma_start3A_71 = arith.constant 0 : i32
    %dma_start3A_72 = arith.constant 0 : i32
    %dma_start3A_73 = tpu.memref_slice %arg9[%dma_start3A_69, %dma_start3A_71, %dma_start3A_72] : memref<8x128x16xf32, #tpu.memory_space<vmem>> -> memref<1x128x16xf32, #tpu.memory_space<vmem>>
    %dma_start3A_74 = tpu.memref_squeeze %dma_start3A_73 : memref<1x128x16xf32, #tpu.memory_space<vmem>> -> memref<128x16xf32, #tpu.memory_space<vmem>>
    %dma_start3A_75 = arith.constant 0 : i32
    %dma_start3A_76 = tpu.memref_slice %arg7[%dma_start3A_68, %dma_start3A_75] : memref<79x128xi32, #tpu.memory_space<vmem>> -> memref<1x128xi32, #tpu.memory_space<vmem>>
    %dma_start3A_77 = tpu.memref_squeeze %dma_start3A_76 : memref<1x128xi32, #tpu.memory_space<vmem>> -> memref<128xi32, #tpu.memory_space<vmem>>
    %dma_start3A_78 = arith.constant 0 : i32
    %dma_start3A_79 = arith.constant 0 : i32
    %dma_start3A_80 = tpu.memref_slice %arg11[%dma_start3A_78, %dma_start3A_79] : memref<10000x16xf32, #tpu.memory_space<vmem_shared>> -> memref<10000x16xf32, #tpu.memory_space<vmem_shared>>
    %dma_start3A_81 = tpu.memref_slice %arg12[%dma_start3A_70] : memref<8x!tpu.dma_semaphore, #tpu.memory_space<semaphore_mem>> -> memref<1x!tpu.dma_semaphore, #tpu.memory_space<semaphore_mem>>
    %dma_start3A_82 = tpu.memref_squeeze %dma_start3A_81 : memref<1x!tpu.dma_semaphore, #tpu.memory_space<semaphore_mem>> -> memref<!tpu.dma_semaphore, #tpu.memory_space<semaphore_mem>>
    tpu.enqueue_indirect_dma source(%dma_start3A_80 : memref<10000x16xf32, #tpu.memory_space<vmem_shared>>) target(%dma_start3A_74 : memref<128x16xf32, #tpu.memory_space<vmem>>) offsets(%dma_start3A_77 : memref<128xi32, #tpu.memory_space<vmem>>) semaphore(%dma_start3A_82 : memref<!tpu.dma_semaphore, #tpu.memory_space<semaphore_mem>>)
    %dma_start3A_83 = arith.constant 5 : i32
    %dma_start3A_84 = arith.constant 5 : i32
    %dma_start3A_85 = arith.constant 5 : i32
    %dma_start3A_86 = arith.constant 0 : i32
    %dma_start3A_87 = arith.constant 0 : i32
    %dma_start3A_88 = tpu.memref_slice %arg9[%dma_start3A_84, %dma_start3A_86, %dma_start3A_87] : memref<8x128x16xf32, #tpu.memory_space<vmem>> -> memref<1x128x16xf32, #tpu.memory_space<vmem>>
    %dma_start3A_89 = tpu.memref_squeeze %dma_start3A_88 : memref<1x128x16xf32, #tpu.memory_space<vmem>> -> memref<128x16xf32, #tpu.memory_space<vmem>>
    %dma_start3A_90 = arith.constant 0 : i32
    %dma_start3A_91 = tpu.memref_slice %arg7[%dma_start3A_83, %dma_start3A_90] : memref<79x128xi32, #tpu.memory_space<vmem>> -> memref<1x128xi32, #tpu.memory_space<vmem>>
    %dma_start3A_92 = tpu.memref_squeeze %dma_start3A_91 : memref<1x128xi32, #tpu.memory_space<vmem>> -> memref<128xi32, #tpu.memory_space<vmem>>
    %dma_start3A_93 = arith.constant 0 : i32
    %dma_start3A_94 = arith.constant 0 : i32
    %dma_start3A_95 = tpu.memref_slice %arg11[%dma_start3A_93, %dma_start3A_94] : memref<10000x16xf32, #tpu.memory_space<vmem_shared>> -> memref<10000x16xf32, #tpu.memory_space<vmem_shared>>
    %dma_start3A_96 = tpu.memref_slice %arg12[%dma_start3A_85] : memref<8x!tpu.dma_semaphore, #tpu.memory_space<semaphore_mem>> -> memref<1x!tpu.dma_semaphore, #tpu.memory_space<semaphore_mem>>
    %dma_start3A_97 = tpu.memref_squeeze %dma_start3A_96 : memref<1x!tpu.dma_semaphore, #tpu.memory_space<semaphore_mem>> -> memref<!tpu.dma_semaphore, #tpu.memory_space<semaphore_mem>>
    tpu.enqueue_indirect_dma source(%dma_start3A_95 : memref<10000x16xf32, #tpu.memory_space<vmem_shared>>) target(%dma_start3A_89 : memref<128x16xf32, #tpu.memory_space<vmem>>) offsets(%dma_start3A_92 : memref<128xi32, #tpu.memory_space<vmem>>) semaphore(%dma_start3A_97 : memref<!tpu.dma_semaphore, #tpu.memory_space<semaphore_mem>>)
    %dma_start3A_98 = arith.constant 6 : i32
    %dma_start3A_99 = arith.constant 6 : i32
    %dma_start3A_100 = arith.constant 6 : i32
    %dma_start3A_101 = arith.constant 0 : i32
    %dma_start3A_102 = arith.constant 0 : i32
    %dma_start3A_103 = tpu.memref_slice %arg9[%dma_start3A_99, %dma_start3A_101, %dma_start3A_102] : memref<8x128x16xf32, #tpu.memory_space<vmem>> -> memref<1x128x16xf32, #tpu.memory_space<vmem>>
    %dma_start3A_104 = tpu.memref_squeeze %dma_start3A_103 : memref<1x128x16xf32, #tpu.memory_space<vmem>> -> memref<128x16xf32, #tpu.memory_space<vmem>>
    %dma_start3A_105 = arith.constant 0 : i32
    %dma_start3A_106 = tpu.memref_slice %arg7[%dma_start3A_98, %dma_start3A_105] : memref<79x128xi32, #tpu.memory_space<vmem>> -> memref<1x128xi32, #tpu.memory_space<vmem>>
    %dma_start3A_107 = tpu.memref_squeeze %dma_start3A_106 : memref<1x128xi32, #tpu.memory_space<vmem>> -> memref<128xi32, #tpu.memory_space<vmem>>
    %dma_start3A_108 = arith.constant 0 : i32
    %dma_start3A_109 = arith.constant 0 : i32
    %dma_start3A_110 = tpu.memref_slice %arg11[%dma_start3A_108, %dma_start3A_109] : memref<10000x16xf32, #tpu.memory_space<vmem_shared>> -> memref<10000x16xf32, #tpu.memory_space<vmem_shared>>
    %dma_start3A_111 = tpu.memref_slice %arg12[%dma_start3A_100] : memref<8x!tpu.dma_semaphore, #tpu.memory_space<semaphore_mem>> -> memref<1x!tpu.dma_semaphore, #tpu.memory_space<semaphore_mem>>
    %dma_start3A_112 = tpu.memref_squeeze %dma_start3A_111 : memref<1x!tpu.dma_semaphore, #tpu.memory_space<semaphore_mem>> -> memref<!tpu.dma_semaphore, #tpu.memory_space<semaphore_mem>>
    tpu.enqueue_indirect_dma source(%dma_start3A_110 : memref<10000x16xf32, #tpu.memory_space<vmem_shared>>) target(%dma_start3A_104 : memref<128x16xf32, #tpu.memory_space<vmem>>) offsets(%dma_start3A_107 : memref<128xi32, #tpu.memory_space<vmem>>) semaphore(%dma_start3A_112 : memref<!tpu.dma_semaphore, #tpu.memory_space<semaphore_mem>>)
    %dma_start3A_113 = arith.constant 7 : i32
    %dma_start3A_114 = arith.constant 7 : i32
    %dma_start3A_115 = arith.constant 7 : i32
    %dma_start3A_116 = arith.constant 0 : i32
    %dma_start3A_117 = arith.constant 0 : i32
    %dma_start3A_118 = tpu.memref_slice %arg9[%dma_start3A_114, %dma_start3A_116, %dma_start3A_117] : memref<8x128x16xf32, #tpu.memory_space<vmem>> -> memref<1x128x16xf32, #tpu.memory_space<vmem>>
    %dma_start3A_119 = tpu.memref_squeeze %dma_start3A_118 : memref<1x128x16xf32, #tpu.memory_space<vmem>> -> memref<128x16xf32, #tpu.memory_space<vmem>>
    %dma_start3A_120 = arith.constant 0 : i32
    %dma_start3A_121 = tpu.memref_slice %arg7[%dma_start3A_113, %dma_start3A_120] : memref<79x128xi32, #tpu.memory_space<vmem>> -> memref<1x128xi32, #tpu.memory_space<vmem>>
    %dma_start3A_122 = tpu.memref_squeeze %dma_start3A_121 : memref<1x128xi32, #tpu.memory_space<vmem>> -> memref<128xi32, #tpu.memory_space<vmem>>
    %dma_start3A_123 = arith.constant 0 : i32
    %dma_start3A_124 = arith.constant 0 : i32
    %dma_start3A_125 = tpu.memref_slice %arg11[%dma_start3A_123, %dma_start3A_124] : memref<10000x16xf32, #tpu.memory_space<vmem_shared>> -> memref<10000x16xf32, #tpu.memory_space<vmem_shared>>
    %dma_start3A_126 = tpu.memref_slice %arg12[%dma_start3A_115] : memref<8x!tpu.dma_semaphore, #tpu.memory_space<semaphore_mem>> -> memref<1x!tpu.dma_semaphore, #tpu.memory_space<semaphore_mem>>
    %dma_start3A_127 = tpu.memref_squeeze %dma_start3A_126 : memref<1x!tpu.dma_semaphore, #tpu.memory_space<semaphore_mem>> -> memref<!tpu.dma_semaphore, #tpu.memory_space<semaphore_mem>>
    tpu.enqueue_indirect_dma source(%dma_start3A_125 : memref<10000x16xf32, #tpu.memory_space<vmem_shared>>) target(%dma_start3A_119 : memref<128x16xf32, #tpu.memory_space<vmem>>) offsets(%dma_start3A_122 : memref<128xi32, #tpu.memory_space<vmem>>) semaphore(%dma_start3A_127 : memref<!tpu.dma_semaphore, #tpu.memory_space<semaphore_mem>>)
    %dma_wait3A = arith.constant 0 : i32
    %dma_wait3A_128 = arith.constant 0 : i32
    %dma_wait3A_129 = arith.constant 0 : i32
    %dma_wait3A_130 = arith.constant 0 : i32
    %dma_wait3A_131 = arith.constant 0 : i32
    %dma_wait3A_132 = tpu.memref_slice %arg9[%dma_wait3A_128, %dma_wait3A_130, %dma_wait3A_131] : memref<8x128x16xf32, #tpu.memory_space<vmem>> -> memref<1x128x16xf32, #tpu.memory_space<vmem>>
    %dma_wait3A_133 = tpu.memref_squeeze %dma_wait3A_132 : memref<1x128x16xf32, #tpu.memory_space<vmem>> -> memref<128x16xf32, #tpu.memory_space<vmem>>
    %dma_wait3A_134 = arith.constant 0 : i32
    %dma_wait3A_135 = tpu.memref_slice %arg7[%dma_wait3A, %dma_wait3A_134] : memref<79x128xi32, #tpu.memory_space<vmem>> -> memref<1x128xi32, #tpu.memory_space<vmem>>
    %dma_wait3A_136 = tpu.memref_squeeze %dma_wait3A_135 : memref<1x128xi32, #tpu.memory_space<vmem>> -> memref<128xi32, #tpu.memory_space<vmem>>
    %dma_wait3A_137 = arith.constant 0 : i32
    %dma_wait3A_138 = arith.constant 0 : i32
    %dma_wait3A_139 = tpu.memref_slice %arg11[%dma_wait3A_137, %dma_wait3A_138] : memref<10000x16xf32, #tpu.memory_space<vmem_shared>> -> memref<10000x16xf32, #tpu.memory_space<vmem_shared>>
    %dma_wait3A_140 = tpu.memref_slice %arg12[%dma_wait3A_129] : memref<8x!tpu.dma_semaphore, #tpu.memory_space<semaphore_mem>> -> memref<1x!tpu.dma_semaphore, #tpu.memory_space<semaphore_mem>>
    %dma_wait3A_141 = tpu.memref_squeeze %dma_wait3A_140 : memref<1x!tpu.dma_semaphore, #tpu.memory_space<semaphore_mem>> -> memref<!tpu.dma_semaphore, #tpu.memory_space<semaphore_mem>>
    tpu.wait_indirect_dma semaphore(%dma_wait3A_141 : memref<!tpu.dma_semaphore, #tpu.memory_space<semaphore_mem>>) src(%dma_wait3A_139 : memref<10000x16xf32, #tpu.memory_space<vmem_shared>>) dst(%dma_wait3A_133 : memref<128x16xf32, #tpu.memory_space<vmem>>)
    %dma_start3A_142 = arith.constant 0 : i32
    %dma_start3A_143 = arith.constant 0 : i32
    %dma_start3A_144 = arith.constant 0 : i32
    %dma_start3A_145 = arith.constant 0 : i32
    %dma_start3A_146 = arith.constant 0 : i32
    %dma_start3A_147 = tpu.memref_slice %arg9[%dma_start3A_142, %dma_start3A_145, %dma_start3A_146] : memref<8x128x16xf32, #tpu.memory_space<vmem>> -> memref<1x128x16xf32, #tpu.memory_space<vmem>>
    %dma_start3A_148 = tpu.memref_squeeze %dma_start3A_147 : memref<1x128x16xf32, #tpu.memory_space<vmem>> -> memref<128x16xf32, #tpu.memory_space<vmem>>
    %dma_start3A_149 = arith.constant 0 : i32
    %dma_start3A_150 = tpu.memref_slice %arg8[%dma_start3A_143, %dma_start3A_149] : memref<79x128xi32, #tpu.memory_space<vmem>> -> memref<1x128xi32, #tpu.memory_space<vmem>>
    %dma_start3A_151 = tpu.memref_squeeze %dma_start3A_150 : memref<1x128xi32, #tpu.memory_space<vmem>> -> memref<128xi32, #tpu.memory_space<vmem>>
    %dma_start3A_152 = arith.constant 0 : i32
    %dma_start3A_153 = arith.constant 0 : i32
    %dma_start3A_154 = tpu.memref_slice %arg10[%dma_start3A_152, %dma_start3A_153] : memref<10112x16xf32, #tpu.memory_space<vmem_shared>> -> memref<10112x16xf32, #tpu.memory_space<vmem_shared>>
    %dma_start3A_155 = tpu.memref_slice %arg13[%dma_start3A_144] : memref<8x!tpu.dma_semaphore, #tpu.memory_space<semaphore_mem>> -> memref<1x!tpu.dma_semaphore, #tpu.memory_space<semaphore_mem>>
    %dma_start3A_156 = tpu.memref_squeeze %dma_start3A_155 : memref<1x!tpu.dma_semaphore, #tpu.memory_space<semaphore_mem>> -> memref<!tpu.dma_semaphore, #tpu.memory_space<semaphore_mem>>
    tpu.enqueue_indirect_dma source(%dma_start3A_148 : memref<128x16xf32, #tpu.memory_space<vmem>>) target(%dma_start3A_154 : memref<10112x16xf32, #tpu.memory_space<vmem_shared>>) offsets(%dma_start3A_151 : memref<128xi32, #tpu.memory_space<vmem>>) semaphore(%dma_start3A_156 : memref<!tpu.dma_semaphore, #tpu.memory_space<semaphore_mem>>) {add = true}
    %scan3A = arith.constant 0 : i32
    %scan3A_157 = arith.constant 1 : i32
    %scan3A_158 = arith.constant 71 : i32
    %scan3A_159 = arith.addi %scan3A_157, %scan3A_158 : i32
    %scan3A_160 = arith.constant 1 : i32
    scf.for %scan3A_497 = %scan3A_157 to %scan3A_159 step %scan3A_160  : i32 {
      %rem3A = arith.constant 8 : i32
      %rem3A_498 = arith.remsi %scan3A_497, %rem3A : i32
      %sub3A = arith.constant 1 : i32
      %sub3A_499 = arith.subi %scan3A_497, %sub3A : i32
      %rem3A_500 = arith.constant 8 : i32
      %rem3A_501 = arith.remsi %sub3A_499, %rem3A_500 : i32
      %dma_wait3A_502 = arith.constant 0 : i32
      %dma_wait3A_503 = arith.constant 0 : i32
      %dma_wait3A_504 = tpu.memref_slice %arg9[%rem3A_498, %dma_wait3A_502, %dma_wait3A_503] : memref<8x128x16xf32, #tpu.memory_space<vmem>> -> memref<1x128x16xf32, #tpu.memory_space<vmem>>
      %dma_wait3A_505 = tpu.memref_squeeze %dma_wait3A_504 : memref<1x128x16xf32, #tpu.memory_space<vmem>> -> memref<128x16xf32, #tpu.memory_space<vmem>>
      %dma_wait3A_506 = arith.constant 0 : i32
      %dma_wait3A_507 = tpu.memref_slice %arg7[%scan3A_497, %dma_wait3A_506] : memref<79x128xi32, #tpu.memory_space<vmem>> -> memref<1x128xi32, #tpu.memory_space<vmem>>
      %dma_wait3A_508 = tpu.memref_squeeze %dma_wait3A_507 : memref<1x128xi32, #tpu.memory_space<vmem>> -> memref<128xi32, #tpu.memory_space<vmem>>
      %dma_wait3A_509 = arith.constant 0 : i32
      %dma_wait3A_510 = arith.constant 0 : i32
      %dma_wait3A_511 = tpu.memref_slice %arg11[%dma_wait3A_509, %dma_wait3A_510] : memref<10000x16xf32, #tpu.memory_space<vmem_shared>> -> memref<10000x16xf32, #tpu.memory_space<vmem_shared>>
      %dma_wait3A_512 = tpu.memref_slice %arg12[%rem3A_498] : memref<8x!tpu.dma_semaphore, #tpu.memory_space<semaphore_mem>> -> memref<1x!tpu.dma_semaphore, #tpu.memory_space<semaphore_mem>>
      %dma_wait3A_513 = tpu.memref_squeeze %dma_wait3A_512 : memref<1x!tpu.dma_semaphore, #tpu.memory_space<semaphore_mem>> -> memref<!tpu.dma_semaphore, #tpu.memory_space<semaphore_mem>>
      tpu.wait_indirect_dma semaphore(%dma_wait3A_513 : memref<!tpu.dma_semaphore, #tpu.memory_space<semaphore_mem>>) src(%dma_wait3A_511 : memref<10000x16xf32, #tpu.memory_space<vmem_shared>>) dst(%dma_wait3A_505 : memref<128x16xf32, #tpu.memory_space<vmem>>)
      %dma_start3A_514 = arith.constant 0 : i32
      %dma_start3A_515 = arith.constant 0 : i32
      %dma_start3A_516 = tpu.memref_slice %arg9[%rem3A_498, %dma_start3A_514, %dma_start3A_515] : memref<8x128x16xf32, #tpu.memory_space<vmem>> -> memref<1x128x16xf32, #tpu.memory_space<vmem>>
      %dma_start3A_517 = tpu.memref_squeeze %dma_start3A_516 : memref<1x128x16xf32, #tpu.memory_space<vmem>> -> memref<128x16xf32, #tpu.memory_space<vmem>>
      %dma_start3A_518 = arith.constant 0 : i32
      %dma_start3A_519 = tpu.memref_slice %arg8[%scan3A_497, %dma_start3A_518] : memref<79x128xi32, #tpu.memory_space<vmem>> -> memref<1x128xi32, #tpu.memory_space<vmem>>
      %dma_start3A_520 = tpu.memref_squeeze %dma_start3A_519 : memref<1x128xi32, #tpu.memory_space<vmem>> -> memref<128xi32, #tpu.memory_space<vmem>>
      %dma_start3A_521 = arith.constant 0 : i32
      %dma_start3A_522 = arith.constant 0 : i32
      %dma_start3A_523 = tpu.memref_slice %arg10[%dma_start3A_521, %dma_start3A_522] : memref<10112x16xf32, #tpu.memory_space<vmem_shared>> -> memref<10112x16xf32, #tpu.memory_space<vmem_shared>>
      %dma_start3A_524 = tpu.memref_slice %arg13[%rem3A_498] : memref<8x!tpu.dma_semaphore, #tpu.memory_space<semaphore_mem>> -> memref<1x!tpu.dma_semaphore, #tpu.memory_space<semaphore_mem>>
      %dma_start3A_525 = tpu.memref_squeeze %dma_start3A_524 : memref<1x!tpu.dma_semaphore, #tpu.memory_space<semaphore_mem>> -> memref<!tpu.dma_semaphore, #tpu.memory_space<semaphore_mem>>
      tpu.enqueue_indirect_dma source(%dma_start3A_517 : memref<128x16xf32, #tpu.memory_space<vmem>>) target(%dma_start3A_523 : memref<10112x16xf32, #tpu.memory_space<vmem_shared>>) offsets(%dma_start3A_520 : memref<128xi32, #tpu.memory_space<vmem>>) semaphore(%dma_start3A_525 : memref<!tpu.dma_semaphore, #tpu.memory_space<semaphore_mem>>) {add = true}
      %sub3A_526 = arith.constant 1 : i32
      %sub3A_527 = arith.subi %scan3A_497, %sub3A_526 : i32
      %dma_wait3A_528 = arith.constant 0 : i32
      %dma_wait3A_529 = arith.constant 0 : i32
      %dma_wait3A_530 = tpu.memref_slice %arg9[%rem3A_501, %dma_wait3A_528, %dma_wait3A_529] : memref<8x128x16xf32, #tpu.memory_space<vmem>> -> memref<1x128x16xf32, #tpu.memory_space<vmem>>
      %dma_wait3A_531 = tpu.memref_squeeze %dma_wait3A_530 : memref<1x128x16xf32, #tpu.memory_space<vmem>> -> memref<128x16xf32, #tpu.memory_space<vmem>>
      %dma_wait3A_532 = arith.constant 0 : i32
      %dma_wait3A_533 = tpu.memref_slice %arg8[%sub3A_527, %dma_wait3A_532] : memref<79x128xi32, #tpu.memory_space<vmem>> -> memref<1x128xi32, #tpu.memory_space<vmem>>
      %dma_wait3A_534 = tpu.memref_squeeze %dma_wait3A_533 : memref<1x128xi32, #tpu.memory_space<vmem>> -> memref<128xi32, #tpu.memory_space<vmem>>
      %dma_wait3A_535 = arith.constant 0 : i32
      %dma_wait3A_536 = arith.constant 0 : i32
      %dma_wait3A_537 = tpu.memref_slice %arg10[%dma_wait3A_535, %dma_wait3A_536] : memref<10112x16xf32, #tpu.memory_space<vmem_shared>> -> memref<10112x16xf32, #tpu.memory_space<vmem_shared>>
      %dma_wait3A_538 = tpu.memref_slice %arg13[%rem3A_501] : memref<8x!tpu.dma_semaphore, #tpu.memory_space<semaphore_mem>> -> memref<1x!tpu.dma_semaphore, #tpu.memory_space<semaphore_mem>>
      %dma_wait3A_539 = tpu.memref_squeeze %dma_wait3A_538 : memref<1x!tpu.dma_semaphore, #tpu.memory_space<semaphore_mem>> -> memref<!tpu.dma_semaphore, #tpu.memory_space<semaphore_mem>>
      tpu.wait_indirect_dma semaphore(%dma_wait3A_539 : memref<!tpu.dma_semaphore, #tpu.memory_space<semaphore_mem>>) src(%dma_wait3A_531 : memref<128x16xf32, #tpu.memory_space<vmem>>) dst(%dma_wait3A_537 : memref<10112x16xf32, #tpu.memory_space<vmem_shared>>)
      %sub3A_540 = arith.constant 1 : i32
      %sub3A_541 = arith.subi %scan3A_497, %sub3A_540 : i32
      %add3A_542 = arith.constant 8 : i32
      %add3A_543 = arith.addi %sub3A_541, %add3A_542 : i32
      %dma_start3A_544 = arith.constant 0 : i32
      %dma_start3A_545 = arith.constant 0 : i32
      %dma_start3A_546 = tpu.memref_slice %arg9[%rem3A_501, %dma_start3A_544, %dma_start3A_545] : memref<8x128x16xf32, #tpu.memory_space<vmem>> -> memref<1x128x16xf32, #tpu.memory_space<vmem>>
      %dma_start3A_547 = tpu.memref_squeeze %dma_start3A_546 : memref<1x128x16xf32, #tpu.memory_space<vmem>> -> memref<128x16xf32, #tpu.memory_space<vmem>>
      %dma_start3A_548 = arith.constant 0 : i32
      %dma_start3A_549 = tpu.memref_slice %arg7[%add3A_543, %dma_start3A_548] : memref<79x128xi32, #tpu.memory_space<vmem>> -> memref<1x128xi32, #tpu.memory_space<vmem>>
      %dma_start3A_550 = tpu.memref_squeeze %dma_start3A_549 : memref<1x128xi32, #tpu.memory_space<vmem>> -> memref<128xi32, #tpu.memory_space<vmem>>
      %dma_start3A_551 = arith.constant 0 : i32
      %dma_start3A_552 = arith.constant 0 : i32
      %dma_start3A_553 = tpu.memref_slice %arg11[%dma_start3A_551, %dma_start3A_552] : memref<10000x16xf32, #tpu.memory_space<vmem_shared>> -> memref<10000x16xf32, #tpu.memory_space<vmem_shared>>
      %dma_start3A_554 = tpu.memref_slice %arg12[%rem3A_501] : memref<8x!tpu.dma_semaphore, #tpu.memory_space<semaphore_mem>> -> memref<1x!tpu.dma_semaphore, #tpu.memory_space<semaphore_mem>>
      %dma_start3A_555 = tpu.memref_squeeze %dma_start3A_554 : memref<1x!tpu.dma_semaphore, #tpu.memory_space<semaphore_mem>> -> memref<!tpu.dma_semaphore, #tpu.memory_space<semaphore_mem>>
      tpu.enqueue_indirect_dma source(%dma_start3A_553 : memref<10000x16xf32, #tpu.memory_space<vmem_shared>>) target(%dma_start3A_547 : memref<128x16xf32, #tpu.memory_space<vmem>>) offsets(%dma_start3A_550 : memref<128xi32, #tpu.memory_space<vmem>>) semaphore(%dma_start3A_555 : memref<!tpu.dma_semaphore, #tpu.memory_space<semaphore_mem>>)
    }
    %scan3A_161 = arith.constant 71 : i32
    %dma_wait3A_162 = arith.constant 72 : i32
    %dma_wait3A_163 = arith.constant 0 : i32
    %dma_wait3A_164 = arith.constant 0 : i32
    %dma_wait3A_165 = arith.constant 0 : i32
    %dma_wait3A_166 = arith.constant 0 : i32
    %dma_wait3A_167 = tpu.memref_slice %arg9[%dma_wait3A_163, %dma_wait3A_165, %dma_wait3A_166] : memref<8x128x16xf32, #tpu.memory_space<vmem>> -> memref<1x128x16xf32, #tpu.memory_space<vmem>>
    %dma_wait3A_168 = tpu.memref_squeeze %dma_wait3A_167 : memref<1x128x16xf32, #tpu.memory_space<vmem>> -> memref<128x16xf32, #tpu.memory_space<vmem>>
    %dma_wait3A_169 = arith.constant 0 : i32
    %dma_wait3A_170 = tpu.memref_slice %arg7[%dma_wait3A_162, %dma_wait3A_169] : memref<79x128xi32, #tpu.memory_space<vmem>> -> memref<1x128xi32, #tpu.memory_space<vmem>>
    %dma_wait3A_171 = tpu.memref_squeeze %dma_wait3A_170 : memref<1x128xi32, #tpu.memory_space<vmem>> -> memref<128xi32, #tpu.memory_space<vmem>>
    %dma_wait3A_172 = arith.constant 0 : i32
    %dma_wait3A_173 = arith.constant 0 : i32
    %dma_wait3A_174 = tpu.memref_slice %arg11[%dma_wait3A_172, %dma_wait3A_173] : memref<10000x16xf32, #tpu.memory_space<vmem_shared>> -> memref<10000x16xf32, #tpu.memory_space<vmem_shared>>
    %dma_wait3A_175 = tpu.memref_slice %arg12[%dma_wait3A_164] : memref<8x!tpu.dma_semaphore, #tpu.memory_space<semaphore_mem>> -> memref<1x!tpu.dma_semaphore, #tpu.memory_space<semaphore_mem>>
    %dma_wait3A_176 = tpu.memref_squeeze %dma_wait3A_175 : memref<1x!tpu.dma_semaphore, #tpu.memory_space<semaphore_mem>> -> memref<!tpu.dma_semaphore, #tpu.memory_space<semaphore_mem>>
    tpu.wait_indirect_dma semaphore(%dma_wait3A_176 : memref<!tpu.dma_semaphore, #tpu.memory_space<semaphore_mem>>) src(%dma_wait3A_174 : memref<10000x16xf32, #tpu.memory_space<vmem_shared>>) dst(%dma_wait3A_168 : memref<128x16xf32, #tpu.memory_space<vmem>>)
    %dma_start3A_177 = arith.constant 0 : i32
    %dma_start3A_178 = arith.constant 72 : i32
    %dma_start3A_179 = arith.constant 0 : i32
    %dma_start3A_180 = arith.constant 0 : i32
    %dma_start3A_181 = arith.constant 0 : i32
    %dma_start3A_182 = tpu.memref_slice %arg9[%dma_start3A_177, %dma_start3A_180, %dma_start3A_181] : memref<8x128x16xf32, #tpu.memory_space<vmem>> -> memref<1x128x16xf32, #tpu.memory_space<vmem>>
    %dma_start3A_183 = tpu.memref_squeeze %dma_start3A_182 : memref<1x128x16xf32, #tpu.memory_space<vmem>> -> memref<128x16xf32, #tpu.memory_space<vmem>>
    %dma_start3A_184 = arith.constant 0 : i32
    %dma_start3A_185 = tpu.memref_slice %arg8[%dma_start3A_178, %dma_start3A_184] : memref<79x128xi32, #tpu.memory_space<vmem>> -> memref<1x128xi32, #tpu.memory_space<vmem>>
    %dma_start3A_186 = tpu.memref_squeeze %dma_start3A_185 : memref<1x128xi32, #tpu.memory_space<vmem>> -> memref<128xi32, #tpu.memory_space<vmem>>
    %dma_start3A_187 = arith.constant 0 : i32
    %dma_start3A_188 = arith.constant 0 : i32
    %dma_start3A_189 = tpu.memref_slice %arg10[%dma_start3A_187, %dma_start3A_188] : memref<10112x16xf32, #tpu.memory_space<vmem_shared>> -> memref<10112x16xf32, #tpu.memory_space<vmem_shared>>
    %dma_start3A_190 = tpu.memref_slice %arg13[%dma_start3A_179] : memref<8x!tpu.dma_semaphore, #tpu.memory_space<semaphore_mem>> -> memref<1x!tpu.dma_semaphore, #tpu.memory_space<semaphore_mem>>
    %dma_start3A_191 = tpu.memref_squeeze %dma_start3A_190 : memref<1x!tpu.dma_semaphore, #tpu.memory_space<semaphore_mem>> -> memref<!tpu.dma_semaphore, #tpu.memory_space<semaphore_mem>>
    tpu.enqueue_indirect_dma source(%dma_start3A_183 : memref<128x16xf32, #tpu.memory_space<vmem>>) target(%dma_start3A_189 : memref<10112x16xf32, #tpu.memory_space<vmem_shared>>) offsets(%dma_start3A_186 : memref<128xi32, #tpu.memory_space<vmem>>) semaphore(%dma_start3A_191 : memref<!tpu.dma_semaphore, #tpu.memory_space<semaphore_mem>>) {add = true}
    %dma_wait3A_192 = arith.constant 73 : i32
    %dma_wait3A_193 = arith.constant 1 : i32
    %dma_wait3A_194 = arith.constant 1 : i32
    %dma_wait3A_195 = arith.constant 0 : i32
    %dma_wait3A_196 = arith.constant 0 : i32
    %dma_wait3A_197 = tpu.memref_slice %arg9[%dma_wait3A_193, %dma_wait3A_195, %dma_wait3A_196] : memref<8x128x16xf32, #tpu.memory_space<vmem>> -> memref<1x128x16xf32, #tpu.memory_space<vmem>>
    %dma_wait3A_198 = tpu.memref_squeeze %dma_wait3A_197 : memref<1x128x16xf32, #tpu.memory_space<vmem>> -> memref<128x16xf32, #tpu.memory_space<vmem>>
    %dma_wait3A_199 = arith.constant 0 : i32
    %dma_wait3A_200 = tpu.memref_slice %arg7[%dma_wait3A_192, %dma_wait3A_199] : memref<79x128xi32, #tpu.memory_space<vmem>> -> memref<1x128xi32, #tpu.memory_space<vmem>>
    %dma_wait3A_201 = tpu.memref_squeeze %dma_wait3A_200 : memref<1x128xi32, #tpu.memory_space<vmem>> -> memref<128xi32, #tpu.memory_space<vmem>>
    %dma_wait3A_202 = arith.constant 0 : i32
    %dma_wait3A_203 = arith.constant 0 : i32
    %dma_wait3A_204 = tpu.memref_slice %arg11[%dma_wait3A_202, %dma_wait3A_203] : memref<10000x16xf32, #tpu.memory_space<vmem_shared>> -> memref<10000x16xf32, #tpu.memory_space<vmem_shared>>
    %dma_wait3A_205 = tpu.memref_slice %arg12[%dma_wait3A_194] : memref<8x!tpu.dma_semaphore, #tpu.memory_space<semaphore_mem>> -> memref<1x!tpu.dma_semaphore, #tpu.memory_space<semaphore_mem>>
    %dma_wait3A_206 = tpu.memref_squeeze %dma_wait3A_205 : memref<1x!tpu.dma_semaphore, #tpu.memory_space<semaphore_mem>> -> memref<!tpu.dma_semaphore, #tpu.memory_space<semaphore_mem>>
    tpu.wait_indirect_dma semaphore(%dma_wait3A_206 : memref<!tpu.dma_semaphore, #tpu.memory_space<semaphore_mem>>) src(%dma_wait3A_204 : memref<10000x16xf32, #tpu.memory_space<vmem_shared>>) dst(%dma_wait3A_198 : memref<128x16xf32, #tpu.memory_space<vmem>>)
    %dma_start3A_207 = arith.constant 1 : i32
    %dma_start3A_208 = arith.constant 73 : i32
    %dma_start3A_209 = arith.constant 1 : i32
    %dma_start3A_210 = arith.constant 0 : i32
    %dma_start3A_211 = arith.constant 0 : i32
    %dma_start3A_212 = tpu.memref_slice %arg9[%dma_start3A_207, %dma_start3A_210, %dma_start3A_211] : memref<8x128x16xf32, #tpu.memory_space<vmem>> -> memref<1x128x16xf32, #tpu.memory_space<vmem>>
    %dma_start3A_213 = tpu.memref_squeeze %dma_start3A_212 : memref<1x128x16xf32, #tpu.memory_space<vmem>> -> memref<128x16xf32, #tpu.memory_space<vmem>>
    %dma_start3A_214 = arith.constant 0 : i32
    %dma_start3A_215 = tpu.memref_slice %arg8[%dma_start3A_208, %dma_start3A_214] : memref<79x128xi32, #tpu.memory_space<vmem>> -> memref<1x128xi32, #tpu.memory_space<vmem>>
    %dma_start3A_216 = tpu.memref_squeeze %dma_start3A_215 : memref<1x128xi32, #tpu.memory_space<vmem>> -> memref<128xi32, #tpu.memory_space<vmem>>
    %dma_start3A_217 = arith.constant 0 : i32
    %dma_start3A_218 = arith.constant 0 : i32
    %dma_start3A_219 = tpu.memref_slice %arg10[%dma_start3A_217, %dma_start3A_218] : memref<10112x16xf32, #tpu.memory_space<vmem_shared>> -> memref<10112x16xf32, #tpu.memory_space<vmem_shared>>
    %dma_start3A_220 = tpu.memref_slice %arg13[%dma_start3A_209] : memref<8x!tpu.dma_semaphore, #tpu.memory_space<semaphore_mem>> -> memref<1x!tpu.dma_semaphore, #tpu.memory_space<semaphore_mem>>
    %dma_start3A_221 = tpu.memref_squeeze %dma_start3A_220 : memref<1x!tpu.dma_semaphore, #tpu.memory_space<semaphore_mem>> -> memref<!tpu.dma_semaphore, #tpu.memory_space<semaphore_mem>>
    tpu.enqueue_indirect_dma source(%dma_start3A_213 : memref<128x16xf32, #tpu.memory_space<vmem>>) target(%dma_start3A_219 : memref<10112x16xf32, #tpu.memory_space<vmem_shared>>) offsets(%dma_start3A_216 : memref<128xi32, #tpu.memory_space<vmem>>) semaphore(%dma_start3A_221 : memref<!tpu.dma_semaphore, #tpu.memory_space<semaphore_mem>>) {add = true}
    %dma_wait3A_222 = arith.constant 74 : i32
    %dma_wait3A_223 = arith.constant 2 : i32
    %dma_wait3A_224 = arith.constant 2 : i32
    %dma_wait3A_225 = arith.constant 0 : i32
    %dma_wait3A_226 = arith.constant 0 : i32
    %dma_wait3A_227 = tpu.memref_slice %arg9[%dma_wait3A_223, %dma_wait3A_225, %dma_wait3A_226] : memref<8x128x16xf32, #tpu.memory_space<vmem>> -> memref<1x128x16xf32, #tpu.memory_space<vmem>>
    %dma_wait3A_228 = tpu.memref_squeeze %dma_wait3A_227 : memref<1x128x16xf32, #tpu.memory_space<vmem>> -> memref<128x16xf32, #tpu.memory_space<vmem>>
    %dma_wait3A_229 = arith.constant 0 : i32
    %dma_wait3A_230 = tpu.memref_slice %arg7[%dma_wait3A_222, %dma_wait3A_229] : memref<79x128xi32, #tpu.memory_space<vmem>> -> memref<1x128xi32, #tpu.memory_space<vmem>>
    %dma_wait3A_231 = tpu.memref_squeeze %dma_wait3A_230 : memref<1x128xi32, #tpu.memory_space<vmem>> -> memref<128xi32, #tpu.memory_space<vmem>>
    %dma_wait3A_232 = arith.constant 0 : i32
    %dma_wait3A_233 = arith.constant 0 : i32
    %dma_wait3A_234 = tpu.memref_slice %arg11[%dma_wait3A_232, %dma_wait3A_233] : memref<10000x16xf32, #tpu.memory_space<vmem_shared>> -> memref<10000x16xf32, #tpu.memory_space<vmem_shared>>
    %dma_wait3A_235 = tpu.memref_slice %arg12[%dma_wait3A_224] : memref<8x!tpu.dma_semaphore, #tpu.memory_space<semaphore_mem>> -> memref<1x!tpu.dma_semaphore, #tpu.memory_space<semaphore_mem>>
    %dma_wait3A_236 = tpu.memref_squeeze %dma_wait3A_235 : memref<1x!tpu.dma_semaphore, #tpu.memory_space<semaphore_mem>> -> memref<!tpu.dma_semaphore, #tpu.memory_space<semaphore_mem>>
    tpu.wait_indirect_dma semaphore(%dma_wait3A_236 : memref<!tpu.dma_semaphore, #tpu.memory_space<semaphore_mem>>) src(%dma_wait3A_234 : memref<10000x16xf32, #tpu.memory_space<vmem_shared>>) dst(%dma_wait3A_228 : memref<128x16xf32, #tpu.memory_space<vmem>>)
    %dma_start3A_237 = arith.constant 2 : i32
    %dma_start3A_238 = arith.constant 74 : i32
    %dma_start3A_239 = arith.constant 2 : i32
    %dma_start3A_240 = arith.constant 0 : i32
    %dma_start3A_241 = arith.constant 0 : i32
    %dma_start3A_242 = tpu.memref_slice %arg9[%dma_start3A_237, %dma_start3A_240, %dma_start3A_241] : memref<8x128x16xf32, #tpu.memory_space<vmem>> -> memref<1x128x16xf32, #tpu.memory_space<vmem>>
    %dma_start3A_243 = tpu.memref_squeeze %dma_start3A_242 : memref<1x128x16xf32, #tpu.memory_space<vmem>> -> memref<128x16xf32, #tpu.memory_space<vmem>>
    %dma_start3A_244 = arith.constant 0 : i32
    %dma_start3A_245 = tpu.memref_slice %arg8[%dma_start3A_238, %dma_start3A_244] : memref<79x128xi32, #tpu.memory_space<vmem>> -> memref<1x128xi32, #tpu.memory_space<vmem>>
    %dma_start3A_246 = tpu.memref_squeeze %dma_start3A_245 : memref<1x128xi32, #tpu.memory_space<vmem>> -> memref<128xi32, #tpu.memory_space<vmem>>
    %dma_start3A_247 = arith.constant 0 : i32
    %dma_start3A_248 = arith.constant 0 : i32
    %dma_start3A_249 = tpu.memref_slice %arg10[%dma_start3A_247, %dma_start3A_248] : memref<10112x16xf32, #tpu.memory_space<vmem_shared>> -> memref<10112x16xf32, #tpu.memory_space<vmem_shared>>
    %dma_start3A_250 = tpu.memref_slice %arg13[%dma_start3A_239] : memref<8x!tpu.dma_semaphore, #tpu.memory_space<semaphore_mem>> -> memref<1x!tpu.dma_semaphore, #tpu.memory_space<semaphore_mem>>
    %dma_start3A_251 = tpu.memref_squeeze %dma_start3A_250 : memref<1x!tpu.dma_semaphore, #tpu.memory_space<semaphore_mem>> -> memref<!tpu.dma_semaphore, #tpu.memory_space<semaphore_mem>>
    tpu.enqueue_indirect_dma source(%dma_start3A_243 : memref<128x16xf32, #tpu.memory_space<vmem>>) target(%dma_start3A_249 : memref<10112x16xf32, #tpu.memory_space<vmem_shared>>) offsets(%dma_start3A_246 : memref<128xi32, #tpu.memory_space<vmem>>) semaphore(%dma_start3A_251 : memref<!tpu.dma_semaphore, #tpu.memory_space<semaphore_mem>>) {add = true}
    %dma_wait3A_252 = arith.constant 75 : i32
    %dma_wait3A_253 = arith.constant 3 : i32
    %dma_wait3A_254 = arith.constant 3 : i32
    %dma_wait3A_255 = arith.constant 0 : i32
    %dma_wait3A_256 = arith.constant 0 : i32
    %dma_wait3A_257 = tpu.memref_slice %arg9[%dma_wait3A_253, %dma_wait3A_255, %dma_wait3A_256] : memref<8x128x16xf32, #tpu.memory_space<vmem>> -> memref<1x128x16xf32, #tpu.memory_space<vmem>>
    %dma_wait3A_258 = tpu.memref_squeeze %dma_wait3A_257 : memref<1x128x16xf32, #tpu.memory_space<vmem>> -> memref<128x16xf32, #tpu.memory_space<vmem>>
    %dma_wait3A_259 = arith.constant 0 : i32
    %dma_wait3A_260 = tpu.memref_slice %arg7[%dma_wait3A_252, %dma_wait3A_259] : memref<79x128xi32, #tpu.memory_space<vmem>> -> memref<1x128xi32, #tpu.memory_space<vmem>>
    %dma_wait3A_261 = tpu.memref_squeeze %dma_wait3A_260 : memref<1x128xi32, #tpu.memory_space<vmem>> -> memref<128xi32, #tpu.memory_space<vmem>>
    %dma_wait3A_262 = arith.constant 0 : i32
    %dma_wait3A_263 = arith.constant 0 : i32
    %dma_wait3A_264 = tpu.memref_slice %arg11[%dma_wait3A_262, %dma_wait3A_263] : memref<10000x16xf32, #tpu.memory_space<vmem_shared>> -> memref<10000x16xf32, #tpu.memory_space<vmem_shared>>
    %dma_wait3A_265 = tpu.memref_slice %arg12[%dma_wait3A_254] : memref<8x!tpu.dma_semaphore, #tpu.memory_space<semaphore_mem>> -> memref<1x!tpu.dma_semaphore, #tpu.memory_space<semaphore_mem>>
    %dma_wait3A_266 = tpu.memref_squeeze %dma_wait3A_265 : memref<1x!tpu.dma_semaphore, #tpu.memory_space<semaphore_mem>> -> memref<!tpu.dma_semaphore, #tpu.memory_space<semaphore_mem>>
    tpu.wait_indirect_dma semaphore(%dma_wait3A_266 : memref<!tpu.dma_semaphore, #tpu.memory_space<semaphore_mem>>) src(%dma_wait3A_264 : memref<10000x16xf32, #tpu.memory_space<vmem_shared>>) dst(%dma_wait3A_258 : memref<128x16xf32, #tpu.memory_space<vmem>>)
    %dma_start3A_267 = arith.constant 3 : i32
    %dma_start3A_268 = arith.constant 75 : i32
    %dma_start3A_269 = arith.constant 3 : i32
    %dma_start3A_270 = arith.constant 0 : i32
    %dma_start3A_271 = arith.constant 0 : i32
    %dma_start3A_272 = tpu.memref_slice %arg9[%dma_start3A_267, %dma_start3A_270, %dma_start3A_271] : memref<8x128x16xf32, #tpu.memory_space<vmem>> -> memref<1x128x16xf32, #tpu.memory_space<vmem>>
    %dma_start3A_273 = tpu.memref_squeeze %dma_start3A_272 : memref<1x128x16xf32, #tpu.memory_space<vmem>> -> memref<128x16xf32, #tpu.memory_space<vmem>>
    %dma_start3A_274 = arith.constant 0 : i32
    %dma_start3A_275 = tpu.memref_slice %arg8[%dma_start3A_268, %dma_start3A_274] : memref<79x128xi32, #tpu.memory_space<vmem>> -> memref<1x128xi32, #tpu.memory_space<vmem>>
    %dma_start3A_276 = tpu.memref_squeeze %dma_start3A_275 : memref<1x128xi32, #tpu.memory_space<vmem>> -> memref<128xi32, #tpu.memory_space<vmem>>
    %dma_start3A_277 = arith.constant 0 : i32
    %dma_start3A_278 = arith.constant 0 : i32
    %dma_start3A_279 = tpu.memref_slice %arg10[%dma_start3A_277, %dma_start3A_278] : memref<10112x16xf32, #tpu.memory_space<vmem_shared>> -> memref<10112x16xf32, #tpu.memory_space<vmem_shared>>
    %dma_start3A_280 = tpu.memref_slice %arg13[%dma_start3A_269] : memref<8x!tpu.dma_semaphore, #tpu.memory_space<semaphore_mem>> -> memref<1x!tpu.dma_semaphore, #tpu.memory_space<semaphore_mem>>
    %dma_start3A_281 = tpu.memref_squeeze %dma_start3A_280 : memref<1x!tpu.dma_semaphore, #tpu.memory_space<semaphore_mem>> -> memref<!tpu.dma_semaphore, #tpu.memory_space<semaphore_mem>>
    tpu.enqueue_indirect_dma source(%dma_start3A_273 : memref<128x16xf32, #tpu.memory_space<vmem>>) target(%dma_start3A_279 : memref<10112x16xf32, #tpu.memory_space<vmem_shared>>) offsets(%dma_start3A_276 : memref<128xi32, #tpu.memory_space<vmem>>) semaphore(%dma_start3A_281 : memref<!tpu.dma_semaphore, #tpu.memory_space<semaphore_mem>>) {add = true}
    %dma_wait3A_282 = arith.constant 76 : i32
    %dma_wait3A_283 = arith.constant 4 : i32
    %dma_wait3A_284 = arith.constant 4 : i32
    %dma_wait3A_285 = arith.constant 0 : i32
    %dma_wait3A_286 = arith.constant 0 : i32
    %dma_wait3A_287 = tpu.memref_slice %arg9[%dma_wait3A_283, %dma_wait3A_285, %dma_wait3A_286] : memref<8x128x16xf32, #tpu.memory_space<vmem>> -> memref<1x128x16xf32, #tpu.memory_space<vmem>>
    %dma_wait3A_288 = tpu.memref_squeeze %dma_wait3A_287 : memref<1x128x16xf32, #tpu.memory_space<vmem>> -> memref<128x16xf32, #tpu.memory_space<vmem>>
    %dma_wait3A_289 = arith.constant 0 : i32
    %dma_wait3A_290 = tpu.memref_slice %arg7[%dma_wait3A_282, %dma_wait3A_289] : memref<79x128xi32, #tpu.memory_space<vmem>> -> memref<1x128xi32, #tpu.memory_space<vmem>>
    %dma_wait3A_291 = tpu.memref_squeeze %dma_wait3A_290 : memref<1x128xi32, #tpu.memory_space<vmem>> -> memref<128xi32, #tpu.memory_space<vmem>>
    %dma_wait3A_292 = arith.constant 0 : i32
    %dma_wait3A_293 = arith.constant 0 : i32
    %dma_wait3A_294 = tpu.memref_slice %arg11[%dma_wait3A_292, %dma_wait3A_293] : memref<10000x16xf32, #tpu.memory_space<vmem_shared>> -> memref<10000x16xf32, #tpu.memory_space<vmem_shared>>
    %dma_wait3A_295 = tpu.memref_slice %arg12[%dma_wait3A_284] : memref<8x!tpu.dma_semaphore, #tpu.memory_space<semaphore_mem>> -> memref<1x!tpu.dma_semaphore, #tpu.memory_space<semaphore_mem>>
    %dma_wait3A_296 = tpu.memref_squeeze %dma_wait3A_295 : memref<1x!tpu.dma_semaphore, #tpu.memory_space<semaphore_mem>> -> memref<!tpu.dma_semaphore, #tpu.memory_space<semaphore_mem>>
    tpu.wait_indirect_dma semaphore(%dma_wait3A_296 : memref<!tpu.dma_semaphore, #tpu.memory_space<semaphore_mem>>) src(%dma_wait3A_294 : memref<10000x16xf32, #tpu.memory_space<vmem_shared>>) dst(%dma_wait3A_288 : memref<128x16xf32, #tpu.memory_space<vmem>>)
    %dma_start3A_297 = arith.constant 4 : i32
    %dma_start3A_298 = arith.constant 76 : i32
    %dma_start3A_299 = arith.constant 4 : i32
    %dma_start3A_300 = arith.constant 0 : i32
    %dma_start3A_301 = arith.constant 0 : i32
    %dma_start3A_302 = tpu.memref_slice %arg9[%dma_start3A_297, %dma_start3A_300, %dma_start3A_301] : memref<8x128x16xf32, #tpu.memory_space<vmem>> -> memref<1x128x16xf32, #tpu.memory_space<vmem>>
    %dma_start3A_303 = tpu.memref_squeeze %dma_start3A_302 : memref<1x128x16xf32, #tpu.memory_space<vmem>> -> memref<128x16xf32, #tpu.memory_space<vmem>>
    %dma_start3A_304 = arith.constant 0 : i32
    %dma_start3A_305 = tpu.memref_slice %arg8[%dma_start3A_298, %dma_start3A_304] : memref<79x128xi32, #tpu.memory_space<vmem>> -> memref<1x128xi32, #tpu.memory_space<vmem>>
    %dma_start3A_306 = tpu.memref_squeeze %dma_start3A_305 : memref<1x128xi32, #tpu.memory_space<vmem>> -> memref<128xi32, #tpu.memory_space<vmem>>
    %dma_start3A_307 = arith.constant 0 : i32
    %dma_start3A_308 = arith.constant 0 : i32
    %dma_start3A_309 = tpu.memref_slice %arg10[%dma_start3A_307, %dma_start3A_308] : memref<10112x16xf32, #tpu.memory_space<vmem_shared>> -> memref<10112x16xf32, #tpu.memory_space<vmem_shared>>
    %dma_start3A_310 = tpu.memref_slice %arg13[%dma_start3A_299] : memref<8x!tpu.dma_semaphore, #tpu.memory_space<semaphore_mem>> -> memref<1x!tpu.dma_semaphore, #tpu.memory_space<semaphore_mem>>
    %dma_start3A_311 = tpu.memref_squeeze %dma_start3A_310 : memref<1x!tpu.dma_semaphore, #tpu.memory_space<semaphore_mem>> -> memref<!tpu.dma_semaphore, #tpu.memory_space<semaphore_mem>>
    tpu.enqueue_indirect_dma source(%dma_start3A_303 : memref<128x16xf32, #tpu.memory_space<vmem>>) target(%dma_start3A_309 : memref<10112x16xf32, #tpu.memory_space<vmem_shared>>) offsets(%dma_start3A_306 : memref<128xi32, #tpu.memory_space<vmem>>) semaphore(%dma_start3A_311 : memref<!tpu.dma_semaphore, #tpu.memory_space<semaphore_mem>>) {add = true}
    %dma_wait3A_312 = arith.constant 77 : i32
    %dma_wait3A_313 = arith.constant 5 : i32
    %dma_wait3A_314 = arith.constant 5 : i32
    %dma_wait3A_315 = arith.constant 0 : i32
    %dma_wait3A_316 = arith.constant 0 : i32
    %dma_wait3A_317 = tpu.memref_slice %arg9[%dma_wait3A_313, %dma_wait3A_315, %dma_wait3A_316] : memref<8x128x16xf32, #tpu.memory_space<vmem>> -> memref<1x128x16xf32, #tpu.memory_space<vmem>>
    %dma_wait3A_318 = tpu.memref_squeeze %dma_wait3A_317 : memref<1x128x16xf32, #tpu.memory_space<vmem>> -> memref<128x16xf32, #tpu.memory_space<vmem>>
    %dma_wait3A_319 = arith.constant 0 : i32
    %dma_wait3A_320 = tpu.memref_slice %arg7[%dma_wait3A_312, %dma_wait3A_319] : memref<79x128xi32, #tpu.memory_space<vmem>> -> memref<1x128xi32, #tpu.memory_space<vmem>>
    %dma_wait3A_321 = tpu.memref_squeeze %dma_wait3A_320 : memref<1x128xi32, #tpu.memory_space<vmem>> -> memref<128xi32, #tpu.memory_space<vmem>>
    %dma_wait3A_322 = arith.constant 0 : i32
    %dma_wait3A_323 = arith.constant 0 : i32
    %dma_wait3A_324 = tpu.memref_slice %arg11[%dma_wait3A_322, %dma_wait3A_323] : memref<10000x16xf32, #tpu.memory_space<vmem_shared>> -> memref<10000x16xf32, #tpu.memory_space<vmem_shared>>
    %dma_wait3A_325 = tpu.memref_slice %arg12[%dma_wait3A_314] : memref<8x!tpu.dma_semaphore, #tpu.memory_space<semaphore_mem>> -> memref<1x!tpu.dma_semaphore, #tpu.memory_space<semaphore_mem>>
    %dma_wait3A_326 = tpu.memref_squeeze %dma_wait3A_325 : memref<1x!tpu.dma_semaphore, #tpu.memory_space<semaphore_mem>> -> memref<!tpu.dma_semaphore, #tpu.memory_space<semaphore_mem>>
    tpu.wait_indirect_dma semaphore(%dma_wait3A_326 : memref<!tpu.dma_semaphore, #tpu.memory_space<semaphore_mem>>) src(%dma_wait3A_324 : memref<10000x16xf32, #tpu.memory_space<vmem_shared>>) dst(%dma_wait3A_318 : memref<128x16xf32, #tpu.memory_space<vmem>>)
    %dma_start3A_327 = arith.constant 5 : i32
    %dma_start3A_328 = arith.constant 77 : i32
    %dma_start3A_329 = arith.constant 5 : i32
    %dma_start3A_330 = arith.constant 0 : i32
    %dma_start3A_331 = arith.constant 0 : i32
    %dma_start3A_332 = tpu.memref_slice %arg9[%dma_start3A_327, %dma_start3A_330, %dma_start3A_331] : memref<8x128x16xf32, #tpu.memory_space<vmem>> -> memref<1x128x16xf32, #tpu.memory_space<vmem>>
    %dma_start3A_333 = tpu.memref_squeeze %dma_start3A_332 : memref<1x128x16xf32, #tpu.memory_space<vmem>> -> memref<128x16xf32, #tpu.memory_space<vmem>>
    %dma_start3A_334 = arith.constant 0 : i32
    %dma_start3A_335 = tpu.memref_slice %arg8[%dma_start3A_328, %dma_start3A_334] : memref<79x128xi32, #tpu.memory_space<vmem>> -> memref<1x128xi32, #tpu.memory_space<vmem>>
    %dma_start3A_336 = tpu.memref_squeeze %dma_start3A_335 : memref<1x128xi32, #tpu.memory_space<vmem>> -> memref<128xi32, #tpu.memory_space<vmem>>
    %dma_start3A_337 = arith.constant 0 : i32
    %dma_start3A_338 = arith.constant 0 : i32
    %dma_start3A_339 = tpu.memref_slice %arg10[%dma_start3A_337, %dma_start3A_338] : memref<10112x16xf32, #tpu.memory_space<vmem_shared>> -> memref<10112x16xf32, #tpu.memory_space<vmem_shared>>
    %dma_start3A_340 = tpu.memref_slice %arg13[%dma_start3A_329] : memref<8x!tpu.dma_semaphore, #tpu.memory_space<semaphore_mem>> -> memref<1x!tpu.dma_semaphore, #tpu.memory_space<semaphore_mem>>
    %dma_start3A_341 = tpu.memref_squeeze %dma_start3A_340 : memref<1x!tpu.dma_semaphore, #tpu.memory_space<semaphore_mem>> -> memref<!tpu.dma_semaphore, #tpu.memory_space<semaphore_mem>>
    tpu.enqueue_indirect_dma source(%dma_start3A_333 : memref<128x16xf32, #tpu.memory_space<vmem>>) target(%dma_start3A_339 : memref<10112x16xf32, #tpu.memory_space<vmem_shared>>) offsets(%dma_start3A_336 : memref<128xi32, #tpu.memory_space<vmem>>) semaphore(%dma_start3A_341 : memref<!tpu.dma_semaphore, #tpu.memory_space<semaphore_mem>>) {add = true}
    %dma_wait3A_342 = arith.constant 78 : i32
    %dma_wait3A_343 = arith.constant 6 : i32
    %dma_wait3A_344 = arith.constant 6 : i32
    %dma_wait3A_345 = arith.constant 0 : i32
    %dma_wait3A_346 = arith.constant 0 : i32
    %dma_wait3A_347 = tpu.memref_slice %arg9[%dma_wait3A_343, %dma_wait3A_345, %dma_wait3A_346] : memref<8x128x16xf32, #tpu.memory_space<vmem>> -> memref<1x128x16xf32, #tpu.memory_space<vmem>>
    %dma_wait3A_348 = tpu.memref_squeeze %dma_wait3A_347 : memref<1x128x16xf32, #tpu.memory_space<vmem>> -> memref<128x16xf32, #tpu.memory_space<vmem>>
    %dma_wait3A_349 = arith.constant 0 : i32
    %dma_wait3A_350 = tpu.memref_slice %arg7[%dma_wait3A_342, %dma_wait3A_349] : memref<79x128xi32, #tpu.memory_space<vmem>> -> memref<1x128xi32, #tpu.memory_space<vmem>>
    %dma_wait3A_351 = tpu.memref_squeeze %dma_wait3A_350 : memref<1x128xi32, #tpu.memory_space<vmem>> -> memref<128xi32, #tpu.memory_space<vmem>>
    %dma_wait3A_352 = arith.constant 0 : i32
    %dma_wait3A_353 = arith.constant 0 : i32
    %dma_wait3A_354 = tpu.memref_slice %arg11[%dma_wait3A_352, %dma_wait3A_353] : memref<10000x16xf32, #tpu.memory_space<vmem_shared>> -> memref<10000x16xf32, #tpu.memory_space<vmem_shared>>
    %dma_wait3A_355 = tpu.memref_slice %arg12[%dma_wait3A_344] : memref<8x!tpu.dma_semaphore, #tpu.memory_space<semaphore_mem>> -> memref<1x!tpu.dma_semaphore, #tpu.memory_space<semaphore_mem>>
    %dma_wait3A_356 = tpu.memref_squeeze %dma_wait3A_355 : memref<1x!tpu.dma_semaphore, #tpu.memory_space<semaphore_mem>> -> memref<!tpu.dma_semaphore, #tpu.memory_space<semaphore_mem>>
    tpu.wait_indirect_dma semaphore(%dma_wait3A_356 : memref<!tpu.dma_semaphore, #tpu.memory_space<semaphore_mem>>) src(%dma_wait3A_354 : memref<10000x16xf32, #tpu.memory_space<vmem_shared>>) dst(%dma_wait3A_348 : memref<128x16xf32, #tpu.memory_space<vmem>>)
    %dma_start3A_357 = arith.constant 6 : i32
    %dma_start3A_358 = arith.constant 78 : i32
    %dma_start3A_359 = arith.constant 6 : i32
    %dma_start3A_360 = arith.constant 0 : i32
    %dma_start3A_361 = arith.constant 0 : i32
    %dma_start3A_362 = tpu.memref_slice %arg9[%dma_start3A_357, %dma_start3A_360, %dma_start3A_361] : memref<8x128x16xf32, #tpu.memory_space<vmem>> -> memref<1x128x16xf32, #tpu.memory_space<vmem>>
    %dma_start3A_363 = tpu.memref_squeeze %dma_start3A_362 : memref<1x128x16xf32, #tpu.memory_space<vmem>> -> memref<128x16xf32, #tpu.memory_space<vmem>>
    %dma_start3A_364 = arith.constant 0 : i32
    %dma_start3A_365 = tpu.memref_slice %arg8[%dma_start3A_358, %dma_start3A_364] : memref<79x128xi32, #tpu.memory_space<vmem>> -> memref<1x128xi32, #tpu.memory_space<vmem>>
    %dma_start3A_366 = tpu.memref_squeeze %dma_start3A_365 : memref<1x128xi32, #tpu.memory_space<vmem>> -> memref<128xi32, #tpu.memory_space<vmem>>
    %dma_start3A_367 = arith.constant 0 : i32
    %dma_start3A_368 = arith.constant 0 : i32
    %dma_start3A_369 = tpu.memref_slice %arg10[%dma_start3A_367, %dma_start3A_368] : memref<10112x16xf32, #tpu.memory_space<vmem_shared>> -> memref<10112x16xf32, #tpu.memory_space<vmem_shared>>
    %dma_start3A_370 = tpu.memref_slice %arg13[%dma_start3A_359] : memref<8x!tpu.dma_semaphore, #tpu.memory_space<semaphore_mem>> -> memref<1x!tpu.dma_semaphore, #tpu.memory_space<semaphore_mem>>
    %dma_start3A_371 = tpu.memref_squeeze %dma_start3A_370 : memref<1x!tpu.dma_semaphore, #tpu.memory_space<semaphore_mem>> -> memref<!tpu.dma_semaphore, #tpu.memory_space<semaphore_mem>>
    tpu.enqueue_indirect_dma source(%dma_start3A_363 : memref<128x16xf32, #tpu.memory_space<vmem>>) target(%dma_start3A_369 : memref<10112x16xf32, #tpu.memory_space<vmem_shared>>) offsets(%dma_start3A_366 : memref<128xi32, #tpu.memory_space<vmem>>) semaphore(%dma_start3A_371 : memref<!tpu.dma_semaphore, #tpu.memory_space<semaphore_mem>>) {add = true}
    %dma_wait3A_372 = arith.constant 7 : i32
    %dma_wait3A_373 = arith.constant 71 : i32
    %dma_wait3A_374 = arith.constant 7 : i32
    %dma_wait3A_375 = arith.constant 0 : i32
    %dma_wait3A_376 = arith.constant 0 : i32
    %dma_wait3A_377 = tpu.memref_slice %arg9[%dma_wait3A_372, %dma_wait3A_375, %dma_wait3A_376] : memref<8x128x16xf32, #tpu.memory_space<vmem>> -> memref<1x128x16xf32, #tpu.memory_space<vmem>>
    %dma_wait3A_378 = tpu.memref_squeeze %dma_wait3A_377 : memref<1x128x16xf32, #tpu.memory_space<vmem>> -> memref<128x16xf32, #tpu.memory_space<vmem>>
    %dma_wait3A_379 = arith.constant 0 : i32
    %dma_wait3A_380 = tpu.memref_slice %arg8[%dma_wait3A_373, %dma_wait3A_379] : memref<79x128xi32, #tpu.memory_space<vmem>> -> memref<1x128xi32, #tpu.memory_space<vmem>>
    %dma_wait3A_381 = tpu.memref_squeeze %dma_wait3A_380 : memref<1x128xi32, #tpu.memory_space<vmem>> -> memref<128xi32, #tpu.memory_space<vmem>>
    %dma_wait3A_382 = arith.constant 0 : i32
    %dma_wait3A_383 = arith.constant 0 : i32
    %dma_wait3A_384 = tpu.memref_slice %arg10[%dma_wait3A_382, %dma_wait3A_383] : memref<10112x16xf32, #tpu.memory_space<vmem_shared>> -> memref<10112x16xf32, #tpu.memory_space<vmem_shared>>
    %dma_wait3A_385 = tpu.memref_slice %arg13[%dma_wait3A_374] : memref<8x!tpu.dma_semaphore, #tpu.memory_space<semaphore_mem>> -> memref<1x!tpu.dma_semaphore, #tpu.memory_space<semaphore_mem>>
    %dma_wait3A_386 = tpu.memref_squeeze %dma_wait3A_385 : memref<1x!tpu.dma_semaphore, #tpu.memory_space<semaphore_mem>> -> memref<!tpu.dma_semaphore, #tpu.memory_space<semaphore_mem>>
    tpu.wait_indirect_dma semaphore(%dma_wait3A_386 : memref<!tpu.dma_semaphore, #tpu.memory_space<semaphore_mem>>) src(%dma_wait3A_378 : memref<128x16xf32, #tpu.memory_space<vmem>>) dst(%dma_wait3A_384 : memref<10112x16xf32, #tpu.memory_space<vmem_shared>>)
    %dma_wait3A_387 = arith.constant 0 : i32
    %dma_wait3A_388 = arith.constant 72 : i32
    %dma_wait3A_389 = arith.constant 0 : i32
    %dma_wait3A_390 = arith.constant 0 : i32
    %dma_wait3A_391 = arith.constant 0 : i32
    %dma_wait3A_392 = tpu.memref_slice %arg9[%dma_wait3A_387, %dma_wait3A_390, %dma_wait3A_391] : memref<8x128x16xf32, #tpu.memory_space<vmem>> -> memref<1x128x16xf32, #tpu.memory_space<vmem>>
    %dma_wait3A_393 = tpu.memref_squeeze %dma_wait3A_392 : memref<1x128x16xf32, #tpu.memory_space<vmem>> -> memref<128x16xf32, #tpu.memory_space<vmem>>
    %dma_wait3A_394 = arith.constant 0 : i32
    %dma_wait3A_395 = tpu.memref_slice %arg8[%dma_wait3A_388, %dma_wait3A_394] : memref<79x128xi32, #tpu.memory_space<vmem>> -> memref<1x128xi32, #tpu.memory_space<vmem>>
    %dma_wait3A_396 = tpu.memref_squeeze %dma_wait3A_395 : memref<1x128xi32, #tpu.memory_space<vmem>> -> memref<128xi32, #tpu.memory_space<vmem>>
    %dma_wait3A_397 = arith.constant 0 : i32
    %dma_wait3A_398 = arith.constant 0 : i32
    %dma_wait3A_399 = tpu.memref_slice %arg10[%dma_wait3A_397, %dma_wait3A_398] : memref<10112x16xf32, #tpu.memory_space<vmem_shared>> -> memref<10112x16xf32, #tpu.memory_space<vmem_shared>>
    %dma_wait3A_400 = tpu.memref_slice %arg13[%dma_wait3A_389] : memref<8x!tpu.dma_semaphore, #tpu.memory_space<semaphore_mem>> -> memref<1x!tpu.dma_semaphore, #tpu.memory_space<semaphore_mem>>
    %dma_wait3A_401 = tpu.memref_squeeze %dma_wait3A_400 : memref<1x!tpu.dma_semaphore, #tpu.memory_space<semaphore_mem>> -> memref<!tpu.dma_semaphore, #tpu.memory_space<semaphore_mem>>
    tpu.wait_indirect_dma semaphore(%dma_wait3A_401 : memref<!tpu.dma_semaphore, #tpu.memory_space<semaphore_mem>>) src(%dma_wait3A_393 : memref<128x16xf32, #tpu.memory_space<vmem>>) dst(%dma_wait3A_399 : memref<10112x16xf32, #tpu.memory_space<vmem_shared>>)
    %dma_wait3A_402 = arith.constant 1 : i32
    %dma_wait3A_403 = arith.constant 73 : i32
    %dma_wait3A_404 = arith.constant 1 : i32
    %dma_wait3A_405 = arith.constant 0 : i32
    %dma_wait3A_406 = arith.constant 0 : i32
    %dma_wait3A_407 = tpu.memref_slice %arg9[%dma_wait3A_402, %dma_wait3A_405, %dma_wait3A_406] : memref<8x128x16xf32, #tpu.memory_space<vmem>> -> memref<1x128x16xf32, #tpu.memory_space<vmem>>
    %dma_wait3A_408 = tpu.memref_squeeze %dma_wait3A_407 : memref<1x128x16xf32, #tpu.memory_space<vmem>> -> memref<128x16xf32, #tpu.memory_space<vmem>>
    %dma_wait3A_409 = arith.constant 0 : i32
    %dma_wait3A_410 = tpu.memref_slice %arg8[%dma_wait3A_403, %dma_wait3A_409] : memref<79x128xi32, #tpu.memory_space<vmem>> -> memref<1x128xi32, #tpu.memory_space<vmem>>
    %dma_wait3A_411 = tpu.memref_squeeze %dma_wait3A_410 : memref<1x128xi32, #tpu.memory_space<vmem>> -> memref<128xi32, #tpu.memory_space<vmem>>
    %dma_wait3A_412 = arith.constant 0 : i32
    %dma_wait3A_413 = arith.constant 0 : i32
    %dma_wait3A_414 = tpu.memref_slice %arg10[%dma_wait3A_412, %dma_wait3A_413] : memref<10112x16xf32, #tpu.memory_space<vmem_shared>> -> memref<10112x16xf32, #tpu.memory_space<vmem_shared>>
    %dma_wait3A_415 = tpu.memref_slice %arg13[%dma_wait3A_404] : memref<8x!tpu.dma_semaphore, #tpu.memory_space<semaphore_mem>> -> memref<1x!tpu.dma_semaphore, #tpu.memory_space<semaphore_mem>>
    %dma_wait3A_416 = tpu.memref_squeeze %dma_wait3A_415 : memref<1x!tpu.dma_semaphore, #tpu.memory_space<semaphore_mem>> -> memref<!tpu.dma_semaphore, #tpu.memory_space<semaphore_mem>>
    tpu.wait_indirect_dma semaphore(%dma_wait3A_416 : memref<!tpu.dma_semaphore, #tpu.memory_space<semaphore_mem>>) src(%dma_wait3A_408 : memref<128x16xf32, #tpu.memory_space<vmem>>) dst(%dma_wait3A_414 : memref<10112x16xf32, #tpu.memory_space<vmem_shared>>)
    %dma_wait3A_417 = arith.constant 2 : i32
    %dma_wait3A_418 = arith.constant 74 : i32
    %dma_wait3A_419 = arith.constant 2 : i32
    %dma_wait3A_420 = arith.constant 0 : i32
    %dma_wait3A_421 = arith.constant 0 : i32
    %dma_wait3A_422 = tpu.memref_slice %arg9[%dma_wait3A_417, %dma_wait3A_420, %dma_wait3A_421] : memref<8x128x16xf32, #tpu.memory_space<vmem>> -> memref<1x128x16xf32, #tpu.memory_space<vmem>>
    %dma_wait3A_423 = tpu.memref_squeeze %dma_wait3A_422 : memref<1x128x16xf32, #tpu.memory_space<vmem>> -> memref<128x16xf32, #tpu.memory_space<vmem>>
    %dma_wait3A_424 = arith.constant 0 : i32
    %dma_wait3A_425 = tpu.memref_slice %arg8[%dma_wait3A_418, %dma_wait3A_424] : memref<79x128xi32, #tpu.memory_space<vmem>> -> memref<1x128xi32, #tpu.memory_space<vmem>>
    %dma_wait3A_426 = tpu.memref_squeeze %dma_wait3A_425 : memref<1x128xi32, #tpu.memory_space<vmem>> -> memref<128xi32, #tpu.memory_space<vmem>>
    %dma_wait3A_427 = arith.constant 0 : i32
    %dma_wait3A_428 = arith.constant 0 : i32
    %dma_wait3A_429 = tpu.memref_slice %arg10[%dma_wait3A_427, %dma_wait3A_428] : memref<10112x16xf32, #tpu.memory_space<vmem_shared>> -> memref<10112x16xf32, #tpu.memory_space<vmem_shared>>
    %dma_wait3A_430 = tpu.memref_slice %arg13[%dma_wait3A_419] : memref<8x!tpu.dma_semaphore, #tpu.memory_space<semaphore_mem>> -> memref<1x!tpu.dma_semaphore, #tpu.memory_space<semaphore_mem>>
    %dma_wait3A_431 = tpu.memref_squeeze %dma_wait3A_430 : memref<1x!tpu.dma_semaphore, #tpu.memory_space<semaphore_mem>> -> memref<!tpu.dma_semaphore, #tpu.memory_space<semaphore_mem>>
    tpu.wait_indirect_dma semaphore(%dma_wait3A_431 : memref<!tpu.dma_semaphore, #tpu.memory_space<semaphore_mem>>) src(%dma_wait3A_423 : memref<128x16xf32, #tpu.memory_space<vmem>>) dst(%dma_wait3A_429 : memref<10112x16xf32, #tpu.memory_space<vmem_shared>>)
    %dma_wait3A_432 = arith.constant 3 : i32
    %dma_wait3A_433 = arith.constant 75 : i32
    %dma_wait3A_434 = arith.constant 3 : i32
    %dma_wait3A_435 = arith.constant 0 : i32
    %dma_wait3A_436 = arith.constant 0 : i32
    %dma_wait3A_437 = tpu.memref_slice %arg9[%dma_wait3A_432, %dma_wait3A_435, %dma_wait3A_436] : memref<8x128x16xf32, #tpu.memory_space<vmem>> -> memref<1x128x16xf32, #tpu.memory_space<vmem>>
    %dma_wait3A_438 = tpu.memref_squeeze %dma_wait3A_437 : memref<1x128x16xf32, #tpu.memory_space<vmem>> -> memref<128x16xf32, #tpu.memory_space<vmem>>
    %dma_wait3A_439 = arith.constant 0 : i32
    %dma_wait3A_440 = tpu.memref_slice %arg8[%dma_wait3A_433, %dma_wait3A_439] : memref<79x128xi32, #tpu.memory_space<vmem>> -> memref<1x128xi32, #tpu.memory_space<vmem>>
    %dma_wait3A_441 = tpu.memref_squeeze %dma_wait3A_440 : memref<1x128xi32, #tpu.memory_space<vmem>> -> memref<128xi32, #tpu.memory_space<vmem>>
    %dma_wait3A_442 = arith.constant 0 : i32
    %dma_wait3A_443 = arith.constant 0 : i32
    %dma_wait3A_444 = tpu.memref_slice %arg10[%dma_wait3A_442, %dma_wait3A_443] : memref<10112x16xf32, #tpu.memory_space<vmem_shared>> -> memref<10112x16xf32, #tpu.memory_space<vmem_shared>>
    %dma_wait3A_445 = tpu.memref_slice %arg13[%dma_wait3A_434] : memref<8x!tpu.dma_semaphore, #tpu.memory_space<semaphore_mem>> -> memref<1x!tpu.dma_semaphore, #tpu.memory_space<semaphore_mem>>
    %dma_wait3A_446 = tpu.memref_squeeze %dma_wait3A_445 : memref<1x!tpu.dma_semaphore, #tpu.memory_space<semaphore_mem>> -> memref<!tpu.dma_semaphore, #tpu.memory_space<semaphore_mem>>
    tpu.wait_indirect_dma semaphore(%dma_wait3A_446 : memref<!tpu.dma_semaphore, #tpu.memory_space<semaphore_mem>>) src(%dma_wait3A_438 : memref<128x16xf32, #tpu.memory_space<vmem>>) dst(%dma_wait3A_444 : memref<10112x16xf32, #tpu.memory_space<vmem_shared>>)
    %dma_wait3A_447 = arith.constant 4 : i32
    %dma_wait3A_448 = arith.constant 76 : i32
    %dma_wait3A_449 = arith.constant 4 : i32
    %dma_wait3A_450 = arith.constant 0 : i32
    %dma_wait3A_451 = arith.constant 0 : i32
    %dma_wait3A_452 = tpu.memref_slice %arg9[%dma_wait3A_447, %dma_wait3A_450, %dma_wait3A_451] : memref<8x128x16xf32, #tpu.memory_space<vmem>> -> memref<1x128x16xf32, #tpu.memory_space<vmem>>
    %dma_wait3A_453 = tpu.memref_squeeze %dma_wait3A_452 : memref<1x128x16xf32, #tpu.memory_space<vmem>> -> memref<128x16xf32, #tpu.memory_space<vmem>>
    %dma_wait3A_454 = arith.constant 0 : i32
    %dma_wait3A_455 = tpu.memref_slice %arg8[%dma_wait3A_448, %dma_wait3A_454] : memref<79x128xi32, #tpu.memory_space<vmem>> -> memref<1x128xi32, #tpu.memory_space<vmem>>
    %dma_wait3A_456 = tpu.memref_squeeze %dma_wait3A_455 : memref<1x128xi32, #tpu.memory_space<vmem>> -> memref<128xi32, #tpu.memory_space<vmem>>
    %dma_wait3A_457 = arith.constant 0 : i32
    %dma_wait3A_458 = arith.constant 0 : i32
    %dma_wait3A_459 = tpu.memref_slice %arg10[%dma_wait3A_457, %dma_wait3A_458] : memref<10112x16xf32, #tpu.memory_space<vmem_shared>> -> memref<10112x16xf32, #tpu.memory_space<vmem_shared>>
    %dma_wait3A_460 = tpu.memref_slice %arg13[%dma_wait3A_449] : memref<8x!tpu.dma_semaphore, #tpu.memory_space<semaphore_mem>> -> memref<1x!tpu.dma_semaphore, #tpu.memory_space<semaphore_mem>>
    %dma_wait3A_461 = tpu.memref_squeeze %dma_wait3A_460 : memref<1x!tpu.dma_semaphore, #tpu.memory_space<semaphore_mem>> -> memref<!tpu.dma_semaphore, #tpu.memory_space<semaphore_mem>>
    tpu.wait_indirect_dma semaphore(%dma_wait3A_461 : memref<!tpu.dma_semaphore, #tpu.memory_space<semaphore_mem>>) src(%dma_wait3A_453 : memref<128x16xf32, #tpu.memory_space<vmem>>) dst(%dma_wait3A_459 : memref<10112x16xf32, #tpu.memory_space<vmem_shared>>)
    %dma_wait3A_462 = arith.constant 5 : i32
    %dma_wait3A_463 = arith.constant 77 : i32
    %dma_wait3A_464 = arith.constant 5 : i32
    %dma_wait3A_465 = arith.constant 0 : i32
    %dma_wait3A_466 = arith.constant 0 : i32
    %dma_wait3A_467 = tpu.memref_slice %arg9[%dma_wait3A_462, %dma_wait3A_465, %dma_wait3A_466] : memref<8x128x16xf32, #tpu.memory_space<vmem>> -> memref<1x128x16xf32, #tpu.memory_space<vmem>>
    %dma_wait3A_468 = tpu.memref_squeeze %dma_wait3A_467 : memref<1x128x16xf32, #tpu.memory_space<vmem>> -> memref<128x16xf32, #tpu.memory_space<vmem>>
    %dma_wait3A_469 = arith.constant 0 : i32
    %dma_wait3A_470 = tpu.memref_slice %arg8[%dma_wait3A_463, %dma_wait3A_469] : memref<79x128xi32, #tpu.memory_space<vmem>> -> memref<1x128xi32, #tpu.memory_space<vmem>>
    %dma_wait3A_471 = tpu.memref_squeeze %dma_wait3A_470 : memref<1x128xi32, #tpu.memory_space<vmem>> -> memref<128xi32, #tpu.memory_space<vmem>>
    %dma_wait3A_472 = arith.constant 0 : i32
    %dma_wait3A_473 = arith.constant 0 : i32
    %dma_wait3A_474 = tpu.memref_slice %arg10[%dma_wait3A_472, %dma_wait3A_473] : memref<10112x16xf32, #tpu.memory_space<vmem_shared>> -> memref<10112x16xf32, #tpu.memory_space<vmem_shared>>
    %dma_wait3A_475 = tpu.memref_slice %arg13[%dma_wait3A_464] : memref<8x!tpu.dma_semaphore, #tpu.memory_space<semaphore_mem>> -> memref<1x!tpu.dma_semaphore, #tpu.memory_space<semaphore_mem>>
    %dma_wait3A_476 = tpu.memref_squeeze %dma_wait3A_475 : memref<1x!tpu.dma_semaphore, #tpu.memory_space<semaphore_mem>> -> memref<!tpu.dma_semaphore, #tpu.memory_space<semaphore_mem>>
    tpu.wait_indirect_dma semaphore(%dma_wait3A_476 : memref<!tpu.dma_semaphore, #tpu.memory_space<semaphore_mem>>) src(%dma_wait3A_468 : memref<128x16xf32, #tpu.memory_space<vmem>>) dst(%dma_wait3A_474 : memref<10112x16xf32, #tpu.memory_space<vmem_shared>>)
    %dma_wait3A_477 = arith.constant 6 : i32
    %dma_wait3A_478 = arith.constant 78 : i32
    %dma_wait3A_479 = arith.constant 6 : i32
    %dma_wait3A_480 = arith.constant 0 : i32
    %dma_wait3A_481 = arith.constant 0 : i32
    %dma_wait3A_482 = tpu.memref_slice %arg9[%dma_wait3A_477, %dma_wait3A_480, %dma_wait3A_481] : memref<8x128x16xf32, #tpu.memory_space<vmem>> -> memref<1x128x16xf32, #tpu.memory_space<vmem>>
    %dma_wait3A_483 = tpu.memref_squeeze %dma_wait3A_482 : memref<1x128x16xf32, #tpu.memory_space<vmem>> -> memref<128x16xf32, #tpu.memory_space<vmem>>
    %dma_wait3A_484 = arith.constant 0 : i32
    %dma_wait3A_485 = tpu.memref_slice %arg8[%dma_wait3A_478, %dma_wait3A_484] : memref<79x128xi32, #tpu.memory_space<vmem>> -> memref<1x128xi32, #tpu.memory_space<vmem>>
    %dma_wait3A_486 = tpu.memref_squeeze %dma_wait3A_485 : memref<1x128xi32, #tpu.memory_space<vmem>> -> memref<128xi32, #tpu.memory_space<vmem>>
    %dma_wait3A_487 = arith.constant 0 : i32
    %dma_wait3A_488 = arith.constant 0 : i32
    %dma_wait3A_489 = tpu.memref_slice %arg10[%dma_wait3A_487, %dma_wait3A_488] : memref<10112x16xf32, #tpu.memory_space<vmem_shared>> -> memref<10112x16xf32, #tpu.memory_space<vmem_shared>>
    %dma_wait3A_490 = tpu.memref_slice %arg13[%dma_wait3A_479] : memref<8x!tpu.dma_semaphore, #tpu.memory_space<semaphore_mem>> -> memref<1x!tpu.dma_semaphore, #tpu.memory_space<semaphore_mem>>
    %dma_wait3A_491 = tpu.memref_squeeze %dma_wait3A_490 : memref<1x!tpu.dma_semaphore, #tpu.memory_space<semaphore_mem>> -> memref<!tpu.dma_semaphore, #tpu.memory_space<semaphore_mem>>
    tpu.wait_indirect_dma semaphore(%dma_wait3A_491 : memref<!tpu.dma_semaphore, #tpu.memory_space<semaphore_mem>>) src(%dma_wait3A_483 : memref<128x16xf32, #tpu.memory_space<vmem>>) dst(%dma_wait3A_489 : memref<10112x16xf32, #tpu.memory_space<vmem_shared>>)
    %barrier3A_492 = arith.constant 0 : index
    tpu.barrier barrier_id(%barrier3A_492)
    %mul3A_493 = arith.constant 632 : i32
    %mul3A_494 = arith.muli %arg1, %mul3A_493 : i32
    %mul3A_495 = arith.constant 632 : i32
    %mul3A_496 = arith.muli %arg1, %mul3A_495 : i32
    "tpu.region"() ({
      %run_scoped3A = tpu.sem_alloc : memref<!tpu.dma_semaphore, #tpu.memory_space<semaphore_mem>>
      %dma_start3A_497 = arith.constant 0 : i32
      %dma_start3A_498 = tpu.memref_slice %arg6[%arg0, %mul3A_496, %dma_start3A_497] : memref<2x10112x16xf32, #tpu.memory_space<hbm>> -> memref<1x632x16xf32, #tpu.memory_space<hbm>>
      %dma_start3A_499 = tpu.memref_squeeze %dma_start3A_498 : memref<1x632x16xf32, #tpu.memory_space<hbm>> -> memref<632x16xf32, #tpu.memory_space<hbm>>
      %dma_start3A_500 = arith.constant 0 : i32
      %dma_start3A_501 = tpu.memref_slice %arg10[%mul3A_494, %dma_start3A_500] : memref<10112x16xf32, #tpu.memory_space<vmem_shared>> -> memref<632x16xf32, #tpu.memory_space<vmem_shared>>
      tpu.enqueue_dma source(%dma_start3A_501 : memref<632x16xf32, #tpu.memory_space<vmem_shared>>) target(%dma_start3A_499 : memref<632x16xf32, #tpu.memory_space<hbm>>) target_semaphore(%run_scoped3A : memref<!tpu.dma_semaphore, #tpu.memory_space<semaphore_mem>>)
      %dma_wait3A_502 = arith.constant 0 : i32
      %dma_wait3A_503 = tpu.memref_slice %arg6[%arg0, %mul3A_496, %dma_wait3A_502] : memref<2x10112x16xf32, #tpu.memory_space<hbm>> -> memref<1x632x16xf32, #tpu.memory_space<hbm>>
      %dma_wait3A_504 = tpu.memref_squeeze %dma_wait3A_503 : memref<1x632x16xf32, #tpu.memory_space<hbm>> -> memref<632x16xf32, #tpu.memory_space<hbm>>
      %dma_wait3A_505 = arith.constant 0 : i32
      %dma_wait3A_506 = tpu.memref_slice %arg10[%mul3A_494, %dma_wait3A_505] : memref<10112x16xf32, #tpu.memory_space<vmem_shared>> -> memref<632x16xf32, #tpu.memory_space<vmem_shared>>
      tpu.wait_dma2 semaphore(%run_scoped3A : memref<!tpu.dma_semaphore, #tpu.memory_space<semaphore_mem>>) src(%dma_wait3A_506 : memref<632x16xf32, #tpu.memory_space<vmem_shared>>) dst(%dma_wait3A_504 : memref<632x16xf32, #tpu.memory_space<hbm>>)
      tpu.yield
    }) : () -> ()
    return
  }
}

#map = affine_map<(d0, d1) -> (0, 0)>
#map1 = affine_map<(d0, d1) -> (0, 0, 0)>
module attributes {stable_mosaic.version = 14 : i64} {
  func.func @prop_kernel(%arg0: i32, %arg1: i32, %arg2: memref<10000x16xf32, #tpu.memory_space<hbm>>, %arg3: memref<32x79x128xi32, #tpu.memory_space<hbm>>, %arg4: memref<32x79x128xi32, #tpu.memory_space<hbm>>, %arg5: memref<10112x16xf32, #tpu.memory_space<hbm>>, %arg6: memref<2x10112x16xf32, #tpu.memory_space<hbm>>, %arg7: memref<79x128xi32, #tpu.memory_space<vmem>>, %arg8: memref<79x128xi32, #tpu.memory_space<vmem>>, %arg9: memref<8x128x16xf32, #tpu.memory_space<vmem>>, %arg10: memref<10112x16xf32, #tpu.memory_space<vmem_shared>>, %arg11: memref<10000x16xf32, #tpu.memory_space<vmem_shared>>, %arg12: memref<8x!tpu.dma_semaphore, #tpu.memory_space<semaphore_mem>>, %arg13: memref<8x!tpu.dma_semaphore, #tpu.memory_space<semaphore_mem>>) attributes {dimension_semantics = [#tpu.dimension_semantics<core_parallel>, #tpu.dimension_semantics<subcore_parallel>], iteration_bounds = array<i64: 2, 16>, scalar_prefetch = 0 : i64, scratch_operands = 7 : i64, tpu.core_type = #tpu.core_type<sc_vector_subcore>, window_params = [{transform_indices = #map}, {transform_indices = #map1}, {transform_indices = #map1}, {transform_indices = #map}, {transform_indices = #map1}]} {
    %mul3A = arith.constant 2 : i32
    %mul3A_0 = arith.muli %arg1, %mul3A : i32
    %add3A = arith.addi %mul3A_0, %arg0 : i32
    "tpu.region"() ({
      %run_scoped3A = tpu.sem_alloc : memref<!tpu.dma_semaphore, #tpu.memory_space<semaphore_mem>>
      %dma_start3A_497 = arith.constant 0 : i32
      %dma_start3A_498 = arith.constant 0 : i32
      %dma_start3A_499 = tpu.memref_slice %arg3[%add3A, %dma_start3A_497, %dma_start3A_498] : memref<32x79x128xi32, #tpu.memory_space<hbm>> -> memref<1x79x128xi32, #tpu.memory_space<hbm>>
      %dma_start3A_500 = tpu.memref_squeeze %dma_start3A_499 : memref<1x79x128xi32, #tpu.memory_space<hbm>> -> memref<79x128xi32, #tpu.memory_space<hbm>>
      %dma_start3A_501 = arith.constant 0 : i32
      %dma_start3A_502 = arith.constant 0 : i32
      %dma_start3A_503 = tpu.memref_slice %arg3[%add3A, %dma_start3A_501, %dma_start3A_502] : memref<32x79x128xi32, #tpu.memory_space<hbm>> -> memref<1x79x128xi32, #tpu.memory_space<hbm>>
      %dma_start3A_504 = tpu.memref_squeeze %dma_start3A_503 : memref<1x79x128xi32, #tpu.memory_space<hbm>> -> memref<79x128xi32, #tpu.memory_space<hbm>>
      tpu.enqueue_dma source(%dma_start3A_504 : memref<79x128xi32, #tpu.memory_space<hbm>>) target(%arg7 : memref<79x128xi32, #tpu.memory_space<vmem>>) target_semaphore(%run_scoped3A : memref<!tpu.dma_semaphore, #tpu.memory_space<semaphore_mem>>)
      %dma_wait3A_505 = arith.constant 0 : i32
      %dma_wait3A_506 = arith.constant 0 : i32
      %dma_wait3A_507 = tpu.memref_slice %arg3[%add3A, %dma_wait3A_505, %dma_wait3A_506] : memref<32x79x128xi32, #tpu.memory_space<hbm>> -> memref<1x79x128xi32, #tpu.memory_space<hbm>>
      %dma_wait3A_508 = tpu.memref_squeeze %dma_wait3A_507 : memref<1x79x128xi32, #tpu.memory_space<hbm>> -> memref<79x128xi32, #tpu.memory_space<hbm>>
      %dma_wait3A_509 = arith.constant 0 : i32
      %dma_wait3A_510 = arith.constant 0 : i32
      %dma_wait3A_511 = tpu.memref_slice %arg3[%add3A, %dma_wait3A_509, %dma_wait3A_510] : memref<32x79x128xi32, #tpu.memory_space<hbm>> -> memref<1x79x128xi32, #tpu.memory_space<hbm>>
      %dma_wait3A_512 = tpu.memref_squeeze %dma_wait3A_511 : memref<1x79x128xi32, #tpu.memory_space<hbm>> -> memref<79x128xi32, #tpu.memory_space<hbm>>
      tpu.wait_dma2 semaphore(%run_scoped3A : memref<!tpu.dma_semaphore, #tpu.memory_space<semaphore_mem>>) src(%dma_wait3A_512 : memref<79x128xi32, #tpu.memory_space<hbm>>) dst(%arg7 : memref<79x128xi32, #tpu.memory_space<vmem>>)
      tpu.yield
    }) : () -> ()
    "tpu.region"() ({
      %run_scoped3A = tpu.sem_alloc : memref<!tpu.dma_semaphore, #tpu.memory_space<semaphore_mem>>
      %dma_start3A_497 = arith.constant 0 : i32
      %dma_start3A_498 = arith.constant 0 : i32
      %dma_start3A_499 = tpu.memref_slice %arg4[%add3A, %dma_start3A_497, %dma_start3A_498] : memref<32x79x128xi32, #tpu.memory_space<hbm>> -> memref<1x79x128xi32, #tpu.memory_space<hbm>>
      %dma_start3A_500 = tpu.memref_squeeze %dma_start3A_499 : memref<1x79x128xi32, #tpu.memory_space<hbm>> -> memref<79x128xi32, #tpu.memory_space<hbm>>
      %dma_start3A_501 = arith.constant 0 : i32
      %dma_start3A_502 = arith.constant 0 : i32
      %dma_start3A_503 = tpu.memref_slice %arg4[%add3A, %dma_start3A_501, %dma_start3A_502] : memref<32x79x128xi32, #tpu.memory_space<hbm>> -> memref<1x79x128xi32, #tpu.memory_space<hbm>>
      %dma_start3A_504 = tpu.memref_squeeze %dma_start3A_503 : memref<1x79x128xi32, #tpu.memory_space<hbm>> -> memref<79x128xi32, #tpu.memory_space<hbm>>
      tpu.enqueue_dma source(%dma_start3A_504 : memref<79x128xi32, #tpu.memory_space<hbm>>) target(%arg8 : memref<79x128xi32, #tpu.memory_space<vmem>>) target_semaphore(%run_scoped3A : memref<!tpu.dma_semaphore, #tpu.memory_space<semaphore_mem>>)
      %dma_wait3A_505 = arith.constant 0 : i32
      %dma_wait3A_506 = arith.constant 0 : i32
      %dma_wait3A_507 = tpu.memref_slice %arg4[%add3A, %dma_wait3A_505, %dma_wait3A_506] : memref<32x79x128xi32, #tpu.memory_space<hbm>> -> memref<1x79x128xi32, #tpu.memory_space<hbm>>
      %dma_wait3A_508 = tpu.memref_squeeze %dma_wait3A_507 : memref<1x79x128xi32, #tpu.memory_space<hbm>> -> memref<79x128xi32, #tpu.memory_space<hbm>>
      %dma_wait3A_509 = arith.constant 0 : i32
      %dma_wait3A_510 = arith.constant 0 : i32
      %dma_wait3A_511 = tpu.memref_slice %arg4[%add3A, %dma_wait3A_509, %dma_wait3A_510] : memref<32x79x128xi32, #tpu.memory_space<hbm>> -> memref<1x79x128xi32, #tpu.memory_space<hbm>>
      %dma_wait3A_512 = tpu.memref_squeeze %dma_wait3A_511 : memref<1x79x128xi32, #tpu.memory_space<hbm>> -> memref<79x128xi32, #tpu.memory_space<hbm>>
      tpu.wait_dma2 semaphore(%run_scoped3A : memref<!tpu.dma_semaphore, #tpu.memory_space<semaphore_mem>>) src(%dma_wait3A_512 : memref<79x128xi32, #tpu.memory_space<hbm>>) dst(%arg8 : memref<79x128xi32, #tpu.memory_space<vmem>>)
      tpu.yield
    }) : () -> ()
    %mul3A_1 = arith.constant 625 : i32
    %mul3A_2 = arith.muli %arg1, %mul3A_1 : i32
    %mul3A_3 = arith.constant 625 : i32
    %mul3A_4 = arith.muli %arg1, %mul3A_3 : i32
    "tpu.region"() ({
      %run_scoped3A = tpu.sem_alloc : memref<!tpu.dma_semaphore, #tpu.memory_space<semaphore_mem>>
      %dma_start3A_497 = arith.constant 0 : i32
      %dma_start3A_498 = tpu.memref_slice %arg11[%mul3A_4, %dma_start3A_497] : memref<10000x16xf32, #tpu.memory_space<vmem_shared>> -> memref<625x16xf32, #tpu.memory_space<vmem_shared>>
      %dma_start3A_499 = arith.constant 0 : i32
      %dma_start3A_500 = tpu.memref_slice %arg2[%mul3A_2, %dma_start3A_499] : memref<10000x16xf32, #tpu.memory_space<hbm>> -> memref<625x16xf32, #tpu.memory_space<hbm>>
      tpu.enqueue_dma source(%dma_start3A_500 : memref<625x16xf32, #tpu.memory_space<hbm>>) target(%dma_start3A_498 : memref<625x16xf32, #tpu.memory_space<vmem_shared>>) target_semaphore(%run_scoped3A : memref<!tpu.dma_semaphore, #tpu.memory_space<semaphore_mem>>)
      %dma_wait3A_501 = arith.constant 0 : i32
      %dma_wait3A_502 = tpu.memref_slice %arg11[%mul3A_4, %dma_wait3A_501] : memref<10000x16xf32, #tpu.memory_space<vmem_shared>> -> memref<625x16xf32, #tpu.memory_space<vmem_shared>>
      %dma_wait3A_503 = arith.constant 0 : i32
      %dma_wait3A_504 = tpu.memref_slice %arg2[%mul3A_2, %dma_wait3A_503] : memref<10000x16xf32, #tpu.memory_space<hbm>> -> memref<625x16xf32, #tpu.memory_space<hbm>>
      tpu.wait_dma2 semaphore(%run_scoped3A : memref<!tpu.dma_semaphore, #tpu.memory_space<semaphore_mem>>) src(%dma_wait3A_504 : memref<625x16xf32, #tpu.memory_space<hbm>>) dst(%dma_wait3A_502 : memref<625x16xf32, #tpu.memory_space<vmem_shared>>)
      tpu.yield
    }) : () -> ()
    %mul3A_5 = arith.constant 632 : i32
    %mul3A_6 = arith.muli %arg1, %mul3A_5 : i32
    %mul3A_7 = arith.constant 632 : i32
    %mul3A_8 = arith.muli %arg1, %mul3A_7 : i32
    "tpu.region"() ({
      %run_scoped3A = tpu.sem_alloc : memref<!tpu.dma_semaphore, #tpu.memory_space<semaphore_mem>>
      %dma_start3A_497 = arith.constant 0 : i32
      %dma_start3A_498 = tpu.memref_slice %arg10[%mul3A_8, %dma_start3A_497] : memref<10112x16xf32, #tpu.memory_space<vmem_shared>> -> memref<632x16xf32, #tpu.memory_space<vmem_shared>>
      %dma_start3A_499 = arith.constant 0 : i32
      %dma_start3A_500 = tpu.memref_slice %arg5[%mul3A_6, %dma_start3A_499] : memref<10112x16xf32, #tpu.memory_space<hbm>> -> memref<632x16xf32, #tpu.memory_space<hbm>>
      tpu.enqueue_dma source(%dma_start3A_500 : memref<632x16xf32, #tpu.memory_space<hbm>>) target(%dma_start3A_498 : memref<632x16xf32, #tpu.memory_space<vmem_shared>>) target_semaphore(%run_scoped3A : memref<!tpu.dma_semaphore, #tpu.memory_space<semaphore_mem>>)
      %dma_wait3A_501 = arith.constant 0 : i32
      %dma_wait3A_502 = tpu.memref_slice %arg10[%mul3A_8, %dma_wait3A_501] : memref<10112x16xf32, #tpu.memory_space<vmem_shared>> -> memref<632x16xf32, #tpu.memory_space<vmem_shared>>
      %dma_wait3A_503 = arith.constant 0 : i32
      %dma_wait3A_504 = tpu.memref_slice %arg5[%mul3A_6, %dma_wait3A_503] : memref<10112x16xf32, #tpu.memory_space<hbm>> -> memref<632x16xf32, #tpu.memory_space<hbm>>
      tpu.wait_dma2 semaphore(%run_scoped3A : memref<!tpu.dma_semaphore, #tpu.memory_space<semaphore_mem>>) src(%dma_wait3A_504 : memref<632x16xf32, #tpu.memory_space<hbm>>) dst(%dma_wait3A_502 : memref<632x16xf32, #tpu.memory_space<vmem_shared>>)
      tpu.yield
    }) : () -> ()
    %barrier3A = arith.constant 0 : index
    tpu.barrier barrier_id(%barrier3A)
    %dma_start3A = arith.constant 0 : i32
    %dma_start3A_9 = arith.constant 0 : i32
    %dma_start3A_10 = arith.constant 0 : i32
    %dma_start3A_11 = arith.constant 0 : i32
    %dma_start3A_12 = arith.constant 0 : i32
    %dma_start3A_13 = tpu.memref_slice %arg9[%dma_start3A_9, %dma_start3A_11, %dma_start3A_12] : memref<8x128x16xf32, #tpu.memory_space<vmem>> -> memref<1x128x16xf32, #tpu.memory_space<vmem>>
    %dma_start3A_14 = tpu.memref_squeeze %dma_start3A_13 : memref<1x128x16xf32, #tpu.memory_space<vmem>> -> memref<128x16xf32, #tpu.memory_space<vmem>>
    %dma_start3A_15 = arith.constant 0 : i32
    %dma_start3A_16 = tpu.memref_slice %arg7[%dma_start3A, %dma_start3A_15] : memref<79x128xi32, #tpu.memory_space<vmem>> -> memref<1x128xi32, #tpu.memory_space<vmem>>
    %dma_start3A_17 = tpu.memref_squeeze %dma_start3A_16 : memref<1x128xi32, #tpu.memory_space<vmem>> -> memref<128xi32, #tpu.memory_space<vmem>>
    %dma_start3A_18 = arith.constant 0 : i32
    %dma_start3A_19 = arith.constant 0 : i32
    %dma_start3A_20 = tpu.memref_slice %arg11[%dma_start3A_18, %dma_start3A_19] : memref<10000x16xf32, #tpu.memory_space<vmem_shared>> -> memref<10000x16xf32, #tpu.memory_space<vmem_shared>>
    %dma_start3A_21 = tpu.memref_slice %arg12[%dma_start3A_10] : memref<8x!tpu.dma_semaphore, #tpu.memory_space<semaphore_mem>> -> memref<1x!tpu.dma_semaphore, #tpu.memory_space<semaphore_mem>>
    %dma_start3A_22 = tpu.memref_squeeze %dma_start3A_21 : memref<1x!tpu.dma_semaphore, #tpu.memory_space<semaphore_mem>> -> memref<!tpu.dma_semaphore, #tpu.memory_space<semaphore_mem>>
    tpu.enqueue_indirect_dma source(%dma_start3A_20 : memref<10000x16xf32, #tpu.memory_space<vmem_shared>>) target(%dma_start3A_14 : memref<128x16xf32, #tpu.memory_space<vmem>>) offsets(%dma_start3A_17 : memref<128xi32, #tpu.memory_space<vmem>>) semaphore(%dma_start3A_22 : memref<!tpu.dma_semaphore, #tpu.memory_space<semaphore_mem>>)
    %dma_start3A_23 = arith.constant 1 : i32
    %dma_start3A_24 = arith.constant 1 : i32
    %dma_start3A_25 = arith.constant 1 : i32
    %dma_start3A_26 = arith.constant 0 : i32
    %dma_start3A_27 = arith.constant 0 : i32
    %dma_start3A_28 = tpu.memref_slice %arg9[%dma_start3A_24, %dma_start3A_26, %dma_start3A_27] : memref<8x128x16xf32, #tpu.memory_space<vmem>> -> memref<1x128x16xf32, #tpu.memory_space<vmem>>
    %dma_start3A_29 = tpu.memref_squeeze %dma_start3A_28 : memref<1x128x16xf32, #tpu.memory_space<vmem>> -> memref<128x16xf32, #tpu.memory_space<vmem>>
    %dma_start3A_30 = arith.constant 0 : i32
    %dma_start3A_31 = tpu.memref_slice %arg7[%dma_start3A_23, %dma_start3A_30] : memref<79x128xi32, #tpu.memory_space<vmem>> -> memref<1x128xi32, #tpu.memory_space<vmem>>
    %dma_start3A_32 = tpu.memref_squeeze %dma_start3A_31 : memref<1x128xi32, #tpu.memory_space<vmem>> -> memref<128xi32, #tpu.memory_space<vmem>>
    %dma_start3A_33 = arith.constant 0 : i32
    %dma_start3A_34 = arith.constant 0 : i32
    %dma_start3A_35 = tpu.memref_slice %arg11[%dma_start3A_33, %dma_start3A_34] : memref<10000x16xf32, #tpu.memory_space<vmem_shared>> -> memref<10000x16xf32, #tpu.memory_space<vmem_shared>>
    %dma_start3A_36 = tpu.memref_slice %arg12[%dma_start3A_25] : memref<8x!tpu.dma_semaphore, #tpu.memory_space<semaphore_mem>> -> memref<1x!tpu.dma_semaphore, #tpu.memory_space<semaphore_mem>>
    %dma_start3A_37 = tpu.memref_squeeze %dma_start3A_36 : memref<1x!tpu.dma_semaphore, #tpu.memory_space<semaphore_mem>> -> memref<!tpu.dma_semaphore, #tpu.memory_space<semaphore_mem>>
    tpu.enqueue_indirect_dma source(%dma_start3A_35 : memref<10000x16xf32, #tpu.memory_space<vmem_shared>>) target(%dma_start3A_29 : memref<128x16xf32, #tpu.memory_space<vmem>>) offsets(%dma_start3A_32 : memref<128xi32, #tpu.memory_space<vmem>>) semaphore(%dma_start3A_37 : memref<!tpu.dma_semaphore, #tpu.memory_space<semaphore_mem>>)
    %dma_start3A_38 = arith.constant 2 : i32
    %dma_start3A_39 = arith.constant 2 : i32
    %dma_start3A_40 = arith.constant 2 : i32
    %dma_start3A_41 = arith.constant 0 : i32
    %dma_start3A_42 = arith.constant 0 : i32
    %dma_start3A_43 = tpu.memref_slice %arg9[%dma_start3A_39, %dma_start3A_41, %dma_start3A_42] : memref<8x128x16xf32, #tpu.memory_space<vmem>> -> memref<1x128x16xf32, #tpu.memory_space<vmem>>
    %dma_start3A_44 = tpu.memref_squeeze %dma_start3A_43 : memref<1x128x16xf32, #tpu.memory_space<vmem>> -> memref<128x16xf32, #tpu.memory_space<vmem>>
    %dma_start3A_45 = arith.constant 0 : i32
    %dma_start3A_46 = tpu.memref_slice %arg7[%dma_start3A_38, %dma_start3A_45] : memref<79x128xi32, #tpu.memory_space<vmem>> -> memref<1x128xi32, #tpu.memory_space<vmem>>
    %dma_start3A_47 = tpu.memref_squeeze %dma_start3A_46 : memref<1x128xi32, #tpu.memory_space<vmem>> -> memref<128xi32, #tpu.memory_space<vmem>>
    %dma_start3A_48 = arith.constant 0 : i32
    %dma_start3A_49 = arith.constant 0 : i32
    %dma_start3A_50 = tpu.memref_slice %arg11[%dma_start3A_48, %dma_start3A_49] : memref<10000x16xf32, #tpu.memory_space<vmem_shared>> -> memref<10000x16xf32, #tpu.memory_space<vmem_shared>>
    %dma_start3A_51 = tpu.memref_slice %arg12[%dma_start3A_40] : memref<8x!tpu.dma_semaphore, #tpu.memory_space<semaphore_mem>> -> memref<1x!tpu.dma_semaphore, #tpu.memory_space<semaphore_mem>>
    %dma_start3A_52 = tpu.memref_squeeze %dma_start3A_51 : memref<1x!tpu.dma_semaphore, #tpu.memory_space<semaphore_mem>> -> memref<!tpu.dma_semaphore, #tpu.memory_space<semaphore_mem>>
    tpu.enqueue_indirect_dma source(%dma_start3A_50 : memref<10000x16xf32, #tpu.memory_space<vmem_shared>>) target(%dma_start3A_44 : memref<128x16xf32, #tpu.memory_space<vmem>>) offsets(%dma_start3A_47 : memref<128xi32, #tpu.memory_space<vmem>>) semaphore(%dma_start3A_52 : memref<!tpu.dma_semaphore, #tpu.memory_space<semaphore_mem>>)
    %dma_start3A_53 = arith.constant 3 : i32
    %dma_start3A_54 = arith.constant 3 : i32
    %dma_start3A_55 = arith.constant 3 : i32
    %dma_start3A_56 = arith.constant 0 : i32
    %dma_start3A_57 = arith.constant 0 : i32
    %dma_start3A_58 = tpu.memref_slice %arg9[%dma_start3A_54, %dma_start3A_56, %dma_start3A_57] : memref<8x128x16xf32, #tpu.memory_space<vmem>> -> memref<1x128x16xf32, #tpu.memory_space<vmem>>
    %dma_start3A_59 = tpu.memref_squeeze %dma_start3A_58 : memref<1x128x16xf32, #tpu.memory_space<vmem>> -> memref<128x16xf32, #tpu.memory_space<vmem>>
    %dma_start3A_60 = arith.constant 0 : i32
    %dma_start3A_61 = tpu.memref_slice %arg7[%dma_start3A_53, %dma_start3A_60] : memref<79x128xi32, #tpu.memory_space<vmem>> -> memref<1x128xi32, #tpu.memory_space<vmem>>
    %dma_start3A_62 = tpu.memref_squeeze %dma_start3A_61 : memref<1x128xi32, #tpu.memory_space<vmem>> -> memref<128xi32, #tpu.memory_space<vmem>>
    %dma_start3A_63 = arith.constant 0 : i32
    %dma_start3A_64 = arith.constant 0 : i32
    %dma_start3A_65 = tpu.memref_slice %arg11[%dma_start3A_63, %dma_start3A_64] : memref<10000x16xf32, #tpu.memory_space<vmem_shared>> -> memref<10000x16xf32, #tpu.memory_space<vmem_shared>>
    %dma_start3A_66 = tpu.memref_slice %arg12[%dma_start3A_55] : memref<8x!tpu.dma_semaphore, #tpu.memory_space<semaphore_mem>> -> memref<1x!tpu.dma_semaphore, #tpu.memory_space<semaphore_mem>>
    %dma_start3A_67 = tpu.memref_squeeze %dma_start3A_66 : memref<1x!tpu.dma_semaphore, #tpu.memory_space<semaphore_mem>> -> memref<!tpu.dma_semaphore, #tpu.memory_space<semaphore_mem>>
    tpu.enqueue_indirect_dma source(%dma_start3A_65 : memref<10000x16xf32, #tpu.memory_space<vmem_shared>>) target(%dma_start3A_59 : memref<128x16xf32, #tpu.memory_space<vmem>>) offsets(%dma_start3A_62 : memref<128xi32, #tpu.memory_space<vmem>>) semaphore(%dma_start3A_67 : memref<!tpu.dma_semaphore, #tpu.memory_space<semaphore_mem>>)
    %dma_start3A_68 = arith.constant 4 : i32
    %dma_start3A_69 = arith.constant 4 : i32
    %dma_start3A_70 = arith.constant 4 : i32
    %dma_start3A_71 = arith.constant 0 : i32
    %dma_start3A_72 = arith.constant 0 : i32
    %dma_start3A_73 = tpu.memref_slice %arg9[%dma_start3A_69, %dma_start3A_71, %dma_start3A_72] : memref<8x128x16xf32, #tpu.memory_space<vmem>> -> memref<1x128x16xf32, #tpu.memory_space<vmem>>
    %dma_start3A_74 = tpu.memref_squeeze %dma_start3A_73 : memref<1x128x16xf32, #tpu.memory_space<vmem>> -> memref<128x16xf32, #tpu.memory_space<vmem>>
    %dma_start3A_75 = arith.constant 0 : i32
    %dma_start3A_76 = tpu.memref_slice %arg7[%dma_start3A_68, %dma_start3A_75] : memref<79x128xi32, #tpu.memory_space<vmem>> -> memref<1x128xi32, #tpu.memory_space<vmem>>
    %dma_start3A_77 = tpu.memref_squeeze %dma_start3A_76 : memref<1x128xi32, #tpu.memory_space<vmem>> -> memref<128xi32, #tpu.memory_space<vmem>>
    %dma_start3A_78 = arith.constant 0 : i32
    %dma_start3A_79 = arith.constant 0 : i32
    %dma_start3A_80 = tpu.memref_slice %arg11[%dma_start3A_78, %dma_start3A_79] : memref<10000x16xf32, #tpu.memory_space<vmem_shared>> -> memref<10000x16xf32, #tpu.memory_space<vmem_shared>>
    %dma_start3A_81 = tpu.memref_slice %arg12[%dma_start3A_70] : memref<8x!tpu.dma_semaphore, #tpu.memory_space<semaphore_mem>> -> memref<1x!tpu.dma_semaphore, #tpu.memory_space<semaphore_mem>>
    %dma_start3A_82 = tpu.memref_squeeze %dma_start3A_81 : memref<1x!tpu.dma_semaphore, #tpu.memory_space<semaphore_mem>> -> memref<!tpu.dma_semaphore, #tpu.memory_space<semaphore_mem>>
    tpu.enqueue_indirect_dma source(%dma_start3A_80 : memref<10000x16xf32, #tpu.memory_space<vmem_shared>>) target(%dma_start3A_74 : memref<128x16xf32, #tpu.memory_space<vmem>>) offsets(%dma_start3A_77 : memref<128xi32, #tpu.memory_space<vmem>>) semaphore(%dma_start3A_82 : memref<!tpu.dma_semaphore, #tpu.memory_space<semaphore_mem>>)
    %dma_start3A_83 = arith.constant 5 : i32
    %dma_start3A_84 = arith.constant 5 : i32
    %dma_start3A_85 = arith.constant 5 : i32
    %dma_start3A_86 = arith.constant 0 : i32
    %dma_start3A_87 = arith.constant 0 : i32
    %dma_start3A_88 = tpu.memref_slice %arg9[%dma_start3A_84, %dma_start3A_86, %dma_start3A_87] : memref<8x128x16xf32, #tpu.memory_space<vmem>> -> memref<1x128x16xf32, #tpu.memory_space<vmem>>
    %dma_start3A_89 = tpu.memref_squeeze %dma_start3A_88 : memref<1x128x16xf32, #tpu.memory_space<vmem>> -> memref<128x16xf32, #tpu.memory_space<vmem>>
    %dma_start3A_90 = arith.constant 0 : i32
    %dma_start3A_91 = tpu.memref_slice %arg7[%dma_start3A_83, %dma_start3A_90] : memref<79x128xi32, #tpu.memory_space<vmem>> -> memref<1x128xi32, #tpu.memory_space<vmem>>
    %dma_start3A_92 = tpu.memref_squeeze %dma_start3A_91 : memref<1x128xi32, #tpu.memory_space<vmem>> -> memref<128xi32, #tpu.memory_space<vmem>>
    %dma_start3A_93 = arith.constant 0 : i32
    %dma_start3A_94 = arith.constant 0 : i32
    %dma_start3A_95 = tpu.memref_slice %arg11[%dma_start3A_93, %dma_start3A_94] : memref<10000x16xf32, #tpu.memory_space<vmem_shared>> -> memref<10000x16xf32, #tpu.memory_space<vmem_shared>>
    %dma_start3A_96 = tpu.memref_slice %arg12[%dma_start3A_85] : memref<8x!tpu.dma_semaphore, #tpu.memory_space<semaphore_mem>> -> memref<1x!tpu.dma_semaphore, #tpu.memory_space<semaphore_mem>>
    %dma_start3A_97 = tpu.memref_squeeze %dma_start3A_96 : memref<1x!tpu.dma_semaphore, #tpu.memory_space<semaphore_mem>> -> memref<!tpu.dma_semaphore, #tpu.memory_space<semaphore_mem>>
    tpu.enqueue_indirect_dma source(%dma_start3A_95 : memref<10000x16xf32, #tpu.memory_space<vmem_shared>>) target(%dma_start3A_89 : memref<128x16xf32, #tpu.memory_space<vmem>>) offsets(%dma_start3A_92 : memref<128xi32, #tpu.memory_space<vmem>>) semaphore(%dma_start3A_97 : memref<!tpu.dma_semaphore, #tpu.memory_space<semaphore_mem>>)
    %dma_start3A_98 = arith.constant 6 : i32
    %dma_start3A_99 = arith.constant 6 : i32
    %dma_start3A_100 = arith.constant 6 : i32
    %dma_start3A_101 = arith.constant 0 : i32
    %dma_start3A_102 = arith.constant 0 : i32
    %dma_start3A_103 = tpu.memref_slice %arg9[%dma_start3A_99, %dma_start3A_101, %dma_start3A_102] : memref<8x128x16xf32, #tpu.memory_space<vmem>> -> memref<1x128x16xf32, #tpu.memory_space<vmem>>
    %dma_start3A_104 = tpu.memref_squeeze %dma_start3A_103 : memref<1x128x16xf32, #tpu.memory_space<vmem>> -> memref<128x16xf32, #tpu.memory_space<vmem>>
    %dma_start3A_105 = arith.constant 0 : i32
    %dma_start3A_106 = tpu.memref_slice %arg7[%dma_start3A_98, %dma_start3A_105] : memref<79x128xi32, #tpu.memory_space<vmem>> -> memref<1x128xi32, #tpu.memory_space<vmem>>
    %dma_start3A_107 = tpu.memref_squeeze %dma_start3A_106 : memref<1x128xi32, #tpu.memory_space<vmem>> -> memref<128xi32, #tpu.memory_space<vmem>>
    %dma_start3A_108 = arith.constant 0 : i32
    %dma_start3A_109 = arith.constant 0 : i32
    %dma_start3A_110 = tpu.memref_slice %arg11[%dma_start3A_108, %dma_start3A_109] : memref<10000x16xf32, #tpu.memory_space<vmem_shared>> -> memref<10000x16xf32, #tpu.memory_space<vmem_shared>>
    %dma_start3A_111 = tpu.memref_slice %arg12[%dma_start3A_100] : memref<8x!tpu.dma_semaphore, #tpu.memory_space<semaphore_mem>> -> memref<1x!tpu.dma_semaphore, #tpu.memory_space<semaphore_mem>>
    %dma_start3A_112 = tpu.memref_squeeze %dma_start3A_111 : memref<1x!tpu.dma_semaphore, #tpu.memory_space<semaphore_mem>> -> memref<!tpu.dma_semaphore, #tpu.memory_space<semaphore_mem>>
    tpu.enqueue_indirect_dma source(%dma_start3A_110 : memref<10000x16xf32, #tpu.memory_space<vmem_shared>>) target(%dma_start3A_104 : memref<128x16xf32, #tpu.memory_space<vmem>>) offsets(%dma_start3A_107 : memref<128xi32, #tpu.memory_space<vmem>>) semaphore(%dma_start3A_112 : memref<!tpu.dma_semaphore, #tpu.memory_space<semaphore_mem>>)
    %dma_start3A_113 = arith.constant 7 : i32
    %dma_start3A_114 = arith.constant 7 : i32
    %dma_start3A_115 = arith.constant 7 : i32
    %dma_start3A_116 = arith.constant 0 : i32
    %dma_start3A_117 = arith.constant 0 : i32
    %dma_start3A_118 = tpu.memref_slice %arg9[%dma_start3A_114, %dma_start3A_116, %dma_start3A_117] : memref<8x128x16xf32, #tpu.memory_space<vmem>> -> memref<1x128x16xf32, #tpu.memory_space<vmem>>
    %dma_start3A_119 = tpu.memref_squeeze %dma_start3A_118 : memref<1x128x16xf32, #tpu.memory_space<vmem>> -> memref<128x16xf32, #tpu.memory_space<vmem>>
    %dma_start3A_120 = arith.constant 0 : i32
    %dma_start3A_121 = tpu.memref_slice %arg7[%dma_start3A_113, %dma_start3A_120] : memref<79x128xi32, #tpu.memory_space<vmem>> -> memref<1x128xi32, #tpu.memory_space<vmem>>
    %dma_start3A_122 = tpu.memref_squeeze %dma_start3A_121 : memref<1x128xi32, #tpu.memory_space<vmem>> -> memref<128xi32, #tpu.memory_space<vmem>>
    %dma_start3A_123 = arith.constant 0 : i32
    %dma_start3A_124 = arith.constant 0 : i32
    %dma_start3A_125 = tpu.memref_slice %arg11[%dma_start3A_123, %dma_start3A_124] : memref<10000x16xf32, #tpu.memory_space<vmem_shared>> -> memref<10000x16xf32, #tpu.memory_space<vmem_shared>>
    %dma_start3A_126 = tpu.memref_slice %arg12[%dma_start3A_115] : memref<8x!tpu.dma_semaphore, #tpu.memory_space<semaphore_mem>> -> memref<1x!tpu.dma_semaphore, #tpu.memory_space<semaphore_mem>>
    %dma_start3A_127 = tpu.memref_squeeze %dma_start3A_126 : memref<1x!tpu.dma_semaphore, #tpu.memory_space<semaphore_mem>> -> memref<!tpu.dma_semaphore, #tpu.memory_space<semaphore_mem>>
    tpu.enqueue_indirect_dma source(%dma_start3A_125 : memref<10000x16xf32, #tpu.memory_space<vmem_shared>>) target(%dma_start3A_119 : memref<128x16xf32, #tpu.memory_space<vmem>>) offsets(%dma_start3A_122 : memref<128xi32, #tpu.memory_space<vmem>>) semaphore(%dma_start3A_127 : memref<!tpu.dma_semaphore, #tpu.memory_space<semaphore_mem>>)
    %dma_wait3A = arith.constant 0 : i32
    %dma_wait3A_128 = arith.constant 0 : i32
    %dma_wait3A_129 = arith.constant 0 : i32
    %dma_wait3A_130 = arith.constant 0 : i32
    %dma_wait3A_131 = arith.constant 0 : i32
    %dma_wait3A_132 = tpu.memref_slice %arg9[%dma_wait3A_128, %dma_wait3A_130, %dma_wait3A_131] : memref<8x128x16xf32, #tpu.memory_space<vmem>> -> memref<1x128x16xf32, #tpu.memory_space<vmem>>
    %dma_wait3A_133 = tpu.memref_squeeze %dma_wait3A_132 : memref<1x128x16xf32, #tpu.memory_space<vmem>> -> memref<128x16xf32, #tpu.memory_space<vmem>>
    %dma_wait3A_134 = arith.constant 0 : i32
    %dma_wait3A_135 = tpu.memref_slice %arg7[%dma_wait3A, %dma_wait3A_134] : memref<79x128xi32, #tpu.memory_space<vmem>> -> memref<1x128xi32, #tpu.memory_space<vmem>>
    %dma_wait3A_136 = tpu.memref_squeeze %dma_wait3A_135 : memref<1x128xi32, #tpu.memory_space<vmem>> -> memref<128xi32, #tpu.memory_space<vmem>>
    %dma_wait3A_137 = arith.constant 0 : i32
    %dma_wait3A_138 = arith.constant 0 : i32
    %dma_wait3A_139 = tpu.memref_slice %arg11[%dma_wait3A_137, %dma_wait3A_138] : memref<10000x16xf32, #tpu.memory_space<vmem_shared>> -> memref<10000x16xf32, #tpu.memory_space<vmem_shared>>
    %dma_wait3A_140 = tpu.memref_slice %arg12[%dma_wait3A_129] : memref<8x!tpu.dma_semaphore, #tpu.memory_space<semaphore_mem>> -> memref<1x!tpu.dma_semaphore, #tpu.memory_space<semaphore_mem>>
    %dma_wait3A_141 = tpu.memref_squeeze %dma_wait3A_140 : memref<1x!tpu.dma_semaphore, #tpu.memory_space<semaphore_mem>> -> memref<!tpu.dma_semaphore, #tpu.memory_space<semaphore_mem>>
    tpu.wait_indirect_dma semaphore(%dma_wait3A_141 : memref<!tpu.dma_semaphore, #tpu.memory_space<semaphore_mem>>) src(%dma_wait3A_139 : memref<10000x16xf32, #tpu.memory_space<vmem_shared>>) dst(%dma_wait3A_133 : memref<128x16xf32, #tpu.memory_space<vmem>>)
    %dma_start3A_142 = arith.constant 0 : i32
    %dma_start3A_143 = arith.constant 0 : i32
    %dma_start3A_144 = arith.constant 0 : i32
    %dma_start3A_145 = arith.constant 0 : i32
    %dma_start3A_146 = arith.constant 0 : i32
    %dma_start3A_147 = tpu.memref_slice %arg9[%dma_start3A_142, %dma_start3A_145, %dma_start3A_146] : memref<8x128x16xf32, #tpu.memory_space<vmem>> -> memref<1x128x16xf32, #tpu.memory_space<vmem>>
    %dma_start3A_148 = tpu.memref_squeeze %dma_start3A_147 : memref<1x128x16xf32, #tpu.memory_space<vmem>> -> memref<128x16xf32, #tpu.memory_space<vmem>>
    %dma_start3A_149 = arith.constant 0 : i32
    %dma_start3A_150 = tpu.memref_slice %arg8[%dma_start3A_143, %dma_start3A_149] : memref<79x128xi32, #tpu.memory_space<vmem>> -> memref<1x128xi32, #tpu.memory_space<vmem>>
    %dma_start3A_151 = tpu.memref_squeeze %dma_start3A_150 : memref<1x128xi32, #tpu.memory_space<vmem>> -> memref<128xi32, #tpu.memory_space<vmem>>
    %dma_start3A_152 = arith.constant 0 : i32
    %dma_start3A_153 = arith.constant 0 : i32
    %dma_start3A_154 = tpu.memref_slice %arg10[%dma_start3A_152, %dma_start3A_153] : memref<10112x16xf32, #tpu.memory_space<vmem_shared>> -> memref<10112x16xf32, #tpu.memory_space<vmem_shared>>
    %dma_start3A_155 = tpu.memref_slice %arg13[%dma_start3A_144] : memref<8x!tpu.dma_semaphore, #tpu.memory_space<semaphore_mem>> -> memref<1x!tpu.dma_semaphore, #tpu.memory_space<semaphore_mem>>
    %dma_start3A_156 = tpu.memref_squeeze %dma_start3A_155 : memref<1x!tpu.dma_semaphore, #tpu.memory_space<semaphore_mem>> -> memref<!tpu.dma_semaphore, #tpu.memory_space<semaphore_mem>>
    tpu.enqueue_indirect_dma source(%dma_start3A_148 : memref<128x16xf32, #tpu.memory_space<vmem>>) target(%dma_start3A_154 : memref<10112x16xf32, #tpu.memory_space<vmem_shared>>) offsets(%dma_start3A_151 : memref<128xi32, #tpu.memory_space<vmem>>) semaphore(%dma_start3A_156 : memref<!tpu.dma_semaphore, #tpu.memory_space<semaphore_mem>>) {add = true}
    %scan3A = arith.constant 0 : i32
    %scan3A_157 = arith.constant 1 : i32
    %scan3A_158 = arith.constant 71 : i32
    %scan3A_159 = arith.addi %scan3A_157, %scan3A_158 : i32
    %scan3A_160 = arith.constant 1 : i32
    scf.for %scan3A_497 = %scan3A_157 to %scan3A_159 step %scan3A_160  : i32 {
      %rem3A = arith.constant 8 : i32
      %rem3A_498 = arith.remsi %scan3A_497, %rem3A : i32
      %sub3A = arith.constant 1 : i32
      %sub3A_499 = arith.subi %scan3A_497, %sub3A : i32
      %rem3A_500 = arith.constant 8 : i32
      %rem3A_501 = arith.remsi %sub3A_499, %rem3A_500 : i32
      %dma_wait3A_502 = arith.constant 0 : i32
      %dma_wait3A_503 = arith.constant 0 : i32
      %dma_wait3A_504 = tpu.memref_slice %arg9[%rem3A_498, %dma_wait3A_502, %dma_wait3A_503] : memref<8x128x16xf32, #tpu.memory_space<vmem>> -> memref<1x128x16xf32, #tpu.memory_space<vmem>>
      %dma_wait3A_505 = tpu.memref_squeeze %dma_wait3A_504 : memref<1x128x16xf32, #tpu.memory_space<vmem>> -> memref<128x16xf32, #tpu.memory_space<vmem>>
      %dma_wait3A_506 = arith.constant 0 : i32
      %dma_wait3A_507 = tpu.memref_slice %arg7[%scan3A_497, %dma_wait3A_506] : memref<79x128xi32, #tpu.memory_space<vmem>> -> memref<1x128xi32, #tpu.memory_space<vmem>>
      %dma_wait3A_508 = tpu.memref_squeeze %dma_wait3A_507 : memref<1x128xi32, #tpu.memory_space<vmem>> -> memref<128xi32, #tpu.memory_space<vmem>>
      %dma_wait3A_509 = arith.constant 0 : i32
      %dma_wait3A_510 = arith.constant 0 : i32
      %dma_wait3A_511 = tpu.memref_slice %arg11[%dma_wait3A_509, %dma_wait3A_510] : memref<10000x16xf32, #tpu.memory_space<vmem_shared>> -> memref<10000x16xf32, #tpu.memory_space<vmem_shared>>
      %dma_wait3A_512 = tpu.memref_slice %arg12[%rem3A_498] : memref<8x!tpu.dma_semaphore, #tpu.memory_space<semaphore_mem>> -> memref<1x!tpu.dma_semaphore, #tpu.memory_space<semaphore_mem>>
      %dma_wait3A_513 = tpu.memref_squeeze %dma_wait3A_512 : memref<1x!tpu.dma_semaphore, #tpu.memory_space<semaphore_mem>> -> memref<!tpu.dma_semaphore, #tpu.memory_space<semaphore_mem>>
      tpu.wait_indirect_dma semaphore(%dma_wait3A_513 : memref<!tpu.dma_semaphore, #tpu.memory_space<semaphore_mem>>) src(%dma_wait3A_511 : memref<10000x16xf32, #tpu.memory_space<vmem_shared>>) dst(%dma_wait3A_505 : memref<128x16xf32, #tpu.memory_space<vmem>>)
      %dma_start3A_514 = arith.constant 0 : i32
      %dma_start3A_515 = arith.constant 0 : i32
      %dma_start3A_516 = tpu.memref_slice %arg9[%rem3A_498, %dma_start3A_514, %dma_start3A_515] : memref<8x128x16xf32, #tpu.memory_space<vmem>> -> memref<1x128x16xf32, #tpu.memory_space<vmem>>
      %dma_start3A_517 = tpu.memref_squeeze %dma_start3A_516 : memref<1x128x16xf32, #tpu.memory_space<vmem>> -> memref<128x16xf32, #tpu.memory_space<vmem>>
      %dma_start3A_518 = arith.constant 0 : i32
      %dma_start3A_519 = tpu.memref_slice %arg8[%scan3A_497, %dma_start3A_518] : memref<79x128xi32, #tpu.memory_space<vmem>> -> memref<1x128xi32, #tpu.memory_space<vmem>>
      %dma_start3A_520 = tpu.memref_squeeze %dma_start3A_519 : memref<1x128xi32, #tpu.memory_space<vmem>> -> memref<128xi32, #tpu.memory_space<vmem>>
      %dma_start3A_521 = arith.constant 0 : i32
      %dma_start3A_522 = arith.constant 0 : i32
      %dma_start3A_523 = tpu.memref_slice %arg10[%dma_start3A_521, %dma_start3A_522] : memref<10112x16xf32, #tpu.memory_space<vmem_shared>> -> memref<10112x16xf32, #tpu.memory_space<vmem_shared>>
      %dma_start3A_524 = tpu.memref_slice %arg13[%rem3A_498] : memref<8x!tpu.dma_semaphore, #tpu.memory_space<semaphore_mem>> -> memref<1x!tpu.dma_semaphore, #tpu.memory_space<semaphore_mem>>
      %dma_start3A_525 = tpu.memref_squeeze %dma_start3A_524 : memref<1x!tpu.dma_semaphore, #tpu.memory_space<semaphore_mem>> -> memref<!tpu.dma_semaphore, #tpu.memory_space<semaphore_mem>>
      tpu.enqueue_indirect_dma source(%dma_start3A_517 : memref<128x16xf32, #tpu.memory_space<vmem>>) target(%dma_start3A_523 : memref<10112x16xf32, #tpu.memory_space<vmem_shared>>) offsets(%dma_start3A_520 : memref<128xi32, #tpu.memory_space<vmem>>) semaphore(%dma_start3A_525 : memref<!tpu.dma_semaphore, #tpu.memory_space<semaphore_mem>>) {add = true}
      %sub3A_526 = arith.constant 1 : i32
      %sub3A_527 = arith.subi %scan3A_497, %sub3A_526 : i32
      %dma_wait3A_528 = arith.constant 0 : i32
      %dma_wait3A_529 = arith.constant 0 : i32
      %dma_wait3A_530 = tpu.memref_slice %arg9[%rem3A_501, %dma_wait3A_528, %dma_wait3A_529] : memref<8x128x16xf32, #tpu.memory_space<vmem>> -> memref<1x128x16xf32, #tpu.memory_space<vmem>>
      %dma_wait3A_531 = tpu.memref_squeeze %dma_wait3A_530 : memref<1x128x16xf32, #tpu.memory_space<vmem>> -> memref<128x16xf32, #tpu.memory_space<vmem>>
      %dma_wait3A_532 = arith.constant 0 : i32
      %dma_wait3A_533 = tpu.memref_slice %arg8[%sub3A_527, %dma_wait3A_532] : memref<79x128xi32, #tpu.memory_space<vmem>> -> memref<1x128xi32, #tpu.memory_space<vmem>>
      %dma_wait3A_534 = tpu.memref_squeeze %dma_wait3A_533 : memref<1x128xi32, #tpu.memory_space<vmem>> -> memref<128xi32, #tpu.memory_space<vmem>>
      %dma_wait3A_535 = arith.constant 0 : i32
      %dma_wait3A_536 = arith.constant 0 : i32
      %dma_wait3A_537 = tpu.memref_slice %arg10[%dma_wait3A_535, %dma_wait3A_536] : memref<10112x16xf32, #tpu.memory_space<vmem_shared>> -> memref<10112x16xf32, #tpu.memory_space<vmem_shared>>
      %dma_wait3A_538 = tpu.memref_slice %arg13[%rem3A_501] : memref<8x!tpu.dma_semaphore, #tpu.memory_space<semaphore_mem>> -> memref<1x!tpu.dma_semaphore, #tpu.memory_space<semaphore_mem>>
      %dma_wait3A_539 = tpu.memref_squeeze %dma_wait3A_538 : memref<1x!tpu.dma_semaphore, #tpu.memory_space<semaphore_mem>> -> memref<!tpu.dma_semaphore, #tpu.memory_space<semaphore_mem>>
      tpu.wait_indirect_dma semaphore(%dma_wait3A_539 : memref<!tpu.dma_semaphore, #tpu.memory_space<semaphore_mem>>) src(%dma_wait3A_531 : memref<128x16xf32, #tpu.memory_space<vmem>>) dst(%dma_wait3A_537 : memref<10112x16xf32, #tpu.memory_space<vmem_shared>>)
      %sub3A_540 = arith.constant 1 : i32
      %sub3A_541 = arith.subi %scan3A_497, %sub3A_540 : i32
      %add3A_542 = arith.constant 8 : i32
      %add3A_543 = arith.addi %sub3A_541, %add3A_542 : i32
      %dma_start3A_544 = arith.constant 0 : i32
      %dma_start3A_545 = arith.constant 0 : i32
      %dma_start3A_546 = tpu.memref_slice %arg9[%rem3A_501, %dma_start3A_544, %dma_start3A_545] : memref<8x128x16xf32, #tpu.memory_space<vmem>> -> memref<1x128x16xf32, #tpu.memory_space<vmem>>
      %dma_start3A_547 = tpu.memref_squeeze %dma_start3A_546 : memref<1x128x16xf32, #tpu.memory_space<vmem>> -> memref<128x16xf32, #tpu.memory_space<vmem>>
      %dma_start3A_548 = arith.constant 0 : i32
      %dma_start3A_549 = tpu.memref_slice %arg7[%add3A_543, %dma_start3A_548] : memref<79x128xi32, #tpu.memory_space<vmem>> -> memref<1x128xi32, #tpu.memory_space<vmem>>
      %dma_start3A_550 = tpu.memref_squeeze %dma_start3A_549 : memref<1x128xi32, #tpu.memory_space<vmem>> -> memref<128xi32, #tpu.memory_space<vmem>>
      %dma_start3A_551 = arith.constant 0 : i32
      %dma_start3A_552 = arith.constant 0 : i32
      %dma_start3A_553 = tpu.memref_slice %arg11[%dma_start3A_551, %dma_start3A_552] : memref<10000x16xf32, #tpu.memory_space<vmem_shared>> -> memref<10000x16xf32, #tpu.memory_space<vmem_shared>>
      %dma_start3A_554 = tpu.memref_slice %arg12[%rem3A_501] : memref<8x!tpu.dma_semaphore, #tpu.memory_space<semaphore_mem>> -> memref<1x!tpu.dma_semaphore, #tpu.memory_space<semaphore_mem>>
      %dma_start3A_555 = tpu.memref_squeeze %dma_start3A_554 : memref<1x!tpu.dma_semaphore, #tpu.memory_space<semaphore_mem>> -> memref<!tpu.dma_semaphore, #tpu.memory_space<semaphore_mem>>
      tpu.enqueue_indirect_dma source(%dma_start3A_553 : memref<10000x16xf32, #tpu.memory_space<vmem_shared>>) target(%dma_start3A_547 : memref<128x16xf32, #tpu.memory_space<vmem>>) offsets(%dma_start3A_550 : memref<128xi32, #tpu.memory_space<vmem>>) semaphore(%dma_start3A_555 : memref<!tpu.dma_semaphore, #tpu.memory_space<semaphore_mem>>)
    }
    %scan3A_161 = arith.constant 71 : i32
    %dma_wait3A_162 = arith.constant 72 : i32
    %dma_wait3A_163 = arith.constant 0 : i32
    %dma_wait3A_164 = arith.constant 0 : i32
    %dma_wait3A_165 = arith.constant 0 : i32
    %dma_wait3A_166 = arith.constant 0 : i32
    %dma_wait3A_167 = tpu.memref_slice %arg9[%dma_wait3A_163, %dma_wait3A_165, %dma_wait3A_166] : memref<8x128x16xf32, #tpu.memory_space<vmem>> -> memref<1x128x16xf32, #tpu.memory_space<vmem>>
    %dma_wait3A_168 = tpu.memref_squeeze %dma_wait3A_167 : memref<1x128x16xf32, #tpu.memory_space<vmem>> -> memref<128x16xf32, #tpu.memory_space<vmem>>
    %dma_wait3A_169 = arith.constant 0 : i32
    %dma_wait3A_170 = tpu.memref_slice %arg7[%dma_wait3A_162, %dma_wait3A_169] : memref<79x128xi32, #tpu.memory_space<vmem>> -> memref<1x128xi32, #tpu.memory_space<vmem>>
    %dma_wait3A_171 = tpu.memref_squeeze %dma_wait3A_170 : memref<1x128xi32, #tpu.memory_space<vmem>> -> memref<128xi32, #tpu.memory_space<vmem>>
    %dma_wait3A_172 = arith.constant 0 : i32
    %dma_wait3A_173 = arith.constant 0 : i32
    %dma_wait3A_174 = tpu.memref_slice %arg11[%dma_wait3A_172, %dma_wait3A_173] : memref<10000x16xf32, #tpu.memory_space<vmem_shared>> -> memref<10000x16xf32, #tpu.memory_space<vmem_shared>>
    %dma_wait3A_175 = tpu.memref_slice %arg12[%dma_wait3A_164] : memref<8x!tpu.dma_semaphore, #tpu.memory_space<semaphore_mem>> -> memref<1x!tpu.dma_semaphore, #tpu.memory_space<semaphore_mem>>
    %dma_wait3A_176 = tpu.memref_squeeze %dma_wait3A_175 : memref<1x!tpu.dma_semaphore, #tpu.memory_space<semaphore_mem>> -> memref<!tpu.dma_semaphore, #tpu.memory_space<semaphore_mem>>
    tpu.wait_indirect_dma semaphore(%dma_wait3A_176 : memref<!tpu.dma_semaphore, #tpu.memory_space<semaphore_mem>>) src(%dma_wait3A_174 : memref<10000x16xf32, #tpu.memory_space<vmem_shared>>) dst(%dma_wait3A_168 : memref<128x16xf32, #tpu.memory_space<vmem>>)
    %dma_start3A_177 = arith.constant 0 : i32
    %dma_start3A_178 = arith.constant 72 : i32
    %dma_start3A_179 = arith.constant 0 : i32
    %dma_start3A_180 = arith.constant 0 : i32
    %dma_start3A_181 = arith.constant 0 : i32
    %dma_start3A_182 = tpu.memref_slice %arg9[%dma_start3A_177, %dma_start3A_180, %dma_start3A_181] : memref<8x128x16xf32, #tpu.memory_space<vmem>> -> memref<1x128x16xf32, #tpu.memory_space<vmem>>
    %dma_start3A_183 = tpu.memref_squeeze %dma_start3A_182 : memref<1x128x16xf32, #tpu.memory_space<vmem>> -> memref<128x16xf32, #tpu.memory_space<vmem>>
    %dma_start3A_184 = arith.constant 0 : i32
    %dma_start3A_185 = tpu.memref_slice %arg8[%dma_start3A_178, %dma_start3A_184] : memref<79x128xi32, #tpu.memory_space<vmem>> -> memref<1x128xi32, #tpu.memory_space<vmem>>
    %dma_start3A_186 = tpu.memref_squeeze %dma_start3A_185 : memref<1x128xi32, #tpu.memory_space<vmem>> -> memref<128xi32, #tpu.memory_space<vmem>>
    %dma_start3A_187 = arith.constant 0 : i32
    %dma_start3A_188 = arith.constant 0 : i32
    %dma_start3A_189 = tpu.memref_slice %arg10[%dma_start3A_187, %dma_start3A_188] : memref<10112x16xf32, #tpu.memory_space<vmem_shared>> -> memref<10112x16xf32, #tpu.memory_space<vmem_shared>>
    %dma_start3A_190 = tpu.memref_slice %arg13[%dma_start3A_179] : memref<8x!tpu.dma_semaphore, #tpu.memory_space<semaphore_mem>> -> memref<1x!tpu.dma_semaphore, #tpu.memory_space<semaphore_mem>>
    %dma_start3A_191 = tpu.memref_squeeze %dma_start3A_190 : memref<1x!tpu.dma_semaphore, #tpu.memory_space<semaphore_mem>> -> memref<!tpu.dma_semaphore, #tpu.memory_space<semaphore_mem>>
    tpu.enqueue_indirect_dma source(%dma_start3A_183 : memref<128x16xf32, #tpu.memory_space<vmem>>) target(%dma_start3A_189 : memref<10112x16xf32, #tpu.memory_space<vmem_shared>>) offsets(%dma_start3A_186 : memref<128xi32, #tpu.memory_space<vmem>>) semaphore(%dma_start3A_191 : memref<!tpu.dma_semaphore, #tpu.memory_space<semaphore_mem>>) {add = true}
    %dma_wait3A_192 = arith.constant 73 : i32
    %dma_wait3A_193 = arith.constant 1 : i32
    %dma_wait3A_194 = arith.constant 1 : i32
    %dma_wait3A_195 = arith.constant 0 : i32
    %dma_wait3A_196 = arith.constant 0 : i32
    %dma_wait3A_197 = tpu.memref_slice %arg9[%dma_wait3A_193, %dma_wait3A_195, %dma_wait3A_196] : memref<8x128x16xf32, #tpu.memory_space<vmem>> -> memref<1x128x16xf32, #tpu.memory_space<vmem>>
    %dma_wait3A_198 = tpu.memref_squeeze %dma_wait3A_197 : memref<1x128x16xf32, #tpu.memory_space<vmem>> -> memref<128x16xf32, #tpu.memory_space<vmem>>
    %dma_wait3A_199 = arith.constant 0 : i32
    %dma_wait3A_200 = tpu.memref_slice %arg7[%dma_wait3A_192, %dma_wait3A_199] : memref<79x128xi32, #tpu.memory_space<vmem>> -> memref<1x128xi32, #tpu.memory_space<vmem>>
    %dma_wait3A_201 = tpu.memref_squeeze %dma_wait3A_200 : memref<1x128xi32, #tpu.memory_space<vmem>> -> memref<128xi32, #tpu.memory_space<vmem>>
    %dma_wait3A_202 = arith.constant 0 : i32
    %dma_wait3A_203 = arith.constant 0 : i32
    %dma_wait3A_204 = tpu.memref_slice %arg11[%dma_wait3A_202, %dma_wait3A_203] : memref<10000x16xf32, #tpu.memory_space<vmem_shared>> -> memref<10000x16xf32, #tpu.memory_space<vmem_shared>>
    %dma_wait3A_205 = tpu.memref_slice %arg12[%dma_wait3A_194] : memref<8x!tpu.dma_semaphore, #tpu.memory_space<semaphore_mem>> -> memref<1x!tpu.dma_semaphore, #tpu.memory_space<semaphore_mem>>
    %dma_wait3A_206 = tpu.memref_squeeze %dma_wait3A_205 : memref<1x!tpu.dma_semaphore, #tpu.memory_space<semaphore_mem>> -> memref<!tpu.dma_semaphore, #tpu.memory_space<semaphore_mem>>
    tpu.wait_indirect_dma semaphore(%dma_wait3A_206 : memref<!tpu.dma_semaphore, #tpu.memory_space<semaphore_mem>>) src(%dma_wait3A_204 : memref<10000x16xf32, #tpu.memory_space<vmem_shared>>) dst(%dma_wait3A_198 : memref<128x16xf32, #tpu.memory_space<vmem>>)
    %dma_start3A_207 = arith.constant 1 : i32
    %dma_start3A_208 = arith.constant 73 : i32
    %dma_start3A_209 = arith.constant 1 : i32
    %dma_start3A_210 = arith.constant 0 : i32
    %dma_start3A_211 = arith.constant 0 : i32
    %dma_start3A_212 = tpu.memref_slice %arg9[%dma_start3A_207, %dma_start3A_210, %dma_start3A_211] : memref<8x128x16xf32, #tpu.memory_space<vmem>> -> memref<1x128x16xf32, #tpu.memory_space<vmem>>
    %dma_start3A_213 = tpu.memref_squeeze %dma_start3A_212 : memref<1x128x16xf32, #tpu.memory_space<vmem>> -> memref<128x16xf32, #tpu.memory_space<vmem>>
    %dma_start3A_214 = arith.constant 0 : i32
    %dma_start3A_215 = tpu.memref_slice %arg8[%dma_start3A_208, %dma_start3A_214] : memref<79x128xi32, #tpu.memory_space<vmem>> -> memref<1x128xi32, #tpu.memory_space<vmem>>
    %dma_start3A_216 = tpu.memref_squeeze %dma_start3A_215 : memref<1x128xi32, #tpu.memory_space<vmem>> -> memref<128xi32, #tpu.memory_space<vmem>>
    %dma_start3A_217 = arith.constant 0 : i32
    %dma_start3A_218 = arith.constant 0 : i32
    %dma_start3A_219 = tpu.memref_slice %arg10[%dma_start3A_217, %dma_start3A_218] : memref<10112x16xf32, #tpu.memory_space<vmem_shared>> -> memref<10112x16xf32, #tpu.memory_space<vmem_shared>>
    %dma_start3A_220 = tpu.memref_slice %arg13[%dma_start3A_209] : memref<8x!tpu.dma_semaphore, #tpu.memory_space<semaphore_mem>> -> memref<1x!tpu.dma_semaphore, #tpu.memory_space<semaphore_mem>>
    %dma_start3A_221 = tpu.memref_squeeze %dma_start3A_220 : memref<1x!tpu.dma_semaphore, #tpu.memory_space<semaphore_mem>> -> memref<!tpu.dma_semaphore, #tpu.memory_space<semaphore_mem>>
    tpu.enqueue_indirect_dma source(%dma_start3A_213 : memref<128x16xf32, #tpu.memory_space<vmem>>) target(%dma_start3A_219 : memref<10112x16xf32, #tpu.memory_space<vmem_shared>>) offsets(%dma_start3A_216 : memref<128xi32, #tpu.memory_space<vmem>>) semaphore(%dma_start3A_221 : memref<!tpu.dma_semaphore, #tpu.memory_space<semaphore_mem>>) {add = true}
    %dma_wait3A_222 = arith.constant 74 : i32
    %dma_wait3A_223 = arith.constant 2 : i32
    %dma_wait3A_224 = arith.constant 2 : i32
    %dma_wait3A_225 = arith.constant 0 : i32
    %dma_wait3A_226 = arith.constant 0 : i32
    %dma_wait3A_227 = tpu.memref_slice %arg9[%dma_wait3A_223, %dma_wait3A_225, %dma_wait3A_226] : memref<8x128x16xf32, #tpu.memory_space<vmem>> -> memref<1x128x16xf32, #tpu.memory_space<vmem>>
    %dma_wait3A_228 = tpu.memref_squeeze %dma_wait3A_227 : memref<1x128x16xf32, #tpu.memory_space<vmem>> -> memref<128x16xf32, #tpu.memory_space<vmem>>
    %dma_wait3A_229 = arith.constant 0 : i32
    %dma_wait3A_230 = tpu.memref_slice %arg7[%dma_wait3A_222, %dma_wait3A_229] : memref<79x128xi32, #tpu.memory_space<vmem>> -> memref<1x128xi32, #tpu.memory_space<vmem>>
    %dma_wait3A_231 = tpu.memref_squeeze %dma_wait3A_230 : memref<1x128xi32, #tpu.memory_space<vmem>> -> memref<128xi32, #tpu.memory_space<vmem>>
    %dma_wait3A_232 = arith.constant 0 : i32
    %dma_wait3A_233 = arith.constant 0 : i32
    %dma_wait3A_234 = tpu.memref_slice %arg11[%dma_wait3A_232, %dma_wait3A_233] : memref<10000x16xf32, #tpu.memory_space<vmem_shared>> -> memref<10000x16xf32, #tpu.memory_space<vmem_shared>>
    %dma_wait3A_235 = tpu.memref_slice %arg12[%dma_wait3A_224] : memref<8x!tpu.dma_semaphore, #tpu.memory_space<semaphore_mem>> -> memref<1x!tpu.dma_semaphore, #tpu.memory_space<semaphore_mem>>
    %dma_wait3A_236 = tpu.memref_squeeze %dma_wait3A_235 : memref<1x!tpu.dma_semaphore, #tpu.memory_space<semaphore_mem>> -> memref<!tpu.dma_semaphore, #tpu.memory_space<semaphore_mem>>
    tpu.wait_indirect_dma semaphore(%dma_wait3A_236 : memref<!tpu.dma_semaphore, #tpu.memory_space<semaphore_mem>>) src(%dma_wait3A_234 : memref<10000x16xf32, #tpu.memory_space<vmem_shared>>) dst(%dma_wait3A_228 : memref<128x16xf32, #tpu.memory_space<vmem>>)
    %dma_start3A_237 = arith.constant 2 : i32
    %dma_start3A_238 = arith.constant 74 : i32
    %dma_start3A_239 = arith.constant 2 : i32
    %dma_start3A_240 = arith.constant 0 : i32
    %dma_start3A_241 = arith.constant 0 : i32
    %dma_start3A_242 = tpu.memref_slice %arg9[%dma_start3A_237, %dma_start3A_240, %dma_start3A_241] : memref<8x128x16xf32, #tpu.memory_space<vmem>> -> memref<1x128x16xf32, #tpu.memory_space<vmem>>
    %dma_start3A_243 = tpu.memref_squeeze %dma_start3A_242 : memref<1x128x16xf32, #tpu.memory_space<vmem>> -> memref<128x16xf32, #tpu.memory_space<vmem>>
    %dma_start3A_244 = arith.constant 0 : i32
    %dma_start3A_245 = tpu.memref_slice %arg8[%dma_start3A_238, %dma_start3A_244] : memref<79x128xi32, #tpu.memory_space<vmem>> -> memref<1x128xi32, #tpu.memory_space<vmem>>
    %dma_start3A_246 = tpu.memref_squeeze %dma_start3A_245 : memref<1x128xi32, #tpu.memory_space<vmem>> -> memref<128xi32, #tpu.memory_space<vmem>>
    %dma_start3A_247 = arith.constant 0 : i32
    %dma_start3A_248 = arith.constant 0 : i32
    %dma_start3A_249 = tpu.memref_slice %arg10[%dma_start3A_247, %dma_start3A_248] : memref<10112x16xf32, #tpu.memory_space<vmem_shared>> -> memref<10112x16xf32, #tpu.memory_space<vmem_shared>>
    %dma_start3A_250 = tpu.memref_slice %arg13[%dma_start3A_239] : memref<8x!tpu.dma_semaphore, #tpu.memory_space<semaphore_mem>> -> memref<1x!tpu.dma_semaphore, #tpu.memory_space<semaphore_mem>>
    %dma_start3A_251 = tpu.memref_squeeze %dma_start3A_250 : memref<1x!tpu.dma_semaphore, #tpu.memory_space<semaphore_mem>> -> memref<!tpu.dma_semaphore, #tpu.memory_space<semaphore_mem>>
    tpu.enqueue_indirect_dma source(%dma_start3A_243 : memref<128x16xf32, #tpu.memory_space<vmem>>) target(%dma_start3A_249 : memref<10112x16xf32, #tpu.memory_space<vmem_shared>>) offsets(%dma_start3A_246 : memref<128xi32, #tpu.memory_space<vmem>>) semaphore(%dma_start3A_251 : memref<!tpu.dma_semaphore, #tpu.memory_space<semaphore_mem>>) {add = true}
    %dma_wait3A_252 = arith.constant 75 : i32
    %dma_wait3A_253 = arith.constant 3 : i32
    %dma_wait3A_254 = arith.constant 3 : i32
    %dma_wait3A_255 = arith.constant 0 : i32
    %dma_wait3A_256 = arith.constant 0 : i32
    %dma_wait3A_257 = tpu.memref_slice %arg9[%dma_wait3A_253, %dma_wait3A_255, %dma_wait3A_256] : memref<8x128x16xf32, #tpu.memory_space<vmem>> -> memref<1x128x16xf32, #tpu.memory_space<vmem>>
    %dma_wait3A_258 = tpu.memref_squeeze %dma_wait3A_257 : memref<1x128x16xf32, #tpu.memory_space<vmem>> -> memref<128x16xf32, #tpu.memory_space<vmem>>
    %dma_wait3A_259 = arith.constant 0 : i32
    %dma_wait3A_260 = tpu.memref_slice %arg7[%dma_wait3A_252, %dma_wait3A_259] : memref<79x128xi32, #tpu.memory_space<vmem>> -> memref<1x128xi32, #tpu.memory_space<vmem>>
    %dma_wait3A_261 = tpu.memref_squeeze %dma_wait3A_260 : memref<1x128xi32, #tpu.memory_space<vmem>> -> memref<128xi32, #tpu.memory_space<vmem>>
    %dma_wait3A_262 = arith.constant 0 : i32
    %dma_wait3A_263 = arith.constant 0 : i32
    %dma_wait3A_264 = tpu.memref_slice %arg11[%dma_wait3A_262, %dma_wait3A_263] : memref<10000x16xf32, #tpu.memory_space<vmem_shared>> -> memref<10000x16xf32, #tpu.memory_space<vmem_shared>>
    %dma_wait3A_265 = tpu.memref_slice %arg12[%dma_wait3A_254] : memref<8x!tpu.dma_semaphore, #tpu.memory_space<semaphore_mem>> -> memref<1x!tpu.dma_semaphore, #tpu.memory_space<semaphore_mem>>
    %dma_wait3A_266 = tpu.memref_squeeze %dma_wait3A_265 : memref<1x!tpu.dma_semaphore, #tpu.memory_space<semaphore_mem>> -> memref<!tpu.dma_semaphore, #tpu.memory_space<semaphore_mem>>
    tpu.wait_indirect_dma semaphore(%dma_wait3A_266 : memref<!tpu.dma_semaphore, #tpu.memory_space<semaphore_mem>>) src(%dma_wait3A_264 : memref<10000x16xf32, #tpu.memory_space<vmem_shared>>) dst(%dma_wait3A_258 : memref<128x16xf32, #tpu.memory_space<vmem>>)
    %dma_start3A_267 = arith.constant 3 : i32
    %dma_start3A_268 = arith.constant 75 : i32
    %dma_start3A_269 = arith.constant 3 : i32
    %dma_start3A_270 = arith.constant 0 : i32
    %dma_start3A_271 = arith.constant 0 : i32
    %dma_start3A_272 = tpu.memref_slice %arg9[%dma_start3A_267, %dma_start3A_270, %dma_start3A_271] : memref<8x128x16xf32, #tpu.memory_space<vmem>> -> memref<1x128x16xf32, #tpu.memory_space<vmem>>
    %dma_start3A_273 = tpu.memref_squeeze %dma_start3A_272 : memref<1x128x16xf32, #tpu.memory_space<vmem>> -> memref<128x16xf32, #tpu.memory_space<vmem>>
    %dma_start3A_274 = arith.constant 0 : i32
    %dma_start3A_275 = tpu.memref_slice %arg8[%dma_start3A_268, %dma_start3A_274] : memref<79x128xi32, #tpu.memory_space<vmem>> -> memref<1x128xi32, #tpu.memory_space<vmem>>
    %dma_start3A_276 = tpu.memref_squeeze %dma_start3A_275 : memref<1x128xi32, #tpu.memory_space<vmem>> -> memref<128xi32, #tpu.memory_space<vmem>>
    %dma_start3A_277 = arith.constant 0 : i32
    %dma_start3A_278 = arith.constant 0 : i32
    %dma_start3A_279 = tpu.memref_slice %arg10[%dma_start3A_277, %dma_start3A_278] : memref<10112x16xf32, #tpu.memory_space<vmem_shared>> -> memref<10112x16xf32, #tpu.memory_space<vmem_shared>>
    %dma_start3A_280 = tpu.memref_slice %arg13[%dma_start3A_269] : memref<8x!tpu.dma_semaphore, #tpu.memory_space<semaphore_mem>> -> memref<1x!tpu.dma_semaphore, #tpu.memory_space<semaphore_mem>>
    %dma_start3A_281 = tpu.memref_squeeze %dma_start3A_280 : memref<1x!tpu.dma_semaphore, #tpu.memory_space<semaphore_mem>> -> memref<!tpu.dma_semaphore, #tpu.memory_space<semaphore_mem>>
    tpu.enqueue_indirect_dma source(%dma_start3A_273 : memref<128x16xf32, #tpu.memory_space<vmem>>) target(%dma_start3A_279 : memref<10112x16xf32, #tpu.memory_space<vmem_shared>>) offsets(%dma_start3A_276 : memref<128xi32, #tpu.memory_space<vmem>>) semaphore(%dma_start3A_281 : memref<!tpu.dma_semaphore, #tpu.memory_space<semaphore_mem>>) {add = true}
    %dma_wait3A_282 = arith.constant 76 : i32
    %dma_wait3A_283 = arith.constant 4 : i32
    %dma_wait3A_284 = arith.constant 4 : i32
    %dma_wait3A_285 = arith.constant 0 : i32
    %dma_wait3A_286 = arith.constant 0 : i32
    %dma_wait3A_287 = tpu.memref_slice %arg9[%dma_wait3A_283, %dma_wait3A_285, %dma_wait3A_286] : memref<8x128x16xf32, #tpu.memory_space<vmem>> -> memref<1x128x16xf32, #tpu.memory_space<vmem>>
    %dma_wait3A_288 = tpu.memref_squeeze %dma_wait3A_287 : memref<1x128x16xf32, #tpu.memory_space<vmem>> -> memref<128x16xf32, #tpu.memory_space<vmem>>
    %dma_wait3A_289 = arith.constant 0 : i32
    %dma_wait3A_290 = tpu.memref_slice %arg7[%dma_wait3A_282, %dma_wait3A_289] : memref<79x128xi32, #tpu.memory_space<vmem>> -> memref<1x128xi32, #tpu.memory_space<vmem>>
    %dma_wait3A_291 = tpu.memref_squeeze %dma_wait3A_290 : memref<1x128xi32, #tpu.memory_space<vmem>> -> memref<128xi32, #tpu.memory_space<vmem>>
    %dma_wait3A_292 = arith.constant 0 : i32
    %dma_wait3A_293 = arith.constant 0 : i32
    %dma_wait3A_294 = tpu.memref_slice %arg11[%dma_wait3A_292, %dma_wait3A_293] : memref<10000x16xf32, #tpu.memory_space<vmem_shared>> -> memref<10000x16xf32, #tpu.memory_space<vmem_shared>>
    %dma_wait3A_295 = tpu.memref_slice %arg12[%dma_wait3A_284] : memref<8x!tpu.dma_semaphore, #tpu.memory_space<semaphore_mem>> -> memref<1x!tpu.dma_semaphore, #tpu.memory_space<semaphore_mem>>
    %dma_wait3A_296 = tpu.memref_squeeze %dma_wait3A_295 : memref<1x!tpu.dma_semaphore, #tpu.memory_space<semaphore_mem>> -> memref<!tpu.dma_semaphore, #tpu.memory_space<semaphore_mem>>
    tpu.wait_indirect_dma semaphore(%dma_wait3A_296 : memref<!tpu.dma_semaphore, #tpu.memory_space<semaphore_mem>>) src(%dma_wait3A_294 : memref<10000x16xf32, #tpu.memory_space<vmem_shared>>) dst(%dma_wait3A_288 : memref<128x16xf32, #tpu.memory_space<vmem>>)
    %dma_start3A_297 = arith.constant 4 : i32
    %dma_start3A_298 = arith.constant 76 : i32
    %dma_start3A_299 = arith.constant 4 : i32
    %dma_start3A_300 = arith.constant 0 : i32
    %dma_start3A_301 = arith.constant 0 : i32
    %dma_start3A_302 = tpu.memref_slice %arg9[%dma_start3A_297, %dma_start3A_300, %dma_start3A_301] : memref<8x128x16xf32, #tpu.memory_space<vmem>> -> memref<1x128x16xf32, #tpu.memory_space<vmem>>
    %dma_start3A_303 = tpu.memref_squeeze %dma_start3A_302 : memref<1x128x16xf32, #tpu.memory_space<vmem>> -> memref<128x16xf32, #tpu.memory_space<vmem>>
    %dma_start3A_304 = arith.constant 0 : i32
    %dma_start3A_305 = tpu.memref_slice %arg8[%dma_start3A_298, %dma_start3A_304] : memref<79x128xi32, #tpu.memory_space<vmem>> -> memref<1x128xi32, #tpu.memory_space<vmem>>
    %dma_start3A_306 = tpu.memref_squeeze %dma_start3A_305 : memref<1x128xi32, #tpu.memory_space<vmem>> -> memref<128xi32, #tpu.memory_space<vmem>>
    %dma_start3A_307 = arith.constant 0 : i32
    %dma_start3A_308 = arith.constant 0 : i32
    %dma_start3A_309 = tpu.memref_slice %arg10[%dma_start3A_307, %dma_start3A_308] : memref<10112x16xf32, #tpu.memory_space<vmem_shared>> -> memref<10112x16xf32, #tpu.memory_space<vmem_shared>>
    %dma_start3A_310 = tpu.memref_slice %arg13[%dma_start3A_299] : memref<8x!tpu.dma_semaphore, #tpu.memory_space<semaphore_mem>> -> memref<1x!tpu.dma_semaphore, #tpu.memory_space<semaphore_mem>>
    %dma_start3A_311 = tpu.memref_squeeze %dma_start3A_310 : memref<1x!tpu.dma_semaphore, #tpu.memory_space<semaphore_mem>> -> memref<!tpu.dma_semaphore, #tpu.memory_space<semaphore_mem>>
    tpu.enqueue_indirect_dma source(%dma_start3A_303 : memref<128x16xf32, #tpu.memory_space<vmem>>) target(%dma_start3A_309 : memref<10112x16xf32, #tpu.memory_space<vmem_shared>>) offsets(%dma_start3A_306 : memref<128xi32, #tpu.memory_space<vmem>>) semaphore(%dma_start3A_311 : memref<!tpu.dma_semaphore, #tpu.memory_space<semaphore_mem>>) {add = true}
    %dma_wait3A_312 = arith.constant 77 : i32
    %dma_wait3A_313 = arith.constant 5 : i32
    %dma_wait3A_314 = arith.constant 5 : i32
    %dma_wait3A_315 = arith.constant 0 : i32
    %dma_wait3A_316 = arith.constant 0 : i32
    %dma_wait3A_317 = tpu.memref_slice %arg9[%dma_wait3A_313, %dma_wait3A_315, %dma_wait3A_316] : memref<8x128x16xf32, #tpu.memory_space<vmem>> -> memref<1x128x16xf32, #tpu.memory_space<vmem>>
    %dma_wait3A_318 = tpu.memref_squeeze %dma_wait3A_317 : memref<1x128x16xf32, #tpu.memory_space<vmem>> -> memref<128x16xf32, #tpu.memory_space<vmem>>
    %dma_wait3A_319 = arith.constant 0 : i32
    %dma_wait3A_320 = tpu.memref_slice %arg7[%dma_wait3A_312, %dma_wait3A_319] : memref<79x128xi32, #tpu.memory_space<vmem>> -> memref<1x128xi32, #tpu.memory_space<vmem>>
    %dma_wait3A_321 = tpu.memref_squeeze %dma_wait3A_320 : memref<1x128xi32, #tpu.memory_space<vmem>> -> memref<128xi32, #tpu.memory_space<vmem>>
    %dma_wait3A_322 = arith.constant 0 : i32
    %dma_wait3A_323 = arith.constant 0 : i32
    %dma_wait3A_324 = tpu.memref_slice %arg11[%dma_wait3A_322, %dma_wait3A_323] : memref<10000x16xf32, #tpu.memory_space<vmem_shared>> -> memref<10000x16xf32, #tpu.memory_space<vmem_shared>>
    %dma_wait3A_325 = tpu.memref_slice %arg12[%dma_wait3A_314] : memref<8x!tpu.dma_semaphore, #tpu.memory_space<semaphore_mem>> -> memref<1x!tpu.dma_semaphore, #tpu.memory_space<semaphore_mem>>
    %dma_wait3A_326 = tpu.memref_squeeze %dma_wait3A_325 : memref<1x!tpu.dma_semaphore, #tpu.memory_space<semaphore_mem>> -> memref<!tpu.dma_semaphore, #tpu.memory_space<semaphore_mem>>
    tpu.wait_indirect_dma semaphore(%dma_wait3A_326 : memref<!tpu.dma_semaphore, #tpu.memory_space<semaphore_mem>>) src(%dma_wait3A_324 : memref<10000x16xf32, #tpu.memory_space<vmem_shared>>) dst(%dma_wait3A_318 : memref<128x16xf32, #tpu.memory_space<vmem>>)
    %dma_start3A_327 = arith.constant 5 : i32
    %dma_start3A_328 = arith.constant 77 : i32
    %dma_start3A_329 = arith.constant 5 : i32
    %dma_start3A_330 = arith.constant 0 : i32
    %dma_start3A_331 = arith.constant 0 : i32
    %dma_start3A_332 = tpu.memref_slice %arg9[%dma_start3A_327, %dma_start3A_330, %dma_start3A_331] : memref<8x128x16xf32, #tpu.memory_space<vmem>> -> memref<1x128x16xf32, #tpu.memory_space<vmem>>
    %dma_start3A_333 = tpu.memref_squeeze %dma_start3A_332 : memref<1x128x16xf32, #tpu.memory_space<vmem>> -> memref<128x16xf32, #tpu.memory_space<vmem>>
    %dma_start3A_334 = arith.constant 0 : i32
    %dma_start3A_335 = tpu.memref_slice %arg8[%dma_start3A_328, %dma_start3A_334] : memref<79x128xi32, #tpu.memory_space<vmem>> -> memref<1x128xi32, #tpu.memory_space<vmem>>
    %dma_start3A_336 = tpu.memref_squeeze %dma_start3A_335 : memref<1x128xi32, #tpu.memory_space<vmem>> -> memref<128xi32, #tpu.memory_space<vmem>>
    %dma_start3A_337 = arith.constant 0 : i32
    %dma_start3A_338 = arith.constant 0 : i32
    %dma_start3A_339 = tpu.memref_slice %arg10[%dma_start3A_337, %dma_start3A_338] : memref<10112x16xf32, #tpu.memory_space<vmem_shared>> -> memref<10112x16xf32, #tpu.memory_space<vmem_shared>>
    %dma_start3A_340 = tpu.memref_slice %arg13[%dma_start3A_329] : memref<8x!tpu.dma_semaphore, #tpu.memory_space<semaphore_mem>> -> memref<1x!tpu.dma_semaphore, #tpu.memory_space<semaphore_mem>>
    %dma_start3A_341 = tpu.memref_squeeze %dma_start3A_340 : memref<1x!tpu.dma_semaphore, #tpu.memory_space<semaphore_mem>> -> memref<!tpu.dma_semaphore, #tpu.memory_space<semaphore_mem>>
    tpu.enqueue_indirect_dma source(%dma_start3A_333 : memref<128x16xf32, #tpu.memory_space<vmem>>) target(%dma_start3A_339 : memref<10112x16xf32, #tpu.memory_space<vmem_shared>>) offsets(%dma_start3A_336 : memref<128xi32, #tpu.memory_space<vmem>>) semaphore(%dma_start3A_341 : memref<!tpu.dma_semaphore, #tpu.memory_space<semaphore_mem>>) {add = true}
    %dma_wait3A_342 = arith.constant 78 : i32
    %dma_wait3A_343 = arith.constant 6 : i32
    %dma_wait3A_344 = arith.constant 6 : i32
    %dma_wait3A_345 = arith.constant 0 : i32
    %dma_wait3A_346 = arith.constant 0 : i32
    %dma_wait3A_347 = tpu.memref_slice %arg9[%dma_wait3A_343, %dma_wait3A_345, %dma_wait3A_346] : memref<8x128x16xf32, #tpu.memory_space<vmem>> -> memref<1x128x16xf32, #tpu.memory_space<vmem>>
    %dma_wait3A_348 = tpu.memref_squeeze %dma_wait3A_347 : memref<1x128x16xf32, #tpu.memory_space<vmem>> -> memref<128x16xf32, #tpu.memory_space<vmem>>
    %dma_wait3A_349 = arith.constant 0 : i32
    %dma_wait3A_350 = tpu.memref_slice %arg7[%dma_wait3A_342, %dma_wait3A_349] : memref<79x128xi32, #tpu.memory_space<vmem>> -> memref<1x128xi32, #tpu.memory_space<vmem>>
    %dma_wait3A_351 = tpu.memref_squeeze %dma_wait3A_350 : memref<1x128xi32, #tpu.memory_space<vmem>> -> memref<128xi32, #tpu.memory_space<vmem>>
    %dma_wait3A_352 = arith.constant 0 : i32
    %dma_wait3A_353 = arith.constant 0 : i32
    %dma_wait3A_354 = tpu.memref_slice %arg11[%dma_wait3A_352, %dma_wait3A_353] : memref<10000x16xf32, #tpu.memory_space<vmem_shared>> -> memref<10000x16xf32, #tpu.memory_space<vmem_shared>>
    %dma_wait3A_355 = tpu.memref_slice %arg12[%dma_wait3A_344] : memref<8x!tpu.dma_semaphore, #tpu.memory_space<semaphore_mem>> -> memref<1x!tpu.dma_semaphore, #tpu.memory_space<semaphore_mem>>
    %dma_wait3A_356 = tpu.memref_squeeze %dma_wait3A_355 : memref<1x!tpu.dma_semaphore, #tpu.memory_space<semaphore_mem>> -> memref<!tpu.dma_semaphore, #tpu.memory_space<semaphore_mem>>
    tpu.wait_indirect_dma semaphore(%dma_wait3A_356 : memref<!tpu.dma_semaphore, #tpu.memory_space<semaphore_mem>>) src(%dma_wait3A_354 : memref<10000x16xf32, #tpu.memory_space<vmem_shared>>) dst(%dma_wait3A_348 : memref<128x16xf32, #tpu.memory_space<vmem>>)
    %dma_start3A_357 = arith.constant 6 : i32
    %dma_start3A_358 = arith.constant 78 : i32
    %dma_start3A_359 = arith.constant 6 : i32
    %dma_start3A_360 = arith.constant 0 : i32
    %dma_start3A_361 = arith.constant 0 : i32
    %dma_start3A_362 = tpu.memref_slice %arg9[%dma_start3A_357, %dma_start3A_360, %dma_start3A_361] : memref<8x128x16xf32, #tpu.memory_space<vmem>> -> memref<1x128x16xf32, #tpu.memory_space<vmem>>
    %dma_start3A_363 = tpu.memref_squeeze %dma_start3A_362 : memref<1x128x16xf32, #tpu.memory_space<vmem>> -> memref<128x16xf32, #tpu.memory_space<vmem>>
    %dma_start3A_364 = arith.constant 0 : i32
    %dma_start3A_365 = tpu.memref_slice %arg8[%dma_start3A_358, %dma_start3A_364] : memref<79x128xi32, #tpu.memory_space<vmem>> -> memref<1x128xi32, #tpu.memory_space<vmem>>
    %dma_start3A_366 = tpu.memref_squeeze %dma_start3A_365 : memref<1x128xi32, #tpu.memory_space<vmem>> -> memref<128xi32, #tpu.memory_space<vmem>>
    %dma_start3A_367 = arith.constant 0 : i32
    %dma_start3A_368 = arith.constant 0 : i32
    %dma_start3A_369 = tpu.memref_slice %arg10[%dma_start3A_367, %dma_start3A_368] : memref<10112x16xf32, #tpu.memory_space<vmem_shared>> -> memref<10112x16xf32, #tpu.memory_space<vmem_shared>>
    %dma_start3A_370 = tpu.memref_slice %arg13[%dma_start3A_359] : memref<8x!tpu.dma_semaphore, #tpu.memory_space<semaphore_mem>> -> memref<1x!tpu.dma_semaphore, #tpu.memory_space<semaphore_mem>>
    %dma_start3A_371 = tpu.memref_squeeze %dma_start3A_370 : memref<1x!tpu.dma_semaphore, #tpu.memory_space<semaphore_mem>> -> memref<!tpu.dma_semaphore, #tpu.memory_space<semaphore_mem>>
    tpu.enqueue_indirect_dma source(%dma_start3A_363 : memref<128x16xf32, #tpu.memory_space<vmem>>) target(%dma_start3A_369 : memref<10112x16xf32, #tpu.memory_space<vmem_shared>>) offsets(%dma_start3A_366 : memref<128xi32, #tpu.memory_space<vmem>>) semaphore(%dma_start3A_371 : memref<!tpu.dma_semaphore, #tpu.memory_space<semaphore_mem>>) {add = true}
    %dma_wait3A_372 = arith.constant 7 : i32
    %dma_wait3A_373 = arith.constant 71 : i32
    %dma_wait3A_374 = arith.constant 7 : i32
    %dma_wait3A_375 = arith.constant 0 : i32
    %dma_wait3A_376 = arith.constant 0 : i32
    %dma_wait3A_377 = tpu.memref_slice %arg9[%dma_wait3A_372, %dma_wait3A_375, %dma_wait3A_376] : memref<8x128x16xf32, #tpu.memory_space<vmem>> -> memref<1x128x16xf32, #tpu.memory_space<vmem>>
    %dma_wait3A_378 = tpu.memref_squeeze %dma_wait3A_377 : memref<1x128x16xf32, #tpu.memory_space<vmem>> -> memref<128x16xf32, #tpu.memory_space<vmem>>
    %dma_wait3A_379 = arith.constant 0 : i32
    %dma_wait3A_380 = tpu.memref_slice %arg8[%dma_wait3A_373, %dma_wait3A_379] : memref<79x128xi32, #tpu.memory_space<vmem>> -> memref<1x128xi32, #tpu.memory_space<vmem>>
    %dma_wait3A_381 = tpu.memref_squeeze %dma_wait3A_380 : memref<1x128xi32, #tpu.memory_space<vmem>> -> memref<128xi32, #tpu.memory_space<vmem>>
    %dma_wait3A_382 = arith.constant 0 : i32
    %dma_wait3A_383 = arith.constant 0 : i32
    %dma_wait3A_384 = tpu.memref_slice %arg10[%dma_wait3A_382, %dma_wait3A_383] : memref<10112x16xf32, #tpu.memory_space<vmem_shared>> -> memref<10112x16xf32, #tpu.memory_space<vmem_shared>>
    %dma_wait3A_385 = tpu.memref_slice %arg13[%dma_wait3A_374] : memref<8x!tpu.dma_semaphore, #tpu.memory_space<semaphore_mem>> -> memref<1x!tpu.dma_semaphore, #tpu.memory_space<semaphore_mem>>
    %dma_wait3A_386 = tpu.memref_squeeze %dma_wait3A_385 : memref<1x!tpu.dma_semaphore, #tpu.memory_space<semaphore_mem>> -> memref<!tpu.dma_semaphore, #tpu.memory_space<semaphore_mem>>
    tpu.wait_indirect_dma semaphore(%dma_wait3A_386 : memref<!tpu.dma_semaphore, #tpu.memory_space<semaphore_mem>>) src(%dma_wait3A_378 : memref<128x16xf32, #tpu.memory_space<vmem>>) dst(%dma_wait3A_384 : memref<10112x16xf32, #tpu.memory_space<vmem_shared>>)
    %dma_wait3A_387 = arith.constant 0 : i32
    %dma_wait3A_388 = arith.constant 72 : i32
    %dma_wait3A_389 = arith.constant 0 : i32
    %dma_wait3A_390 = arith.constant 0 : i32
    %dma_wait3A_391 = arith.constant 0 : i32
    %dma_wait3A_392 = tpu.memref_slice %arg9[%dma_wait3A_387, %dma_wait3A_390, %dma_wait3A_391] : memref<8x128x16xf32, #tpu.memory_space<vmem>> -> memref<1x128x16xf32, #tpu.memory_space<vmem>>
    %dma_wait3A_393 = tpu.memref_squeeze %dma_wait3A_392 : memref<1x128x16xf32, #tpu.memory_space<vmem>> -> memref<128x16xf32, #tpu.memory_space<vmem>>
    %dma_wait3A_394 = arith.constant 0 : i32
    %dma_wait3A_395 = tpu.memref_slice %arg8[%dma_wait3A_388, %dma_wait3A_394] : memref<79x128xi32, #tpu.memory_space<vmem>> -> memref<1x128xi32, #tpu.memory_space<vmem>>
    %dma_wait3A_396 = tpu.memref_squeeze %dma_wait3A_395 : memref<1x128xi32, #tpu.memory_space<vmem>> -> memref<128xi32, #tpu.memory_space<vmem>>
    %dma_wait3A_397 = arith.constant 0 : i32
    %dma_wait3A_398 = arith.constant 0 : i32
    %dma_wait3A_399 = tpu.memref_slice %arg10[%dma_wait3A_397, %dma_wait3A_398] : memref<10112x16xf32, #tpu.memory_space<vmem_shared>> -> memref<10112x16xf32, #tpu.memory_space<vmem_shared>>
    %dma_wait3A_400 = tpu.memref_slice %arg13[%dma_wait3A_389] : memref<8x!tpu.dma_semaphore, #tpu.memory_space<semaphore_mem>> -> memref<1x!tpu.dma_semaphore, #tpu.memory_space<semaphore_mem>>
    %dma_wait3A_401 = tpu.memref_squeeze %dma_wait3A_400 : memref<1x!tpu.dma_semaphore, #tpu.memory_space<semaphore_mem>> -> memref<!tpu.dma_semaphore, #tpu.memory_space<semaphore_mem>>
    tpu.wait_indirect_dma semaphore(%dma_wait3A_401 : memref<!tpu.dma_semaphore, #tpu.memory_space<semaphore_mem>>) src(%dma_wait3A_393 : memref<128x16xf32, #tpu.memory_space<vmem>>) dst(%dma_wait3A_399 : memref<10112x16xf32, #tpu.memory_space<vmem_shared>>)
    %dma_wait3A_402 = arith.constant 1 : i32
    %dma_wait3A_403 = arith.constant 73 : i32
    %dma_wait3A_404 = arith.constant 1 : i32
    %dma_wait3A_405 = arith.constant 0 : i32
    %dma_wait3A_406 = arith.constant 0 : i32
    %dma_wait3A_407 = tpu.memref_slice %arg9[%dma_wait3A_402, %dma_wait3A_405, %dma_wait3A_406] : memref<8x128x16xf32, #tpu.memory_space<vmem>> -> memref<1x128x16xf32, #tpu.memory_space<vmem>>
    %dma_wait3A_408 = tpu.memref_squeeze %dma_wait3A_407 : memref<1x128x16xf32, #tpu.memory_space<vmem>> -> memref<128x16xf32, #tpu.memory_space<vmem>>
    %dma_wait3A_409 = arith.constant 0 : i32
    %dma_wait3A_410 = tpu.memref_slice %arg8[%dma_wait3A_403, %dma_wait3A_409] : memref<79x128xi32, #tpu.memory_space<vmem>> -> memref<1x128xi32, #tpu.memory_space<vmem>>
    %dma_wait3A_411 = tpu.memref_squeeze %dma_wait3A_410 : memref<1x128xi32, #tpu.memory_space<vmem>> -> memref<128xi32, #tpu.memory_space<vmem>>
    %dma_wait3A_412 = arith.constant 0 : i32
    %dma_wait3A_413 = arith.constant 0 : i32
    %dma_wait3A_414 = tpu.memref_slice %arg10[%dma_wait3A_412, %dma_wait3A_413] : memref<10112x16xf32, #tpu.memory_space<vmem_shared>> -> memref<10112x16xf32, #tpu.memory_space<vmem_shared>>
    %dma_wait3A_415 = tpu.memref_slice %arg13[%dma_wait3A_404] : memref<8x!tpu.dma_semaphore, #tpu.memory_space<semaphore_mem>> -> memref<1x!tpu.dma_semaphore, #tpu.memory_space<semaphore_mem>>
    %dma_wait3A_416 = tpu.memref_squeeze %dma_wait3A_415 : memref<1x!tpu.dma_semaphore, #tpu.memory_space<semaphore_mem>> -> memref<!tpu.dma_semaphore, #tpu.memory_space<semaphore_mem>>
    tpu.wait_indirect_dma semaphore(%dma_wait3A_416 : memref<!tpu.dma_semaphore, #tpu.memory_space<semaphore_mem>>) src(%dma_wait3A_408 : memref<128x16xf32, #tpu.memory_space<vmem>>) dst(%dma_wait3A_414 : memref<10112x16xf32, #tpu.memory_space<vmem_shared>>)
    %dma_wait3A_417 = arith.constant 2 : i32
    %dma_wait3A_418 = arith.constant 74 : i32
    %dma_wait3A_419 = arith.constant 2 : i32
    %dma_wait3A_420 = arith.constant 0 : i32
    %dma_wait3A_421 = arith.constant 0 : i32
    %dma_wait3A_422 = tpu.memref_slice %arg9[%dma_wait3A_417, %dma_wait3A_420, %dma_wait3A_421] : memref<8x128x16xf32, #tpu.memory_space<vmem>> -> memref<1x128x16xf32, #tpu.memory_space<vmem>>
    %dma_wait3A_423 = tpu.memref_squeeze %dma_wait3A_422 : memref<1x128x16xf32, #tpu.memory_space<vmem>> -> memref<128x16xf32, #tpu.memory_space<vmem>>
    %dma_wait3A_424 = arith.constant 0 : i32
    %dma_wait3A_425 = tpu.memref_slice %arg8[%dma_wait3A_418, %dma_wait3A_424] : memref<79x128xi32, #tpu.memory_space<vmem>> -> memref<1x128xi32, #tpu.memory_space<vmem>>
    %dma_wait3A_426 = tpu.memref_squeeze %dma_wait3A_425 : memref<1x128xi32, #tpu.memory_space<vmem>> -> memref<128xi32, #tpu.memory_space<vmem>>
    %dma_wait3A_427 = arith.constant 0 : i32
    %dma_wait3A_428 = arith.constant 0 : i32
    %dma_wait3A_429 = tpu.memref_slice %arg10[%dma_wait3A_427, %dma_wait3A_428] : memref<10112x16xf32, #tpu.memory_space<vmem_shared>> -> memref<10112x16xf32, #tpu.memory_space<vmem_shared>>
    %dma_wait3A_430 = tpu.memref_slice %arg13[%dma_wait3A_419] : memref<8x!tpu.dma_semaphore, #tpu.memory_space<semaphore_mem>> -> memref<1x!tpu.dma_semaphore, #tpu.memory_space<semaphore_mem>>
    %dma_wait3A_431 = tpu.memref_squeeze %dma_wait3A_430 : memref<1x!tpu.dma_semaphore, #tpu.memory_space<semaphore_mem>> -> memref<!tpu.dma_semaphore, #tpu.memory_space<semaphore_mem>>
    tpu.wait_indirect_dma semaphore(%dma_wait3A_431 : memref<!tpu.dma_semaphore, #tpu.memory_space<semaphore_mem>>) src(%dma_wait3A_423 : memref<128x16xf32, #tpu.memory_space<vmem>>) dst(%dma_wait3A_429 : memref<10112x16xf32, #tpu.memory_space<vmem_shared>>)
    %dma_wait3A_432 = arith.constant 3 : i32
    %dma_wait3A_433 = arith.constant 75 : i32
    %dma_wait3A_434 = arith.constant 3 : i32
    %dma_wait3A_435 = arith.constant 0 : i32
    %dma_wait3A_436 = arith.constant 0 : i32
    %dma_wait3A_437 = tpu.memref_slice %arg9[%dma_wait3A_432, %dma_wait3A_435, %dma_wait3A_436] : memref<8x128x16xf32, #tpu.memory_space<vmem>> -> memref<1x128x16xf32, #tpu.memory_space<vmem>>
    %dma_wait3A_438 = tpu.memref_squeeze %dma_wait3A_437 : memref<1x128x16xf32, #tpu.memory_space<vmem>> -> memref<128x16xf32, #tpu.memory_space<vmem>>
    %dma_wait3A_439 = arith.constant 0 : i32
    %dma_wait3A_440 = tpu.memref_slice %arg8[%dma_wait3A_433, %dma_wait3A_439] : memref<79x128xi32, #tpu.memory_space<vmem>> -> memref<1x128xi32, #tpu.memory_space<vmem>>
    %dma_wait3A_441 = tpu.memref_squeeze %dma_wait3A_440 : memref<1x128xi32, #tpu.memory_space<vmem>> -> memref<128xi32, #tpu.memory_space<vmem>>
    %dma_wait3A_442 = arith.constant 0 : i32
    %dma_wait3A_443 = arith.constant 0 : i32
    %dma_wait3A_444 = tpu.memref_slice %arg10[%dma_wait3A_442, %dma_wait3A_443] : memref<10112x16xf32, #tpu.memory_space<vmem_shared>> -> memref<10112x16xf32, #tpu.memory_space<vmem_shared>>
    %dma_wait3A_445 = tpu.memref_slice %arg13[%dma_wait3A_434] : memref<8x!tpu.dma_semaphore, #tpu.memory_space<semaphore_mem>> -> memref<1x!tpu.dma_semaphore, #tpu.memory_space<semaphore_mem>>
    %dma_wait3A_446 = tpu.memref_squeeze %dma_wait3A_445 : memref<1x!tpu.dma_semaphore, #tpu.memory_space<semaphore_mem>> -> memref<!tpu.dma_semaphore, #tpu.memory_space<semaphore_mem>>
    tpu.wait_indirect_dma semaphore(%dma_wait3A_446 : memref<!tpu.dma_semaphore, #tpu.memory_space<semaphore_mem>>) src(%dma_wait3A_438 : memref<128x16xf32, #tpu.memory_space<vmem>>) dst(%dma_wait3A_444 : memref<10112x16xf32, #tpu.memory_space<vmem_shared>>)
    %dma_wait3A_447 = arith.constant 4 : i32
    %dma_wait3A_448 = arith.constant 76 : i32
    %dma_wait3A_449 = arith.constant 4 : i32
    %dma_wait3A_450 = arith.constant 0 : i32
    %dma_wait3A_451 = arith.constant 0 : i32
    %dma_wait3A_452 = tpu.memref_slice %arg9[%dma_wait3A_447, %dma_wait3A_450, %dma_wait3A_451] : memref<8x128x16xf32, #tpu.memory_space<vmem>> -> memref<1x128x16xf32, #tpu.memory_space<vmem>>
    %dma_wait3A_453 = tpu.memref_squeeze %dma_wait3A_452 : memref<1x128x16xf32, #tpu.memory_space<vmem>> -> memref<128x16xf32, #tpu.memory_space<vmem>>
    %dma_wait3A_454 = arith.constant 0 : i32
    %dma_wait3A_455 = tpu.memref_slice %arg8[%dma_wait3A_448, %dma_wait3A_454] : memref<79x128xi32, #tpu.memory_space<vmem>> -> memref<1x128xi32, #tpu.memory_space<vmem>>
    %dma_wait3A_456 = tpu.memref_squeeze %dma_wait3A_455 : memref<1x128xi32, #tpu.memory_space<vmem>> -> memref<128xi32, #tpu.memory_space<vmem>>
    %dma_wait3A_457 = arith.constant 0 : i32
    %dma_wait3A_458 = arith.constant 0 : i32
    %dma_wait3A_459 = tpu.memref_slice %arg10[%dma_wait3A_457, %dma_wait3A_458] : memref<10112x16xf32, #tpu.memory_space<vmem_shared>> -> memref<10112x16xf32, #tpu.memory_space<vmem_shared>>
    %dma_wait3A_460 = tpu.memref_slice %arg13[%dma_wait3A_449] : memref<8x!tpu.dma_semaphore, #tpu.memory_space<semaphore_mem>> -> memref<1x!tpu.dma_semaphore, #tpu.memory_space<semaphore_mem>>
    %dma_wait3A_461 = tpu.memref_squeeze %dma_wait3A_460 : memref<1x!tpu.dma_semaphore, #tpu.memory_space<semaphore_mem>> -> memref<!tpu.dma_semaphore, #tpu.memory_space<semaphore_mem>>
    tpu.wait_indirect_dma semaphore(%dma_wait3A_461 : memref<!tpu.dma_semaphore, #tpu.memory_space<semaphore_mem>>) src(%dma_wait3A_453 : memref<128x16xf32, #tpu.memory_space<vmem>>) dst(%dma_wait3A_459 : memref<10112x16xf32, #tpu.memory_space<vmem_shared>>)
    %dma_wait3A_462 = arith.constant 5 : i32
    %dma_wait3A_463 = arith.constant 77 : i32
    %dma_wait3A_464 = arith.constant 5 : i32
    %dma_wait3A_465 = arith.constant 0 : i32
    %dma_wait3A_466 = arith.constant 0 : i32
    %dma_wait3A_467 = tpu.memref_slice %arg9[%dma_wait3A_462, %dma_wait3A_465, %dma_wait3A_466] : memref<8x128x16xf32, #tpu.memory_space<vmem>> -> memref<1x128x16xf32, #tpu.memory_space<vmem>>
    %dma_wait3A_468 = tpu.memref_squeeze %dma_wait3A_467 : memref<1x128x16xf32, #tpu.memory_space<vmem>> -> memref<128x16xf32, #tpu.memory_space<vmem>>
    %dma_wait3A_469 = arith.constant 0 : i32
    %dma_wait3A_470 = tpu.memref_slice %arg8[%dma_wait3A_463, %dma_wait3A_469] : memref<79x128xi32, #tpu.memory_space<vmem>> -> memref<1x128xi32, #tpu.memory_space<vmem>>
    %dma_wait3A_471 = tpu.memref_squeeze %dma_wait3A_470 : memref<1x128xi32, #tpu.memory_space<vmem>> -> memref<128xi32, #tpu.memory_space<vmem>>
    %dma_wait3A_472 = arith.constant 0 : i32
    %dma_wait3A_473 = arith.constant 0 : i32
    %dma_wait3A_474 = tpu.memref_slice %arg10[%dma_wait3A_472, %dma_wait3A_473] : memref<10112x16xf32, #tpu.memory_space<vmem_shared>> -> memref<10112x16xf32, #tpu.memory_space<vmem_shared>>
    %dma_wait3A_475 = tpu.memref_slice %arg13[%dma_wait3A_464] : memref<8x!tpu.dma_semaphore, #tpu.memory_space<semaphore_mem>> -> memref<1x!tpu.dma_semaphore, #tpu.memory_space<semaphore_mem>>
    %dma_wait3A_476 = tpu.memref_squeeze %dma_wait3A_475 : memref<1x!tpu.dma_semaphore, #tpu.memory_space<semaphore_mem>> -> memref<!tpu.dma_semaphore, #tpu.memory_space<semaphore_mem>>
    tpu.wait_indirect_dma semaphore(%dma_wait3A_476 : memref<!tpu.dma_semaphore, #tpu.memory_space<semaphore_mem>>) src(%dma_wait3A_468 : memref<128x16xf32, #tpu.memory_space<vmem>>) dst(%dma_wait3A_474 : memref<10112x16xf32, #tpu.memory_space<vmem_shared>>)
    %dma_wait3A_477 = arith.constant 6 : i32
    %dma_wait3A_478 = arith.constant 78 : i32
    %dma_wait3A_479 = arith.constant 6 : i32
    %dma_wait3A_480 = arith.constant 0 : i32
    %dma_wait3A_481 = arith.constant 0 : i32
    %dma_wait3A_482 = tpu.memref_slice %arg9[%dma_wait3A_477, %dma_wait3A_480, %dma_wait3A_481] : memref<8x128x16xf32, #tpu.memory_space<vmem>> -> memref<1x128x16xf32, #tpu.memory_space<vmem>>
    %dma_wait3A_483 = tpu.memref_squeeze %dma_wait3A_482 : memref<1x128x16xf32, #tpu.memory_space<vmem>> -> memref<128x16xf32, #tpu.memory_space<vmem>>
    %dma_wait3A_484 = arith.constant 0 : i32
    %dma_wait3A_485 = tpu.memref_slice %arg8[%dma_wait3A_478, %dma_wait3A_484] : memref<79x128xi32, #tpu.memory_space<vmem>> -> memref<1x128xi32, #tpu.memory_space<vmem>>
    %dma_wait3A_486 = tpu.memref_squeeze %dma_wait3A_485 : memref<1x128xi32, #tpu.memory_space<vmem>> -> memref<128xi32, #tpu.memory_space<vmem>>
    %dma_wait3A_487 = arith.constant 0 : i32
    %dma_wait3A_488 = arith.constant 0 : i32
    %dma_wait3A_489 = tpu.memref_slice %arg10[%dma_wait3A_487, %dma_wait3A_488] : memref<10112x16xf32, #tpu.memory_space<vmem_shared>> -> memref<10112x16xf32, #tpu.memory_space<vmem_shared>>
    %dma_wait3A_490 = tpu.memref_slice %arg13[%dma_wait3A_479] : memref<8x!tpu.dma_semaphore, #tpu.memory_space<semaphore_mem>> -> memref<1x!tpu.dma_semaphore, #tpu.memory_space<semaphore_mem>>
    %dma_wait3A_491 = tpu.memref_squeeze %dma_wait3A_490 : memref<1x!tpu.dma_semaphore, #tpu.memory_space<semaphore_mem>> -> memref<!tpu.dma_semaphore, #tpu.memory_space<semaphore_mem>>
    tpu.wait_indirect_dma semaphore(%dma_wait3A_491 : memref<!tpu.dma_semaphore, #tpu.memory_space<semaphore_mem>>) src(%dma_wait3A_483 : memref<128x16xf32, #tpu.memory_space<vmem>>) dst(%dma_wait3A_489 : memref<10112x16xf32, #tpu.memory_space<vmem_shared>>)
    %barrier3A_492 = arith.constant 0 : index
    tpu.barrier barrier_id(%barrier3A_492)
    %mul3A_493 = arith.constant 632 : i32
    %mul3A_494 = arith.muli %arg1, %mul3A_493 : i32
    %mul3A_495 = arith.constant 632 : i32
    %mul3A_496 = arith.muli %arg1, %mul3A_495 : i32
    "tpu.region"() ({
      %run_scoped3A = tpu.sem_alloc : memref<!tpu.dma_semaphore, #tpu.memory_space<semaphore_mem>>
      %dma_start3A_497 = arith.constant 0 : i32
      %dma_start3A_498 = tpu.memref_slice %arg6[%arg0, %mul3A_496, %dma_start3A_497] : memref<2x10112x16xf32, #tpu.memory_space<hbm>> -> memref<1x632x16xf32, #tpu.memory_space<hbm>>
      %dma_start3A_499 = tpu.memref_squeeze %dma_start3A_498 : memref<1x632x16xf32, #tpu.memory_space<hbm>> -> memref<632x16xf32, #tpu.memory_space<hbm>>
      %dma_start3A_500 = arith.constant 0 : i32
      %dma_start3A_501 = tpu.memref_slice %arg10[%mul3A_494, %dma_start3A_500] : memref<10112x16xf32, #tpu.memory_space<vmem_shared>> -> memref<632x16xf32, #tpu.memory_space<vmem_shared>>
      tpu.enqueue_dma source(%dma_start3A_501 : memref<632x16xf32, #tpu.memory_space<vmem_shared>>) target(%dma_start3A_499 : memref<632x16xf32, #tpu.memory_space<hbm>>) target_semaphore(%run_scoped3A : memref<!tpu.dma_semaphore, #tpu.memory_space<semaphore_mem>>)
      %dma_wait3A_502 = arith.constant 0 : i32
      %dma_wait3A_503 = tpu.memref_slice %arg6[%arg0, %mul3A_496, %dma_wait3A_502] : memref<2x10112x16xf32, #tpu.memory_space<hbm>> -> memref<1x632x16xf32, #tpu.memory_space<hbm>>
      %dma_wait3A_504 = tpu.memref_squeeze %dma_wait3A_503 : memref<1x632x16xf32, #tpu.memory_space<hbm>> -> memref<632x16xf32, #tpu.memory_space<hbm>>
      %dma_wait3A_505 = arith.constant 0 : i32
      %dma_wait3A_506 = tpu.memref_slice %arg10[%mul3A_494, %dma_wait3A_505] : memref<10112x16xf32, #tpu.memory_space<vmem_shared>> -> memref<632x16xf32, #tpu.memory_space<vmem_shared>>
      tpu.wait_dma2 semaphore(%run_scoped3A : memref<!tpu.dma_semaphore, #tpu.memory_space<semaphore_mem>>) src(%dma_wait3A_506 : memref<632x16xf32, #tpu.memory_space<vmem_shared>>) dst(%dma_wait3A_504 : memref<632x16xf32, #tpu.memory_space<hbm>>)
      tpu.yield
    }) : () -> ()
    return
  }
}

#map = affine_map<(d0, d1) -> (0, 0, 0)>
#map1 = affine_map<(d0, d1) -> (0, 0)>
module attributes {stable_mosaic.version = 14 : i64} {
  func.func @deg_kernel(%arg0: i32, %arg1: i32, %arg2: memref<32x79x128xi32, #tpu.memory_space<hbm>>, %arg3: memref<128x16xf32, #tpu.memory_space<hbm>>, %arg4: memref<10112x16xf32, #tpu.memory_space<hbm>>, %arg5: memref<2x10112x16xf32, #tpu.memory_space<hbm>>, %arg6: memref<79x128xi32, #tpu.memory_space<vmem>>, %arg7: memref<128x16xf32, #tpu.memory_space<vmem>>, %arg8: memref<10112x16xf32, #tpu.memory_space<vmem_shared>>, %arg9: memref<!tpu.dma_semaphore, #tpu.memory_space<semaphore_mem>>) attributes {dimension_semantics = [#tpu.dimension_semantics<core_parallel>, #tpu.dimension_semantics<subcore_parallel>], iteration_bounds = array<i64: 2, 16>, scalar_prefetch = 0 : i64, scratch_operands = 4 : i64, tpu.core_type = #tpu.core_type<sc_vector_subcore>, window_params = [{transform_indices = #map}, {transform_indices = #map1}, {transform_indices = #map1}, {transform_indices = #map}]} {
    %mul3A = arith.constant 2 : i32
    %mul3A_0 = arith.muli %arg1, %mul3A : i32
    %add3A = arith.addi %mul3A_0, %arg0 : i32
    "tpu.region"() ({
      %run_scoped3A = tpu.sem_alloc : memref<!tpu.dma_semaphore, #tpu.memory_space<semaphore_mem>>
      %dma_start3A = arith.constant 0 : i32
      %dma_start3A_21 = arith.constant 0 : i32
      %dma_start3A_22 = tpu.memref_slice %arg2[%add3A, %dma_start3A, %dma_start3A_21] : memref<32x79x128xi32, #tpu.memory_space<hbm>> -> memref<1x79x128xi32, #tpu.memory_space<hbm>>
      %dma_start3A_23 = tpu.memref_squeeze %dma_start3A_22 : memref<1x79x128xi32, #tpu.memory_space<hbm>> -> memref<79x128xi32, #tpu.memory_space<hbm>>
      %dma_start3A_24 = arith.constant 0 : i32
      %dma_start3A_25 = arith.constant 0 : i32
      %dma_start3A_26 = tpu.memref_slice %arg2[%add3A, %dma_start3A_24, %dma_start3A_25] : memref<32x79x128xi32, #tpu.memory_space<hbm>> -> memref<1x79x128xi32, #tpu.memory_space<hbm>>
      %dma_start3A_27 = tpu.memref_squeeze %dma_start3A_26 : memref<1x79x128xi32, #tpu.memory_space<hbm>> -> memref<79x128xi32, #tpu.memory_space<hbm>>
      tpu.enqueue_dma source(%dma_start3A_27 : memref<79x128xi32, #tpu.memory_space<hbm>>) target(%arg6 : memref<79x128xi32, #tpu.memory_space<vmem>>) target_semaphore(%run_scoped3A : memref<!tpu.dma_semaphore, #tpu.memory_space<semaphore_mem>>)
      %dma_wait3A = arith.constant 0 : i32
      %dma_wait3A_28 = arith.constant 0 : i32
      %dma_wait3A_29 = tpu.memref_slice %arg2[%add3A, %dma_wait3A, %dma_wait3A_28] : memref<32x79x128xi32, #tpu.memory_space<hbm>> -> memref<1x79x128xi32, #tpu.memory_space<hbm>>
      %dma_wait3A_30 = tpu.memref_squeeze %dma_wait3A_29 : memref<1x79x128xi32, #tpu.memory_space<hbm>> -> memref<79x128xi32, #tpu.memory_space<hbm>>
      %dma_wait3A_31 = arith.constant 0 : i32
      %dma_wait3A_32 = arith.constant 0 : i32
      %dma_wait3A_33 = tpu.memref_slice %arg2[%add3A, %dma_wait3A_31, %dma_wait3A_32] : memref<32x79x128xi32, #tpu.memory_space<hbm>> -> memref<1x79x128xi32, #tpu.memory_space<hbm>>
      %dma_wait3A_34 = tpu.memref_squeeze %dma_wait3A_33 : memref<1x79x128xi32, #tpu.memory_space<hbm>> -> memref<79x128xi32, #tpu.memory_space<hbm>>
      tpu.wait_dma2 semaphore(%run_scoped3A : memref<!tpu.dma_semaphore, #tpu.memory_space<semaphore_mem>>) src(%dma_wait3A_34 : memref<79x128xi32, #tpu.memory_space<hbm>>) dst(%arg6 : memref<79x128xi32, #tpu.memory_space<vmem>>)
      tpu.yield
    }) : () -> ()
    "tpu.region"() ({
      %run_scoped3A = tpu.sem_alloc : memref<!tpu.dma_semaphore, #tpu.memory_space<semaphore_mem>>
      tpu.enqueue_dma source(%arg3 : memref<128x16xf32, #tpu.memory_space<hbm>>) target(%arg7 : memref<128x16xf32, #tpu.memory_space<vmem>>) target_semaphore(%run_scoped3A : memref<!tpu.dma_semaphore, #tpu.memory_space<semaphore_mem>>)
      tpu.wait_dma2 semaphore(%run_scoped3A : memref<!tpu.dma_semaphore, #tpu.memory_space<semaphore_mem>>) src(%arg3 : memref<128x16xf32, #tpu.memory_space<hbm>>) dst(%arg7 : memref<128x16xf32, #tpu.memory_space<vmem>>)
      tpu.yield
    }) : () -> ()
    %mul3A_1 = arith.constant 632 : i32
    %mul3A_2 = arith.muli %arg1, %mul3A_1 : i32
    %mul3A_3 = arith.constant 632 : i32
    %mul3A_4 = arith.muli %arg1, %mul3A_3 : i32
    "tpu.region"() ({
      %run_scoped3A = tpu.sem_alloc : memref<!tpu.dma_semaphore, #tpu.memory_space<semaphore_mem>>
      %dma_start3A = arith.constant 0 : i32
      %dma_start3A_21 = tpu.memref_slice %arg8[%mul3A_4, %dma_start3A] : memref<10112x16xf32, #tpu.memory_space<vmem_shared>> -> memref<632x16xf32, #tpu.memory_space<vmem_shared>>
      %dma_start3A_22 = arith.constant 0 : i32
      %dma_start3A_23 = tpu.memref_slice %arg4[%mul3A_2, %dma_start3A_22] : memref<10112x16xf32, #tpu.memory_space<hbm>> -> memref<632x16xf32, #tpu.memory_space<hbm>>
      tpu.enqueue_dma source(%dma_start3A_23 : memref<632x16xf32, #tpu.memory_space<hbm>>) target(%dma_start3A_21 : memref<632x16xf32, #tpu.memory_space<vmem_shared>>) target_semaphore(%run_scoped3A : memref<!tpu.dma_semaphore, #tpu.memory_space<semaphore_mem>>)
      %dma_wait3A = arith.constant 0 : i32
      %dma_wait3A_24 = tpu.memref_slice %arg8[%mul3A_4, %dma_wait3A] : memref<10112x16xf32, #tpu.memory_space<vmem_shared>> -> memref<632x16xf32, #tpu.memory_space<vmem_shared>>
      %dma_wait3A_25 = arith.constant 0 : i32
      %dma_wait3A_26 = tpu.memref_slice %arg4[%mul3A_2, %dma_wait3A_25] : memref<10112x16xf32, #tpu.memory_space<hbm>> -> memref<632x16xf32, #tpu.memory_space<hbm>>
      tpu.wait_dma2 semaphore(%run_scoped3A : memref<!tpu.dma_semaphore, #tpu.memory_space<semaphore_mem>>) src(%dma_wait3A_26 : memref<632x16xf32, #tpu.memory_space<hbm>>) dst(%dma_wait3A_24 : memref<632x16xf32, #tpu.memory_space<vmem_shared>>)
      tpu.yield
    }) : () -> ()
    %barrier3A = arith.constant 0 : index
    tpu.barrier barrier_id(%barrier3A)
    %scan3A = arith.constant 0 : i32
    %scan3A_5 = arith.constant 0 : i32
    %scan3A_6 = arith.constant 79 : i32
    %scan3A_7 = arith.addi %scan3A_5, %scan3A_6 : i32
    %scan3A_8 = arith.constant 1 : i32
    scf.for %scan3A_21 = %scan3A_5 to %scan3A_7 step %scan3A_8  : i32 {
      %dma_start3A = arith.constant 0 : i32
      %dma_start3A_22 = tpu.memref_slice %arg6[%scan3A_21, %dma_start3A] : memref<79x128xi32, #tpu.memory_space<vmem>> -> memref<1x128xi32, #tpu.memory_space<vmem>>
      %dma_start3A_23 = tpu.memref_squeeze %dma_start3A_22 : memref<1x128xi32, #tpu.memory_space<vmem>> -> memref<128xi32, #tpu.memory_space<vmem>>
      %dma_start3A_24 = arith.constant 0 : i32
      %dma_start3A_25 = arith.constant 0 : i32
      %dma_start3A_26 = tpu.memref_slice %arg8[%dma_start3A_24, %dma_start3A_25] : memref<10112x16xf32, #tpu.memory_space<vmem_shared>> -> memref<10112x16xf32, #tpu.memory_space<vmem_shared>>
      tpu.enqueue_indirect_dma source(%arg7 : memref<128x16xf32, #tpu.memory_space<vmem>>) target(%dma_start3A_26 : memref<10112x16xf32, #tpu.memory_space<vmem_shared>>) offsets(%dma_start3A_23 : memref<128xi32, #tpu.memory_space<vmem>>) semaphore(%arg9 : memref<!tpu.dma_semaphore, #tpu.memory_space<semaphore_mem>>) {add = true}
    }
    %scan3A_9 = arith.constant 79 : i32
    %scan3A_10 = arith.constant 0 : i32
    %scan3A_11 = arith.constant 0 : i32
    %scan3A_12 = arith.constant 79 : i32
    %scan3A_13 = arith.addi %scan3A_11, %scan3A_12 : i32
    %scan3A_14 = arith.constant 1 : i32
    scf.for %scan3A_21 = %scan3A_11 to %scan3A_13 step %scan3A_14  : i32 {
      %dma_wait3A = arith.constant 0 : i32
      %dma_wait3A_22 = tpu.memref_slice %arg6[%scan3A_21, %dma_wait3A] : memref<79x128xi32, #tpu.memory_space<vmem>> -> memref<1x128xi32, #tpu.memory_space<vmem>>
      %dma_wait3A_23 = tpu.memref_squeeze %dma_wait3A_22 : memref<1x128xi32, #tpu.memory_space<vmem>> -> memref<128xi32, #tpu.memory_space<vmem>>
      %dma_wait3A_24 = arith.constant 0 : i32
      %dma_wait3A_25 = arith.constant 0 : i32
      %dma_wait3A_26 = tpu.memref_slice %arg8[%dma_wait3A_24, %dma_wait3A_25] : memref<10112x16xf32, #tpu.memory_space<vmem_shared>> -> memref<10112x16xf32, #tpu.memory_space<vmem_shared>>
      tpu.wait_indirect_dma semaphore(%arg9 : memref<!tpu.dma_semaphore, #tpu.memory_space<semaphore_mem>>) src(%arg7 : memref<128x16xf32, #tpu.memory_space<vmem>>) dst(%dma_wait3A_26 : memref<10112x16xf32, #tpu.memory_space<vmem_shared>>)
    }
    %scan3A_15 = arith.constant 79 : i32
    %barrier3A_16 = arith.constant 0 : index
    tpu.barrier barrier_id(%barrier3A_16)
    %mul3A_17 = arith.constant 632 : i32
    %mul3A_18 = arith.muli %arg1, %mul3A_17 : i32
    %mul3A_19 = arith.constant 632 : i32
    %mul3A_20 = arith.muli %arg1, %mul3A_19 : i32
    "tpu.region"() ({
      %run_scoped3A = tpu.sem_alloc : memref<!tpu.dma_semaphore, #tpu.memory_space<semaphore_mem>>
      %dma_start3A = arith.constant 0 : i32
      %dma_start3A_21 = tpu.memref_slice %arg5[%arg0, %mul3A_20, %dma_start3A] : memref<2x10112x16xf32, #tpu.memory_space<hbm>> -> memref<1x632x16xf32, #tpu.memory_space<hbm>>
      %dma_start3A_22 = tpu.memref_squeeze %dma_start3A_21 : memref<1x632x16xf32, #tpu.memory_space<hbm>> -> memref<632x16xf32, #tpu.memory_space<hbm>>
      %dma_start3A_23 = arith.constant 0 : i32
      %dma_start3A_24 = tpu.memref_slice %arg8[%mul3A_18, %dma_start3A_23] : memref<10112x16xf32, #tpu.memory_space<vmem_shared>> -> memref<632x16xf32, #tpu.memory_space<vmem_shared>>
      tpu.enqueue_dma source(%dma_start3A_24 : memref<632x16xf32, #tpu.memory_space<vmem_shared>>) target(%dma_start3A_22 : memref<632x16xf32, #tpu.memory_space<hbm>>) target_semaphore(%run_scoped3A : memref<!tpu.dma_semaphore, #tpu.memory_space<semaphore_mem>>)
      %dma_wait3A = arith.constant 0 : i32
      %dma_wait3A_25 = tpu.memref_slice %arg5[%arg0, %mul3A_20, %dma_wait3A] : memref<2x10112x16xf32, #tpu.memory_space<hbm>> -> memref<1x632x16xf32, #tpu.memory_space<hbm>>
      %dma_wait3A_26 = tpu.memref_squeeze %dma_wait3A_25 : memref<1x632x16xf32, #tpu.memory_space<hbm>> -> memref<632x16xf32, #tpu.memory_space<hbm>>
      %dma_wait3A_27 = arith.constant 0 : i32
      %dma_wait3A_28 = tpu.memref_slice %arg8[%mul3A_18, %dma_wait3A_27] : memref<10112x16xf32, #tpu.memory_space<vmem_shared>> -> memref<632x16xf32, #tpu.memory_space<vmem_shared>>
      tpu.wait_dma2 semaphore(%run_scoped3A : memref<!tpu.dma_semaphore, #tpu.memory_space<semaphore_mem>>) src(%dma_wait3A_28 : memref<632x16xf32, #tpu.memory_space<vmem_shared>>) dst(%dma_wait3A_26 : memref<632x16xf32, #tpu.memory_space<hbm>>)
      tpu.yield
    }) : () -> ()
    return
  }
}

#map = affine_map<(d0, d1) -> (0, 0)>
#map1 = affine_map<(d0, d1) -> (0, 0, 0)>
module attributes {stable_mosaic.version = 14 : i64} {
  func.func @prop_kernel(%arg0: i32, %arg1: i32, %arg2: memref<10000x16xf32, #tpu.memory_space<hbm>>, %arg3: memref<32x79x128xi32, #tpu.memory_space<hbm>>, %arg4: memref<32x79x128xi32, #tpu.memory_space<hbm>>, %arg5: memref<10112x16xf32, #tpu.memory_space<hbm>>, %arg6: memref<2x10112x16xf32, #tpu.memory_space<hbm>>, %arg7: memref<79x128xi32, #tpu.memory_space<vmem>>, %arg8: memref<79x128xi32, #tpu.memory_space<vmem>>, %arg9: memref<8x128x16xf32, #tpu.memory_space<vmem>>, %arg10: memref<10112x16xf32, #tpu.memory_space<vmem_shared>>, %arg11: memref<10000x16xf32, #tpu.memory_space<vmem_shared>>, %arg12: memref<8x!tpu.dma_semaphore, #tpu.memory_space<semaphore_mem>>, %arg13: memref<8x!tpu.dma_semaphore, #tpu.memory_space<semaphore_mem>>) attributes {dimension_semantics = [#tpu.dimension_semantics<core_parallel>, #tpu.dimension_semantics<subcore_parallel>], iteration_bounds = array<i64: 2, 16>, scalar_prefetch = 0 : i64, scratch_operands = 7 : i64, tpu.core_type = #tpu.core_type<sc_vector_subcore>, window_params = [{transform_indices = #map}, {transform_indices = #map1}, {transform_indices = #map1}, {transform_indices = #map}, {transform_indices = #map1}]} {
    %mul3A = arith.constant 2 : i32
    %mul3A_0 = arith.muli %arg1, %mul3A : i32
    %add3A = arith.addi %mul3A_0, %arg0 : i32
    "tpu.region"() ({
      %run_scoped3A = tpu.sem_alloc : memref<!tpu.dma_semaphore, #tpu.memory_space<semaphore_mem>>
      %dma_start3A_497 = arith.constant 0 : i32
      %dma_start3A_498 = arith.constant 0 : i32
      %dma_start3A_499 = tpu.memref_slice %arg3[%add3A, %dma_start3A_497, %dma_start3A_498] : memref<32x79x128xi32, #tpu.memory_space<hbm>> -> memref<1x79x128xi32, #tpu.memory_space<hbm>>
      %dma_start3A_500 = tpu.memref_squeeze %dma_start3A_499 : memref<1x79x128xi32, #tpu.memory_space<hbm>> -> memref<79x128xi32, #tpu.memory_space<hbm>>
      %dma_start3A_501 = arith.constant 0 : i32
      %dma_start3A_502 = arith.constant 0 : i32
      %dma_start3A_503 = tpu.memref_slice %arg3[%add3A, %dma_start3A_501, %dma_start3A_502] : memref<32x79x128xi32, #tpu.memory_space<hbm>> -> memref<1x79x128xi32, #tpu.memory_space<hbm>>
      %dma_start3A_504 = tpu.memref_squeeze %dma_start3A_503 : memref<1x79x128xi32, #tpu.memory_space<hbm>> -> memref<79x128xi32, #tpu.memory_space<hbm>>
      tpu.enqueue_dma source(%dma_start3A_504 : memref<79x128xi32, #tpu.memory_space<hbm>>) target(%arg7 : memref<79x128xi32, #tpu.memory_space<vmem>>) target_semaphore(%run_scoped3A : memref<!tpu.dma_semaphore, #tpu.memory_space<semaphore_mem>>)
      %dma_wait3A_505 = arith.constant 0 : i32
      %dma_wait3A_506 = arith.constant 0 : i32
      %dma_wait3A_507 = tpu.memref_slice %arg3[%add3A, %dma_wait3A_505, %dma_wait3A_506] : memref<32x79x128xi32, #tpu.memory_space<hbm>> -> memref<1x79x128xi32, #tpu.memory_space<hbm>>
      %dma_wait3A_508 = tpu.memref_squeeze %dma_wait3A_507 : memref<1x79x128xi32, #tpu.memory_space<hbm>> -> memref<79x128xi32, #tpu.memory_space<hbm>>
      %dma_wait3A_509 = arith.constant 0 : i32
      %dma_wait3A_510 = arith.constant 0 : i32
      %dma_wait3A_511 = tpu.memref_slice %arg3[%add3A, %dma_wait3A_509, %dma_wait3A_510] : memref<32x79x128xi32, #tpu.memory_space<hbm>> -> memref<1x79x128xi32, #tpu.memory_space<hbm>>
      %dma_wait3A_512 = tpu.memref_squeeze %dma_wait3A_511 : memref<1x79x128xi32, #tpu.memory_space<hbm>> -> memref<79x128xi32, #tpu.memory_space<hbm>>
      tpu.wait_dma2 semaphore(%run_scoped3A : memref<!tpu.dma_semaphore, #tpu.memory_space<semaphore_mem>>) src(%dma_wait3A_512 : memref<79x128xi32, #tpu.memory_space<hbm>>) dst(%arg7 : memref<79x128xi32, #tpu.memory_space<vmem>>)
      tpu.yield
    }) : () -> ()
    "tpu.region"() ({
      %run_scoped3A = tpu.sem_alloc : memref<!tpu.dma_semaphore, #tpu.memory_space<semaphore_mem>>
      %dma_start3A_497 = arith.constant 0 : i32
      %dma_start3A_498 = arith.constant 0 : i32
      %dma_start3A_499 = tpu.memref_slice %arg4[%add3A, %dma_start3A_497, %dma_start3A_498] : memref<32x79x128xi32, #tpu.memory_space<hbm>> -> memref<1x79x128xi32, #tpu.memory_space<hbm>>
      %dma_start3A_500 = tpu.memref_squeeze %dma_start3A_499 : memref<1x79x128xi32, #tpu.memory_space<hbm>> -> memref<79x128xi32, #tpu.memory_space<hbm>>
      %dma_start3A_501 = arith.constant 0 : i32
      %dma_start3A_502 = arith.constant 0 : i32
      %dma_start3A_503 = tpu.memref_slice %arg4[%add3A, %dma_start3A_501, %dma_start3A_502] : memref<32x79x128xi32, #tpu.memory_space<hbm>> -> memref<1x79x128xi32, #tpu.memory_space<hbm>>
      %dma_start3A_504 = tpu.memref_squeeze %dma_start3A_503 : memref<1x79x128xi32, #tpu.memory_space<hbm>> -> memref<79x128xi32, #tpu.memory_space<hbm>>
      tpu.enqueue_dma source(%dma_start3A_504 : memref<79x128xi32, #tpu.memory_space<hbm>>) target(%arg8 : memref<79x128xi32, #tpu.memory_space<vmem>>) target_semaphore(%run_scoped3A : memref<!tpu.dma_semaphore, #tpu.memory_space<semaphore_mem>>)
      %dma_wait3A_505 = arith.constant 0 : i32
      %dma_wait3A_506 = arith.constant 0 : i32
      %dma_wait3A_507 = tpu.memref_slice %arg4[%add3A, %dma_wait3A_505, %dma_wait3A_506] : memref<32x79x128xi32, #tpu.memory_space<hbm>> -> memref<1x79x128xi32, #tpu.memory_space<hbm>>
      %dma_wait3A_508 = tpu.memref_squeeze %dma_wait3A_507 : memref<1x79x128xi32, #tpu.memory_space<hbm>> -> memref<79x128xi32, #tpu.memory_space<hbm>>
      %dma_wait3A_509 = arith.constant 0 : i32
      %dma_wait3A_510 = arith.constant 0 : i32
      %dma_wait3A_511 = tpu.memref_slice %arg4[%add3A, %dma_wait3A_509, %dma_wait3A_510] : memref<32x79x128xi32, #tpu.memory_space<hbm>> -> memref<1x79x128xi32, #tpu.memory_space<hbm>>
      %dma_wait3A_512 = tpu.memref_squeeze %dma_wait3A_511 : memref<1x79x128xi32, #tpu.memory_space<hbm>> -> memref<79x128xi32, #tpu.memory_space<hbm>>
      tpu.wait_dma2 semaphore(%run_scoped3A : memref<!tpu.dma_semaphore, #tpu.memory_space<semaphore_mem>>) src(%dma_wait3A_512 : memref<79x128xi32, #tpu.memory_space<hbm>>) dst(%arg8 : memref<79x128xi32, #tpu.memory_space<vmem>>)
      tpu.yield
    }) : () -> ()
    %mul3A_1 = arith.constant 625 : i32
    %mul3A_2 = arith.muli %arg1, %mul3A_1 : i32
    %mul3A_3 = arith.constant 625 : i32
    %mul3A_4 = arith.muli %arg1, %mul3A_3 : i32
    "tpu.region"() ({
      %run_scoped3A = tpu.sem_alloc : memref<!tpu.dma_semaphore, #tpu.memory_space<semaphore_mem>>
      %dma_start3A_497 = arith.constant 0 : i32
      %dma_start3A_498 = tpu.memref_slice %arg11[%mul3A_4, %dma_start3A_497] : memref<10000x16xf32, #tpu.memory_space<vmem_shared>> -> memref<625x16xf32, #tpu.memory_space<vmem_shared>>
      %dma_start3A_499 = arith.constant 0 : i32
      %dma_start3A_500 = tpu.memref_slice %arg2[%mul3A_2, %dma_start3A_499] : memref<10000x16xf32, #tpu.memory_space<hbm>> -> memref<625x16xf32, #tpu.memory_space<hbm>>
      tpu.enqueue_dma source(%dma_start3A_500 : memref<625x16xf32, #tpu.memory_space<hbm>>) target(%dma_start3A_498 : memref<625x16xf32, #tpu.memory_space<vmem_shared>>) target_semaphore(%run_scoped3A : memref<!tpu.dma_semaphore, #tpu.memory_space<semaphore_mem>>)
      %dma_wait3A_501 = arith.constant 0 : i32
      %dma_wait3A_502 = tpu.memref_slice %arg11[%mul3A_4, %dma_wait3A_501] : memref<10000x16xf32, #tpu.memory_space<vmem_shared>> -> memref<625x16xf32, #tpu.memory_space<vmem_shared>>
      %dma_wait3A_503 = arith.constant 0 : i32
      %dma_wait3A_504 = tpu.memref_slice %arg2[%mul3A_2, %dma_wait3A_503] : memref<10000x16xf32, #tpu.memory_space<hbm>> -> memref<625x16xf32, #tpu.memory_space<hbm>>
      tpu.wait_dma2 semaphore(%run_scoped3A : memref<!tpu.dma_semaphore, #tpu.memory_space<semaphore_mem>>) src(%dma_wait3A_504 : memref<625x16xf32, #tpu.memory_space<hbm>>) dst(%dma_wait3A_502 : memref<625x16xf32, #tpu.memory_space<vmem_shared>>)
      tpu.yield
    }) : () -> ()
    %mul3A_5 = arith.constant 632 : i32
    %mul3A_6 = arith.muli %arg1, %mul3A_5 : i32
    %mul3A_7 = arith.constant 632 : i32
    %mul3A_8 = arith.muli %arg1, %mul3A_7 : i32
    "tpu.region"() ({
      %run_scoped3A = tpu.sem_alloc : memref<!tpu.dma_semaphore, #tpu.memory_space<semaphore_mem>>
      %dma_start3A_497 = arith.constant 0 : i32
      %dma_start3A_498 = tpu.memref_slice %arg10[%mul3A_8, %dma_start3A_497] : memref<10112x16xf32, #tpu.memory_space<vmem_shared>> -> memref<632x16xf32, #tpu.memory_space<vmem_shared>>
      %dma_start3A_499 = arith.constant 0 : i32
      %dma_start3A_500 = tpu.memref_slice %arg5[%mul3A_6, %dma_start3A_499] : memref<10112x16xf32, #tpu.memory_space<hbm>> -> memref<632x16xf32, #tpu.memory_space<hbm>>
      tpu.enqueue_dma source(%dma_start3A_500 : memref<632x16xf32, #tpu.memory_space<hbm>>) target(%dma_start3A_498 : memref<632x16xf32, #tpu.memory_space<vmem_shared>>) target_semaphore(%run_scoped3A : memref<!tpu.dma_semaphore, #tpu.memory_space<semaphore_mem>>)
      %dma_wait3A_501 = arith.constant 0 : i32
      %dma_wait3A_502 = tpu.memref_slice %arg10[%mul3A_8, %dma_wait3A_501] : memref<10112x16xf32, #tpu.memory_space<vmem_shared>> -> memref<632x16xf32, #tpu.memory_space<vmem_shared>>
      %dma_wait3A_503 = arith.constant 0 : i32
      %dma_wait3A_504 = tpu.memref_slice %arg5[%mul3A_6, %dma_wait3A_503] : memref<10112x16xf32, #tpu.memory_space<hbm>> -> memref<632x16xf32, #tpu.memory_space<hbm>>
      tpu.wait_dma2 semaphore(%run_scoped3A : memref<!tpu.dma_semaphore, #tpu.memory_space<semaphore_mem>>) src(%dma_wait3A_504 : memref<632x16xf32, #tpu.memory_space<hbm>>) dst(%dma_wait3A_502 : memref<632x16xf32, #tpu.memory_space<vmem_shared>>)
      tpu.yield
    }) : () -> ()
    %barrier3A = arith.constant 0 : index
    tpu.barrier barrier_id(%barrier3A)
    %dma_start3A = arith.constant 0 : i32
    %dma_start3A_9 = arith.constant 0 : i32
    %dma_start3A_10 = arith.constant 0 : i32
    %dma_start3A_11 = arith.constant 0 : i32
    %dma_start3A_12 = arith.constant 0 : i32
    %dma_start3A_13 = tpu.memref_slice %arg9[%dma_start3A_9, %dma_start3A_11, %dma_start3A_12] : memref<8x128x16xf32, #tpu.memory_space<vmem>> -> memref<1x128x16xf32, #tpu.memory_space<vmem>>
    %dma_start3A_14 = tpu.memref_squeeze %dma_start3A_13 : memref<1x128x16xf32, #tpu.memory_space<vmem>> -> memref<128x16xf32, #tpu.memory_space<vmem>>
    %dma_start3A_15 = arith.constant 0 : i32
    %dma_start3A_16 = tpu.memref_slice %arg7[%dma_start3A, %dma_start3A_15] : memref<79x128xi32, #tpu.memory_space<vmem>> -> memref<1x128xi32, #tpu.memory_space<vmem>>
    %dma_start3A_17 = tpu.memref_squeeze %dma_start3A_16 : memref<1x128xi32, #tpu.memory_space<vmem>> -> memref<128xi32, #tpu.memory_space<vmem>>
    %dma_start3A_18 = arith.constant 0 : i32
    %dma_start3A_19 = arith.constant 0 : i32
    %dma_start3A_20 = tpu.memref_slice %arg11[%dma_start3A_18, %dma_start3A_19] : memref<10000x16xf32, #tpu.memory_space<vmem_shared>> -> memref<10000x16xf32, #tpu.memory_space<vmem_shared>>
    %dma_start3A_21 = tpu.memref_slice %arg12[%dma_start3A_10] : memref<8x!tpu.dma_semaphore, #tpu.memory_space<semaphore_mem>> -> memref<1x!tpu.dma_semaphore, #tpu.memory_space<semaphore_mem>>
    %dma_start3A_22 = tpu.memref_squeeze %dma_start3A_21 : memref<1x!tpu.dma_semaphore, #tpu.memory_space<semaphore_mem>> -> memref<!tpu.dma_semaphore, #tpu.memory_space<semaphore_mem>>
    tpu.enqueue_indirect_dma source(%dma_start3A_20 : memref<10000x16xf32, #tpu.memory_space<vmem_shared>>) target(%dma_start3A_14 : memref<128x16xf32, #tpu.memory_space<vmem>>) offsets(%dma_start3A_17 : memref<128xi32, #tpu.memory_space<vmem>>) semaphore(%dma_start3A_22 : memref<!tpu.dma_semaphore, #tpu.memory_space<semaphore_mem>>)
    %dma_start3A_23 = arith.constant 1 : i32
    %dma_start3A_24 = arith.constant 1 : i32
    %dma_start3A_25 = arith.constant 1 : i32
    %dma_start3A_26 = arith.constant 0 : i32
    %dma_start3A_27 = arith.constant 0 : i32
    %dma_start3A_28 = tpu.memref_slice %arg9[%dma_start3A_24, %dma_start3A_26, %dma_start3A_27] : memref<8x128x16xf32, #tpu.memory_space<vmem>> -> memref<1x128x16xf32, #tpu.memory_space<vmem>>
    %dma_start3A_29 = tpu.memref_squeeze %dma_start3A_28 : memref<1x128x16xf32, #tpu.memory_space<vmem>> -> memref<128x16xf32, #tpu.memory_space<vmem>>
    %dma_start3A_30 = arith.constant 0 : i32
    %dma_start3A_31 = tpu.memref_slice %arg7[%dma_start3A_23, %dma_start3A_30] : memref<79x128xi32, #tpu.memory_space<vmem>> -> memref<1x128xi32, #tpu.memory_space<vmem>>
    %dma_start3A_32 = tpu.memref_squeeze %dma_start3A_31 : memref<1x128xi32, #tpu.memory_space<vmem>> -> memref<128xi32, #tpu.memory_space<vmem>>
    %dma_start3A_33 = arith.constant 0 : i32
    %dma_start3A_34 = arith.constant 0 : i32
    %dma_start3A_35 = tpu.memref_slice %arg11[%dma_start3A_33, %dma_start3A_34] : memref<10000x16xf32, #tpu.memory_space<vmem_shared>> -> memref<10000x16xf32, #tpu.memory_space<vmem_shared>>
    %dma_start3A_36 = tpu.memref_slice %arg12[%dma_start3A_25] : memref<8x!tpu.dma_semaphore, #tpu.memory_space<semaphore_mem>> -> memref<1x!tpu.dma_semaphore, #tpu.memory_space<semaphore_mem>>
    %dma_start3A_37 = tpu.memref_squeeze %dma_start3A_36 : memref<1x!tpu.dma_semaphore, #tpu.memory_space<semaphore_mem>> -> memref<!tpu.dma_semaphore, #tpu.memory_space<semaphore_mem>>
    tpu.enqueue_indirect_dma source(%dma_start3A_35 : memref<10000x16xf32, #tpu.memory_space<vmem_shared>>) target(%dma_start3A_29 : memref<128x16xf32, #tpu.memory_space<vmem>>) offsets(%dma_start3A_32 : memref<128xi32, #tpu.memory_space<vmem>>) semaphore(%dma_start3A_37 : memref<!tpu.dma_semaphore, #tpu.memory_space<semaphore_mem>>)
    %dma_start3A_38 = arith.constant 2 : i32
    %dma_start3A_39 = arith.constant 2 : i32
    %dma_start3A_40 = arith.constant 2 : i32
    %dma_start3A_41 = arith.constant 0 : i32
    %dma_start3A_42 = arith.constant 0 : i32
    %dma_start3A_43 = tpu.memref_slice %arg9[%dma_start3A_39, %dma_start3A_41, %dma_start3A_42] : memref<8x128x16xf32, #tpu.memory_space<vmem>> -> memref<1x128x16xf32, #tpu.memory_space<vmem>>
    %dma_start3A_44 = tpu.memref_squeeze %dma_start3A_43 : memref<1x128x16xf32, #tpu.memory_space<vmem>> -> memref<128x16xf32, #tpu.memory_space<vmem>>
    %dma_start3A_45 = arith.constant 0 : i32
    %dma_start3A_46 = tpu.memref_slice %arg7[%dma_start3A_38, %dma_start3A_45] : memref<79x128xi32, #tpu.memory_space<vmem>> -> memref<1x128xi32, #tpu.memory_space<vmem>>
    %dma_start3A_47 = tpu.memref_squeeze %dma_start3A_46 : memref<1x128xi32, #tpu.memory_space<vmem>> -> memref<128xi32, #tpu.memory_space<vmem>>
    %dma_start3A_48 = arith.constant 0 : i32
    %dma_start3A_49 = arith.constant 0 : i32
    %dma_start3A_50 = tpu.memref_slice %arg11[%dma_start3A_48, %dma_start3A_49] : memref<10000x16xf32, #tpu.memory_space<vmem_shared>> -> memref<10000x16xf32, #tpu.memory_space<vmem_shared>>
    %dma_start3A_51 = tpu.memref_slice %arg12[%dma_start3A_40] : memref<8x!tpu.dma_semaphore, #tpu.memory_space<semaphore_mem>> -> memref<1x!tpu.dma_semaphore, #tpu.memory_space<semaphore_mem>>
    %dma_start3A_52 = tpu.memref_squeeze %dma_start3A_51 : memref<1x!tpu.dma_semaphore, #tpu.memory_space<semaphore_mem>> -> memref<!tpu.dma_semaphore, #tpu.memory_space<semaphore_mem>>
    tpu.enqueue_indirect_dma source(%dma_start3A_50 : memref<10000x16xf32, #tpu.memory_space<vmem_shared>>) target(%dma_start3A_44 : memref<128x16xf32, #tpu.memory_space<vmem>>) offsets(%dma_start3A_47 : memref<128xi32, #tpu.memory_space<vmem>>) semaphore(%dma_start3A_52 : memref<!tpu.dma_semaphore, #tpu.memory_space<semaphore_mem>>)
    %dma_start3A_53 = arith.constant 3 : i32
    %dma_start3A_54 = arith.constant 3 : i32
    %dma_start3A_55 = arith.constant 3 : i32
    %dma_start3A_56 = arith.constant 0 : i32
    %dma_start3A_57 = arith.constant 0 : i32
    %dma_start3A_58 = tpu.memref_slice %arg9[%dma_start3A_54, %dma_start3A_56, %dma_start3A_57] : memref<8x128x16xf32, #tpu.memory_space<vmem>> -> memref<1x128x16xf32, #tpu.memory_space<vmem>>
    %dma_start3A_59 = tpu.memref_squeeze %dma_start3A_58 : memref<1x128x16xf32, #tpu.memory_space<vmem>> -> memref<128x16xf32, #tpu.memory_space<vmem>>
    %dma_start3A_60 = arith.constant 0 : i32
    %dma_start3A_61 = tpu.memref_slice %arg7[%dma_start3A_53, %dma_start3A_60] : memref<79x128xi32, #tpu.memory_space<vmem>> -> memref<1x128xi32, #tpu.memory_space<vmem>>
    %dma_start3A_62 = tpu.memref_squeeze %dma_start3A_61 : memref<1x128xi32, #tpu.memory_space<vmem>> -> memref<128xi32, #tpu.memory_space<vmem>>
    %dma_start3A_63 = arith.constant 0 : i32
    %dma_start3A_64 = arith.constant 0 : i32
    %dma_start3A_65 = tpu.memref_slice %arg11[%dma_start3A_63, %dma_start3A_64] : memref<10000x16xf32, #tpu.memory_space<vmem_shared>> -> memref<10000x16xf32, #tpu.memory_space<vmem_shared>>
    %dma_start3A_66 = tpu.memref_slice %arg12[%dma_start3A_55] : memref<8x!tpu.dma_semaphore, #tpu.memory_space<semaphore_mem>> -> memref<1x!tpu.dma_semaphore, #tpu.memory_space<semaphore_mem>>
    %dma_start3A_67 = tpu.memref_squeeze %dma_start3A_66 : memref<1x!tpu.dma_semaphore, #tpu.memory_space<semaphore_mem>> -> memref<!tpu.dma_semaphore, #tpu.memory_space<semaphore_mem>>
    tpu.enqueue_indirect_dma source(%dma_start3A_65 : memref<10000x16xf32, #tpu.memory_space<vmem_shared>>) target(%dma_start3A_59 : memref<128x16xf32, #tpu.memory_space<vmem>>) offsets(%dma_start3A_62 : memref<128xi32, #tpu.memory_space<vmem>>) semaphore(%dma_start3A_67 : memref<!tpu.dma_semaphore, #tpu.memory_space<semaphore_mem>>)
    %dma_start3A_68 = arith.constant 4 : i32
    %dma_start3A_69 = arith.constant 4 : i32
    %dma_start3A_70 = arith.constant 4 : i32
    %dma_start3A_71 = arith.constant 0 : i32
    %dma_start3A_72 = arith.constant 0 : i32
    %dma_start3A_73 = tpu.memref_slice %arg9[%dma_start3A_69, %dma_start3A_71, %dma_start3A_72] : memref<8x128x16xf32, #tpu.memory_space<vmem>> -> memref<1x128x16xf32, #tpu.memory_space<vmem>>
    %dma_start3A_74 = tpu.memref_squeeze %dma_start3A_73 : memref<1x128x16xf32, #tpu.memory_space<vmem>> -> memref<128x16xf32, #tpu.memory_space<vmem>>
    %dma_start3A_75 = arith.constant 0 : i32
    %dma_start3A_76 = tpu.memref_slice %arg7[%dma_start3A_68, %dma_start3A_75] : memref<79x128xi32, #tpu.memory_space<vmem>> -> memref<1x128xi32, #tpu.memory_space<vmem>>
    %dma_start3A_77 = tpu.memref_squeeze %dma_start3A_76 : memref<1x128xi32, #tpu.memory_space<vmem>> -> memref<128xi32, #tpu.memory_space<vmem>>
    %dma_start3A_78 = arith.constant 0 : i32
    %dma_start3A_79 = arith.constant 0 : i32
    %dma_start3A_80 = tpu.memref_slice %arg11[%dma_start3A_78, %dma_start3A_79] : memref<10000x16xf32, #tpu.memory_space<vmem_shared>> -> memref<10000x16xf32, #tpu.memory_space<vmem_shared>>
    %dma_start3A_81 = tpu.memref_slice %arg12[%dma_start3A_70] : memref<8x!tpu.dma_semaphore, #tpu.memory_space<semaphore_mem>> -> memref<1x!tpu.dma_semaphore, #tpu.memory_space<semaphore_mem>>
    %dma_start3A_82 = tpu.memref_squeeze %dma_start3A_81 : memref<1x!tpu.dma_semaphore, #tpu.memory_space<semaphore_mem>> -> memref<!tpu.dma_semaphore, #tpu.memory_space<semaphore_mem>>
    tpu.enqueue_indirect_dma source(%dma_start3A_80 : memref<10000x16xf32, #tpu.memory_space<vmem_shared>>) target(%dma_start3A_74 : memref<128x16xf32, #tpu.memory_space<vmem>>) offsets(%dma_start3A_77 : memref<128xi32, #tpu.memory_space<vmem>>) semaphore(%dma_start3A_82 : memref<!tpu.dma_semaphore, #tpu.memory_space<semaphore_mem>>)
    %dma_start3A_83 = arith.constant 5 : i32
    %dma_start3A_84 = arith.constant 5 : i32
    %dma_start3A_85 = arith.constant 5 : i32
    %dma_start3A_86 = arith.constant 0 : i32
    %dma_start3A_87 = arith.constant 0 : i32
    %dma_start3A_88 = tpu.memref_slice %arg9[%dma_start3A_84, %dma_start3A_86, %dma_start3A_87] : memref<8x128x16xf32, #tpu.memory_space<vmem>> -> memref<1x128x16xf32, #tpu.memory_space<vmem>>
    %dma_start3A_89 = tpu.memref_squeeze %dma_start3A_88 : memref<1x128x16xf32, #tpu.memory_space<vmem>> -> memref<128x16xf32, #tpu.memory_space<vmem>>
    %dma_start3A_90 = arith.constant 0 : i32
    %dma_start3A_91 = tpu.memref_slice %arg7[%dma_start3A_83, %dma_start3A_90] : memref<79x128xi32, #tpu.memory_space<vmem>> -> memref<1x128xi32, #tpu.memory_space<vmem>>
    %dma_start3A_92 = tpu.memref_squeeze %dma_start3A_91 : memref<1x128xi32, #tpu.memory_space<vmem>> -> memref<128xi32, #tpu.memory_space<vmem>>
    %dma_start3A_93 = arith.constant 0 : i32
    %dma_start3A_94 = arith.constant 0 : i32
    %dma_start3A_95 = tpu.memref_slice %arg11[%dma_start3A_93, %dma_start3A_94] : memref<10000x16xf32, #tpu.memory_space<vmem_shared>> -> memref<10000x16xf32, #tpu.memory_space<vmem_shared>>
    %dma_start3A_96 = tpu.memref_slice %arg12[%dma_start3A_85] : memref<8x!tpu.dma_semaphore, #tpu.memory_space<semaphore_mem>> -> memref<1x!tpu.dma_semaphore, #tpu.memory_space<semaphore_mem>>
    %dma_start3A_97 = tpu.memref_squeeze %dma_start3A_96 : memref<1x!tpu.dma_semaphore, #tpu.memory_space<semaphore_mem>> -> memref<!tpu.dma_semaphore, #tpu.memory_space<semaphore_mem>>
    tpu.enqueue_indirect_dma source(%dma_start3A_95 : memref<10000x16xf32, #tpu.memory_space<vmem_shared>>) target(%dma_start3A_89 : memref<128x16xf32, #tpu.memory_space<vmem>>) offsets(%dma_start3A_92 : memref<128xi32, #tpu.memory_space<vmem>>) semaphore(%dma_start3A_97 : memref<!tpu.dma_semaphore, #tpu.memory_space<semaphore_mem>>)
    %dma_start3A_98 = arith.constant 6 : i32
    %dma_start3A_99 = arith.constant 6 : i32
    %dma_start3A_100 = arith.constant 6 : i32
    %dma_start3A_101 = arith.constant 0 : i32
    %dma_start3A_102 = arith.constant 0 : i32
    %dma_start3A_103 = tpu.memref_slice %arg9[%dma_start3A_99, %dma_start3A_101, %dma_start3A_102] : memref<8x128x16xf32, #tpu.memory_space<vmem>> -> memref<1x128x16xf32, #tpu.memory_space<vmem>>
    %dma_start3A_104 = tpu.memref_squeeze %dma_start3A_103 : memref<1x128x16xf32, #tpu.memory_space<vmem>> -> memref<128x16xf32, #tpu.memory_space<vmem>>
    %dma_start3A_105 = arith.constant 0 : i32
    %dma_start3A_106 = tpu.memref_slice %arg7[%dma_start3A_98, %dma_start3A_105] : memref<79x128xi32, #tpu.memory_space<vmem>> -> memref<1x128xi32, #tpu.memory_space<vmem>>
    %dma_start3A_107 = tpu.memref_squeeze %dma_start3A_106 : memref<1x128xi32, #tpu.memory_space<vmem>> -> memref<128xi32, #tpu.memory_space<vmem>>
    %dma_start3A_108 = arith.constant 0 : i32
    %dma_start3A_109 = arith.constant 0 : i32
    %dma_start3A_110 = tpu.memref_slice %arg11[%dma_start3A_108, %dma_start3A_109] : memref<10000x16xf32, #tpu.memory_space<vmem_shared>> -> memref<10000x16xf32, #tpu.memory_space<vmem_shared>>
    %dma_start3A_111 = tpu.memref_slice %arg12[%dma_start3A_100] : memref<8x!tpu.dma_semaphore, #tpu.memory_space<semaphore_mem>> -> memref<1x!tpu.dma_semaphore, #tpu.memory_space<semaphore_mem>>
    %dma_start3A_112 = tpu.memref_squeeze %dma_start3A_111 : memref<1x!tpu.dma_semaphore, #tpu.memory_space<semaphore_mem>> -> memref<!tpu.dma_semaphore, #tpu.memory_space<semaphore_mem>>
    tpu.enqueue_indirect_dma source(%dma_start3A_110 : memref<10000x16xf32, #tpu.memory_space<vmem_shared>>) target(%dma_start3A_104 : memref<128x16xf32, #tpu.memory_space<vmem>>) offsets(%dma_start3A_107 : memref<128xi32, #tpu.memory_space<vmem>>) semaphore(%dma_start3A_112 : memref<!tpu.dma_semaphore, #tpu.memory_space<semaphore_mem>>)
    %dma_start3A_113 = arith.constant 7 : i32
    %dma_start3A_114 = arith.constant 7 : i32
    %dma_start3A_115 = arith.constant 7 : i32
    %dma_start3A_116 = arith.constant 0 : i32
    %dma_start3A_117 = arith.constant 0 : i32
    %dma_start3A_118 = tpu.memref_slice %arg9[%dma_start3A_114, %dma_start3A_116, %dma_start3A_117] : memref<8x128x16xf32, #tpu.memory_space<vmem>> -> memref<1x128x16xf32, #tpu.memory_space<vmem>>
    %dma_start3A_119 = tpu.memref_squeeze %dma_start3A_118 : memref<1x128x16xf32, #tpu.memory_space<vmem>> -> memref<128x16xf32, #tpu.memory_space<vmem>>
    %dma_start3A_120 = arith.constant 0 : i32
    %dma_start3A_121 = tpu.memref_slice %arg7[%dma_start3A_113, %dma_start3A_120] : memref<79x128xi32, #tpu.memory_space<vmem>> -> memref<1x128xi32, #tpu.memory_space<vmem>>
    %dma_start3A_122 = tpu.memref_squeeze %dma_start3A_121 : memref<1x128xi32, #tpu.memory_space<vmem>> -> memref<128xi32, #tpu.memory_space<vmem>>
    %dma_start3A_123 = arith.constant 0 : i32
    %dma_start3A_124 = arith.constant 0 : i32
    %dma_start3A_125 = tpu.memref_slice %arg11[%dma_start3A_123, %dma_start3A_124] : memref<10000x16xf32, #tpu.memory_space<vmem_shared>> -> memref<10000x16xf32, #tpu.memory_space<vmem_shared>>
    %dma_start3A_126 = tpu.memref_slice %arg12[%dma_start3A_115] : memref<8x!tpu.dma_semaphore, #tpu.memory_space<semaphore_mem>> -> memref<1x!tpu.dma_semaphore, #tpu.memory_space<semaphore_mem>>
    %dma_start3A_127 = tpu.memref_squeeze %dma_start3A_126 : memref<1x!tpu.dma_semaphore, #tpu.memory_space<semaphore_mem>> -> memref<!tpu.dma_semaphore, #tpu.memory_space<semaphore_mem>>
    tpu.enqueue_indirect_dma source(%dma_start3A_125 : memref<10000x16xf32, #tpu.memory_space<vmem_shared>>) target(%dma_start3A_119 : memref<128x16xf32, #tpu.memory_space<vmem>>) offsets(%dma_start3A_122 : memref<128xi32, #tpu.memory_space<vmem>>) semaphore(%dma_start3A_127 : memref<!tpu.dma_semaphore, #tpu.memory_space<semaphore_mem>>)
    %dma_wait3A = arith.constant 0 : i32
    %dma_wait3A_128 = arith.constant 0 : i32
    %dma_wait3A_129 = arith.constant 0 : i32
    %dma_wait3A_130 = arith.constant 0 : i32
    %dma_wait3A_131 = arith.constant 0 : i32
    %dma_wait3A_132 = tpu.memref_slice %arg9[%dma_wait3A_128, %dma_wait3A_130, %dma_wait3A_131] : memref<8x128x16xf32, #tpu.memory_space<vmem>> -> memref<1x128x16xf32, #tpu.memory_space<vmem>>
    %dma_wait3A_133 = tpu.memref_squeeze %dma_wait3A_132 : memref<1x128x16xf32, #tpu.memory_space<vmem>> -> memref<128x16xf32, #tpu.memory_space<vmem>>
    %dma_wait3A_134 = arith.constant 0 : i32
    %dma_wait3A_135 = tpu.memref_slice %arg7[%dma_wait3A, %dma_wait3A_134] : memref<79x128xi32, #tpu.memory_space<vmem>> -> memref<1x128xi32, #tpu.memory_space<vmem>>
    %dma_wait3A_136 = tpu.memref_squeeze %dma_wait3A_135 : memref<1x128xi32, #tpu.memory_space<vmem>> -> memref<128xi32, #tpu.memory_space<vmem>>
    %dma_wait3A_137 = arith.constant 0 : i32
    %dma_wait3A_138 = arith.constant 0 : i32
    %dma_wait3A_139 = tpu.memref_slice %arg11[%dma_wait3A_137, %dma_wait3A_138] : memref<10000x16xf32, #tpu.memory_space<vmem_shared>> -> memref<10000x16xf32, #tpu.memory_space<vmem_shared>>
    %dma_wait3A_140 = tpu.memref_slice %arg12[%dma_wait3A_129] : memref<8x!tpu.dma_semaphore, #tpu.memory_space<semaphore_mem>> -> memref<1x!tpu.dma_semaphore, #tpu.memory_space<semaphore_mem>>
    %dma_wait3A_141 = tpu.memref_squeeze %dma_wait3A_140 : memref<1x!tpu.dma_semaphore, #tpu.memory_space<semaphore_mem>> -> memref<!tpu.dma_semaphore, #tpu.memory_space<semaphore_mem>>
    tpu.wait_indirect_dma semaphore(%dma_wait3A_141 : memref<!tpu.dma_semaphore, #tpu.memory_space<semaphore_mem>>) src(%dma_wait3A_139 : memref<10000x16xf32, #tpu.memory_space<vmem_shared>>) dst(%dma_wait3A_133 : memref<128x16xf32, #tpu.memory_space<vmem>>)
    %dma_start3A_142 = arith.constant 0 : i32
    %dma_start3A_143 = arith.constant 0 : i32
    %dma_start3A_144 = arith.constant 0 : i32
    %dma_start3A_145 = arith.constant 0 : i32
    %dma_start3A_146 = arith.constant 0 : i32
    %dma_start3A_147 = tpu.memref_slice %arg9[%dma_start3A_142, %dma_start3A_145, %dma_start3A_146] : memref<8x128x16xf32, #tpu.memory_space<vmem>> -> memref<1x128x16xf32, #tpu.memory_space<vmem>>
    %dma_start3A_148 = tpu.memref_squeeze %dma_start3A_147 : memref<1x128x16xf32, #tpu.memory_space<vmem>> -> memref<128x16xf32, #tpu.memory_space<vmem>>
    %dma_start3A_149 = arith.constant 0 : i32
    %dma_start3A_150 = tpu.memref_slice %arg8[%dma_start3A_143, %dma_start3A_149] : memref<79x128xi32, #tpu.memory_space<vmem>> -> memref<1x128xi32, #tpu.memory_space<vmem>>
    %dma_start3A_151 = tpu.memref_squeeze %dma_start3A_150 : memref<1x128xi32, #tpu.memory_space<vmem>> -> memref<128xi32, #tpu.memory_space<vmem>>
    %dma_start3A_152 = arith.constant 0 : i32
    %dma_start3A_153 = arith.constant 0 : i32
    %dma_start3A_154 = tpu.memref_slice %arg10[%dma_start3A_152, %dma_start3A_153] : memref<10112x16xf32, #tpu.memory_space<vmem_shared>> -> memref<10112x16xf32, #tpu.memory_space<vmem_shared>>
    %dma_start3A_155 = tpu.memref_slice %arg13[%dma_start3A_144] : memref<8x!tpu.dma_semaphore, #tpu.memory_space<semaphore_mem>> -> memref<1x!tpu.dma_semaphore, #tpu.memory_space<semaphore_mem>>
    %dma_start3A_156 = tpu.memref_squeeze %dma_start3A_155 : memref<1x!tpu.dma_semaphore, #tpu.memory_space<semaphore_mem>> -> memref<!tpu.dma_semaphore, #tpu.memory_space<semaphore_mem>>
    tpu.enqueue_indirect_dma source(%dma_start3A_148 : memref<128x16xf32, #tpu.memory_space<vmem>>) target(%dma_start3A_154 : memref<10112x16xf32, #tpu.memory_space<vmem_shared>>) offsets(%dma_start3A_151 : memref<128xi32, #tpu.memory_space<vmem>>) semaphore(%dma_start3A_156 : memref<!tpu.dma_semaphore, #tpu.memory_space<semaphore_mem>>) {add = true}
    %scan3A = arith.constant 0 : i32
    %scan3A_157 = arith.constant 1 : i32
    %scan3A_158 = arith.constant 71 : i32
    %scan3A_159 = arith.addi %scan3A_157, %scan3A_158 : i32
    %scan3A_160 = arith.constant 1 : i32
    scf.for %scan3A_497 = %scan3A_157 to %scan3A_159 step %scan3A_160  : i32 {
      %rem3A = arith.constant 8 : i32
      %rem3A_498 = arith.remsi %scan3A_497, %rem3A : i32
      %sub3A = arith.constant 1 : i32
      %sub3A_499 = arith.subi %scan3A_497, %sub3A : i32
      %rem3A_500 = arith.constant 8 : i32
      %rem3A_501 = arith.remsi %sub3A_499, %rem3A_500 : i32
      %dma_wait3A_502 = arith.constant 0 : i32
      %dma_wait3A_503 = arith.constant 0 : i32
      %dma_wait3A_504 = tpu.memref_slice %arg9[%rem3A_498, %dma_wait3A_502, %dma_wait3A_503] : memref<8x128x16xf32, #tpu.memory_space<vmem>> -> memref<1x128x16xf32, #tpu.memory_space<vmem>>
      %dma_wait3A_505 = tpu.memref_squeeze %dma_wait3A_504 : memref<1x128x16xf32, #tpu.memory_space<vmem>> -> memref<128x16xf32, #tpu.memory_space<vmem>>
      %dma_wait3A_506 = arith.constant 0 : i32
      %dma_wait3A_507 = tpu.memref_slice %arg7[%scan3A_497, %dma_wait3A_506] : memref<79x128xi32, #tpu.memory_space<vmem>> -> memref<1x128xi32, #tpu.memory_space<vmem>>
      %dma_wait3A_508 = tpu.memref_squeeze %dma_wait3A_507 : memref<1x128xi32, #tpu.memory_space<vmem>> -> memref<128xi32, #tpu.memory_space<vmem>>
      %dma_wait3A_509 = arith.constant 0 : i32
      %dma_wait3A_510 = arith.constant 0 : i32
      %dma_wait3A_511 = tpu.memref_slice %arg11[%dma_wait3A_509, %dma_wait3A_510] : memref<10000x16xf32, #tpu.memory_space<vmem_shared>> -> memref<10000x16xf32, #tpu.memory_space<vmem_shared>>
      %dma_wait3A_512 = tpu.memref_slice %arg12[%rem3A_498] : memref<8x!tpu.dma_semaphore, #tpu.memory_space<semaphore_mem>> -> memref<1x!tpu.dma_semaphore, #tpu.memory_space<semaphore_mem>>
      %dma_wait3A_513 = tpu.memref_squeeze %dma_wait3A_512 : memref<1x!tpu.dma_semaphore, #tpu.memory_space<semaphore_mem>> -> memref<!tpu.dma_semaphore, #tpu.memory_space<semaphore_mem>>
      tpu.wait_indirect_dma semaphore(%dma_wait3A_513 : memref<!tpu.dma_semaphore, #tpu.memory_space<semaphore_mem>>) src(%dma_wait3A_511 : memref<10000x16xf32, #tpu.memory_space<vmem_shared>>) dst(%dma_wait3A_505 : memref<128x16xf32, #tpu.memory_space<vmem>>)
      %dma_start3A_514 = arith.constant 0 : i32
      %dma_start3A_515 = arith.constant 0 : i32
      %dma_start3A_516 = tpu.memref_slice %arg9[%rem3A_498, %dma_start3A_514, %dma_start3A_515] : memref<8x128x16xf32, #tpu.memory_space<vmem>> -> memref<1x128x16xf32, #tpu.memory_space<vmem>>
      %dma_start3A_517 = tpu.memref_squeeze %dma_start3A_516 : memref<1x128x16xf32, #tpu.memory_space<vmem>> -> memref<128x16xf32, #tpu.memory_space<vmem>>
      %dma_start3A_518 = arith.constant 0 : i32
      %dma_start3A_519 = tpu.memref_slice %arg8[%scan3A_497, %dma_start3A_518] : memref<79x128xi32, #tpu.memory_space<vmem>> -> memref<1x128xi32, #tpu.memory_space<vmem>>
      %dma_start3A_520 = tpu.memref_squeeze %dma_start3A_519 : memref<1x128xi32, #tpu.memory_space<vmem>> -> memref<128xi32, #tpu.memory_space<vmem>>
      %dma_start3A_521 = arith.constant 0 : i32
      %dma_start3A_522 = arith.constant 0 : i32
      %dma_start3A_523 = tpu.memref_slice %arg10[%dma_start3A_521, %dma_start3A_522] : memref<10112x16xf32, #tpu.memory_space<vmem_shared>> -> memref<10112x16xf32, #tpu.memory_space<vmem_shared>>
      %dma_start3A_524 = tpu.memref_slice %arg13[%rem3A_498] : memref<8x!tpu.dma_semaphore, #tpu.memory_space<semaphore_mem>> -> memref<1x!tpu.dma_semaphore, #tpu.memory_space<semaphore_mem>>
      %dma_start3A_525 = tpu.memref_squeeze %dma_start3A_524 : memref<1x!tpu.dma_semaphore, #tpu.memory_space<semaphore_mem>> -> memref<!tpu.dma_semaphore, #tpu.memory_space<semaphore_mem>>
      tpu.enqueue_indirect_dma source(%dma_start3A_517 : memref<128x16xf32, #tpu.memory_space<vmem>>) target(%dma_start3A_523 : memref<10112x16xf32, #tpu.memory_space<vmem_shared>>) offsets(%dma_start3A_520 : memref<128xi32, #tpu.memory_space<vmem>>) semaphore(%dma_start3A_525 : memref<!tpu.dma_semaphore, #tpu.memory_space<semaphore_mem>>) {add = true}
      %sub3A_526 = arith.constant 1 : i32
      %sub3A_527 = arith.subi %scan3A_497, %sub3A_526 : i32
      %dma_wait3A_528 = arith.constant 0 : i32
      %dma_wait3A_529 = arith.constant 0 : i32
      %dma_wait3A_530 = tpu.memref_slice %arg9[%rem3A_501, %dma_wait3A_528, %dma_wait3A_529] : memref<8x128x16xf32, #tpu.memory_space<vmem>> -> memref<1x128x16xf32, #tpu.memory_space<vmem>>
      %dma_wait3A_531 = tpu.memref_squeeze %dma_wait3A_530 : memref<1x128x16xf32, #tpu.memory_space<vmem>> -> memref<128x16xf32, #tpu.memory_space<vmem>>
      %dma_wait3A_532 = arith.constant 0 : i32
      %dma_wait3A_533 = tpu.memref_slice %arg8[%sub3A_527, %dma_wait3A_532] : memref<79x128xi32, #tpu.memory_space<vmem>> -> memref<1x128xi32, #tpu.memory_space<vmem>>
      %dma_wait3A_534 = tpu.memref_squeeze %dma_wait3A_533 : memref<1x128xi32, #tpu.memory_space<vmem>> -> memref<128xi32, #tpu.memory_space<vmem>>
      %dma_wait3A_535 = arith.constant 0 : i32
      %dma_wait3A_536 = arith.constant 0 : i32
      %dma_wait3A_537 = tpu.memref_slice %arg10[%dma_wait3A_535, %dma_wait3A_536] : memref<10112x16xf32, #tpu.memory_space<vmem_shared>> -> memref<10112x16xf32, #tpu.memory_space<vmem_shared>>
      %dma_wait3A_538 = tpu.memref_slice %arg13[%rem3A_501] : memref<8x!tpu.dma_semaphore, #tpu.memory_space<semaphore_mem>> -> memref<1x!tpu.dma_semaphore, #tpu.memory_space<semaphore_mem>>
      %dma_wait3A_539 = tpu.memref_squeeze %dma_wait3A_538 : memref<1x!tpu.dma_semaphore, #tpu.memory_space<semaphore_mem>> -> memref<!tpu.dma_semaphore, #tpu.memory_space<semaphore_mem>>
      tpu.wait_indirect_dma semaphore(%dma_wait3A_539 : memref<!tpu.dma_semaphore, #tpu.memory_space<semaphore_mem>>) src(%dma_wait3A_531 : memref<128x16xf32, #tpu.memory_space<vmem>>) dst(%dma_wait3A_537 : memref<10112x16xf32, #tpu.memory_space<vmem_shared>>)
      %sub3A_540 = arith.constant 1 : i32
      %sub3A_541 = arith.subi %scan3A_497, %sub3A_540 : i32
      %add3A_542 = arith.constant 8 : i32
      %add3A_543 = arith.addi %sub3A_541, %add3A_542 : i32
      %dma_start3A_544 = arith.constant 0 : i32
      %dma_start3A_545 = arith.constant 0 : i32
      %dma_start3A_546 = tpu.memref_slice %arg9[%rem3A_501, %dma_start3A_544, %dma_start3A_545] : memref<8x128x16xf32, #tpu.memory_space<vmem>> -> memref<1x128x16xf32, #tpu.memory_space<vmem>>
      %dma_start3A_547 = tpu.memref_squeeze %dma_start3A_546 : memref<1x128x16xf32, #tpu.memory_space<vmem>> -> memref<128x16xf32, #tpu.memory_space<vmem>>
      %dma_start3A_548 = arith.constant 0 : i32
      %dma_start3A_549 = tpu.memref_slice %arg7[%add3A_543, %dma_start3A_548] : memref<79x128xi32, #tpu.memory_space<vmem>> -> memref<1x128xi32, #tpu.memory_space<vmem>>
      %dma_start3A_550 = tpu.memref_squeeze %dma_start3A_549 : memref<1x128xi32, #tpu.memory_space<vmem>> -> memref<128xi32, #tpu.memory_space<vmem>>
      %dma_start3A_551 = arith.constant 0 : i32
      %dma_start3A_552 = arith.constant 0 : i32
      %dma_start3A_553 = tpu.memref_slice %arg11[%dma_start3A_551, %dma_start3A_552] : memref<10000x16xf32, #tpu.memory_space<vmem_shared>> -> memref<10000x16xf32, #tpu.memory_space<vmem_shared>>
      %dma_start3A_554 = tpu.memref_slice %arg12[%rem3A_501] : memref<8x!tpu.dma_semaphore, #tpu.memory_space<semaphore_mem>> -> memref<1x!tpu.dma_semaphore, #tpu.memory_space<semaphore_mem>>
      %dma_start3A_555 = tpu.memref_squeeze %dma_start3A_554 : memref<1x!tpu.dma_semaphore, #tpu.memory_space<semaphore_mem>> -> memref<!tpu.dma_semaphore, #tpu.memory_space<semaphore_mem>>
      tpu.enqueue_indirect_dma source(%dma_start3A_553 : memref<10000x16xf32, #tpu.memory_space<vmem_shared>>) target(%dma_start3A_547 : memref<128x16xf32, #tpu.memory_space<vmem>>) offsets(%dma_start3A_550 : memref<128xi32, #tpu.memory_space<vmem>>) semaphore(%dma_start3A_555 : memref<!tpu.dma_semaphore, #tpu.memory_space<semaphore_mem>>)
    }
    %scan3A_161 = arith.constant 71 : i32
    %dma_wait3A_162 = arith.constant 72 : i32
    %dma_wait3A_163 = arith.constant 0 : i32
    %dma_wait3A_164 = arith.constant 0 : i32
    %dma_wait3A_165 = arith.constant 0 : i32
    %dma_wait3A_166 = arith.constant 0 : i32
    %dma_wait3A_167 = tpu.memref_slice %arg9[%dma_wait3A_163, %dma_wait3A_165, %dma_wait3A_166] : memref<8x128x16xf32, #tpu.memory_space<vmem>> -> memref<1x128x16xf32, #tpu.memory_space<vmem>>
    %dma_wait3A_168 = tpu.memref_squeeze %dma_wait3A_167 : memref<1x128x16xf32, #tpu.memory_space<vmem>> -> memref<128x16xf32, #tpu.memory_space<vmem>>
    %dma_wait3A_169 = arith.constant 0 : i32
    %dma_wait3A_170 = tpu.memref_slice %arg7[%dma_wait3A_162, %dma_wait3A_169] : memref<79x128xi32, #tpu.memory_space<vmem>> -> memref<1x128xi32, #tpu.memory_space<vmem>>
    %dma_wait3A_171 = tpu.memref_squeeze %dma_wait3A_170 : memref<1x128xi32, #tpu.memory_space<vmem>> -> memref<128xi32, #tpu.memory_space<vmem>>
    %dma_wait3A_172 = arith.constant 0 : i32
    %dma_wait3A_173 = arith.constant 0 : i32
    %dma_wait3A_174 = tpu.memref_slice %arg11[%dma_wait3A_172, %dma_wait3A_173] : memref<10000x16xf32, #tpu.memory_space<vmem_shared>> -> memref<10000x16xf32, #tpu.memory_space<vmem_shared>>
    %dma_wait3A_175 = tpu.memref_slice %arg12[%dma_wait3A_164] : memref<8x!tpu.dma_semaphore, #tpu.memory_space<semaphore_mem>> -> memref<1x!tpu.dma_semaphore, #tpu.memory_space<semaphore_mem>>
    %dma_wait3A_176 = tpu.memref_squeeze %dma_wait3A_175 : memref<1x!tpu.dma_semaphore, #tpu.memory_space<semaphore_mem>> -> memref<!tpu.dma_semaphore, #tpu.memory_space<semaphore_mem>>
    tpu.wait_indirect_dma semaphore(%dma_wait3A_176 : memref<!tpu.dma_semaphore, #tpu.memory_space<semaphore_mem>>) src(%dma_wait3A_174 : memref<10000x16xf32, #tpu.memory_space<vmem_shared>>) dst(%dma_wait3A_168 : memref<128x16xf32, #tpu.memory_space<vmem>>)
    %dma_start3A_177 = arith.constant 0 : i32
    %dma_start3A_178 = arith.constant 72 : i32
    %dma_start3A_179 = arith.constant 0 : i32
    %dma_start3A_180 = arith.constant 0 : i32
    %dma_start3A_181 = arith.constant 0 : i32
    %dma_start3A_182 = tpu.memref_slice %arg9[%dma_start3A_177, %dma_start3A_180, %dma_start3A_181] : memref<8x128x16xf32, #tpu.memory_space<vmem>> -> memref<1x128x16xf32, #tpu.memory_space<vmem>>
    %dma_start3A_183 = tpu.memref_squeeze %dma_start3A_182 : memref<1x128x16xf32, #tpu.memory_space<vmem>> -> memref<128x16xf32, #tpu.memory_space<vmem>>
    %dma_start3A_184 = arith.constant 0 : i32
    %dma_start3A_185 = tpu.memref_slice %arg8[%dma_start3A_178, %dma_start3A_184] : memref<79x128xi32, #tpu.memory_space<vmem>> -> memref<1x128xi32, #tpu.memory_space<vmem>>
    %dma_start3A_186 = tpu.memref_squeeze %dma_start3A_185 : memref<1x128xi32, #tpu.memory_space<vmem>> -> memref<128xi32, #tpu.memory_space<vmem>>
    %dma_start3A_187 = arith.constant 0 : i32
    %dma_start3A_188 = arith.constant 0 : i32
    %dma_start3A_189 = tpu.memref_slice %arg10[%dma_start3A_187, %dma_start3A_188] : memref<10112x16xf32, #tpu.memory_space<vmem_shared>> -> memref<10112x16xf32, #tpu.memory_space<vmem_shared>>
    %dma_start3A_190 = tpu.memref_slice %arg13[%dma_start3A_179] : memref<8x!tpu.dma_semaphore, #tpu.memory_space<semaphore_mem>> -> memref<1x!tpu.dma_semaphore, #tpu.memory_space<semaphore_mem>>
    %dma_start3A_191 = tpu.memref_squeeze %dma_start3A_190 : memref<1x!tpu.dma_semaphore, #tpu.memory_space<semaphore_mem>> -> memref<!tpu.dma_semaphore, #tpu.memory_space<semaphore_mem>>
    tpu.enqueue_indirect_dma source(%dma_start3A_183 : memref<128x16xf32, #tpu.memory_space<vmem>>) target(%dma_start3A_189 : memref<10112x16xf32, #tpu.memory_space<vmem_shared>>) offsets(%dma_start3A_186 : memref<128xi32, #tpu.memory_space<vmem>>) semaphore(%dma_start3A_191 : memref<!tpu.dma_semaphore, #tpu.memory_space<semaphore_mem>>) {add = true}
    %dma_wait3A_192 = arith.constant 73 : i32
    %dma_wait3A_193 = arith.constant 1 : i32
    %dma_wait3A_194 = arith.constant 1 : i32
    %dma_wait3A_195 = arith.constant 0 : i32
    %dma_wait3A_196 = arith.constant 0 : i32
    %dma_wait3A_197 = tpu.memref_slice %arg9[%dma_wait3A_193, %dma_wait3A_195, %dma_wait3A_196] : memref<8x128x16xf32, #tpu.memory_space<vmem>> -> memref<1x128x16xf32, #tpu.memory_space<vmem>>
    %dma_wait3A_198 = tpu.memref_squeeze %dma_wait3A_197 : memref<1x128x16xf32, #tpu.memory_space<vmem>> -> memref<128x16xf32, #tpu.memory_space<vmem>>
    %dma_wait3A_199 = arith.constant 0 : i32
    %dma_wait3A_200 = tpu.memref_slice %arg7[%dma_wait3A_192, %dma_wait3A_199] : memref<79x128xi32, #tpu.memory_space<vmem>> -> memref<1x128xi32, #tpu.memory_space<vmem>>
    %dma_wait3A_201 = tpu.memref_squeeze %dma_wait3A_200 : memref<1x128xi32, #tpu.memory_space<vmem>> -> memref<128xi32, #tpu.memory_space<vmem>>
    %dma_wait3A_202 = arith.constant 0 : i32
    %dma_wait3A_203 = arith.constant 0 : i32
    %dma_wait3A_204 = tpu.memref_slice %arg11[%dma_wait3A_202, %dma_wait3A_203] : memref<10000x16xf32, #tpu.memory_space<vmem_shared>> -> memref<10000x16xf32, #tpu.memory_space<vmem_shared>>
    %dma_wait3A_205 = tpu.memref_slice %arg12[%dma_wait3A_194] : memref<8x!tpu.dma_semaphore, #tpu.memory_space<semaphore_mem>> -> memref<1x!tpu.dma_semaphore, #tpu.memory_space<semaphore_mem>>
    %dma_wait3A_206 = tpu.memref_squeeze %dma_wait3A_205 : memref<1x!tpu.dma_semaphore, #tpu.memory_space<semaphore_mem>> -> memref<!tpu.dma_semaphore, #tpu.memory_space<semaphore_mem>>
    tpu.wait_indirect_dma semaphore(%dma_wait3A_206 : memref<!tpu.dma_semaphore, #tpu.memory_space<semaphore_mem>>) src(%dma_wait3A_204 : memref<10000x16xf32, #tpu.memory_space<vmem_shared>>) dst(%dma_wait3A_198 : memref<128x16xf32, #tpu.memory_space<vmem>>)
    %dma_start3A_207 = arith.constant 1 : i32
    %dma_start3A_208 = arith.constant 73 : i32
    %dma_start3A_209 = arith.constant 1 : i32
    %dma_start3A_210 = arith.constant 0 : i32
    %dma_start3A_211 = arith.constant 0 : i32
    %dma_start3A_212 = tpu.memref_slice %arg9[%dma_start3A_207, %dma_start3A_210, %dma_start3A_211] : memref<8x128x16xf32, #tpu.memory_space<vmem>> -> memref<1x128x16xf32, #tpu.memory_space<vmem>>
    %dma_start3A_213 = tpu.memref_squeeze %dma_start3A_212 : memref<1x128x16xf32, #tpu.memory_space<vmem>> -> memref<128x16xf32, #tpu.memory_space<vmem>>
    %dma_start3A_214 = arith.constant 0 : i32
    %dma_start3A_215 = tpu.memref_slice %arg8[%dma_start3A_208, %dma_start3A_214] : memref<79x128xi32, #tpu.memory_space<vmem>> -> memref<1x128xi32, #tpu.memory_space<vmem>>
    %dma_start3A_216 = tpu.memref_squeeze %dma_start3A_215 : memref<1x128xi32, #tpu.memory_space<vmem>> -> memref<128xi32, #tpu.memory_space<vmem>>
    %dma_start3A_217 = arith.constant 0 : i32
    %dma_start3A_218 = arith.constant 0 : i32
    %dma_start3A_219 = tpu.memref_slice %arg10[%dma_start3A_217, %dma_start3A_218] : memref<10112x16xf32, #tpu.memory_space<vmem_shared>> -> memref<10112x16xf32, #tpu.memory_space<vmem_shared>>
    %dma_start3A_220 = tpu.memref_slice %arg13[%dma_start3A_209] : memref<8x!tpu.dma_semaphore, #tpu.memory_space<semaphore_mem>> -> memref<1x!tpu.dma_semaphore, #tpu.memory_space<semaphore_mem>>
    %dma_start3A_221 = tpu.memref_squeeze %dma_start3A_220 : memref<1x!tpu.dma_semaphore, #tpu.memory_space<semaphore_mem>> -> memref<!tpu.dma_semaphore, #tpu.memory_space<semaphore_mem>>
    tpu.enqueue_indirect_dma source(%dma_start3A_213 : memref<128x16xf32, #tpu.memory_space<vmem>>) target(%dma_start3A_219 : memref<10112x16xf32, #tpu.memory_space<vmem_shared>>) offsets(%dma_start3A_216 : memref<128xi32, #tpu.memory_space<vmem>>) semaphore(%dma_start3A_221 : memref<!tpu.dma_semaphore, #tpu.memory_space<semaphore_mem>>) {add = true}
    %dma_wait3A_222 = arith.constant 74 : i32
    %dma_wait3A_223 = arith.constant 2 : i32
    %dma_wait3A_224 = arith.constant 2 : i32
    %dma_wait3A_225 = arith.constant 0 : i32
    %dma_wait3A_226 = arith.constant 0 : i32
    %dma_wait3A_227 = tpu.memref_slice %arg9[%dma_wait3A_223, %dma_wait3A_225, %dma_wait3A_226] : memref<8x128x16xf32, #tpu.memory_space<vmem>> -> memref<1x128x16xf32, #tpu.memory_space<vmem>>
    %dma_wait3A_228 = tpu.memref_squeeze %dma_wait3A_227 : memref<1x128x16xf32, #tpu.memory_space<vmem>> -> memref<128x16xf32, #tpu.memory_space<vmem>>
    %dma_wait3A_229 = arith.constant 0 : i32
    %dma_wait3A_230 = tpu.memref_slice %arg7[%dma_wait3A_222, %dma_wait3A_229] : memref<79x128xi32, #tpu.memory_space<vmem>> -> memref<1x128xi32, #tpu.memory_space<vmem>>
    %dma_wait3A_231 = tpu.memref_squeeze %dma_wait3A_230 : memref<1x128xi32, #tpu.memory_space<vmem>> -> memref<128xi32, #tpu.memory_space<vmem>>
    %dma_wait3A_232 = arith.constant 0 : i32
    %dma_wait3A_233 = arith.constant 0 : i32
    %dma_wait3A_234 = tpu.memref_slice %arg11[%dma_wait3A_232, %dma_wait3A_233] : memref<10000x16xf32, #tpu.memory_space<vmem_shared>> -> memref<10000x16xf32, #tpu.memory_space<vmem_shared>>
    %dma_wait3A_235 = tpu.memref_slice %arg12[%dma_wait3A_224] : memref<8x!tpu.dma_semaphore, #tpu.memory_space<semaphore_mem>> -> memref<1x!tpu.dma_semaphore, #tpu.memory_space<semaphore_mem>>
    %dma_wait3A_236 = tpu.memref_squeeze %dma_wait3A_235 : memref<1x!tpu.dma_semaphore, #tpu.memory_space<semaphore_mem>> -> memref<!tpu.dma_semaphore, #tpu.memory_space<semaphore_mem>>
    tpu.wait_indirect_dma semaphore(%dma_wait3A_236 : memref<!tpu.dma_semaphore, #tpu.memory_space<semaphore_mem>>) src(%dma_wait3A_234 : memref<10000x16xf32, #tpu.memory_space<vmem_shared>>) dst(%dma_wait3A_228 : memref<128x16xf32, #tpu.memory_space<vmem>>)
    %dma_start3A_237 = arith.constant 2 : i32
    %dma_start3A_238 = arith.constant 74 : i32
    %dma_start3A_239 = arith.constant 2 : i32
    %dma_start3A_240 = arith.constant 0 : i32
    %dma_start3A_241 = arith.constant 0 : i32
    %dma_start3A_242 = tpu.memref_slice %arg9[%dma_start3A_237, %dma_start3A_240, %dma_start3A_241] : memref<8x128x16xf32, #tpu.memory_space<vmem>> -> memref<1x128x16xf32, #tpu.memory_space<vmem>>
    %dma_start3A_243 = tpu.memref_squeeze %dma_start3A_242 : memref<1x128x16xf32, #tpu.memory_space<vmem>> -> memref<128x16xf32, #tpu.memory_space<vmem>>
    %dma_start3A_244 = arith.constant 0 : i32
    %dma_start3A_245 = tpu.memref_slice %arg8[%dma_start3A_238, %dma_start3A_244] : memref<79x128xi32, #tpu.memory_space<vmem>> -> memref<1x128xi32, #tpu.memory_space<vmem>>
    %dma_start3A_246 = tpu.memref_squeeze %dma_start3A_245 : memref<1x128xi32, #tpu.memory_space<vmem>> -> memref<128xi32, #tpu.memory_space<vmem>>
    %dma_start3A_247 = arith.constant 0 : i32
    %dma_start3A_248 = arith.constant 0 : i32
    %dma_start3A_249 = tpu.memref_slice %arg10[%dma_start3A_247, %dma_start3A_248] : memref<10112x16xf32, #tpu.memory_space<vmem_shared>> -> memref<10112x16xf32, #tpu.memory_space<vmem_shared>>
    %dma_start3A_250 = tpu.memref_slice %arg13[%dma_start3A_239] : memref<8x!tpu.dma_semaphore, #tpu.memory_space<semaphore_mem>> -> memref<1x!tpu.dma_semaphore, #tpu.memory_space<semaphore_mem>>
    %dma_start3A_251 = tpu.memref_squeeze %dma_start3A_250 : memref<1x!tpu.dma_semaphore, #tpu.memory_space<semaphore_mem>> -> memref<!tpu.dma_semaphore, #tpu.memory_space<semaphore_mem>>
    tpu.enqueue_indirect_dma source(%dma_start3A_243 : memref<128x16xf32, #tpu.memory_space<vmem>>) target(%dma_start3A_249 : memref<10112x16xf32, #tpu.memory_space<vmem_shared>>) offsets(%dma_start3A_246 : memref<128xi32, #tpu.memory_space<vmem>>) semaphore(%dma_start3A_251 : memref<!tpu.dma_semaphore, #tpu.memory_space<semaphore_mem>>) {add = true}
    %dma_wait3A_252 = arith.constant 75 : i32
    %dma_wait3A_253 = arith.constant 3 : i32
    %dma_wait3A_254 = arith.constant 3 : i32
    %dma_wait3A_255 = arith.constant 0 : i32
    %dma_wait3A_256 = arith.constant 0 : i32
    %dma_wait3A_257 = tpu.memref_slice %arg9[%dma_wait3A_253, %dma_wait3A_255, %dma_wait3A_256] : memref<8x128x16xf32, #tpu.memory_space<vmem>> -> memref<1x128x16xf32, #tpu.memory_space<vmem>>
    %dma_wait3A_258 = tpu.memref_squeeze %dma_wait3A_257 : memref<1x128x16xf32, #tpu.memory_space<vmem>> -> memref<128x16xf32, #tpu.memory_space<vmem>>
    %dma_wait3A_259 = arith.constant 0 : i32
    %dma_wait3A_260 = tpu.memref_slice %arg7[%dma_wait3A_252, %dma_wait3A_259] : memref<79x128xi32, #tpu.memory_space<vmem>> -> memref<1x128xi32, #tpu.memory_space<vmem>>
    %dma_wait3A_261 = tpu.memref_squeeze %dma_wait3A_260 : memref<1x128xi32, #tpu.memory_space<vmem>> -> memref<128xi32, #tpu.memory_space<vmem>>
    %dma_wait3A_262 = arith.constant 0 : i32
    %dma_wait3A_263 = arith.constant 0 : i32
    %dma_wait3A_264 = tpu.memref_slice %arg11[%dma_wait3A_262, %dma_wait3A_263] : memref<10000x16xf32, #tpu.memory_space<vmem_shared>> -> memref<10000x16xf32, #tpu.memory_space<vmem_shared>>
    %dma_wait3A_265 = tpu.memref_slice %arg12[%dma_wait3A_254] : memref<8x!tpu.dma_semaphore, #tpu.memory_space<semaphore_mem>> -> memref<1x!tpu.dma_semaphore, #tpu.memory_space<semaphore_mem>>
    %dma_wait3A_266 = tpu.memref_squeeze %dma_wait3A_265 : memref<1x!tpu.dma_semaphore, #tpu.memory_space<semaphore_mem>> -> memref<!tpu.dma_semaphore, #tpu.memory_space<semaphore_mem>>
    tpu.wait_indirect_dma semaphore(%dma_wait3A_266 : memref<!tpu.dma_semaphore, #tpu.memory_space<semaphore_mem>>) src(%dma_wait3A_264 : memref<10000x16xf32, #tpu.memory_space<vmem_shared>>) dst(%dma_wait3A_258 : memref<128x16xf32, #tpu.memory_space<vmem>>)
    %dma_start3A_267 = arith.constant 3 : i32
    %dma_start3A_268 = arith.constant 75 : i32
    %dma_start3A_269 = arith.constant 3 : i32
    %dma_start3A_270 = arith.constant 0 : i32
    %dma_start3A_271 = arith.constant 0 : i32
    %dma_start3A_272 = tpu.memref_slice %arg9[%dma_start3A_267, %dma_start3A_270, %dma_start3A_271] : memref<8x128x16xf32, #tpu.memory_space<vmem>> -> memref<1x128x16xf32, #tpu.memory_space<vmem>>
    %dma_start3A_273 = tpu.memref_squeeze %dma_start3A_272 : memref<1x128x16xf32, #tpu.memory_space<vmem>> -> memref<128x16xf32, #tpu.memory_space<vmem>>
    %dma_start3A_274 = arith.constant 0 : i32
    %dma_start3A_275 = tpu.memref_slice %arg8[%dma_start3A_268, %dma_start3A_274] : memref<79x128xi32, #tpu.memory_space<vmem>> -> memref<1x128xi32, #tpu.memory_space<vmem>>
    %dma_start3A_276 = tpu.memref_squeeze %dma_start3A_275 : memref<1x128xi32, #tpu.memory_space<vmem>> -> memref<128xi32, #tpu.memory_space<vmem>>
    %dma_start3A_277 = arith.constant 0 : i32
    %dma_start3A_278 = arith.constant 0 : i32
    %dma_start3A_279 = tpu.memref_slice %arg10[%dma_start3A_277, %dma_start3A_278] : memref<10112x16xf32, #tpu.memory_space<vmem_shared>> -> memref<10112x16xf32, #tpu.memory_space<vmem_shared>>
    %dma_start3A_280 = tpu.memref_slice %arg13[%dma_start3A_269] : memref<8x!tpu.dma_semaphore, #tpu.memory_space<semaphore_mem>> -> memref<1x!tpu.dma_semaphore, #tpu.memory_space<semaphore_mem>>
    %dma_start3A_281 = tpu.memref_squeeze %dma_start3A_280 : memref<1x!tpu.dma_semaphore, #tpu.memory_space<semaphore_mem>> -> memref<!tpu.dma_semaphore, #tpu.memory_space<semaphore_mem>>
    tpu.enqueue_indirect_dma source(%dma_start3A_273 : memref<128x16xf32, #tpu.memory_space<vmem>>) target(%dma_start3A_279 : memref<10112x16xf32, #tpu.memory_space<vmem_shared>>) offsets(%dma_start3A_276 : memref<128xi32, #tpu.memory_space<vmem>>) semaphore(%dma_start3A_281 : memref<!tpu.dma_semaphore, #tpu.memory_space<semaphore_mem>>) {add = true}
    %dma_wait3A_282 = arith.constant 76 : i32
    %dma_wait3A_283 = arith.constant 4 : i32
    %dma_wait3A_284 = arith.constant 4 : i32
    %dma_wait3A_285 = arith.constant 0 : i32
    %dma_wait3A_286 = arith.constant 0 : i32
    %dma_wait3A_287 = tpu.memref_slice %arg9[%dma_wait3A_283, %dma_wait3A_285, %dma_wait3A_286] : memref<8x128x16xf32, #tpu.memory_space<vmem>> -> memref<1x128x16xf32, #tpu.memory_space<vmem>>
    %dma_wait3A_288 = tpu.memref_squeeze %dma_wait3A_287 : memref<1x128x16xf32, #tpu.memory_space<vmem>> -> memref<128x16xf32, #tpu.memory_space<vmem>>
    %dma_wait3A_289 = arith.constant 0 : i32
    %dma_wait3A_290 = tpu.memref_slice %arg7[%dma_wait3A_282, %dma_wait3A_289] : memref<79x128xi32, #tpu.memory_space<vmem>> -> memref<1x128xi32, #tpu.memory_space<vmem>>
    %dma_wait3A_291 = tpu.memref_squeeze %dma_wait3A_290 : memref<1x128xi32, #tpu.memory_space<vmem>> -> memref<128xi32, #tpu.memory_space<vmem>>
    %dma_wait3A_292 = arith.constant 0 : i32
    %dma_wait3A_293 = arith.constant 0 : i32
    %dma_wait3A_294 = tpu.memref_slice %arg11[%dma_wait3A_292, %dma_wait3A_293] : memref<10000x16xf32, #tpu.memory_space<vmem_shared>> -> memref<10000x16xf32, #tpu.memory_space<vmem_shared>>
    %dma_wait3A_295 = tpu.memref_slice %arg12[%dma_wait3A_284] : memref<8x!tpu.dma_semaphore, #tpu.memory_space<semaphore_mem>> -> memref<1x!tpu.dma_semaphore, #tpu.memory_space<semaphore_mem>>
    %dma_wait3A_296 = tpu.memref_squeeze %dma_wait3A_295 : memref<1x!tpu.dma_semaphore, #tpu.memory_space<semaphore_mem>> -> memref<!tpu.dma_semaphore, #tpu.memory_space<semaphore_mem>>
    tpu.wait_indirect_dma semaphore(%dma_wait3A_296 : memref<!tpu.dma_semaphore, #tpu.memory_space<semaphore_mem>>) src(%dma_wait3A_294 : memref<10000x16xf32, #tpu.memory_space<vmem_shared>>) dst(%dma_wait3A_288 : memref<128x16xf32, #tpu.memory_space<vmem>>)
    %dma_start3A_297 = arith.constant 4 : i32
    %dma_start3A_298 = arith.constant 76 : i32
    %dma_start3A_299 = arith.constant 4 : i32
    %dma_start3A_300 = arith.constant 0 : i32
    %dma_start3A_301 = arith.constant 0 : i32
    %dma_start3A_302 = tpu.memref_slice %arg9[%dma_start3A_297, %dma_start3A_300, %dma_start3A_301] : memref<8x128x16xf32, #tpu.memory_space<vmem>> -> memref<1x128x16xf32, #tpu.memory_space<vmem>>
    %dma_start3A_303 = tpu.memref_squeeze %dma_start3A_302 : memref<1x128x16xf32, #tpu.memory_space<vmem>> -> memref<128x16xf32, #tpu.memory_space<vmem>>
    %dma_start3A_304 = arith.constant 0 : i32
    %dma_start3A_305 = tpu.memref_slice %arg8[%dma_start3A_298, %dma_start3A_304] : memref<79x128xi32, #tpu.memory_space<vmem>> -> memref<1x128xi32, #tpu.memory_space<vmem>>
    %dma_start3A_306 = tpu.memref_squeeze %dma_start3A_305 : memref<1x128xi32, #tpu.memory_space<vmem>> -> memref<128xi32, #tpu.memory_space<vmem>>
    %dma_start3A_307 = arith.constant 0 : i32
    %dma_start3A_308 = arith.constant 0 : i32
    %dma_start3A_309 = tpu.memref_slice %arg10[%dma_start3A_307, %dma_start3A_308] : memref<10112x16xf32, #tpu.memory_space<vmem_shared>> -> memref<10112x16xf32, #tpu.memory_space<vmem_shared>>
    %dma_start3A_310 = tpu.memref_slice %arg13[%dma_start3A_299] : memref<8x!tpu.dma_semaphore, #tpu.memory_space<semaphore_mem>> -> memref<1x!tpu.dma_semaphore, #tpu.memory_space<semaphore_mem>>
    %dma_start3A_311 = tpu.memref_squeeze %dma_start3A_310 : memref<1x!tpu.dma_semaphore, #tpu.memory_space<semaphore_mem>> -> memref<!tpu.dma_semaphore, #tpu.memory_space<semaphore_mem>>
    tpu.enqueue_indirect_dma source(%dma_start3A_303 : memref<128x16xf32, #tpu.memory_space<vmem>>) target(%dma_start3A_309 : memref<10112x16xf32, #tpu.memory_space<vmem_shared>>) offsets(%dma_start3A_306 : memref<128xi32, #tpu.memory_space<vmem>>) semaphore(%dma_start3A_311 : memref<!tpu.dma_semaphore, #tpu.memory_space<semaphore_mem>>) {add = true}
    %dma_wait3A_312 = arith.constant 77 : i32
    %dma_wait3A_313 = arith.constant 5 : i32
    %dma_wait3A_314 = arith.constant 5 : i32
    %dma_wait3A_315 = arith.constant 0 : i32
    %dma_wait3A_316 = arith.constant 0 : i32
    %dma_wait3A_317 = tpu.memref_slice %arg9[%dma_wait3A_313, %dma_wait3A_315, %dma_wait3A_316] : memref<8x128x16xf32, #tpu.memory_space<vmem>> -> memref<1x128x16xf32, #tpu.memory_space<vmem>>
    %dma_wait3A_318 = tpu.memref_squeeze %dma_wait3A_317 : memref<1x128x16xf32, #tpu.memory_space<vmem>> -> memref<128x16xf32, #tpu.memory_space<vmem>>
    %dma_wait3A_319 = arith.constant 0 : i32
    %dma_wait3A_320 = tpu.memref_slice %arg7[%dma_wait3A_312, %dma_wait3A_319] : memref<79x128xi32, #tpu.memory_space<vmem>> -> memref<1x128xi32, #tpu.memory_space<vmem>>
    %dma_wait3A_321 = tpu.memref_squeeze %dma_wait3A_320 : memref<1x128xi32, #tpu.memory_space<vmem>> -> memref<128xi32, #tpu.memory_space<vmem>>
    %dma_wait3A_322 = arith.constant 0 : i32
    %dma_wait3A_323 = arith.constant 0 : i32
    %dma_wait3A_324 = tpu.memref_slice %arg11[%dma_wait3A_322, %dma_wait3A_323] : memref<10000x16xf32, #tpu.memory_space<vmem_shared>> -> memref<10000x16xf32, #tpu.memory_space<vmem_shared>>
    %dma_wait3A_325 = tpu.memref_slice %arg12[%dma_wait3A_314] : memref<8x!tpu.dma_semaphore, #tpu.memory_space<semaphore_mem>> -> memref<1x!tpu.dma_semaphore, #tpu.memory_space<semaphore_mem>>
    %dma_wait3A_326 = tpu.memref_squeeze %dma_wait3A_325 : memref<1x!tpu.dma_semaphore, #tpu.memory_space<semaphore_mem>> -> memref<!tpu.dma_semaphore, #tpu.memory_space<semaphore_mem>>
    tpu.wait_indirect_dma semaphore(%dma_wait3A_326 : memref<!tpu.dma_semaphore, #tpu.memory_space<semaphore_mem>>) src(%dma_wait3A_324 : memref<10000x16xf32, #tpu.memory_space<vmem_shared>>) dst(%dma_wait3A_318 : memref<128x16xf32, #tpu.memory_space<vmem>>)
    %dma_start3A_327 = arith.constant 5 : i32
    %dma_start3A_328 = arith.constant 77 : i32
    %dma_start3A_329 = arith.constant 5 : i32
    %dma_start3A_330 = arith.constant 0 : i32
    %dma_start3A_331 = arith.constant 0 : i32
    %dma_start3A_332 = tpu.memref_slice %arg9[%dma_start3A_327, %dma_start3A_330, %dma_start3A_331] : memref<8x128x16xf32, #tpu.memory_space<vmem>> -> memref<1x128x16xf32, #tpu.memory_space<vmem>>
    %dma_start3A_333 = tpu.memref_squeeze %dma_start3A_332 : memref<1x128x16xf32, #tpu.memory_space<vmem>> -> memref<128x16xf32, #tpu.memory_space<vmem>>
    %dma_start3A_334 = arith.constant 0 : i32
    %dma_start3A_335 = tpu.memref_slice %arg8[%dma_start3A_328, %dma_start3A_334] : memref<79x128xi32, #tpu.memory_space<vmem>> -> memref<1x128xi32, #tpu.memory_space<vmem>>
    %dma_start3A_336 = tpu.memref_squeeze %dma_start3A_335 : memref<1x128xi32, #tpu.memory_space<vmem>> -> memref<128xi32, #tpu.memory_space<vmem>>
    %dma_start3A_337 = arith.constant 0 : i32
    %dma_start3A_338 = arith.constant 0 : i32
    %dma_start3A_339 = tpu.memref_slice %arg10[%dma_start3A_337, %dma_start3A_338] : memref<10112x16xf32, #tpu.memory_space<vmem_shared>> -> memref<10112x16xf32, #tpu.memory_space<vmem_shared>>
    %dma_start3A_340 = tpu.memref_slice %arg13[%dma_start3A_329] : memref<8x!tpu.dma_semaphore, #tpu.memory_space<semaphore_mem>> -> memref<1x!tpu.dma_semaphore, #tpu.memory_space<semaphore_mem>>
    %dma_start3A_341 = tpu.memref_squeeze %dma_start3A_340 : memref<1x!tpu.dma_semaphore, #tpu.memory_space<semaphore_mem>> -> memref<!tpu.dma_semaphore, #tpu.memory_space<semaphore_mem>>
    tpu.enqueue_indirect_dma source(%dma_start3A_333 : memref<128x16xf32, #tpu.memory_space<vmem>>) target(%dma_start3A_339 : memref<10112x16xf32, #tpu.memory_space<vmem_shared>>) offsets(%dma_start3A_336 : memref<128xi32, #tpu.memory_space<vmem>>) semaphore(%dma_start3A_341 : memref<!tpu.dma_semaphore, #tpu.memory_space<semaphore_mem>>) {add = true}
    %dma_wait3A_342 = arith.constant 78 : i32
    %dma_wait3A_343 = arith.constant 6 : i32
    %dma_wait3A_344 = arith.constant 6 : i32
    %dma_wait3A_345 = arith.constant 0 : i32
    %dma_wait3A_346 = arith.constant 0 : i32
    %dma_wait3A_347 = tpu.memref_slice %arg9[%dma_wait3A_343, %dma_wait3A_345, %dma_wait3A_346] : memref<8x128x16xf32, #tpu.memory_space<vmem>> -> memref<1x128x16xf32, #tpu.memory_space<vmem>>
    %dma_wait3A_348 = tpu.memref_squeeze %dma_wait3A_347 : memref<1x128x16xf32, #tpu.memory_space<vmem>> -> memref<128x16xf32, #tpu.memory_space<vmem>>
    %dma_wait3A_349 = arith.constant 0 : i32
    %dma_wait3A_350 = tpu.memref_slice %arg7[%dma_wait3A_342, %dma_wait3A_349] : memref<79x128xi32, #tpu.memory_space<vmem>> -> memref<1x128xi32, #tpu.memory_space<vmem>>
    %dma_wait3A_351 = tpu.memref_squeeze %dma_wait3A_350 : memref<1x128xi32, #tpu.memory_space<vmem>> -> memref<128xi32, #tpu.memory_space<vmem>>
    %dma_wait3A_352 = arith.constant 0 : i32
    %dma_wait3A_353 = arith.constant 0 : i32
    %dma_wait3A_354 = tpu.memref_slice %arg11[%dma_wait3A_352, %dma_wait3A_353] : memref<10000x16xf32, #tpu.memory_space<vmem_shared>> -> memref<10000x16xf32, #tpu.memory_space<vmem_shared>>
    %dma_wait3A_355 = tpu.memref_slice %arg12[%dma_wait3A_344] : memref<8x!tpu.dma_semaphore, #tpu.memory_space<semaphore_mem>> -> memref<1x!tpu.dma_semaphore, #tpu.memory_space<semaphore_mem>>
    %dma_wait3A_356 = tpu.memref_squeeze %dma_wait3A_355 : memref<1x!tpu.dma_semaphore, #tpu.memory_space<semaphore_mem>> -> memref<!tpu.dma_semaphore, #tpu.memory_space<semaphore_mem>>
    tpu.wait_indirect_dma semaphore(%dma_wait3A_356 : memref<!tpu.dma_semaphore, #tpu.memory_space<semaphore_mem>>) src(%dma_wait3A_354 : memref<10000x16xf32, #tpu.memory_space<vmem_shared>>) dst(%dma_wait3A_348 : memref<128x16xf32, #tpu.memory_space<vmem>>)
    %dma_start3A_357 = arith.constant 6 : i32
    %dma_start3A_358 = arith.constant 78 : i32
    %dma_start3A_359 = arith.constant 6 : i32
    %dma_start3A_360 = arith.constant 0 : i32
    %dma_start3A_361 = arith.constant 0 : i32
    %dma_start3A_362 = tpu.memref_slice %arg9[%dma_start3A_357, %dma_start3A_360, %dma_start3A_361] : memref<8x128x16xf32, #tpu.memory_space<vmem>> -> memref<1x128x16xf32, #tpu.memory_space<vmem>>
    %dma_start3A_363 = tpu.memref_squeeze %dma_start3A_362 : memref<1x128x16xf32, #tpu.memory_space<vmem>> -> memref<128x16xf32, #tpu.memory_space<vmem>>
    %dma_start3A_364 = arith.constant 0 : i32
    %dma_start3A_365 = tpu.memref_slice %arg8[%dma_start3A_358, %dma_start3A_364] : memref<79x128xi32, #tpu.memory_space<vmem>> -> memref<1x128xi32, #tpu.memory_space<vmem>>
    %dma_start3A_366 = tpu.memref_squeeze %dma_start3A_365 : memref<1x128xi32, #tpu.memory_space<vmem>> -> memref<128xi32, #tpu.memory_space<vmem>>
    %dma_start3A_367 = arith.constant 0 : i32
    %dma_start3A_368 = arith.constant 0 : i32
    %dma_start3A_369 = tpu.memref_slice %arg10[%dma_start3A_367, %dma_start3A_368] : memref<10112x16xf32, #tpu.memory_space<vmem_shared>> -> memref<10112x16xf32, #tpu.memory_space<vmem_shared>>
    %dma_start3A_370 = tpu.memref_slice %arg13[%dma_start3A_359] : memref<8x!tpu.dma_semaphore, #tpu.memory_space<semaphore_mem>> -> memref<1x!tpu.dma_semaphore, #tpu.memory_space<semaphore_mem>>
    %dma_start3A_371 = tpu.memref_squeeze %dma_start3A_370 : memref<1x!tpu.dma_semaphore, #tpu.memory_space<semaphore_mem>> -> memref<!tpu.dma_semaphore, #tpu.memory_space<semaphore_mem>>
    tpu.enqueue_indirect_dma source(%dma_start3A_363 : memref<128x16xf32, #tpu.memory_space<vmem>>) target(%dma_start3A_369 : memref<10112x16xf32, #tpu.memory_space<vmem_shared>>) offsets(%dma_start3A_366 : memref<128xi32, #tpu.memory_space<vmem>>) semaphore(%dma_start3A_371 : memref<!tpu.dma_semaphore, #tpu.memory_space<semaphore_mem>>) {add = true}
    %dma_wait3A_372 = arith.constant 7 : i32
    %dma_wait3A_373 = arith.constant 71 : i32
    %dma_wait3A_374 = arith.constant 7 : i32
    %dma_wait3A_375 = arith.constant 0 : i32
    %dma_wait3A_376 = arith.constant 0 : i32
    %dma_wait3A_377 = tpu.memref_slice %arg9[%dma_wait3A_372, %dma_wait3A_375, %dma_wait3A_376] : memref<8x128x16xf32, #tpu.memory_space<vmem>> -> memref<1x128x16xf32, #tpu.memory_space<vmem>>
    %dma_wait3A_378 = tpu.memref_squeeze %dma_wait3A_377 : memref<1x128x16xf32, #tpu.memory_space<vmem>> -> memref<128x16xf32, #tpu.memory_space<vmem>>
    %dma_wait3A_379 = arith.constant 0 : i32
    %dma_wait3A_380 = tpu.memref_slice %arg8[%dma_wait3A_373, %dma_wait3A_379] : memref<79x128xi32, #tpu.memory_space<vmem>> -> memref<1x128xi32, #tpu.memory_space<vmem>>
    %dma_wait3A_381 = tpu.memref_squeeze %dma_wait3A_380 : memref<1x128xi32, #tpu.memory_space<vmem>> -> memref<128xi32, #tpu.memory_space<vmem>>
    %dma_wait3A_382 = arith.constant 0 : i32
    %dma_wait3A_383 = arith.constant 0 : i32
    %dma_wait3A_384 = tpu.memref_slice %arg10[%dma_wait3A_382, %dma_wait3A_383] : memref<10112x16xf32, #tpu.memory_space<vmem_shared>> -> memref<10112x16xf32, #tpu.memory_space<vmem_shared>>
    %dma_wait3A_385 = tpu.memref_slice %arg13[%dma_wait3A_374] : memref<8x!tpu.dma_semaphore, #tpu.memory_space<semaphore_mem>> -> memref<1x!tpu.dma_semaphore, #tpu.memory_space<semaphore_mem>>
    %dma_wait3A_386 = tpu.memref_squeeze %dma_wait3A_385 : memref<1x!tpu.dma_semaphore, #tpu.memory_space<semaphore_mem>> -> memref<!tpu.dma_semaphore, #tpu.memory_space<semaphore_mem>>
    tpu.wait_indirect_dma semaphore(%dma_wait3A_386 : memref<!tpu.dma_semaphore, #tpu.memory_space<semaphore_mem>>) src(%dma_wait3A_378 : memref<128x16xf32, #tpu.memory_space<vmem>>) dst(%dma_wait3A_384 : memref<10112x16xf32, #tpu.memory_space<vmem_shared>>)
    %dma_wait3A_387 = arith.constant 0 : i32
    %dma_wait3A_388 = arith.constant 72 : i32
    %dma_wait3A_389 = arith.constant 0 : i32
    %dma_wait3A_390 = arith.constant 0 : i32
    %dma_wait3A_391 = arith.constant 0 : i32
    %dma_wait3A_392 = tpu.memref_slice %arg9[%dma_wait3A_387, %dma_wait3A_390, %dma_wait3A_391] : memref<8x128x16xf32, #tpu.memory_space<vmem>> -> memref<1x128x16xf32, #tpu.memory_space<vmem>>
    %dma_wait3A_393 = tpu.memref_squeeze %dma_wait3A_392 : memref<1x128x16xf32, #tpu.memory_space<vmem>> -> memref<128x16xf32, #tpu.memory_space<vmem>>
    %dma_wait3A_394 = arith.constant 0 : i32
    %dma_wait3A_395 = tpu.memref_slice %arg8[%dma_wait3A_388, %dma_wait3A_394] : memref<79x128xi32, #tpu.memory_space<vmem>> -> memref<1x128xi32, #tpu.memory_space<vmem>>
    %dma_wait3A_396 = tpu.memref_squeeze %dma_wait3A_395 : memref<1x128xi32, #tpu.memory_space<vmem>> -> memref<128xi32, #tpu.memory_space<vmem>>
    %dma_wait3A_397 = arith.constant 0 : i32
    %dma_wait3A_398 = arith.constant 0 : i32
    %dma_wait3A_399 = tpu.memref_slice %arg10[%dma_wait3A_397, %dma_wait3A_398] : memref<10112x16xf32, #tpu.memory_space<vmem_shared>> -> memref<10112x16xf32, #tpu.memory_space<vmem_shared>>
    %dma_wait3A_400 = tpu.memref_slice %arg13[%dma_wait3A_389] : memref<8x!tpu.dma_semaphore, #tpu.memory_space<semaphore_mem>> -> memref<1x!tpu.dma_semaphore, #tpu.memory_space<semaphore_mem>>
    %dma_wait3A_401 = tpu.memref_squeeze %dma_wait3A_400 : memref<1x!tpu.dma_semaphore, #tpu.memory_space<semaphore_mem>> -> memref<!tpu.dma_semaphore, #tpu.memory_space<semaphore_mem>>
    tpu.wait_indirect_dma semaphore(%dma_wait3A_401 : memref<!tpu.dma_semaphore, #tpu.memory_space<semaphore_mem>>) src(%dma_wait3A_393 : memref<128x16xf32, #tpu.memory_space<vmem>>) dst(%dma_wait3A_399 : memref<10112x16xf32, #tpu.memory_space<vmem_shared>>)
    %dma_wait3A_402 = arith.constant 1 : i32
    %dma_wait3A_403 = arith.constant 73 : i32
    %dma_wait3A_404 = arith.constant 1 : i32
    %dma_wait3A_405 = arith.constant 0 : i32
    %dma_wait3A_406 = arith.constant 0 : i32
    %dma_wait3A_407 = tpu.memref_slice %arg9[%dma_wait3A_402, %dma_wait3A_405, %dma_wait3A_406] : memref<8x128x16xf32, #tpu.memory_space<vmem>> -> memref<1x128x16xf32, #tpu.memory_space<vmem>>
    %dma_wait3A_408 = tpu.memref_squeeze %dma_wait3A_407 : memref<1x128x16xf32, #tpu.memory_space<vmem>> -> memref<128x16xf32, #tpu.memory_space<vmem>>
    %dma_wait3A_409 = arith.constant 0 : i32
    %dma_wait3A_410 = tpu.memref_slice %arg8[%dma_wait3A_403, %dma_wait3A_409] : memref<79x128xi32, #tpu.memory_space<vmem>> -> memref<1x128xi32, #tpu.memory_space<vmem>>
    %dma_wait3A_411 = tpu.memref_squeeze %dma_wait3A_410 : memref<1x128xi32, #tpu.memory_space<vmem>> -> memref<128xi32, #tpu.memory_space<vmem>>
    %dma_wait3A_412 = arith.constant 0 : i32
    %dma_wait3A_413 = arith.constant 0 : i32
    %dma_wait3A_414 = tpu.memref_slice %arg10[%dma_wait3A_412, %dma_wait3A_413] : memref<10112x16xf32, #tpu.memory_space<vmem_shared>> -> memref<10112x16xf32, #tpu.memory_space<vmem_shared>>
    %dma_wait3A_415 = tpu.memref_slice %arg13[%dma_wait3A_404] : memref<8x!tpu.dma_semaphore, #tpu.memory_space<semaphore_mem>> -> memref<1x!tpu.dma_semaphore, #tpu.memory_space<semaphore_mem>>
    %dma_wait3A_416 = tpu.memref_squeeze %dma_wait3A_415 : memref<1x!tpu.dma_semaphore, #tpu.memory_space<semaphore_mem>> -> memref<!tpu.dma_semaphore, #tpu.memory_space<semaphore_mem>>
    tpu.wait_indirect_dma semaphore(%dma_wait3A_416 : memref<!tpu.dma_semaphore, #tpu.memory_space<semaphore_mem>>) src(%dma_wait3A_408 : memref<128x16xf32, #tpu.memory_space<vmem>>) dst(%dma_wait3A_414 : memref<10112x16xf32, #tpu.memory_space<vmem_shared>>)
    %dma_wait3A_417 = arith.constant 2 : i32
    %dma_wait3A_418 = arith.constant 74 : i32
    %dma_wait3A_419 = arith.constant 2 : i32
    %dma_wait3A_420 = arith.constant 0 : i32
    %dma_wait3A_421 = arith.constant 0 : i32
    %dma_wait3A_422 = tpu.memref_slice %arg9[%dma_wait3A_417, %dma_wait3A_420, %dma_wait3A_421] : memref<8x128x16xf32, #tpu.memory_space<vmem>> -> memref<1x128x16xf32, #tpu.memory_space<vmem>>
    %dma_wait3A_423 = tpu.memref_squeeze %dma_wait3A_422 : memref<1x128x16xf32, #tpu.memory_space<vmem>> -> memref<128x16xf32, #tpu.memory_space<vmem>>
    %dma_wait3A_424 = arith.constant 0 : i32
    %dma_wait3A_425 = tpu.memref_slice %arg8[%dma_wait3A_418, %dma_wait3A_424] : memref<79x128xi32, #tpu.memory_space<vmem>> -> memref<1x128xi32, #tpu.memory_space<vmem>>
    %dma_wait3A_426 = tpu.memref_squeeze %dma_wait3A_425 : memref<1x128xi32, #tpu.memory_space<vmem>> -> memref<128xi32, #tpu.memory_space<vmem>>
    %dma_wait3A_427 = arith.constant 0 : i32
    %dma_wait3A_428 = arith.constant 0 : i32
    %dma_wait3A_429 = tpu.memref_slice %arg10[%dma_wait3A_427, %dma_wait3A_428] : memref<10112x16xf32, #tpu.memory_space<vmem_shared>> -> memref<10112x16xf32, #tpu.memory_space<vmem_shared>>
    %dma_wait3A_430 = tpu.memref_slice %arg13[%dma_wait3A_419] : memref<8x!tpu.dma_semaphore, #tpu.memory_space<semaphore_mem>> -> memref<1x!tpu.dma_semaphore, #tpu.memory_space<semaphore_mem>>
    %dma_wait3A_431 = tpu.memref_squeeze %dma_wait3A_430 : memref<1x!tpu.dma_semaphore, #tpu.memory_space<semaphore_mem>> -> memref<!tpu.dma_semaphore, #tpu.memory_space<semaphore_mem>>
    tpu.wait_indirect_dma semaphore(%dma_wait3A_431 : memref<!tpu.dma_semaphore, #tpu.memory_space<semaphore_mem>>) src(%dma_wait3A_423 : memref<128x16xf32, #tpu.memory_space<vmem>>) dst(%dma_wait3A_429 : memref<10112x16xf32, #tpu.memory_space<vmem_shared>>)
    %dma_wait3A_432 = arith.constant 3 : i32
    %dma_wait3A_433 = arith.constant 75 : i32
    %dma_wait3A_434 = arith.constant 3 : i32
    %dma_wait3A_435 = arith.constant 0 : i32
    %dma_wait3A_436 = arith.constant 0 : i32
    %dma_wait3A_437 = tpu.memref_slice %arg9[%dma_wait3A_432, %dma_wait3A_435, %dma_wait3A_436] : memref<8x128x16xf32, #tpu.memory_space<vmem>> -> memref<1x128x16xf32, #tpu.memory_space<vmem>>
    %dma_wait3A_438 = tpu.memref_squeeze %dma_wait3A_437 : memref<1x128x16xf32, #tpu.memory_space<vmem>> -> memref<128x16xf32, #tpu.memory_space<vmem>>
    %dma_wait3A_439 = arith.constant 0 : i32
    %dma_wait3A_440 = tpu.memref_slice %arg8[%dma_wait3A_433, %dma_wait3A_439] : memref<79x128xi32, #tpu.memory_space<vmem>> -> memref<1x128xi32, #tpu.memory_space<vmem>>
    %dma_wait3A_441 = tpu.memref_squeeze %dma_wait3A_440 : memref<1x128xi32, #tpu.memory_space<vmem>> -> memref<128xi32, #tpu.memory_space<vmem>>
    %dma_wait3A_442 = arith.constant 0 : i32
    %dma_wait3A_443 = arith.constant 0 : i32
    %dma_wait3A_444 = tpu.memref_slice %arg10[%dma_wait3A_442, %dma_wait3A_443] : memref<10112x16xf32, #tpu.memory_space<vmem_shared>> -> memref<10112x16xf32, #tpu.memory_space<vmem_shared>>
    %dma_wait3A_445 = tpu.memref_slice %arg13[%dma_wait3A_434] : memref<8x!tpu.dma_semaphore, #tpu.memory_space<semaphore_mem>> -> memref<1x!tpu.dma_semaphore, #tpu.memory_space<semaphore_mem>>
    %dma_wait3A_446 = tpu.memref_squeeze %dma_wait3A_445 : memref<1x!tpu.dma_semaphore, #tpu.memory_space<semaphore_mem>> -> memref<!tpu.dma_semaphore, #tpu.memory_space<semaphore_mem>>
    tpu.wait_indirect_dma semaphore(%dma_wait3A_446 : memref<!tpu.dma_semaphore, #tpu.memory_space<semaphore_mem>>) src(%dma_wait3A_438 : memref<128x16xf32, #tpu.memory_space<vmem>>) dst(%dma_wait3A_444 : memref<10112x16xf32, #tpu.memory_space<vmem_shared>>)
    %dma_wait3A_447 = arith.constant 4 : i32
    %dma_wait3A_448 = arith.constant 76 : i32
    %dma_wait3A_449 = arith.constant 4 : i32
    %dma_wait3A_450 = arith.constant 0 : i32
    %dma_wait3A_451 = arith.constant 0 : i32
    %dma_wait3A_452 = tpu.memref_slice %arg9[%dma_wait3A_447, %dma_wait3A_450, %dma_wait3A_451] : memref<8x128x16xf32, #tpu.memory_space<vmem>> -> memref<1x128x16xf32, #tpu.memory_space<vmem>>
    %dma_wait3A_453 = tpu.memref_squeeze %dma_wait3A_452 : memref<1x128x16xf32, #tpu.memory_space<vmem>> -> memref<128x16xf32, #tpu.memory_space<vmem>>
    %dma_wait3A_454 = arith.constant 0 : i32
    %dma_wait3A_455 = tpu.memref_slice %arg8[%dma_wait3A_448, %dma_wait3A_454] : memref<79x128xi32, #tpu.memory_space<vmem>> -> memref<1x128xi32, #tpu.memory_space<vmem>>
    %dma_wait3A_456 = tpu.memref_squeeze %dma_wait3A_455 : memref<1x128xi32, #tpu.memory_space<vmem>> -> memref<128xi32, #tpu.memory_space<vmem>>
    %dma_wait3A_457 = arith.constant 0 : i32
    %dma_wait3A_458 = arith.constant 0 : i32
    %dma_wait3A_459 = tpu.memref_slice %arg10[%dma_wait3A_457, %dma_wait3A_458] : memref<10112x16xf32, #tpu.memory_space<vmem_shared>> -> memref<10112x16xf32, #tpu.memory_space<vmem_shared>>
    %dma_wait3A_460 = tpu.memref_slice %arg13[%dma_wait3A_449] : memref<8x!tpu.dma_semaphore, #tpu.memory_space<semaphore_mem>> -> memref<1x!tpu.dma_semaphore, #tpu.memory_space<semaphore_mem>>
    %dma_wait3A_461 = tpu.memref_squeeze %dma_wait3A_460 : memref<1x!tpu.dma_semaphore, #tpu.memory_space<semaphore_mem>> -> memref<!tpu.dma_semaphore, #tpu.memory_space<semaphore_mem>>
    tpu.wait_indirect_dma semaphore(%dma_wait3A_461 : memref<!tpu.dma_semaphore, #tpu.memory_space<semaphore_mem>>) src(%dma_wait3A_453 : memref<128x16xf32, #tpu.memory_space<vmem>>) dst(%dma_wait3A_459 : memref<10112x16xf32, #tpu.memory_space<vmem_shared>>)
    %dma_wait3A_462 = arith.constant 5 : i32
    %dma_wait3A_463 = arith.constant 77 : i32
    %dma_wait3A_464 = arith.constant 5 : i32
    %dma_wait3A_465 = arith.constant 0 : i32
    %dma_wait3A_466 = arith.constant 0 : i32
    %dma_wait3A_467 = tpu.memref_slice %arg9[%dma_wait3A_462, %dma_wait3A_465, %dma_wait3A_466] : memref<8x128x16xf32, #tpu.memory_space<vmem>> -> memref<1x128x16xf32, #tpu.memory_space<vmem>>
    %dma_wait3A_468 = tpu.memref_squeeze %dma_wait3A_467 : memref<1x128x16xf32, #tpu.memory_space<vmem>> -> memref<128x16xf32, #tpu.memory_space<vmem>>
    %dma_wait3A_469 = arith.constant 0 : i32
    %dma_wait3A_470 = tpu.memref_slice %arg8[%dma_wait3A_463, %dma_wait3A_469] : memref<79x128xi32, #tpu.memory_space<vmem>> -> memref<1x128xi32, #tpu.memory_space<vmem>>
    %dma_wait3A_471 = tpu.memref_squeeze %dma_wait3A_470 : memref<1x128xi32, #tpu.memory_space<vmem>> -> memref<128xi32, #tpu.memory_space<vmem>>
    %dma_wait3A_472 = arith.constant 0 : i32
    %dma_wait3A_473 = arith.constant 0 : i32
    %dma_wait3A_474 = tpu.memref_slice %arg10[%dma_wait3A_472, %dma_wait3A_473] : memref<10112x16xf32, #tpu.memory_space<vmem_shared>> -> memref<10112x16xf32, #tpu.memory_space<vmem_shared>>
    %dma_wait3A_475 = tpu.memref_slice %arg13[%dma_wait3A_464] : memref<8x!tpu.dma_semaphore, #tpu.memory_space<semaphore_mem>> -> memref<1x!tpu.dma_semaphore, #tpu.memory_space<semaphore_mem>>
    %dma_wait3A_476 = tpu.memref_squeeze %dma_wait3A_475 : memref<1x!tpu.dma_semaphore, #tpu.memory_space<semaphore_mem>> -> memref<!tpu.dma_semaphore, #tpu.memory_space<semaphore_mem>>
    tpu.wait_indirect_dma semaphore(%dma_wait3A_476 : memref<!tpu.dma_semaphore, #tpu.memory_space<semaphore_mem>>) src(%dma_wait3A_468 : memref<128x16xf32, #tpu.memory_space<vmem>>) dst(%dma_wait3A_474 : memref<10112x16xf32, #tpu.memory_space<vmem_shared>>)
    %dma_wait3A_477 = arith.constant 6 : i32
    %dma_wait3A_478 = arith.constant 78 : i32
    %dma_wait3A_479 = arith.constant 6 : i32
    %dma_wait3A_480 = arith.constant 0 : i32
    %dma_wait3A_481 = arith.constant 0 : i32
    %dma_wait3A_482 = tpu.memref_slice %arg9[%dma_wait3A_477, %dma_wait3A_480, %dma_wait3A_481] : memref<8x128x16xf32, #tpu.memory_space<vmem>> -> memref<1x128x16xf32, #tpu.memory_space<vmem>>
    %dma_wait3A_483 = tpu.memref_squeeze %dma_wait3A_482 : memref<1x128x16xf32, #tpu.memory_space<vmem>> -> memref<128x16xf32, #tpu.memory_space<vmem>>
    %dma_wait3A_484 = arith.constant 0 : i32
    %dma_wait3A_485 = tpu.memref_slice %arg8[%dma_wait3A_478, %dma_wait3A_484] : memref<79x128xi32, #tpu.memory_space<vmem>> -> memref<1x128xi32, #tpu.memory_space<vmem>>
    %dma_wait3A_486 = tpu.memref_squeeze %dma_wait3A_485 : memref<1x128xi32, #tpu.memory_space<vmem>> -> memref<128xi32, #tpu.memory_space<vmem>>
    %dma_wait3A_487 = arith.constant 0 : i32
    %dma_wait3A_488 = arith.constant 0 : i32
    %dma_wait3A_489 = tpu.memref_slice %arg10[%dma_wait3A_487, %dma_wait3A_488] : memref<10112x16xf32, #tpu.memory_space<vmem_shared>> -> memref<10112x16xf32, #tpu.memory_space<vmem_shared>>
    %dma_wait3A_490 = tpu.memref_slice %arg13[%dma_wait3A_479] : memref<8x!tpu.dma_semaphore, #tpu.memory_space<semaphore_mem>> -> memref<1x!tpu.dma_semaphore, #tpu.memory_space<semaphore_mem>>
    %dma_wait3A_491 = tpu.memref_squeeze %dma_wait3A_490 : memref<1x!tpu.dma_semaphore, #tpu.memory_space<semaphore_mem>> -> memref<!tpu.dma_semaphore, #tpu.memory_space<semaphore_mem>>
    tpu.wait_indirect_dma semaphore(%dma_wait3A_491 : memref<!tpu.dma_semaphore, #tpu.memory_space<semaphore_mem>>) src(%dma_wait3A_483 : memref<128x16xf32, #tpu.memory_space<vmem>>) dst(%dma_wait3A_489 : memref<10112x16xf32, #tpu.memory_space<vmem_shared>>)
    %barrier3A_492 = arith.constant 0 : index
    tpu.barrier barrier_id(%barrier3A_492)
    %mul3A_493 = arith.constant 632 : i32
    %mul3A_494 = arith.muli %arg1, %mul3A_493 : i32
    %mul3A_495 = arith.constant 632 : i32
    %mul3A_496 = arith.muli %arg1, %mul3A_495 : i32
    "tpu.region"() ({
      %run_scoped3A = tpu.sem_alloc : memref<!tpu.dma_semaphore, #tpu.memory_space<semaphore_mem>>
      %dma_start3A_497 = arith.constant 0 : i32
      %dma_start3A_498 = tpu.memref_slice %arg6[%arg0, %mul3A_496, %dma_start3A_497] : memref<2x10112x16xf32, #tpu.memory_space<hbm>> -> memref<1x632x16xf32, #tpu.memory_space<hbm>>
      %dma_start3A_499 = tpu.memref_squeeze %dma_start3A_498 : memref<1x632x16xf32, #tpu.memory_space<hbm>> -> memref<632x16xf32, #tpu.memory_space<hbm>>
      %dma_start3A_500 = arith.constant 0 : i32
      %dma_start3A_501 = tpu.memref_slice %arg10[%mul3A_494, %dma_start3A_500] : memref<10112x16xf32, #tpu.memory_space<vmem_shared>> -> memref<632x16xf32, #tpu.memory_space<vmem_shared>>
      tpu.enqueue_dma source(%dma_start3A_501 : memref<632x16xf32, #tpu.memory_space<vmem_shared>>) target(%dma_start3A_499 : memref<632x16xf32, #tpu.memory_space<hbm>>) target_semaphore(%run_scoped3A : memref<!tpu.dma_semaphore, #tpu.memory_space<semaphore_mem>>)
      %dma_wait3A_502 = arith.constant 0 : i32
      %dma_wait3A_503 = tpu.memref_slice %arg6[%arg0, %mul3A_496, %dma_wait3A_502] : memref<2x10112x16xf32, #tpu.memory_space<hbm>> -> memref<1x632x16xf32, #tpu.memory_space<hbm>>
      %dma_wait3A_504 = tpu.memref_squeeze %dma_wait3A_503 : memref<1x632x16xf32, #tpu.memory_space<hbm>> -> memref<632x16xf32, #tpu.memory_space<hbm>>
      %dma_wait3A_505 = arith.constant 0 : i32
      %dma_wait3A_506 = tpu.memref_slice %arg10[%mul3A_494, %dma_wait3A_505] : memref<10112x16xf32, #tpu.memory_space<vmem_shared>> -> memref<632x16xf32, #tpu.memory_space<vmem_shared>>
      tpu.wait_dma2 semaphore(%run_scoped3A : memref<!tpu.dma_semaphore, #tpu.memory_space<semaphore_mem>>) src(%dma_wait3A_506 : memref<632x16xf32, #tpu.memory_space<vmem_shared>>) dst(%dma_wait3A_504 : memref<632x16xf32, #tpu.memory_space<hbm>>)
      tpu.yield
    }) : () -> ()
    return
  }
}

module attributes {stable_mosaic.version = 14 : i64} {
  func.func @_tc0a_body(%arg0: memref<10000x128xf32, #tpu.memory_space<vmem>>, %arg1: memref<128x48xf32, #tpu.memory_space<vmem>>, %arg2: memref<2x16xf32, #tpu.memory_space<vmem>>, %arg3: memref<10000x16xf32, #tpu.memory_space<vmem>>, %arg4: memref<10000x16xf32, #tpu.memory_space<vmem>>, %arg5: memref<10000x16xf32, #tpu.memory_space<vmem>>) attributes {dimension_semantics = [], scalar_prefetch = 0 : i64, scratch_operands = 0 : i64, tpu.core_type = #tpu.core_type<tc>} {
    %get3A = arith.constant 0 : index
    %get3A_0 = arith.constant 0 : index
    %get3A_1 = vector.load %arg0[%get3A, %get3A_0] : memref<10000x128xf32, #tpu.memory_space<vmem>>, vector<10000x128xf32>
    %get3A_2 = arith.constant 0 : index
    %get3A_3 = arith.constant 0 : index
    %get3A_4 = vector.load %arg1[%get3A_2, %get3A_3] : memref<128x48xf32, #tpu.memory_space<vmem>>, vector<128x48xf32>
    %dot_general3A = arith.constant dense<0.000000e+00> : vector<10000x48xf32>
    %dot_general3A_5 = tpu.matmul %get3A_1, %get3A_4, %dot_general3A {dimension_numbers = #tpu.dot_dimension_numbers<[1], [0], [0], [1], [0, 0, 1, 1], [], []>, transpose_lhs_hint = false} : vector<10000x128xf32>, vector<128x48xf32>, vector<10000x48xf32> -> vector<10000x48xf32>
    %slice3A = vector.extract_strided_slice %dot_general3A_5 {offsets = [0, 0], sizes = [10000, 16], strides = [1, 1]} : vector<10000x48xf32> to vector<10000x16xf32>
    %swap3A = arith.constant 0 : index
    %swap3A_6 = arith.constant 0 : index
    %swap3A_7 = vector.load %arg3[%swap3A, %swap3A_6] : memref<10000x16xf32, #tpu.memory_space<vmem>>, vector<10000x16xf32>
    tpu.vector_store %arg3[%swap3A, %swap3A_6], %slice3A {strides = array<i32>} : memref<10000x16xf32, #tpu.memory_space<vmem>>, vector<10000x16xf32>,
    %slice3A_8 = vector.extract_strided_slice %dot_general3A_5 {offsets = [0, 16], sizes = [10000, 16], strides = [1, 1]} : vector<10000x48xf32> to vector<10000x16xf32>
    %get3A_9 = arith.constant 0 : index
    %get3A_10 = arith.constant 0 : index
    %get3A_11 = vector.load %arg2[%get3A_9, %get3A_10] : memref<2x16xf32, #tpu.memory_space<vmem>>, vector<1x16xf32>
    %add3A = vector.broadcast %get3A_11 : vector<1x16xf32> to vector<10000x16xf32>
    %add3A_12 = arith.addf %slice3A_8, %add3A : vector<10000x16xf32>
    %swap3A_13 = arith.constant 0 : index
    %swap3A_14 = arith.constant 0 : index
    %swap3A_15 = vector.load %arg4[%swap3A_13, %swap3A_14] : memref<10000x16xf32, #tpu.memory_space<vmem>>, vector<10000x16xf32>
    tpu.vector_store %arg4[%swap3A_13, %swap3A_14], %add3A_12 {strides = array<i32>} : memref<10000x16xf32, #tpu.memory_space<vmem>>, vector<10000x16xf32>,
    %slice3A_16 = vector.extract_strided_slice %dot_general3A_5 {offsets = [0, 32], sizes = [10000, 16], strides = [1, 1]} : vector<10000x48xf32> to vector<10000x16xf32>
    %get3A_17 = arith.constant 1 : index
    %get3A_18 = arith.constant 0 : index
    %get3A_19 = vector.load %arg2[%get3A_17, %get3A_18] : memref<2x16xf32, #tpu.memory_space<vmem>>, vector<1x16xf32>
    %add3A_20 = vector.broadcast %get3A_19 : vector<1x16xf32> to vector<10000x16xf32>
    %add3A_21 = arith.addf %slice3A_16, %add3A_20 : vector<10000x16xf32>
    %swap3A_22 = arith.constant 0 : index
    %swap3A_23 = arith.constant 0 : index
    %swap3A_24 = vector.load %arg5[%swap3A_22, %swap3A_23] : memref<10000x16xf32, #tpu.memory_space<vmem>>, vector<10000x16xf32>
    tpu.vector_store %arg5[%swap3A_22, %swap3A_23], %add3A_21 {strides = array<i32>} : memref<10000x16xf32, #tpu.memory_space<vmem>>, vector<10000x16xf32>,
    return
  }
}

module attributes {stable_mosaic.version = 14 : i64} {
  func.func @_tc0b_body(%arg0: memref<2x10112x16xf32, #tpu.memory_space<vmem>>, %arg1: memref<10000x16xf32, #tpu.memory_space<vmem>>, %arg2: memref<10000x16xf32, #tpu.memory_space<vmem>>, %arg3: memref<10000x1xf32, #tpu.memory_space<vmem>>) attributes {dimension_semantics = [], scalar_prefetch = 0 : i64, scratch_operands = 0 : i64, tpu.core_type = #tpu.core_type<tc>} {
    %get3A = arith.constant 0 : index
    %get3A_0 = arith.constant 0 : index
    %get3A_1 = arith.constant 0 : index
    %get3A_2 = vector.load %arg0[%get3A, %get3A_0, %get3A_1] : memref<2x10112x16xf32, #tpu.memory_space<vmem>>, vector<1x10000x1xf32>
    %get3A_3 = vector.shape_cast %get3A_2 : vector<1x10000x1xf32> to vector<10000x1xf32>
    %get3A_4 = arith.constant 1 : index
    %get3A_5 = arith.constant 0 : index
    %get3A_6 = arith.constant 0 : index
    %get3A_7 = vector.load %arg0[%get3A_4, %get3A_5, %get3A_6] : memref<2x10112x16xf32, #tpu.memory_space<vmem>>, vector<1x10000x1xf32>
    %get3A_8 = vector.shape_cast %get3A_7 : vector<1x10000x1xf32> to vector<10000x1xf32>
    %add3A = arith.addf %get3A_3, %get3A_8 : vector<10000x1xf32>
    %add3A_9 = arith.constant 1.000000e+00 : f32
    %add3A_10 = vector.broadcast %add3A_9 : f32 to vector<10000x1xf32>
    %add3A_11 = arith.addf %add3A, %add3A_10 : vector<10000x1xf32>
    %rsqrt3A = math.rsqrt %add3A_11 : vector<10000x1xf32>
    %swap3A = arith.constant 0 : index
    %swap3A_12 = arith.constant 0 : index
    %swap3A_13 = vector.load %arg3[%swap3A, %swap3A_12] : memref<10000x1xf32, #tpu.memory_space<vmem>>, vector<10000x1xf32>
    tpu.vector_store %arg3[%swap3A, %swap3A_12], %rsqrt3A {strides = array<i32>} : memref<10000x1xf32, #tpu.memory_space<vmem>>, vector<10000x1xf32>,
    %get3A_14 = arith.constant 0 : index
    %get3A_15 = arith.constant 0 : index
    %get3A_16 = vector.load %arg1[%get3A_14, %get3A_15] : memref<10000x16xf32, #tpu.memory_space<vmem>>, vector<10000x16xf32>
    %mul3A = vector.broadcast %rsqrt3A : vector<10000x1xf32> to vector<10000x16xf32>
    %mul3A_17 = arith.mulf %get3A_16, %mul3A : vector<10000x16xf32>
    %swap3A_18 = arith.constant 0 : index
    %swap3A_19 = arith.constant 0 : index
    %swap3A_20 = vector.load %arg2[%swap3A_18, %swap3A_19] : memref<10000x16xf32, #tpu.memory_space<vmem>>, vector<10000x16xf32>
    tpu.vector_store %arg2[%swap3A_18, %swap3A_19], %mul3A_17 {strides = array<i32>} : memref<10000x16xf32, #tpu.memory_space<vmem>>, vector<10000x16xf32>,
    return
  }
}

module attributes {stable_mosaic.version = 14 : i64} {
  func.func @_tc_mid_body(%arg0: memref<2x10112x16xf32, #tpu.memory_space<vmem>>, %arg1: memref<10000x16xf32, #tpu.memory_space<vmem>>, %arg2: memref<10000x1xf32, #tpu.memory_space<vmem>>, %arg3: memref<10000x16xf32, #tpu.memory_space<vmem>>, %arg4: memref<1x16xf32, #tpu.memory_space<vmem>>, %arg5: memref<32x1xf32, #tpu.memory_space<vmem>>, %arg6: memref<16x16xf32, #tpu.memory_space<vmem>>, %arg7: memref<10000x16xf32, #tpu.memory_space<vmem>>) attributes {dimension_semantics = [], scalar_prefetch = 0 : i64, scratch_operands = 0 : i64, tpu.core_type = #tpu.core_type<tc>} {
    %get3A = arith.constant 0 : index
    %get3A_0 = arith.constant 0 : index
    %get3A_1 = vector.load %arg2[%get3A, %get3A_0] : memref<10000x1xf32, #tpu.memory_space<vmem>>, vector<10000x1xf32>
    %get3A_2 = arith.constant 0 : index
    %get3A_3 = arith.constant 0 : index
    %get3A_4 = arith.constant 0 : index
    %get3A_5 = vector.load %arg0[%get3A_2, %get3A_3, %get3A_4] : memref<2x10112x16xf32, #tpu.memory_space<vmem>>, vector<1x10000x16xf32>
    %get3A_6 = vector.shape_cast %get3A_5 : vector<1x10000x16xf32> to vector<10000x16xf32>
    %get3A_7 = arith.constant 1 : index
    %get3A_8 = arith.constant 0 : index
    %get3A_9 = arith.constant 0 : index
    %get3A_10 = vector.load %arg0[%get3A_7, %get3A_8, %get3A_9] : memref<2x10112x16xf32, #tpu.memory_space<vmem>>, vector<1x10000x16xf32>
    %get3A_11 = vector.shape_cast %get3A_10 : vector<1x10000x16xf32> to vector<10000x16xf32>
    %add3A = arith.addf %get3A_6, %get3A_11 : vector<10000x16xf32>
    %get3A_12 = arith.constant 0 : index
    %get3A_13 = arith.constant 0 : index
    %get3A_14 = vector.load %arg1[%get3A_12, %get3A_13] : memref<10000x16xf32, #tpu.memory_space<vmem>>, vector<10000x16xf32>
    %add3A_15 = arith.addf %add3A, %get3A_14 : vector<10000x16xf32>
    %mul3A = vector.broadcast %get3A_1 : vector<10000x1xf32> to vector<10000x16xf32>
    %mul3A_16 = arith.mulf %add3A_15, %mul3A : vector<10000x16xf32>
    %get3A_17 = arith.constant 0 : index
    %get3A_18 = arith.constant 0 : index
    %get3A_19 = vector.load %arg4[%get3A_17, %get3A_18] : memref<1x16xf32, #tpu.memory_space<vmem>>, vector<1x16xf32>
    %add3A_20 = vector.broadcast %get3A_19 : vector<1x16xf32> to vector<10000x16xf32>
    %add3A_21 = arith.addf %mul3A_16, %add3A_20 : vector<10000x16xf32>
    %max3A = arith.constant 0.000000e+00 : f32
    %max3A_22 = vector.broadcast %max3A : f32 to vector<10000x16xf32>
    %max3A_23 = arith.maximumf %add3A_21, %max3A_22 : vector<10000x16xf32>
    %get3A_24 = arith.constant 0 : index
    %get3A_25 = arith.constant 0 : index
    %get3A_26 = vector.load %arg3[%get3A_24, %get3A_25] : memref<10000x16xf32, #tpu.memory_space<vmem>>, vector<10000x16xf32>
    %get3A_27 = arith.constant 0 : index
    %get3A_28 = arith.constant 0 : index
    %get3A_29 = vector.load %arg5[%get3A_27, %get3A_28] : memref<32x1xf32, #tpu.memory_space<vmem>>, vector<32x1xf32>
    %slice3A = vector.extract_strided_slice %get3A_29 {offsets = [0, 0], sizes = [16, 1], strides = [1, 1]} : vector<32x1xf32> to vector<16x1xf32>
    %dot_general3A = arith.constant dense<0.000000e+00> : vector<10000x1xf32>
    %dot_general3A_30 = tpu.matmul %max3A_23, %slice3A, %dot_general3A {dimension_numbers = #tpu.dot_dimension_numbers<[1], [0], [0], [1], [0, 0, 1, 1], [], []>, transpose_lhs_hint = false} : vector<10000x16xf32>, vector<16x1xf32>, vector<10000x1xf32> -> vector<10000x1xf32>
    %slice3A_31 = vector.extract_strided_slice %get3A_29 {offsets = [16, 0], sizes = [16, 1], strides = [1, 1]} : vector<32x1xf32> to vector<16x1xf32>
    %dot_general3A_32 = arith.constant dense<0.000000e+00> : vector<10000x1xf32>
    %dot_general3A_33 = tpu.matmul %get3A_26, %slice3A_31, %dot_general3A_32 {dimension_numbers = #tpu.dot_dimension_numbers<[1], [0], [0], [1], [0, 0, 1, 1], [], []>, transpose_lhs_hint = false} : vector<10000x16xf32>, vector<16x1xf32>, vector<10000x1xf32> -> vector<10000x1xf32>
    %add3A_34 = arith.addf %dot_general3A_30, %dot_general3A_33 : vector<10000x1xf32>
    %logistic3A = arith.negf %add3A_34 : vector<10000x1xf32>
    %logistic3A_35 = math.exp %logistic3A : vector<10000x1xf32>
    %logistic3A_36 = arith.constant 1.000000e+00 : f32
    %logistic3A_37 = vector.broadcast %logistic3A_36 : f32 to vector<10000x1xf32>
    %logistic3A_38 = arith.addf %logistic3A_37, %logistic3A_35 : vector<10000x1xf32>
    %logistic3A_39 = arith.divf %logistic3A_37, %logistic3A_38 : vector<10000x1xf32>
    %mul3A_40 = vector.broadcast %logistic3A_39 : vector<10000x1xf32> to vector<10000x16xf32>
    %mul3A_41 = arith.mulf %mul3A_40, %max3A_23 : vector<10000x16xf32>
    %sub3A = arith.constant 1.000000e+00 : f32
    %sub3A_42 = vector.broadcast %sub3A : f32 to vector<10000x1xf32>
    %sub3A_43 = arith.subf %sub3A_42, %logistic3A_39 : vector<10000x1xf32>
    %mul3A_44 = vector.broadcast %sub3A_43 : vector<10000x1xf32> to vector<10000x16xf32>
    %mul3A_45 = arith.mulf %mul3A_44, %get3A_26 : vector<10000x16xf32>
    %add3A_46 = arith.addf %mul3A_41, %mul3A_45 : vector<10000x16xf32>
    %get3A_47 = arith.constant 0 : index
    %get3A_48 = arith.constant 0 : index
    %get3A_49 = vector.load %arg6[%get3A_47, %get3A_48] : memref<16x16xf32, #tpu.memory_space<vmem>>, vector<16x16xf32>
    %dot_general3A_50 = arith.constant dense<0.000000e+00> : vector<10000x16xf32>
    %dot_general3A_51 = tpu.matmul %add3A_46, %get3A_49, %dot_general3A_50 {dimension_numbers = #tpu.dot_dimension_numbers<[1], [0], [0], [1], [0, 0, 1, 1], [], []>, transpose_lhs_hint = false} : vector<10000x16xf32>, vector<16x16xf32>, vector<10000x16xf32> -> vector<10000x16xf32>
    %mul3A_52 = vector.broadcast %get3A_1 : vector<10000x1xf32> to vector<10000x16xf32>
    %mul3A_53 = arith.mulf %dot_general3A_51, %mul3A_52 : vector<10000x16xf32>
    %swap3A = arith.constant 0 : index
    %swap3A_54 = arith.constant 0 : index
    %swap3A_55 = vector.load %arg7[%swap3A, %swap3A_54] : memref<10000x16xf32, #tpu.memory_space<vmem>>, vector<10000x16xf32>
    tpu.vector_store %arg7[%swap3A, %swap3A_54], %mul3A_53 {strides = array<i32>} : memref<10000x16xf32, #tpu.memory_space<vmem>>, vector<10000x16xf32>,
    return
  }
}

module attributes {stable_mosaic.version = 14 : i64} {
  func.func @_tc_mid_body(%arg0: memref<2x10112x16xf32, #tpu.memory_space<vmem>>, %arg1: memref<10000x16xf32, #tpu.memory_space<vmem>>, %arg2: memref<10000x1xf32, #tpu.memory_space<vmem>>, %arg3: memref<10000x16xf32, #tpu.memory_space<vmem>>, %arg4: memref<1x16xf32, #tpu.memory_space<vmem>>, %arg5: memref<32x1xf32, #tpu.memory_space<vmem>>, %arg6: memref<16x16xf32, #tpu.memory_space<vmem>>, %arg7: memref<10000x16xf32, #tpu.memory_space<vmem>>) attributes {dimension_semantics = [], scalar_prefetch = 0 : i64, scratch_operands = 0 : i64, tpu.core_type = #tpu.core_type<tc>} {
    %get3A = arith.constant 0 : index
    %get3A_0 = arith.constant 0 : index
    %get3A_1 = vector.load %arg2[%get3A, %get3A_0] : memref<10000x1xf32, #tpu.memory_space<vmem>>, vector<10000x1xf32>
    %get3A_2 = arith.constant 0 : index
    %get3A_3 = arith.constant 0 : index
    %get3A_4 = arith.constant 0 : index
    %get3A_5 = vector.load %arg0[%get3A_2, %get3A_3, %get3A_4] : memref<2x10112x16xf32, #tpu.memory_space<vmem>>, vector<1x10000x16xf32>
    %get3A_6 = vector.shape_cast %get3A_5 : vector<1x10000x16xf32> to vector<10000x16xf32>
    %get3A_7 = arith.constant 1 : index
    %get3A_8 = arith.constant 0 : index
    %get3A_9 = arith.constant 0 : index
    %get3A_10 = vector.load %arg0[%get3A_7, %get3A_8, %get3A_9] : memref<2x10112x16xf32, #tpu.memory_space<vmem>>, vector<1x10000x16xf32>
    %get3A_11 = vector.shape_cast %get3A_10 : vector<1x10000x16xf32> to vector<10000x16xf32>
    %add3A = arith.addf %get3A_6, %get3A_11 : vector<10000x16xf32>
    %get3A_12 = arith.constant 0 : index
    %get3A_13 = arith.constant 0 : index
    %get3A_14 = vector.load %arg1[%get3A_12, %get3A_13] : memref<10000x16xf32, #tpu.memory_space<vmem>>, vector<10000x16xf32>
    %add3A_15 = arith.addf %add3A, %get3A_14 : vector<10000x16xf32>
    %mul3A = vector.broadcast %get3A_1 : vector<10000x1xf32> to vector<10000x16xf32>
    %mul3A_16 = arith.mulf %add3A_15, %mul3A : vector<10000x16xf32>
    %get3A_17 = arith.constant 0 : index
    %get3A_18 = arith.constant 0 : index
    %get3A_19 = vector.load %arg4[%get3A_17, %get3A_18] : memref<1x16xf32, #tpu.memory_space<vmem>>, vector<1x16xf32>
    %add3A_20 = vector.broadcast %get3A_19 : vector<1x16xf32> to vector<10000x16xf32>
    %add3A_21 = arith.addf %mul3A_16, %add3A_20 : vector<10000x16xf32>
    %max3A = arith.constant 0.000000e+00 : f32
    %max3A_22 = vector.broadcast %max3A : f32 to vector<10000x16xf32>
    %max3A_23 = arith.maximumf %add3A_21, %max3A_22 : vector<10000x16xf32>
    %get3A_24 = arith.constant 0 : index
    %get3A_25 = arith.constant 0 : index
    %get3A_26 = vector.load %arg3[%get3A_24, %get3A_25] : memref<10000x16xf32, #tpu.memory_space<vmem>>, vector<10000x16xf32>
    %get3A_27 = arith.constant 0 : index
    %get3A_28 = arith.constant 0 : index
    %get3A_29 = vector.load %arg5[%get3A_27, %get3A_28] : memref<32x1xf32, #tpu.memory_space<vmem>>, vector<32x1xf32>
    %slice3A = vector.extract_strided_slice %get3A_29 {offsets = [0, 0], sizes = [16, 1], strides = [1, 1]} : vector<32x1xf32> to vector<16x1xf32>
    %dot_general3A = arith.constant dense<0.000000e+00> : vector<10000x1xf32>
    %dot_general3A_30 = tpu.matmul %max3A_23, %slice3A, %dot_general3A {dimension_numbers = #tpu.dot_dimension_numbers<[1], [0], [0], [1], [0, 0, 1, 1], [], []>, transpose_lhs_hint = false} : vector<10000x16xf32>, vector<16x1xf32>, vector<10000x1xf32> -> vector<10000x1xf32>
    %slice3A_31 = vector.extract_strided_slice %get3A_29 {offsets = [16, 0], sizes = [16, 1], strides = [1, 1]} : vector<32x1xf32> to vector<16x1xf32>
    %dot_general3A_32 = arith.constant dense<0.000000e+00> : vector<10000x1xf32>
    %dot_general3A_33 = tpu.matmul %get3A_26, %slice3A_31, %dot_general3A_32 {dimension_numbers = #tpu.dot_dimension_numbers<[1], [0], [0], [1], [0, 0, 1, 1], [], []>, transpose_lhs_hint = false} : vector<10000x16xf32>, vector<16x1xf32>, vector<10000x1xf32> -> vector<10000x1xf32>
    %add3A_34 = arith.addf %dot_general3A_30, %dot_general3A_33 : vector<10000x1xf32>
    %mul3A_35 = arith.mulf %get3A_29, %get3A_29 : vector<32x1xf32>
    %reduce_sum3A = vector.shape_cast %mul3A_35 : vector<32x1xf32> to vector<1x32x1xf32>
    %reduce_sum3A_36 = arith.constant dense<0.000000e+00> : vector<1xf32>
    %reduce_sum3A_37 = vector.multi_reduction <add>, %reduce_sum3A, %reduce_sum3A_36 [1, 2] : vector<1x32x1xf32> to vector<1xf32>
    %reduce_sum3A_38 = vector.shape_cast %reduce_sum3A_37 : vector<1xf32> to vector<1x1x1xf32>
    %reduce_sum3A_39 = vector.extract %reduce_sum3A_38[0, 0, 0] : f32 from vector<1x1x1xf32>
    %rsqrt3A = math.rsqrt %reduce_sum3A_39 : f32
    %mul3A_40 = vector.broadcast %rsqrt3A : f32 to vector<10000x1xf32>
    %mul3A_41 = arith.mulf %add3A_34, %mul3A_40 : vector<10000x1xf32>
    %logistic3A = arith.negf %mul3A_41 : vector<10000x1xf32>
    %logistic3A_42 = math.exp %logistic3A : vector<10000x1xf32>
    %logistic3A_43 = arith.constant 1.000000e+00 : f32
    %logistic3A_44 = vector.broadcast %logistic3A_43 : f32 to vector<10000x1xf32>
    %logistic3A_45 = arith.addf %logistic3A_44, %logistic3A_42 : vector<10000x1xf32>
    %logistic3A_46 = arith.divf %logistic3A_44, %logistic3A_45 : vector<10000x1xf32>
    %mul3A_47 = vector.broadcast %logistic3A_46 : vector<10000x1xf32> to vector<10000x16xf32>
    %mul3A_48 = arith.mulf %mul3A_47, %max3A_23 : vector<10000x16xf32>
    %sub3A = arith.constant 1.000000e+00 : f32
    %sub3A_49 = vector.broadcast %sub3A : f32 to vector<10000x1xf32>
    %sub3A_50 = arith.subf %sub3A_49, %logistic3A_46 : vector<10000x1xf32>
    %mul3A_51 = vector.broadcast %sub3A_50 : vector<10000x1xf32> to vector<10000x16xf32>
    %mul3A_52 = arith.mulf %mul3A_51, %get3A_26 : vector<10000x16xf32>
    %add3A_53 = arith.addf %mul3A_48, %mul3A_52 : vector<10000x16xf32>
    %mul3A_54 = vector.broadcast %get3A_1 : vector<10000x1xf32> to vector<10000x16xf32>
    %mul3A_55 = arith.mulf %add3A_53, %mul3A_54 : vector<10000x16xf32>
    %swap3A = arith.constant 0 : index
    %swap3A_56 = arith.constant 0 : index
    %swap3A_57 = vector.load %arg7[%swap3A, %swap3A_56] : memref<10000x16xf32, #tpu.memory_space<vmem>>, vector<10000x16xf32>
    tpu.vector_store %arg7[%swap3A, %swap3A_56], %mul3A_55 {strides = array<i32>} : memref<10000x16xf32, #tpu.memory_space<vmem>>, vector<10000x16xf32>,
    return
  }
}

module attributes {stable_mosaic.version = 14 : i64} {
  func.func @_tc4_body(%arg0: memref<2x10112x16xf32, #tpu.memory_space<vmem>>, %arg1: memref<10000x16xf32, #tpu.memory_space<vmem>>, %arg2: memref<10000x1xf32, #tpu.memory_space<vmem>>, %arg3: memref<16x64xf32, #tpu.memory_space<vmem>>, %arg4: memref<1x64xf32, #tpu.memory_space<vmem>>, %arg5: memref<10000x64xf32, #tpu.memory_space<vmem>>) attributes {dimension_semantics = [], scalar_prefetch = 0 : i64, scratch_operands = 0 : i64, tpu.core_type = #tpu.core_type<tc>} {
    %get3A = arith.constant 0 : index
    %get3A_0 = arith.constant 0 : index
    %get3A_1 = arith.constant 0 : index
    %get3A_2 = vector.load %arg0[%get3A, %get3A_0, %get3A_1] : memref<2x10112x16xf32, #tpu.memory_space<vmem>>, vector<1x10000x16xf32>
    %get3A_3 = vector.shape_cast %get3A_2 : vector<1x10000x16xf32> to vector<10000x16xf32>
    %get3A_4 = arith.constant 1 : index
    %get3A_5 = arith.constant 0 : index
    %get3A_6 = arith.constant 0 : index
    %get3A_7 = vector.load %arg0[%get3A_4, %get3A_5, %get3A_6] : memref<2x10112x16xf32, #tpu.memory_space<vmem>>, vector<1x10000x16xf32>
    %get3A_8 = vector.shape_cast %get3A_7 : vector<1x10000x16xf32> to vector<10000x16xf32>
    %add3A = arith.addf %get3A_3, %get3A_8 : vector<10000x16xf32>
    %get3A_9 = arith.constant 0 : index
    %get3A_10 = arith.constant 0 : index
    %get3A_11 = vector.load %arg1[%get3A_9, %get3A_10] : memref<10000x16xf32, #tpu.memory_space<vmem>>, vector<10000x16xf32>
    %add3A_12 = arith.addf %add3A, %get3A_11 : vector<10000x16xf32>
    %get3A_13 = arith.constant 0 : index
    %get3A_14 = arith.constant 0 : index
    %get3A_15 = vector.load %arg2[%get3A_13, %get3A_14] : memref<10000x1xf32, #tpu.memory_space<vmem>>, vector<10000x1xf32>
    %mul3A = vector.broadcast %get3A_15 : vector<10000x1xf32> to vector<10000x16xf32>
    %mul3A_16 = arith.mulf %add3A_12, %mul3A : vector<10000x16xf32>
    %get3A_17 = arith.constant 0 : index
    %get3A_18 = arith.constant 0 : index
    %get3A_19 = vector.load %arg3[%get3A_17, %get3A_18] : memref<16x64xf32, #tpu.memory_space<vmem>>, vector<16x64xf32>
    %dot_general3A = arith.constant dense<0.000000e+00> : vector<10000x64xf32>
    %dot_general3A_20 = tpu.matmul %mul3A_16, %get3A_19, %dot_general3A {dimension_numbers = #tpu.dot_dimension_numbers<[1], [0], [0], [1], [0, 0, 1, 1], [], []>, transpose_lhs_hint = false} : vector<10000x16xf32>, vector<16x64xf32>, vector<10000x64xf32> -> vector<10000x64xf32>
    %get3A_21 = arith.constant 0 : index
    %get3A_22 = arith.constant 0 : index
    %get3A_23 = vector.load %arg4[%get3A_21, %get3A_22] : memref<1x64xf32, #tpu.memory_space<vmem>>, vector<1x64xf32>
    %add3A_24 = vector.broadcast %get3A_23 : vector<1x64xf32> to vector<10000x64xf32>
    %add3A_25 = arith.addf %dot_general3A_20, %add3A_24 : vector<10000x64xf32>
    %reduce_max3A = arith.constant dense<0xFF800000> : vector<10000xf32>
    %reduce_max3A_26 = vector.multi_reduction <maximumf>, %add3A_25, %reduce_max3A [1] : vector<10000x64xf32> to vector<10000xf32>
    %broadcast_in_dim3A = vector.shape_cast %reduce_max3A_26 : vector<10000xf32> to vector<10000x1xf32>
    %sub3A = vector.broadcast %broadcast_in_dim3A : vector<10000x1xf32> to vector<10000x64xf32>
    %sub3A_27 = arith.subf %add3A_25, %sub3A : vector<10000x64xf32>
    %sub3A_28 = vector.broadcast %broadcast_in_dim3A : vector<10000x1xf32> to vector<10000x64xf32>
    %sub3A_29 = arith.subf %add3A_25, %sub3A_28 : vector<10000x64xf32>
    %exp3A = math.exp %sub3A_29 : vector<10000x64xf32>
    %reduce_sum3A = arith.constant dense<0.000000e+00> : vector<10000xf32>
    %reduce_sum3A_30 = vector.multi_reduction <add>, %exp3A, %reduce_sum3A [1] : vector<10000x64xf32> to vector<10000xf32>
    %broadcast_in_dim3A_31 = vector.shape_cast %reduce_sum3A_30 : vector<10000xf32> to vector<10000x1xf32>
    %log3A = math.log %broadcast_in_dim3A_31 : vector<10000x1xf32>
    %sub3A_32 = vector.broadcast %log3A : vector<10000x1xf32> to vector<10000x64xf32>
    %sub3A_33 = arith.subf %sub3A_27, %sub3A_32 : vector<10000x64xf32>
    %swap3A = arith.constant 0 : index
    %swap3A_34 = arith.constant 0 : index
    %swap3A_35 = vector.load %arg5[%swap3A, %swap3A_34] : memref<10000x64xf32, #tpu.memory_space<vmem>>, vector<10000x64xf32>
    tpu.vector_store %arg5[%swap3A, %swap3A_34], %sub3A_33 {strides = array<i32>} : memref<10000x64xf32, #tpu.memory_space<vmem>>, vector<10000x64xf32>,
    return
  }
}

</mosaic_0001>

<sc_bundles>
// kernel: kernel.11.cloned.1.call-start
scs
__scs_entry_jumppad:
0x0: {  	(pc) =	sbr.rel $0x88, $3  }
0x1: {  	(tag) =	ssettag $0x0;
	lr =	simm.s32 $0x1  }
0x2: {  	[smem:$0x3F93] =	sst lr;
	_ =	strace $0xD0000000  }
0x3: {  	_ = 	snop  }
0x4: {  	_ = 	snop  }
0x5: {  	_ = 	snop  }
0x6: {  	_ = 	snop  }
0x7: {  	_ = 	snop  }
__scs_overlays_trampoline_lowered:
0x8: {  	[smem:$0x3FA2] =	sst s0  }
0x9: {  	[smem:$0x3FA3] =	sst s1  }
0xa: {  	[smem:$0x3FA4] =	sst s2  }
0xb: {  	[smem:$0x3FA5] =	sst s3  }
0xc: {  	[smem:$0x3FA6] =	sst s4  }
0xd: {  	[smem:$0x3FA7] =	sst s5  }
0xe: {  	[smem:$0x3FA8] =	sst s6  }
0xf: {  	[smem:$0x3FA9] =	sst s7  }
0x10: {  	[smem:$0x3FAA] =	sst s8  }
0x11: {  	[smem:$0x3FAB] =	sst s9;
	s0 =	simm.s32 @!p0 $0x0  }
0x12: {  	s1 =	sld [smem:$0x3F91];
	s0 =	simm.s32 @p0 $0x1  }
0x13: {  	[smem:$0x3FAC] =	sst s0;
	s0 =	simm.s32 @!p1 $0x0  }
0x14: {  	s2 =	sld [smem:$0x3F90];
	s0 =	simm.s32 @p1 $0x1  }
0x15: {  	[smem:$0x3FAD] =	sst s0;
	s0 =	simm.s32 @!p2 $0x0  }
0x16: {  	s3 =	sld [smem:$0x3FDB];
	s0 =	simm.s32 @p2 $0x1  }
0x17: {  	s4 =	simm.s32 $0x1BF5;
	[smem:$0x3FAF] =	sst s0  }
0x18: {  	s0 =	sld [smem:$0x3F92];
	_ =	swait.ge [sflag:s4], $0x0  }
0x19: {  	s7 =	sld [smem:$0x3F93]  }
0x1a: {  	s8 =	sadd.s32 $0xFFFFE003, lr  }
0x1b: {  	s9 =	sadd.s32 $0xFFFFFEF7, lr;
	s5 =	simm.s32 $0xFFFFFFFF;
	p2 =	slt.u32 s8, $0xFFFFF086  }
0x1c: {  	p1 =	slt.u32 s9, $0xF7A;
	s5 =	simm.s32 @!p2 $0x0  }
0x1d: {  	s5 =	simm.s32 @p1 $0x1;
	p0 =	seq.s32 s7, s2  }
0x1e: {  	s7 =	smul.u32 @!p0 $0xF7A, s2;
	p2 =	seq.s32 @!p0 s5, $0x0  }
0x1f: {  	s9 =	smul.u32 $0xF7A, s1;
	s8 =	simm.s32 @!p0 $0x1BF5;
	p2 =	por !p2, p0  }
0x20: {  	[sflag:s8] =	ssyncset.s32 @!p0 $0xFFFFF086;
	s6 =	sadd.s32 @!p0 s3, s7;
	s7 =	simm.s32 @!p0 $0x108  }
0x21: {  	s3 =	sadd.s32 s3, s9;
	s6 =	sadd.s32 @!p0 $0x88, s6;
	s7 =	simm.s32 @p2 $0x1082  }
0x22: {  	[simem:s7], [sflag:s8] =	dma.local @!p0 [hbm:s6], $0xF7A  }
0x23: {  	s9 =	sor.u32 $0xD0000000, s2;
	s6 =	simm.s32 $0x108;
	_ =	swait.ge @!p0 [sflag:s8], $0x0  }
0x24: {  	s3 =	sadd.s32 $0x88, s3;
	s6 =	simm.s32 @!p1 $0x1082;
	[sflag:s4] =	ssyncset.s32 $0xFFFFF086  }
0x25: {  	[simem:s6], [sflag:s4] =	dma.local [hbm:s3], $0xF7A  }
0x26: {  	[smem:$0x3F93] =	sst s1;
	(tag) =	ssettag s2;
	_ =	strace s9  }
0x27: {  	s1 =	sld [smem:$0x3FA3]  }
0x28: {  	s2 =	sld [smem:$0x3FA4]  }
0x29: {  	s4 =	sld [smem:$0x3FA6]  }
0x2a: {  	p0 =	seq.s32 s5, $0x0;
	s5 =	sld [smem:$0x3FA7]  }
0x2b: {  	s6 =	sld [smem:$0x3FA8]  }
0x2c: {  	s7 =	sld [smem:$0x3FA9]  }
0x2d: {  	s3 =	simm.s32 $0x108;
	s8 =	sld [smem:$0x3FAA]  }
0x2e: {  	s3 =	simm.s32 @!p0 $0x1082;
	s9 =	sld [smem:$0x3FAB]  }
0x2f: {  	lr =	sadd.s32 s0, s3;
	s0 =	sld [smem:$0x3FA2]  }
0x30: {  	s3 =	sld [smem:$0x3FA5]  }
0x31: {  	[smem:$0x3FAE] =	sst s10  }
0x32: {  	s10 =	sld [smem:$0x3FAC];
	_ =	sdelay $0x3  }
0x33: {  	p0 =	seq.s32 s10, $0x1;
	s10 =	sld [smem:$0x3FAE];
	_ =	sdelay $0x3  }
0x34: {  	[smem:$0x3FAE] =	sst s10  }
0x35: {  	s10 =	sld [smem:$0x3FAD];
	_ =	sdelay $0x3  }
0x36: {  	p1 =	seq.s32 s10, $0x1;
	s10 =	sld [smem:$0x3FAE];
	_ =	sdelay $0x3  }
0x37: {  	[smem:$0x3FAE] =	sst s10  }
0x38: {  	s10 =	sld [smem:$0x3FAF]  }
0x39: {  	_ = 	snop;
	(pc) =	sbr.ind lr, $3  }
0x3a: {  	_ = 	snop  }
0x3b: {  	_ = 	snop  }
0x3c: {  	p2 =	seq.s32 s10, $0x1;
	s10 =	sld [smem:$0x3FAE]  }
0x3d: {  	_ =	shalt  }
0x3e: {  	_ =	shalt  }
0x3f: {  	_ =	shalt  }
0x40: {  	_ =	shalt  }
0x41: {  	_ =	shalt  }
0x42: {  	_ =	shalt  }
0x43: {  	_ =	shalt  }
0x44: {  	_ =	shalt  }
0x45: {  	_ =	shalt  }
0x46: {  	_ =	shalt  }
0x47: {  	_ =	shalt  }
0x48: {  	_ =	shalt  }
0x49: {  	_ =	shalt  }
0x4a: {  	_ =	shalt  }
0x4b: {  	_ =	shalt  }
0x4c: {  	_ =	shalt  }
0x4d: {  	_ =	shalt  }
0x4e: {  	_ =	shalt  }
0x4f: {  	_ =	shalt  }
0x50: {  	_ =	shalt  }
0x51: {  	_ =	shalt  }
0x52: {  	_ =	shalt  }
0x53: {  	_ =	shalt  }
0x54: {  	_ =	shalt  }
0x55: {  	_ =	shalt  }
0x56: {  	_ =	shalt  }
0x57: {  	_ =	shalt  }
0x58: {  	_ =	shalt  }
0x59: {  	_ =	shalt  }
0x5a: {  	_ =	shalt  }
0x5b: {  	_ =	shalt  }
0x5c: {  	_ =	shalt  }
0x5d: {  	_ =	shalt  }
0x5e: {  	_ =	shalt  }
0x5f: {  	_ =	shalt  }
0x60: {  	_ =	shalt  }
0x61: {  	_ =	shalt  }
0x62: {  	_ =	shalt  }
0x63: {  	_ =	shalt  }
0x64: {  	_ =	shalt  }
0x65: {  	_ =	shalt  }
0x66: {  	_ =	shalt  }
0x67: {  	_ =	shalt  }
0x68: {  	_ =	shalt  }
0x69: {  	_ =	shalt  }
0x6a: {  	_ =	shalt  }
0x6b: {  	_ =	shalt  }
0x6c: {  	_ =	shalt  }
0x6d: {  	_ =	shalt  }
0x6e: {  	_ =	shalt  }
0x6f: {  	_ =	shalt  }
0x70: {  	_ =	shalt  }
0x71: {  	_ =	shalt  }
0x72: {  	_ =	shalt  }
0x73: {  	_ =	shalt  }
0x74: {  	_ =	shalt  }
0x75: {  	_ =	shalt  }
0x76: {  	_ =	shalt  }
0x77: {  	_ =	shalt  }
0x78: {  	_ =	shalt  }
0x79: {  	_ =	shalt  }
0x7a: {  	_ =	shalt  }
0x7b: {  	_ =	shalt  }
0x7c: {  	_ =	shalt  }
0x7d: {  	_ =	shalt  }
0x7e: {  	_ =	shalt  }
0x7f: {  	_ =	shalt  }
0x80: {  	_ =	shalt  }
0x81: {  	_ =	shalt  }
0x82: {  	_ =	shalt  }
0x83: {  	_ =	shalt  }
0x84: {  	_ =	shalt  }
0x85: {  	_ =	shalt  }
0x86: {  	_ =	shalt  }
0x87: {  	_ =	shalt  }
.Lfunc_end0:
.L_simem_size_0:
called_computation_lowered:
.L_overlay_start_0:
0x88: {  	s2 =	sld [smem:$0x3FD9]  }
0x89: {  	s3 =	sld [smem:$0x3FFE];
	_ =	sdelay $0x1  }
0x8a: {  	s1 =	srdreg.scid  }
0x8b: {  	s0 =	sand.u32 $0x1, s1  }
0x8c: {  	s17 =	sshll.u32 s0, $0xA;
	s2 =	sadd.s32 s3, s2  }
0x8d: {  	s2 =	sadd.s32 s2, s17  }
0x8e: {  	[smem:$0x3FBA] =	sst s2  }
0x8f: {  	_ = 	snop  }
0x90: {  	s2 =	sld [smem:$0x3FD0];
	(tm) =	ssettm $0x1  }
0x91: {  	s18 =	sld [smem:$0x3FFB];
	_ =	sdelay $0x3  }
0x92: {  	_ =	strace s18  }
0x93: {  	s3 =	sld [smem:$0x3FFC];
	_ =	sdelay $0x3  }
0x94: {  	_ =	strace s3  }
0x95: {  	s3 =	sld [smem:$0x3FFD];
	_ =	sdelay $0x3  }
0x96: {  	_ =	strace s3  }
0x97: {  	_ =	strace $0x8FFFFFFF  }
0x98: {  	s19 =	sld [smem:$0x3FDB];
	_ =	sdelay $0x1  }
0x99: {  	s4 =	simm.s32 $_scs_section_size  }
0x9a: {  	s5 =	simm.s32 $_size__tile_overlayer_lowered;
	s6 =	simm.s32 $_tile_overlayer_lowered  }
0x9b: {  	s22 =	simm.s32 $0x1BFF;
	s21 =	sshll.u32 s6, $0x1;
	s3 =	sadd.s32 s4, s19  }
0x9c: {  	s7 =	simm.s32 $0x0;
	s20 =	sshll.u32 s5, $0x1;
	s5 =	sadd.s32 s21, s3  }
0x9d: {  	[timem:s7], [sflag:s22] =	dma.local [hbm:s5], s20  }
0x9e: {  	_ =	swait.ge [sflag:s22], s20  }
0x9f: {  	s4 =	ssub.s32 $0x0, s20;
	[sflag:s22] =	ssyncset.done $0x0  }
0xa0: {  	[sflag:s22] =	ssyncadd.s32 s4;
	_ =	sdelay $0x1  }
0xa1: {  	s23 =	simm.s32 $0x1B8B  }
0xa2: {  	_ =	swait.ge [sflag:s23], $0x1  }
0xa3: {  	[sflag:s23] =	ssyncset.done $0x0  }
0xa4: {  	s25 =	simm.s32 $0x1B8E;
	s24 =	sld [smem:$0x3FFE];
	[sflag:s23] =	ssyncadd.s32 $0xFFFFFFFF  }
0xa5: {  	s26 =	simm.s32 $execute0_lowered;
	[smem:$0x3FD2] =	sst s25  }
0xa6: {  	s5 =	sshll.u32 s26, $0x1;
	_ =	strace $0x80000046;
	[dreg:$0x1] =	wrdreg $0xFFFFFFFF  }
0xa7: {  	s28 =	simm.s32 $_size_execute0_lowered;
	s3 =	sadd.s32 s3, s5;
	[dreg:$0x0] =	wrdreg $0x0  }
0xa8: {  	s5 =	sshll.u32 s28, $0x1;
	[dreg:$0x2] =	wrdreg s3  }
0xa9: {  	[dreg:$0x3] =	wrdreg s5  }
0xaa: {  	[dreg:$0x4] =	wrdreg $0xC0  }
0xab: {  	_ =	task [dreg:s7], $0x5FFFF  }
0xac: {  	[dreg:$0x1] =	wrdreg $0xFFFFFFFF  }
0xad: {  	[dreg:$0x0] =	wrdreg $0x60  }
0xae: {  	[dreg:$0x2] =	wrdreg s2  }
0xaf: {  	[dreg:$0x3] =	wrdreg s24  }
0xb0: {  	[dreg:$0x4] =	wrdreg $0x2F800  }
0xb1: {  	[dreg:$0x5] =	wrdreg $0x9  }
0xb2: {  	_ =	task.clear_ibuf [dreg:s7], $0x6FFFF;
	_ =	strace $0x90000046  }
0xb3: {  	s29 =	simm.s32 $0x9;
	_ =	strace $0x80000048  }
0xb4: {  	_ =	swait.ge [sflag:s29], $0x1  }
0xb5: {  	[sflag:s29] =	ssyncadd.s32 $0xFFFFFFFF  }
0xb6: {  	_ =	strace $0x90000048  }
0xb7: {  	_ =	sfence  }
0xb8: {  	s30 =	sld [smem:$0x0];
	_ =	sdelay $0x2  }
0xb9: {  	s31 =	sshll.u32 s1, $0xD;
	s1 =	sshrl.u32 s1, $0x2  }
0xba: {  	s3 =	sand.u32 $0x4000, s31;
	s1 =	sadd.s32 s1, s30  }
0xbb: {  	s0 =	sor.u32 s3, s0;
	s1 =	sshll.u32 s1, $0x11  }
0xbc: {  	s0 =	sor.u32 s1, s0  }
0xbd: {  	s0 =	sadd.s32 $0x8F2B, s0  }
0xbe: {  	[sflag:s0] =	ssyncadd.remote.s32 $0x1  }
0xbf: {  	_ =	sfence.sel $0xFFFF  }
0xc0: {  	[dreg:$0x0] =	wrdreg $0xFFFFFFFF;
	(pc) =	sbr.abs _section_cstart, $3  }
0xc1: {  	[dreg:$0x1] =	wrdreg $0xFFFFFFFF  }
0xc2: {  	_ =	task.clear_ibuf [dreg:s7], $0x2FFFF;
	_ =	strace $0x9FFFFFFF  }
0xc3: {  	(tm) =	ssettm $0x7FFFFFFF  }
tec
execute0_lowered:
.L_overlay_start_1:
0x0: {  	(tag) =	ssettag $0x1  }
0x1: {  	s5 =	rddreg [dreg:$0x0]  }
0x2: {  	s6 =	rddreg [dreg:$0x1]  }
0x3: {  	s2 =	rddreg [dreg:$0x2]  }
0x4: {  	s0 =	rddreg [dreg:$0x3]  }
0x5: {  	s3 =	simm.s32 $0x0;
	s1 =	stileid.u32;
	s4 =	srdreg.scid  }
0x6: {  	s13 =	simm.s32 $0x80;
	s14 =	simm.s32 $0x1;
	s15 =	simm.s32 $0x0  }
0x7: {  	[smem:$0x7FF] =	sst s3;
	s7 =	smul.u32 $0x2780, s1;
	s8 =	sand.u32 $0x1, s4  }
0x8: {  	s10 =	sshll.u32 s1, $0x1;
	s4 =	sadd.s32 $0x9400, s6;
	s31 =	sshll.u32 s1, $0x6  }
0x9: {  	_ =	strace $0x80000047;
	s9 =	smul.u32 $0x27800, s8;
	s10 =	sor.u32 s8, s10  }
0xa: {  	s8 =	ssub.s32 $0x2, s8;
	s11 =	sshrl.u32 s7, $0x3;
	s10 =	smul.u32 $0x4F0, s10  }
0xb: {  	s12 =	sshrl.u32 s8, $0x1;
	s30 =	sadd.s32 s7, s2;
	s9 =	sadd.s32 s7, s9  }
0xc: {  	s11 =	sadd.s32 s11, s6;
	s8 =	ssub.s32 s8, s12;
	s12 =	sshrl.u32 s30, $0x3  }
0xd: {  	s9 =	sshrl.u32 s9, $0x3;
	s5 =	sadd.s32 s5, s10;
	s8 =	smax.u32 s8, $0x1  }
0xe: {  	s10 =	simm.s32 $0x2780;
	s9 =	sadd.s32 s9, s6;
	s6 =	sadd.s32 $0x4400, s11  }
0xf: {  	s11 =	sor.u32 $0x1C02, s31;
	s7 =	sadd.s32 $0x9600, s9;
	s9 =	simm.s32 $0x2  }
.LBB2_1:
0x10: {  	[tilespmem:s3], [sflag:$0x2] =	stream.linear.gather [hbm4b:s5+s3], $0x2780, $0x38;
	[tilespmem:$0x5700] =	vst v63  }
0x11: {  	_ =	swait.ge [sflag:s9], $0x2780  }
0x12: {  	[sflag:s9] =	ssyncset.done $0x0  }
0x13: {  	[sflag:s9] =	ssyncadd.s32 $0xFFFFD880  }
0x14: {  	[tilespmem:s10], [sflag:$0x2] =	stream.linear.gather [hbm4b:s4+s3], $0x800, $0x38;
	[tilespmem:$0x5700] =	vst v63  }
0x15: {  	_ =	swait.ge [sflag:s9], $0x800  }
0x16: {  	[sflag:s9] =	ssyncset.done $0x0  }
0x17: {  	[sflag:s9] =	ssyncadd.s32 $0xFFFFF800  }
0x18: {  	[spmem:s12], [sflag:s11] =	dma.local [hbm:s6], $0x4F0  }
0x19: {  	_ =	swait.ge [sflag:s9], $0x4F0  }
0x1a: {  	[sflag:s9] =	ssyncset.done $0x0  }
0x1b: {  	[sflag:s9] =	ssyncadd.s32 $0xFFFFFB10  }
0x1c: {  	s16 =	simm.s32 $0x0;
	[bflag:$0x0] =	sbarrier.arrive $0xFFFF  }
.LBB2_2:
0x1d: {  	p0 =	sne.s32 s16, $0x9C00  }
.Ltmp0:
0x1e: {  	_ = 	snop;
	(pc) =	sbr.rel @p0 .LBB2_2-.Ltmp0, $3  }
0x1f: {  	_ =	sdelay $0x1  }
0x20: {  	s17 =	sshra.s32 s16, $0x2;
	s16 =	sadd.s32 $0x200, s16  }
0x21: {  	[spmem:s2] =	stream.indirect.scatter.add.f32 [tilespmem:s10], [sflag:$0x1], $0x10, s17, s13, $0xb8;
	[tilespmem:$0x5700] =	vst v63  }
0x22: {  	_ =	swait.ge [sflag:s14], $0x800  }
0x23: {  	s16 =	simm.s32 $0x4E;
	[sflag:s14] =	ssyncset.done $0x0  }
.LBB2_4:
0x24: {  	p0 =	sne.s32 s16, $0x1;
	s16 =	sadd.s32 $0xFFFFFFFF, s16;
	[sflag:s14] =	ssyncadd.s32 $0xFFFFF800  }
.Ltmp1:
0x25: {  	(pc) =	sbr.rel @p0 .LBB2_4-.Ltmp1, $3  }
0x26: {  	_ =	sdelay $0x1  }
0x27: {  	_ =	swait.ge [sflag:s14], $0x800  }
0x28: {  	[sflag:s14] =	ssyncset.done $0x0  }
0x29: {  	s15 =	sadd.s32 $0x1, s15  }
0x2a: {  	[sflag:s14] =	ssyncadd.s32 $0xFFFFF800;
	p0 =	sne.s32 s15, s8  }
.Ltmp2:
0x2b: {  	[bflag:$0x0] =	sbarrier.arrive $0xFFFF;
	(pc) =	sbr.rel @p0 .LBB2_1-.Ltmp2, $4  }
0x2c: {  	[hbm:s7], [sflag:s11] =	dma.local [spmem:s12], $0x4F0  }
0x2d: {  	_ =	swait.ge [sflag:s9], $0x4F0  }
0x2e: {  	[sflag:s9] =	ssyncset.done $0x0  }
0x2f: {  	[sflag:s9] =	ssyncadd.s32 $0xFFFFFB10  }
0x30: {  	_ =	sfence.sel $0x180000  }
0x31: {  	[bflag:$0x0] =	sbarrier.arrive $0xFFFF  }
0x32: {  	p0 =	sne.s32 s1, $0x0;
	_ =	strace $0x90000047  }
0x33: {  	s0 =	sadd.s32 @!p0 $0x100000, s0;
	[bflag:$0x2] =	sbarrier.arrive $0xFFFF  }
0x34: {  	[sflag:s0] =	ssyncadd.tile.s32 @!p0 $0x1;
	_ =	shalt  }
.Lfunc_end2:
_tile_overlayer_lowered:
.L_overlay_start_2:
0x35: {  	(tag) =	ssettag $0x2  }
0x36: {  	s0 =	rddreg [dreg:$0x0];
	s2 =	stileid.u32  }
0x37: {  	s1 =	rddreg [dreg:$0x1];
	p0 =	sne.s32 s2, $0x0  }
0x38: {  	s3 =	rddreg [dreg:$0x2];
	[bflag:$0x3] =	sbarrier.arrive $0xFFFF;
	s2 =	simm.s32 @!p0 $0x1C02  }
0x39: {  	[timem:s3], [sflag:s2] =	dma.local @!p0 [hbm:s0], s1  }
0x3a: {  	s0 =	simm.s32 @!p0 $0x2  }
0x3b: {  	_ =	swait.ge @!p0 [sflag:s0], s1  }
0x3c: {  	s1 =	ssub.s32 @!p0 $0x0, s1;
	[sflag:s0] =	ssyncset.done @!p0 $0x0  }
0x3d: {  	[sflag:s0] =	ssyncadd.s32 @!p0 s1  }
0x3e: {  	[bflag:$0x3] =	sbarrier.arrive $0xFFFF  }
0x3f: {  	_ =	shalt  }

// kernel: kernel.14.cloned.1.call-start
scs
__scs_entry_jumppad:
0x0: {  	(pc) =	sbr.rel $0x88, $3  }
0x1: {  	(tag) =	ssettag $0x0;
	lr =	simm.s32 $0x1  }
0x2: {  	[smem:$0x3F93] =	sst lr;
	_ =	strace $0xD0000000  }
0x3: {  	_ = 	snop  }
0x4: {  	_ = 	snop  }
0x5: {  	_ = 	snop  }
0x6: {  	_ = 	snop  }
0x7: {  	_ = 	snop  }
__scs_overlays_trampoline_lowered:
0x8: {  	[smem:$0x3FA2] =	sst s0  }
0x9: {  	[smem:$0x3FA3] =	sst s1  }
0xa: {  	[smem:$0x3FA4] =	sst s2  }
0xb: {  	[smem:$0x3FA5] =	sst s3  }
0xc: {  	[smem:$0x3FA6] =	sst s4  }
0xd: {  	[smem:$0x3FA7] =	sst s5  }
0xe: {  	[smem:$0x3FA8] =	sst s6  }
0xf: {  	[smem:$0x3FA9] =	sst s7  }
0x10: {  	[smem:$0x3FAA] =	sst s8  }
0x11: {  	[smem:$0x3FAB] =	sst s9;
	s0 =	simm.s32 @!p0 $0x0  }
0x12: {  	s1 =	sld [smem:$0x3F91];
	s0 =	simm.s32 @p0 $0x1  }
0x13: {  	[smem:$0x3FAC] =	sst s0;
	s0 =	simm.s32 @!p1 $0x0  }
0x14: {  	s2 =	sld [smem:$0x3F90];
	s0 =	simm.s32 @p1 $0x1  }
0x15: {  	[smem:$0x3FAD] =	sst s0;
	s0 =	simm.s32 @!p2 $0x0  }
0x16: {  	s3 =	sld [smem:$0x3FDB];
	s0 =	simm.s32 @p2 $0x1  }
0x17: {  	s4 =	simm.s32 $0x1BF5;
	[smem:$0x3FAF] =	sst s0  }
0x18: {  	s0 =	sld [smem:$0x3F92];
	_ =	swait.ge [sflag:s4], $0x0  }
0x19: {  	s7 =	sld [smem:$0x3F93]  }
0x1a: {  	s8 =	sadd.s32 $0xFFFFE003, lr  }
0x1b: {  	s9 =	sadd.s32 $0xFFFFFEF7, lr;
	s5 =	simm.s32 $0xFFFFFFFF;
	p2 =	slt.u32 s8, $0xFFFFF086  }
0x1c: {  	p1 =	slt.u32 s9, $0xF7A;
	s5 =	simm.s32 @!p2 $0x0  }
0x1d: {  	s5 =	simm.s32 @p1 $0x1;
	p0 =	seq.s32 s7, s2  }
0x1e: {  	s7 =	smul.u32 @!p0 $0xF7A, s2;
	p2 =	seq.s32 @!p0 s5, $0x0  }
0x1f: {  	s9 =	smul.u32 $0xF7A, s1;
	s8 =	simm.s32 @!p0 $0x1BF5;
	p2 =	por !p2, p0  }
0x20: {  	[sflag:s8] =	ssyncset.s32 @!p0 $0xFFFFF086;
	s6 =	sadd.s32 @!p0 s3, s7;
	s7 =	simm.s32 @!p0 $0x108  }
0x21: {  	s3 =	sadd.s32 s3, s9;
	s6 =	sadd.s32 @!p0 $0x88, s6;
	s7 =	simm.s32 @p2 $0x1082  }
0x22: {  	[simem:s7], [sflag:s8] =	dma.local @!p0 [hbm:s6], $0xF7A  }
0x23: {  	s9 =	sor.u32 $0xD0000000, s2;
	s6 =	simm.s32 $0x108;
	_ =	swait.ge @!p0 [sflag:s8], $0x0  }
0x24: {  	s3 =	sadd.s32 $0x88, s3;
	s6 =	simm.s32 @!p1 $0x1082;
	[sflag:s4] =	ssyncset.s32 $0xFFFFF086  }
0x25: {  	[simem:s6], [sflag:s4] =	dma.local [hbm:s3], $0xF7A  }
0x26: {  	[smem:$0x3F93] =	sst s1;
	(tag) =	ssettag s2;
	_ =	strace s9  }
0x27: {  	s1 =	sld [smem:$0x3FA3]  }
0x28: {  	s2 =	sld [smem:$0x3FA4]  }
0x29: {  	s4 =	sld [smem:$0x3FA6]  }
0x2a: {  	p0 =	seq.s32 s5, $0x0;
	s5 =	sld [smem:$0x3FA7]  }
0x2b: {  	s6 =	sld [smem:$0x3FA8]  }
0x2c: {  	s7 =	sld [smem:$0x3FA9]  }
0x2d: {  	s3 =	simm.s32 $0x108;
	s8 =	sld [smem:$0x3FAA]  }
0x2e: {  	s3 =	simm.s32 @!p0 $0x1082;
	s9 =	sld [smem:$0x3FAB]  }
0x2f: {  	lr =	sadd.s32 s0, s3;
	s0 =	sld [smem:$0x3FA2]  }
0x30: {  	s3 =	sld [smem:$0x3FA5]  }
0x31: {  	[smem:$0x3FAE] =	sst s10  }
0x32: {  	s10 =	sld [smem:$0x3FAC];
	_ =	sdelay $0x3  }
0x33: {  	p0 =	seq.s32 s10, $0x1;
	s10 =	sld [smem:$0x3FAE];
	_ =	sdelay $0x3  }
0x34: {  	[smem:$0x3FAE] =	sst s10  }
0x35: {  	s10 =	sld [smem:$0x3FAD];
	_ =	sdelay $0x3  }
0x36: {  	p1 =	seq.s32 s10, $0x1;
	s10 =	sld [smem:$0x3FAE];
	_ =	sdelay $0x3  }
0x37: {  	[smem:$0x3FAE] =	sst s10  }
0x38: {  	s10 =	sld [smem:$0x3FAF]  }
0x39: {  	_ = 	snop;
	(pc) =	sbr.ind lr, $3  }
0x3a: {  	_ = 	snop  }
0x3b: {  	_ = 	snop  }
0x3c: {  	p2 =	seq.s32 s10, $0x1;
	s10 =	sld [smem:$0x3FAE]  }
0x3d: {  	_ =	shalt  }
0x3e: {  	_ =	shalt  }
0x3f: {  	_ =	shalt  }
0x40: {  	_ =	shalt  }
0x41: {  	_ =	shalt  }
0x42: {  	_ =	shalt  }
0x43: {  	_ =	shalt  }
0x44: {  	_ =	shalt  }
0x45: {  	_ =	shalt  }
0x46: {  	_ =	shalt  }
0x47: {  	_ =	shalt  }
0x48: {  	_ =	shalt  }
0x49: {  	_ =	shalt  }
0x4a: {  	_ =	shalt  }
0x4b: {  	_ =	shalt  }
0x4c: {  	_ =	shalt  }
0x4d: {  	_ =	shalt  }
0x4e: {  	_ =	shalt  }
0x4f: {  	_ =	shalt  }
0x50: {  	_ =	shalt  }
0x51: {  	_ =	shalt  }
0x52: {  	_ =	shalt  }
0x53: {  	_ =	shalt  }
0x54: {  	_ =	shalt  }
0x55: {  	_ =	shalt  }
0x56: {  	_ =	shalt  }
0x57: {  	_ =	shalt  }
0x58: {  	_ =	shalt  }
0x59: {  	_ =	shalt  }
0x5a: {  	_ =	shalt  }
0x5b: {  	_ =	shalt  }
0x5c: {  	_ =	shalt  }
0x5d: {  	_ =	shalt  }
0x5e: {  	_ =	shalt  }
0x5f: {  	_ =	shalt  }
0x60: {  	_ =	shalt  }
0x61: {  	_ =	shalt  }
0x62: {  	_ =	shalt  }
0x63: {  	_ =	shalt  }
0x64: {  	_ =	shalt  }
0x65: {  	_ =	shalt  }
0x66: {  	_ =	shalt  }
0x67: {  	_ =	shalt  }
0x68: {  	_ =	shalt  }
0x69: {  	_ =	shalt  }
0x6a: {  	_ =	shalt  }
0x6b: {  	_ =	shalt  }
0x6c: {  	_ =	shalt  }
0x6d: {  	_ =	shalt  }
0x6e: {  	_ =	shalt  }
0x6f: {  	_ =	shalt  }
0x70: {  	_ =	shalt  }
0x71: {  	_ =	shalt  }
0x72: {  	_ =	shalt  }
0x73: {  	_ =	shalt  }
0x74: {  	_ =	shalt  }
0x75: {  	_ =	shalt  }
0x76: {  	_ =	shalt  }
0x77: {  	_ =	shalt  }
0x78: {  	_ =	shalt  }
0x79: {  	_ =	shalt  }
0x7a: {  	_ =	shalt  }
0x7b: {  	_ =	shalt  }
0x7c: {  	_ =	shalt  }
0x7d: {  	_ =	shalt  }
0x7e: {  	_ =	shalt  }
0x7f: {  	_ =	shalt  }
0x80: {  	_ =	shalt  }
0x81: {  	_ =	shalt  }
0x82: {  	_ =	shalt  }
0x83: {  	_ =	shalt  }
0x84: {  	_ =	shalt  }
0x85: {  	_ =	shalt  }
0x86: {  	_ =	shalt  }
0x87: {  	_ =	shalt  }
.Lfunc_end0:
.L_simem_size_0:
called_computation.1_lowered:
.L_overlay_start_0:
0x88: {  	s2 =	sld [smem:$0x3FD9]  }
0x89: {  	s3 =	sld [smem:$0x3FFE];
	_ =	sdelay $0x1  }
0x8a: {  	s1 =	srdreg.scid  }
0x8b: {  	s0 =	sand.u32 $0x1, s1  }
0x8c: {  	s17 =	sshll.u32 s0, $0xA;
	s2 =	sadd.s32 s3, s2  }
0x8d: {  	s2 =	sadd.s32 s2, s17  }
0x8e: {  	[smem:$0x3FBA] =	sst s2  }
0x8f: {  	_ = 	snop  }
0x90: {  	s2 =	sld [smem:$0x3FD0];
	(tm) =	ssettm $0x1  }
0x91: {  	s18 =	sld [smem:$0x3FFB];
	_ =	sdelay $0x3  }
0x92: {  	_ =	strace s18  }
0x93: {  	s3 =	sld [smem:$0x3FFC];
	_ =	sdelay $0x3  }
0x94: {  	_ =	strace s3  }
0x95: {  	s3 =	sld [smem:$0x3FFD];
	_ =	sdelay $0x3  }
0x96: {  	_ =	strace s3  }
0x97: {  	_ =	strace $0x8FFFFFFF  }
0x98: {  	s19 =	sld [smem:$0x3FDB];
	_ =	sdelay $0x1  }
0x99: {  	s4 =	simm.s32 $_scs_section_size  }
0x9a: {  	s5 =	simm.s32 $_size__tile_overlayer_lowered;
	s6 =	simm.s32 $_tile_overlayer_lowered  }
0x9b: {  	s22 =	simm.s32 $0x1BFF;
	s21 =	sshll.u32 s6, $0x1;
	s3 =	sadd.s32 s4, s19  }
0x9c: {  	s7 =	simm.s32 $0x0;
	s20 =	sshll.u32 s5, $0x1;
	s5 =	sadd.s32 s21, s3  }
0x9d: {  	[timem:s7], [sflag:s22] =	dma.local [hbm:s5], s20  }
0x9e: {  	_ =	swait.ge [sflag:s22], s20  }
0x9f: {  	s4 =	ssub.s32 $0x0, s20;
	[sflag:s22] =	ssyncset.done $0x0  }
0xa0: {  	[sflag:s22] =	ssyncadd.s32 s4;
	_ =	sdelay $0x1  }
0xa1: {  	s23 =	simm.s32 $0x1B8B  }
0xa2: {  	_ =	swait.ge [sflag:s23], $0x1  }
0xa3: {  	[sflag:s23] =	ssyncset.done $0x0  }
0xa4: {  	s25 =	simm.s32 $0x1B8E;
	s24 =	sld [smem:$0x3FFE];
	[sflag:s23] =	ssyncadd.s32 $0xFFFFFFFF  }
0xa5: {  	s26 =	simm.s32 $execute0_lowered;
	[smem:$0x3FD2] =	sst s25  }
0xa6: {  	s5 =	sshll.u32 s26, $0x1;
	_ =	strace $0x80000049;
	[dreg:$0x1] =	wrdreg $0xFFFFFFFF  }
0xa7: {  	s28 =	simm.s32 $_size_execute0_lowered;
	s3 =	sadd.s32 s3, s5;
	[dreg:$0x0] =	wrdreg $0x0  }
0xa8: {  	s5 =	sshll.u32 s28, $0x1;
	[dreg:$0x2] =	wrdreg s3  }
0xa9: {  	[dreg:$0x3] =	wrdreg s5  }
0xaa: {  	[dreg:$0x4] =	wrdreg $0xC0  }
0xab: {  	_ =	task [dreg:s7], $0x5FFFF  }
0xac: {  	[dreg:$0x1] =	wrdreg $0xFFFFFFFF  }
0xad: {  	[dreg:$0x0] =	wrdreg $0x60  }
0xae: {  	[dreg:$0x2] =	wrdreg s24  }
0xaf: {  	[dreg:$0x3] =	wrdreg s2  }
0xb0: {  	[dreg:$0x4] =	wrdreg $0xB6800  }
0xb1: {  	[dreg:$0x5] =	wrdreg $0x8F000  }
0xb2: {  	[dreg:$0x6] =	wrdreg $0x9  }
0xb3: {  	_ =	task.clear_ibuf [dreg:s7], $0x7FFFF;
	_ =	strace $0x90000049  }
0xb4: {  	s29 =	simm.s32 $0x9;
	_ =	strace $0x8000004B  }
0xb5: {  	_ =	swait.ge [sflag:s29], $0x1  }
0xb6: {  	[sflag:s29] =	ssyncadd.s32 $0xFFFFFFFF  }
0xb7: {  	_ =	strace $0x9000004B  }
0xb8: {  	_ =	sfence  }
0xb9: {  	s30 =	sld [smem:$0x0];
	_ =	sdelay $0x2  }
0xba: {  	s31 =	sshll.u32 s1, $0xD;
	s1 =	sshrl.u32 s1, $0x2  }
0xbb: {  	s3 =	sand.u32 $0x4000, s31;
	s1 =	sadd.s32 s1, s30  }
0xbc: {  	s0 =	sor.u32 s3, s0;
	s1 =	sshll.u32 s1, $0x11  }
0xbd: {  	s0 =	sor.u32 s1, s0  }
0xbe: {  	s0 =	sadd.s32 $0x8F2B, s0  }
0xbf: {  	[sflag:s0] =	ssyncadd.remote.s32 $0x1  }
0xc0: {  	_ =	sfence.sel $0xFFFF  }
0xc1: {  	[dreg:$0x0] =	wrdreg $0xFFFFFFFF;
	(pc) =	sbr.abs _section_cstart, $3  }
0xc2: {  	[dreg:$0x1] =	wrdreg $0xFFFFFFFF  }
0xc3: {  	_ =	task.clear_ibuf [dreg:s7], $0x2FFFF;
	_ =	strace $0x9FFFFFFF  }
0xc4: {  	(tm) =	ssettm $0x7FFFFFFF  }
0xc5: {  	_ =	shalt  }
tec
execute0_lowered:
.L_overlay_start_1:
0x0: {  	(tag) =	ssettag $0x1  }
0x1: {  	s0 =	rddreg [dreg:$0x0];
	s13 =	stileid.u32  }
0x2: {  	s1 =	srdreg.scid;
	s4 =	rddreg [dreg:$0x1]  }
0x3: {  	s2 =	rddreg [dreg:$0x2];
	s8 =	simm.s32 $0x0;
	s16 =	simm.s32 $0x80  }
0x4: {  	s14 =	simm.s32 $0x4F00;
	s17 =	simm.s32 $0x5700;
	s18 =	simm.s32 $0x5F00  }
0x5: {  	s19 =	simm.s32 $0x6700;
	s20 =	simm.s32 $0x6F00;
	s21 =	simm.s32 $0x7700  }
0x6: {  	s1 =	sand.u32 $0x1, s1;
	s3 =	sshll.u32 s13, $0x1;
	s5 =	smul.u32 $0x2710, s13  }
0x7: {  	s7 =	smul.u32 $0x2780, s13;
	[smem:$0x7FF] =	sst s8;
	s30 =	sshll.u32 s13, $0x6  }
0x8: {  	s6 =	sor.u32 s1, s3;
	s3 =	rddreg [dreg:$0x3];
	s9 =	smul.u32 $0x27800, s1  }
0x9: {  	_ =	strace $0x8000004A;
	s1 =	ssub.s32 $0x2, s1;
	s13 =	sor.u32 $0x1C11, s30  }
0xa: {  	s6 =	smul.u32 $0x4F0, s6;
	s22 =	sshrl.u32 s5, $0x3;
	s11 =	sshrl.u32 s7, $0x3  }
0xb: {  	s12 =	sshrl.u32 s1, $0x1;
	s24 =	sadd.s32 s5, s2;
	s26 =	sadd.s32 s7, s3  }
0xc: {  	s8 =	sadd.s32 s22, s0;
	s9 =	sadd.s32 s7, s9;
	s11 =	sadd.s32 s11, s0  }
0xd: {  	s1 =	ssub.s32 s1, s12;
	s31 =	sshrl.u32 s24, $0x3;
	s15 =	sshrl.u32 s26, $0x3  }
0xe: {  	s22 =	simm.s32 $0x7F00;
	s7 =	simm.s32 $0xC;
	s12 =	simm.s32 $0xE  }
0xf: {  	s10 =	sadd.s32 s6, s0;
	s4 =	sadd.s32 s4, s6;
	[dreg:$0xb] =	wrdreg s31  }
0x10: {  	s9 =	sshrl.u32 s9, $0x3;
	s25 =	sadd.s32 $0x9400, s8;
	[dreg:$0x6] =	wrdreg s4  }
0x11: {  	s28 =	sadd.s32 $0x4400, s11;
	s29 =	smax.u32 s1, $0x1;
	[dreg:$0x7] =	wrdreg s25  }
0x12: {  	s11 =	simm.s32 $0x11;
	s1 =	simm.s32 $0x1;
	[dreg:$0x8] =	wrdreg s28  }
0x13: {  	s0 =	sadd.s32 s9, s0;
	s23 =	sadd.s32 $0x13400, s10;
	[dreg:$0xa] =	wrdreg s29  }
0x14: {  	s8 =	simm.s32 $0xD;
	[dreg:$0x5] =	wrdreg s23;
	s0 =	sadd.s32 $0x1D200, s0  }
0x15: {  	s9 =	simm.s32 $0xF;
	s10 =	simm.s32 $0x0;
	[dreg:$0x9] =	wrdreg s0  }
.LBB2_1:
0x16: {  	s0 =	simm.s32 $0x0;
	s4 =	rddreg [dreg:$0x5]  }
0x17: {  	[tilespmem:s0], [sflag:$0x11] =	stream.linear.gather [hbm4b:s4+s0], $0x2780, $0x38;
	[tilespmem:$0xDD90] =	vst v63  }
0x18: {  	_ =	swait.ge [sflag:s11], $0x2780  }
0x19: {  	[sflag:s11] =	ssyncset.done $0x0  }
0x1a: {  	s5 =	simm.s32 $0x2780;
	s30 =	rddreg [dreg:$0x6];
	[sflag:s11] =	ssyncadd.s32 $0xFFFFD880  }
0x1b: {  	[tilespmem:s5], [sflag:$0x11] =	stream.linear.gather [hbm4b:s30+s0], $0x2780, $0x38;
	[tilespmem:$0xDD90] =	vst v63  }
0x1c: {  	_ =	swait.ge [sflag:s11], $0x2780  }
0x1d: {  	[sflag:s11] =	ssyncset.done $0x0;
	s31 =	rddreg [dreg:$0x7]  }
0x1e: {  	s6 =	rddreg [dreg:$0xb];
	[sflag:s11] =	ssyncadd.s32 $0xFFFFD880  }
0x1f: {  	[spmem:s6], [sflag:s13] =	dma.local [hbm:s31], $0x4E2  }
0x20: {  	_ =	swait.ge [sflag:s11], $0x4E2  }
0x21: {  	[sflag:s11] =	ssyncset.done $0x0  }
0x22: {  	s6 =	rddreg [dreg:$0x8];
	[sflag:s11] =	ssyncadd.s32 $0xFFFFFB1E  }
0x23: {  	[spmem:s15], [sflag:s13] =	dma.local [hbm:s6], $0x4F0  }
0x24: {  	_ =	swait.ge [sflag:s11], $0x4F0  }
0x25: {  	[sflag:s11] =	ssyncset.done $0x0  }
0x26: {  	[sflag:s11] =	ssyncadd.s32 $0xFFFFFB10  }
0x27: {  	s30 =	simm.s32 $0x0;
	[bflag:$0x0] =	sbarrier.arrive $0xFFFF  }
0x28: {  	[tilespmem:s14], [sflag:$0x1] =	stream.indirect.gather [spmem:s2], $0x10, s0, s16, $0xb8;
	[tilespmem:$0xDD90] =	vst v63  }
0x29: {  	s4 =	sand.u32 $0x7, s30  }
0x2a: {  	[tilespmem:s17], [sflag:$0x2] =	stream.indirect.gather [spmem:s2], $0x10, s16, s16, $0xb8;
	[tilespmem:$0xDD90] =	vst v63  }
0x2b: {  	s4 =	sadd.s32 $0x0, s4;
	s17 =	simm.s32 $0x100  }
0x2c: {  	[tilespmem:s18], [sflag:$0x3] =	stream.indirect.gather [spmem:s2], $0x10, s17, s16, $0xb8;
	[tilespmem:$0xDD90] =	vst v63  }
0x2d: {  	s4 =	sand.u32 $0xF8, s4;
	s18 =	simm.s32 $0x180  }
0x2e: {  	[tilespmem:s19], [sflag:$0x4] =	stream.indirect.gather [spmem:s2], $0x10, s18, s16, $0xb8;
	[tilespmem:$0xDD90] =	vst v63  }
0x2f: {  	s4 =	ssub.s32 $0x0, s4;
	s19 =	simm.s32 $0x200  }
0x30: {  	[tilespmem:s20], [sflag:$0x5] =	stream.indirect.gather [spmem:s2], $0x10, s19, s16, $0xb8;
	[tilespmem:$0xDD90] =	vst v63  }
0x31: {  	s23 =	simm.s32 $0x280;
	s4 =	sshll.u32 s4, $0x18  }
0x32: {  	[tilespmem:s21], [sflag:$0x6] =	stream.indirect.gather [spmem:s2], $0x10, s23, s16, $0xb8;
	[tilespmem:$0xDD90] =	vst v63  }
0x33: {  	s24 =	simm.s32 $0x300;
	s25 =	simm.s32 $0x380;
	s4 =	sshra.s32 s4, $0x18  }
0x34: {  	[tilespmem:s22], [sflag:$0x7] =	stream.indirect.gather [spmem:s2], $0x10, s24, s16, $0xb8;
	[tilespmem:$0xDD90] =	vst v63  }
0x35: {  	s26 =	simm.s32 $0x8700;
	s29 =	sand.u32 $0x7, s1;
	s31 =	sshll.u32 s4, $0xD  }
0x36: {  	[tilespmem:s26], [sflag:$0x8] =	stream.indirect.gather [spmem:s2], $0x10, s25, s16, $0xb8;
	[tilespmem:$0xDD90] =	vst v63  }
0x37: {  	s28 =	simm.s32 $0x3;
	s17 =	sshra.s32 s31, $0x2;
	_ =	swait.ge [sflag:s1], $0x800  }
0x38: {  	s18 =	simm.s32 $0x400;
	s20 =	simm.s32 $0x2;
	[sflag:s1] =	ssyncset.done $0x0  }
0x39: {  	s19 =	sadd.s32 $0x1, s29;
	s23 =	sshll.u32 s29, $0xB;
	[sflag:s1] =	ssyncadd.s32 $0xFFFFF800  }
0x3a: {  	[spmem:s3] =	stream.indirect.scatter.add.f32 [tilespmem:s14], [sflag:$0x9], $0x10, s5, s16, $0xb8;
	[tilespmem:$0xDD90] =	vst v63  }
0x3b: {  	s24 =	simm.s32 $0x2800;
	s22 =	simm.s32 $0x2880;
	_ =	swait.ge [sflag:s19], $0x800  }
0x3c: {  	s26 =	simm.s32 $0x400;
	s14 =	simm.s32 $0x1;
	[sflag:s19] =	ssyncset.done $0x0  }
.LBB2_2:
0x3d: {  	s18 =	sadd.s32 $0x80, s18;
	s31 =	smov.u32 s14;
	s14 =	sadd.s32 $0xFFFFFFFF, s28  }
0x3e: {  	s21 =	smov.u32 s20;
	s20 =	smov.u32 s28;
	s30 =	sadd.s32 $0x1, s28  }
0x3f: {  	p0 =	sne.s32 s28, $0x47;
	s25 =	smov.u32 s26;
	s28 =	sshll.u32 s31, $0x18  }
0x40: {  	s0 =	smov.u32 s24;
	s26 =	smov.u32 s18;
	s28 =	sshra.s32 s28, $0x1F  }
0x41: {  	s5 =	sadd.s32 $0x1, s4;
	s24 =	smov.u32 s22;
	s28 =	sand.u32 $0x7, s28  }
0x42: {  	s23 =	sadd.s32 $0x4F00, s23;
	s29 =	sadd.s32 $0x9, s29;
	s28 =	sadd.s32 s28, s31  }
0x43: {  	s6 =	sadd.s32 $0x9, s4;
	s28 =	sand.u32 $0xF8, s28;
	[sflag:s19] =	ssyncadd.s32 $0xFFFFF800  }
0x44: {  	[spmem:s3] =	stream.indirect.scatter.add.f32 [tilespmem:s23], [sflag:s29], $0x10, s0, s16, $0xb8;
	[tilespmem:$0xDD90] =	vst v63  }
0x45: {  	s22 =	sadd.s32 $0x80, s22;
	s0 =	ssub.s32 s31, s28  }
0x46: {  	s29 =	sand.u32 $0x7, s21;
	_ =	swait.ge [sflag:s6], $0x800;
	s0 =	sshll.u32 s0, $0x18  }
.Ltmp0:
0x47: {  	s19 =	sadd.s32 $0x1, s29;
	[sflag:s6] =	ssyncset.done $0x0;
	(pc) =	sbr.rel @p0 .LBB2_2-.Ltmp0, $4  }
0x48: {  	s4 =	sshra.s32 s0, $0x18;
	s0 =	sadd.s32 $0x4F00, s17;
	[sflag:s6] =	ssyncadd.s32 $0xFFFFF800  }
0x49: {  	[tilespmem:s0], [sflag:s5] =	stream.indirect.gather [spmem:s2], $0x10, s25, s16, $0xb8;
	[tilespmem:$0xDD90] =	vst v63  }
0x4a: {  	s23 =	sshll.u32 s29, $0xB;
	s0 =	sshll.u32 s4, $0xD;
	_ =	swait.ge [sflag:s19], $0x800  }
0x4b: {  	s28 =	smov.u32 s30;
	s17 =	sshra.s32 s0, $0x2;
	[sflag:s19] =	ssyncset.done $0x0  }
0x4c: {  	[sflag:s19] =	ssyncadd.s32 $0xFFFFF800  }
0x4d: {  	s0 =	sadd.s32 $0x4F00, s23;
	s5 =	sadd.s32 $0x9, s29;
	s28 =	sadd.s32 $0x9, s4  }
0x4e: {  	[spmem:s3] =	stream.indirect.scatter.add.f32 [tilespmem:s0], [sflag:s5], $0x10, s24, s16, $0xb8;
	[tilespmem:$0xDD90] =	vst v63  }
0x4f: {  	_ =	swait.ge [sflag:s28], $0x800  }
0x50: {  	s29 =	sadd.s32 $0x1, s4;
	s31 =	sand.u32 $0x7, s20;
	[sflag:s28] =	ssyncset.done $0x0  }
0x51: {  	s30 =	sadd.s32 $0x4F00, s17;
	s6 =	sadd.s32 $0x1, s31;
	[sflag:s28] =	ssyncadd.s32 $0xFFFFF800  }
0x52: {  	[tilespmem:s30], [sflag:s29] =	stream.indirect.gather [spmem:s2], $0x10, s26, s16, $0xb8;
	[tilespmem:$0xDD90] =	vst v63  }
0x53: {  	_ =	swait.ge [sflag:s6], $0x800  }
0x54: {  	s20 =	sshll.u32 s14, $0x18;
	s17 =	sshll.u32 s31, $0xB;
	[sflag:s6] =	ssyncset.done $0x0  }
0x55: {  	s0 =	sadd.s32 $0x9, s31;
	s19 =	sadd.s32 $0x4F00, s17;
	[sflag:s6] =	ssyncadd.s32 $0xFFFFF800  }
0x56: {  	[spmem:s3] =	stream.indirect.scatter.add.f32 [tilespmem:s19], [sflag:s0], $0x10, s22, s16, $0xb8;
	[tilespmem:$0xDD90] =	vst v63  }
0x57: {  	s0 =	sshra.s32 s20, $0x1F  }
0x58: {  	s0 =	sand.u32 $0x7, s0  }
0x59: {  	s0 =	sadd.s32 s0, s14  }
0x5a: {  	s0 =	sand.u32 $0xF8, s0  }
0x5b: {  	s0 =	ssub.s32 s14, s0  }
0x5c: {  	s0 =	sshll.u32 s0, $0x18  }
0x5d: {  	s0 =	sshra.s32 s0, $0x18  }
0x5e: {  	s21 =	sadd.s32 $0x9, s0  }
0x5f: {  	s22 =	sshll.u32 s0, $0xD;
	_ =	swait.ge [sflag:s21], $0x800  }
0x60: {  	s24 =	sadd.s32 $0x80, s18;
	s23 =	sshra.s32 s22, $0x2;
	[sflag:s21] =	ssyncset.done $0x0  }
0x61: {  	s0 =	sadd.s32 $0x1, s0;
	s4 =	sadd.s32 $0x4F00, s23;
	[sflag:s21] =	ssyncadd.s32 $0xFFFFF800  }
0x62: {  	[tilespmem:s4], [sflag:s0] =	stream.indirect.gather [spmem:s2], $0x10, s24, s16, $0xb8;
	[tilespmem:$0xDD90] =	vst v63  }
0x63: {  	_ =	swait.ge [sflag:s1], $0x800  }
0x64: {  	s25 =	simm.s32 $0x4B80;
	[sflag:s1] =	ssyncset.done $0x0  }
0x65: {  	s26 =	simm.s32 $0x2;
	s14 =	simm.s32 $0x4F00;
	[sflag:s1] =	ssyncadd.s32 $0xFFFFF800  }
0x66: {  	[spmem:s3] =	stream.indirect.scatter.add.f32 [tilespmem:s14], [sflag:$0x9], $0x10, s25, s16, $0xb8;
	[tilespmem:$0xDD90] =	vst v63  }
0x67: {  	_ =	swait.ge [sflag:s26], $0x800  }
0x68: {  	s17 =	simm.s32 $0x5700;
	[sflag:s26] =	ssyncset.done $0x0  }
0x69: {  	s28 =	simm.s32 $0x4C00;
	s29 =	simm.s32 $0x3;
	[sflag:s26] =	ssyncadd.s32 $0xFFFFF800  }
0x6a: {  	[spmem:s3] =	stream.indirect.scatter.add.f32 [tilespmem:s17], [sflag:$0xA], $0x10, s28, s16, $0xb8;
	[tilespmem:$0xDD90] =	vst v63  }
0x6b: {  	_ =	swait.ge [sflag:s29], $0x800  }
0x6c: {  	s18 =	simm.s32 $0x5F00;
	[sflag:s29] =	ssyncset.done $0x0  }
0x6d: {  	s31 =	simm.s32 $0x4;
	s30 =	simm.s32 $0x4C80;
	[sflag:s29] =	ssyncadd.s32 $0xFFFFF800  }
0x6e: {  	[spmem:s3] =	stream.indirect.scatter.add.f32 [tilespmem:s18], [sflag:$0xB], $0x10, s30, s16, $0xb8;
	[tilespmem:$0xDD90] =	vst v63  }
0x6f: {  	_ =	swait.ge [sflag:s31], $0x800  }
0x70: {  	s5 =	simm.s32 $0x5;
	[sflag:s31] =	ssyncset.done $0x0  }
0x71: {  	s19 =	simm.s32 $0x6700;
	s4 =	simm.s32 $0x4D00;
	[sflag:s31] =	ssyncadd.s32 $0xFFFFF800  }
0x72: {  	[spmem:s3] =	stream.indirect.scatter.add.f32 [tilespmem:s19], [sflag:$0xC], $0x10, s4, s16, $0xb8;
	[tilespmem:$0xDD90] =	vst v63  }
0x73: {  	_ =	swait.ge [sflag:s5], $0x800  }
0x74: {  	s6 =	simm.s32 $0x4D80;
	[sflag:s5] =	ssyncset.done $0x0  }
0x75: {  	s20 =	simm.s32 $0x6F00;
	s21 =	simm.s32 $0x6;
	[sflag:s5] =	ssyncadd.s32 $0xFFFFF800  }
0x76: {  	[spmem:s3] =	stream.indirect.scatter.add.f32 [tilespmem:s20], [sflag:$0xD], $0x10, s6, s16, $0xb8;
	[tilespmem:$0xDD90] =	vst v63  }
0x77: {  	_ =	swait.ge [sflag:s21], $0x800  }
0x78: {  	s22 =	simm.s32 $0x4E00;
	[sflag:s21] =	ssyncset.done $0x0  }
0x79: {  	s23 =	simm.s32 $0x7;
	[sflag:s21] =	ssyncadd.s32 $0xFFFFF800;
	s21 =	simm.s32 $0x7700  }
0x7a: {  	[spmem:s3] =	stream.indirect.scatter.add.f32 [tilespmem:s21], [sflag:$0xE], $0x10, s22, s16, $0xb8;
	[tilespmem:$0xDD90] =	vst v63  }
0x7b: {  	_ =	swait.ge [sflag:s23], $0x800  }
0x7c: {  	s24 =	simm.s32 $0x4E80;
	[sflag:s23] =	ssyncset.done $0x0  }
0x7d: {  	s25 =	simm.s32 $0x10;
	s22 =	simm.s32 $0x7F00;
	[sflag:s23] =	ssyncadd.s32 $0xFFFFF800  }
0x7e: {  	[spmem:s3] =	stream.indirect.scatter.add.f32 [tilespmem:s22], [sflag:$0xF], $0x10, s24, s16, $0xb8;
	[tilespmem:$0xDD90] =	vst v63  }
0x7f: {  	_ =	swait.ge [sflag:s25], $0x800  }
0x80: {  	[sflag:s25] =	ssyncset.done $0x0  }
0x81: {  	s26 =	simm.s32 $0x9;
	[sflag:s25] =	ssyncadd.s32 $0xFFFFF800  }
0x82: {  	_ =	swait.ge [sflag:s26], $0x800  }
0x83: {  	[sflag:s26] =	ssyncset.done $0x0  }
0x84: {  	s28 =	simm.s32 $0xA;
	[sflag:s26] =	ssyncadd.s32 $0xFFFFF800  }
0x85: {  	_ =	swait.ge [sflag:s28], $0x800  }
0x86: {  	[sflag:s28] =	ssyncset.done $0x0  }
0x87: {  	s29 =	simm.s32 $0xB;
	[sflag:s28] =	ssyncadd.s32 $0xFFFFF800  }
0x88: {  	_ =	swait.ge [sflag:s29], $0x800  }
0x89: {  	[sflag:s29] =	ssyncset.done $0x0  }
0x8a: {  	[sflag:s29] =	ssyncadd.s32 $0xFFFFF800  }
0x8b: {  	_ =	swait.ge [sflag:s7], $0x800  }
0x8c: {  	[sflag:s7] =	ssyncset.done $0x0  }
0x8d: {  	[sflag:s7] =	ssyncadd.s32 $0xFFFFF800  }
0x8e: {  	_ =	swait.ge [sflag:s8], $0x800  }
0x8f: {  	[sflag:s8] =	ssyncset.done $0x0  }
0x90: {  	[sflag:s8] =	ssyncadd.s32 $0xFFFFF800  }
0x91: {  	_ =	swait.ge [sflag:s12], $0x800  }
0x92: {  	[sflag:s12] =	ssyncset.done $0x0  }
0x93: {  	[sflag:s12] =	ssyncadd.s32 $0xFFFFF800  }
0x94: {  	_ =	swait.ge [sflag:s9], $0x800  }
0x95: {  	[sflag:s9] =	ssyncset.done $0x0  }
0x96: {  	[sflag:s9] =	ssyncadd.s32 $0xFFFFF800  }
0x97: {  	[bflag:$0x0] =	sbarrier.arrive $0xFFFF  }
0x98: {  	s30 =	rddreg [dreg:$0x9]  }
0x99: {  	[hbm:s30], [sflag:s13] =	dma.local [spmem:s15], $0x4F0  }
0x9a: {  	_ =	swait.ge [sflag:s11], $0x4F0  }
0x9b: {  	s10 =	sadd.s32 $0x1, s10;
	s31 =	rddreg [dreg:$0xa]  }
0x9c: {  	p0 =	sne.s32 s10, s31  }
.Ltmp1:
0x9d: {  	_ = 	snop;
	(pc) =	sbr.rel @p0 .LBB2_1-.Ltmp1, $3  }
0x9e: {  	_ =	sdelay $0x1  }
0x9f: {  	[sflag:s11] =	ssyncset.done $0x0  }
0xa0: {  	[sflag:s11] =	ssyncadd.s32 $0xFFFFFB10  }
0xa1: {  	_ =	sfence.sel $0x180000  }
0xa2: {  	[bflag:$0x0] =	sbarrier.arrive $0xFFFF  }
0xa3: {  	_ =	strace $0x9000004A  }
0xa4: {  	s0 =	stileid.u32;
	[bflag:$0x2] =	sbarrier.arrive $0xFFFF  }
0xa5: {  	p0 =	sne.s32 s0, $0x0;
	s0 =	rddreg [dreg:$0x4]  }
0xa6: {  	s0 =	sadd.s32 @!p0 $0x100000, s0  }
0xa7: {  	[sflag:s0] =	ssyncadd.tile.s32 @!p0 $0x1;
	_ =	shalt  }
.Lfunc_end2:
_tile_overlayer_lowered:
.L_overlay_start_2:
0xa8: {  	(tag) =	ssettag $0x2  }
0xa9: {  	s0 =	rddreg [dreg:$0x0];
	s2 =	stileid.u32  }
0xaa: {  	s1 =	rddreg [dreg:$0x1];
	p0 =	sne.s32 s2, $0x0  }
0xab: {  	s3 =	rddreg [dreg:$0x2];
	[bflag:$0x3] =	sbarrier.arrive $0xFFFF;
	s2 =	simm.s32 @!p0 $0x1C11  }
0xac: {  	[timem:s3], [sflag:s2] =	dma.local @!p0 [hbm:s0], s1  }
0xad: {  	s0 =	simm.s32 @!p0 $0x11  }
0xae: {  	_ =	swait.ge @!p0 [sflag:s0], s1  }
0xaf: {  	s1 =	ssub.s32 @!p0 $0x0, s1;
	[sflag:s0] =	ssyncset.done @!p0 $0x0  }
0xb0: {  	[sflag:s0] =	ssyncadd.s32 @!p0 s1  }
0xb1: {  	[bflag:$0x3] =	sbarrier.arrive $0xFFFF  }
0xb2: {  	_ =	shalt  }

// kernel: kernel.17.cloned.1.call-start
scs
__scs_entry_jumppad:
0x0: {  	(pc) =	sbr.rel $0x88, $3  }
0x1: {  	(tag) =	ssettag $0x0;
	lr =	simm.s32 $0x1  }
0x2: {  	[smem:$0x3F93] =	sst lr;
	_ =	strace $0xD0000000  }
0x3: {  	_ = 	snop  }
0x4: {  	_ = 	snop  }
0x5: {  	_ = 	snop  }
0x6: {  	_ = 	snop  }
0x7: {  	_ = 	snop  }
__scs_overlays_trampoline_lowered:
0x8: {  	[smem:$0x3FA2] =	sst s0  }
0x9: {  	[smem:$0x3FA3] =	sst s1  }
0xa: {  	[smem:$0x3FA4] =	sst s2  }
0xb: {  	[smem:$0x3FA5] =	sst s3  }
0xc: {  	[smem:$0x3FA6] =	sst s4  }
0xd: {  	[smem:$0x3FA7] =	sst s5  }
0xe: {  	[smem:$0x3FA8] =	sst s6  }
0xf: {  	[smem:$0x3FA9] =	sst s7  }
0x10: {  	[smem:$0x3FAA] =	sst s8  }
0x11: {  	[smem:$0x3FAB] =	sst s9;
	s0 =	simm.s32 @!p0 $0x0  }
0x12: {  	s1 =	sld [smem:$0x3F91];
	s0 =	simm.s32 @p0 $0x1  }
0x13: {  	[smem:$0x3FAC] =	sst s0;
	s0 =	simm.s32 @!p1 $0x0  }
0x14: {  	s2 =	sld [smem:$0x3F90];
	s0 =	simm.s32 @p1 $0x1  }
0x15: {  	[smem:$0x3FAD] =	sst s0;
	s0 =	simm.s32 @!p2 $0x0  }
0x16: {  	s3 =	sld [smem:$0x3FDB];
	s0 =	simm.s32 @p2 $0x1  }
0x17: {  	s4 =	simm.s32 $0x1BF5;
	[smem:$0x3FAF] =	sst s0  }
0x18: {  	s0 =	sld [smem:$0x3F92];
	_ =	swait.ge [sflag:s4], $0x0  }
0x19: {  	s7 =	sld [smem:$0x3F93]  }
0x1a: {  	s8 =	sadd.s32 $0xFFFFE003, lr  }
0x1b: {  	s9 =	sadd.s32 $0xFFFFFEF7, lr;
	s5 =	simm.s32 $0xFFFFFFFF;
	p2 =	slt.u32 s8, $0xFFFFF086  }
0x1c: {  	p1 =	slt.u32 s9, $0xF7A;
	s5 =	simm.s32 @!p2 $0x0  }
0x1d: {  	s5 =	simm.s32 @p1 $0x1;
	p0 =	seq.s32 s7, s2  }
0x1e: {  	s7 =	smul.u32 @!p0 $0xF7A, s2;
	p2 =	seq.s32 @!p0 s5, $0x0  }
0x1f: {  	s9 =	smul.u32 $0xF7A, s1;
	s8 =	simm.s32 @!p0 $0x1BF5;
	p2 =	por !p2, p0  }
0x20: {  	[sflag:s8] =	ssyncset.s32 @!p0 $0xFFFFF086;
	s6 =	sadd.s32 @!p0 s3, s7;
	s7 =	simm.s32 @!p0 $0x108  }
0x21: {  	s3 =	sadd.s32 s3, s9;
	s6 =	sadd.s32 @!p0 $0x88, s6;
	s7 =	simm.s32 @p2 $0x1082  }
0x22: {  	[simem:s7], [sflag:s8] =	dma.local @!p0 [hbm:s6], $0xF7A  }
0x23: {  	s9 =	sor.u32 $0xD0000000, s2;
	s6 =	simm.s32 $0x108;
	_ =	swait.ge @!p0 [sflag:s8], $0x0  }
0x24: {  	s3 =	sadd.s32 $0x88, s3;
	s6 =	simm.s32 @!p1 $0x1082;
	[sflag:s4] =	ssyncset.s32 $0xFFFFF086  }
0x25: {  	[simem:s6], [sflag:s4] =	dma.local [hbm:s3], $0xF7A  }
0x26: {  	[smem:$0x3F93] =	sst s1;
	(tag) =	ssettag s2;
	_ =	strace s9  }
0x27: {  	s1 =	sld [smem:$0x3FA3]  }
0x28: {  	s2 =	sld [smem:$0x3FA4]  }
0x29: {  	s4 =	sld [smem:$0x3FA6]  }
0x2a: {  	p0 =	seq.s32 s5, $0x0;
	s5 =	sld [smem:$0x3FA7]  }
0x2b: {  	s6 =	sld [smem:$0x3FA8]  }
0x2c: {  	s7 =	sld [smem:$0x3FA9]  }
0x2d: {  	s3 =	simm.s32 $0x108;
	s8 =	sld [smem:$0x3FAA]  }
0x2e: {  	s3 =	simm.s32 @!p0 $0x1082;
	s9 =	sld [smem:$0x3FAB]  }
0x2f: {  	lr =	sadd.s32 s0, s3;
	s0 =	sld [smem:$0x3FA2]  }
0x30: {  	s3 =	sld [smem:$0x3FA5]  }
0x31: {  	[smem:$0x3FAE] =	sst s10  }
0x32: {  	s10 =	sld [smem:$0x3FAC];
	_ =	sdelay $0x3  }
0x33: {  	p0 =	seq.s32 s10, $0x1;
	s10 =	sld [smem:$0x3FAE];
	_ =	sdelay $0x3  }
0x34: {  	[smem:$0x3FAE] =	sst s10  }
0x35: {  	s10 =	sld [smem:$0x3FAD];
	_ =	sdelay $0x3  }
0x36: {  	p1 =	seq.s32 s10, $0x1;
	s10 =	sld [smem:$0x3FAE];
	_ =	sdelay $0x3  }
0x37: {  	[smem:$0x3FAE] =	sst s10  }
0x38: {  	s10 =	sld [smem:$0x3FAF]  }
0x39: {  	_ = 	snop;
	(pc) =	sbr.ind lr, $3  }
0x3a: {  	_ = 	snop  }
0x3b: {  	_ = 	snop  }
0x3c: {  	p2 =	seq.s32 s10, $0x1;
	s10 =	sld [smem:$0x3FAE]  }
0x3d: {  	_ =	shalt  }
0x3e: {  	_ =	shalt  }
0x3f: {  	_ =	shalt  }
0x40: {  	_ =	shalt  }
0x41: {  	_ =	shalt  }
0x42: {  	_ =	shalt  }
0x43: {  	_ =	shalt  }
0x44: {  	_ =	shalt  }
0x45: {  	_ =	shalt  }
0x46: {  	_ =	shalt  }
0x47: {  	_ =	shalt  }
0x48: {  	_ =	shalt  }
0x49: {  	_ =	shalt  }
0x4a: {  	_ =	shalt  }
0x4b: {  	_ =	shalt  }
0x4c: {  	_ =	shalt  }
0x4d: {  	_ =	shalt  }
0x4e: {  	_ =	shalt  }
0x4f: {  	_ =	shalt  }
0x50: {  	_ =	shalt  }
0x51: {  	_ =	shalt  }
0x52: {  	_ =	shalt  }
0x53: {  	_ =	shalt  }
0x54: {  	_ =	shalt  }
0x55: {  	_ =	shalt  }
0x56: {  	_ =	shalt  }
0x57: {  	_ =	shalt  }
0x58: {  	_ =	shalt  }
0x59: {  	_ =	shalt  }
0x5a: {  	_ =	shalt  }
0x5b: {  	_ =	shalt  }
0x5c: {  	_ =	shalt  }
0x5d: {  	_ =	shalt  }
0x5e: {  	_ =	shalt  }
0x5f: {  	_ =	shalt  }
0x60: {  	_ =	shalt  }
0x61: {  	_ =	shalt  }
0x62: {  	_ =	shalt  }
0x63: {  	_ =	shalt  }
0x64: {  	_ =	shalt  }
0x65: {  	_ =	shalt  }
0x66: {  	_ =	shalt  }
0x67: {  	_ =	shalt  }
0x68: {  	_ =	shalt  }
0x69: {  	_ =	shalt  }
0x6a: {  	_ =	shalt  }
0x6b: {  	_ =	shalt  }
0x6c: {  	_ =	shalt  }
0x6d: {  	_ =	shalt  }
0x6e: {  	_ =	shalt  }
0x6f: {  	_ =	shalt  }
0x70: {  	_ =	shalt  }
0x71: {  	_ =	shalt  }
0x72: {  	_ =	shalt  }
0x73: {  	_ =	shalt  }
0x74: {  	_ =	shalt  }
0x75: {  	_ =	shalt  }
0x76: {  	_ =	shalt  }
0x77: {  	_ =	shalt  }
0x78: {  	_ =	shalt  }
0x79: {  	_ =	shalt  }
0x7a: {  	_ =	shalt  }
0x7b: {  	_ =	shalt  }
0x7c: {  	_ =	shalt  }
0x7d: {  	_ =	shalt  }
0x7e: {  	_ =	shalt  }
0x7f: {  	_ =	shalt  }
0x80: {  	_ =	shalt  }
0x81: {  	_ =	shalt  }
0x82: {  	_ =	shalt  }
0x83: {  	_ =	shalt  }
0x84: {  	_ =	shalt  }
0x85: {  	_ =	shalt  }
0x86: {  	_ =	shalt  }
0x87: {  	_ =	shalt  }
.Lfunc_end0:
.L_simem_size_0:
called_computation.2_lowered:
.L_overlay_start_0:
0x88: {  	s2 =	sld [smem:$0x3FD9]  }
0x89: {  	s3 =	sld [smem:$0x3FFE];
	_ =	sdelay $0x1  }
0x8a: {  	s1 =	srdreg.scid  }
0x8b: {  	s0 =	sand.u32 $0x1, s1  }
0x8c: {  	s17 =	sshll.u32 s0, $0xA;
	s2 =	sadd.s32 s3, s2  }
0x8d: {  	s2 =	sadd.s32 s2, s17  }
0x8e: {  	[smem:$0x3FBA] =	sst s2  }
0x8f: {  	_ = 	snop  }
0x90: {  	s2 =	sld [smem:$0x3FD0];
	(tm) =	ssettm $0x1  }
0x91: {  	s18 =	sld [smem:$0x3FFB];
	_ =	sdelay $0x3  }
0x92: {  	_ =	strace s18  }
0x93: {  	s3 =	sld [smem:$0x3FFC];
	_ =	sdelay $0x3  }
0x94: {  	_ =	strace s3  }
0x95: {  	s3 =	sld [smem:$0x3FFD];
	_ =	sdelay $0x3  }
0x96: {  	_ =	strace s3  }
0x97: {  	_ =	strace $0x8FFFFFFF  }
0x98: {  	s19 =	sld [smem:$0x3FDB];
	_ =	sdelay $0x1  }
0x99: {  	s4 =	simm.s32 $_scs_section_size  }
0x9a: {  	s5 =	simm.s32 $_size__tile_overlayer_lowered;
	s6 =	simm.s32 $_tile_overlayer_lowered  }
0x9b: {  	s22 =	simm.s32 $0x1BFF;
	s21 =	sshll.u32 s6, $0x1;
	s3 =	sadd.s32 s4, s19  }
0x9c: {  	s7 =	simm.s32 $0x0;
	s20 =	sshll.u32 s5, $0x1;
	s5 =	sadd.s32 s21, s3  }
0x9d: {  	[timem:s7], [sflag:s22] =	dma.local [hbm:s5], s20  }
0x9e: {  	_ =	swait.ge [sflag:s22], s20  }
0x9f: {  	s4 =	ssub.s32 $0x0, s20;
	[sflag:s22] =	ssyncset.done $0x0  }
0xa0: {  	[sflag:s22] =	ssyncadd.s32 s4;
	_ =	sdelay $0x1  }
0xa1: {  	s23 =	simm.s32 $0x1B8B  }
0xa2: {  	_ =	swait.ge [sflag:s23], $0x1  }
0xa3: {  	[sflag:s23] =	ssyncset.done $0x0  }
0xa4: {  	s25 =	simm.s32 $0x1B8E;
	s24 =	sld [smem:$0x3FFE];
	[sflag:s23] =	ssyncadd.s32 $0xFFFFFFFF  }
0xa5: {  	s26 =	simm.s32 $execute0_lowered;
	[smem:$0x3FD2] =	sst s25  }
0xa6: {  	s5 =	sshll.u32 s26, $0x1;
	_ =	strace $0x8000004C;
	[dreg:$0x1] =	wrdreg $0xFFFFFFFF  }
0xa7: {  	s28 =	simm.s32 $_size_execute0_lowered;
	s3 =	sadd.s32 s3, s5;
	[dreg:$0x0] =	wrdreg $0x0  }
0xa8: {  	s5 =	sshll.u32 s28, $0x1;
	[dreg:$0x2] =	wrdreg s3  }
0xa9: {  	[dreg:$0x3] =	wrdreg s5  }
0xaa: {  	[dreg:$0x4] =	wrdreg $0xC0  }
0xab: {  	_ =	task [dreg:s7], $0x5FFFF  }
0xac: {  	[dreg:$0x1] =	wrdreg $0xFFFFFFFF  }
0xad: {  	[dreg:$0x0] =	wrdreg $0x60  }
0xae: {  	[dreg:$0x2] =	wrdreg s24  }
0xaf: {  	[dreg:$0x3] =	wrdreg s2  }
0xb0: {  	[dreg:$0x4] =	wrdreg $0xB6800  }
0xb1: {  	[dreg:$0x5] =	wrdreg $0x8F000  }
0xb2: {  	[dreg:$0x6] =	wrdreg $0x9  }
0xb3: {  	_ =	task.clear_ibuf [dreg:s7], $0x7FFFF;
	_ =	strace $0x9000004C  }
0xb4: {  	s29 =	simm.s32 $0x9;
	_ =	strace $0x8000004E  }
0xb5: {  	_ =	swait.ge [sflag:s29], $0x1  }
0xb6: {  	[sflag:s29] =	ssyncadd.s32 $0xFFFFFFFF  }
0xb7: {  	_ =	strace $0x9000004E  }
0xb8: {  	_ =	sfence  }
0xb9: {  	s30 =	sld [smem:$0x0];
	_ =	sdelay $0x2  }
0xba: {  	s31 =	sshll.u32 s1, $0xD;
	s1 =	sshrl.u32 s1, $0x2  }
0xbb: {  	s3 =	sand.u32 $0x4000, s31;
	s1 =	sadd.s32 s1, s30  }
0xbc: {  	s0 =	sor.u32 s3, s0;
	s1 =	sshll.u32 s1, $0x11  }
0xbd: {  	s0 =	sor.u32 s1, s0  }
0xbe: {  	s0 =	sadd.s32 $0x8F2B, s0  }
0xbf: {  	[sflag:s0] =	ssyncadd.remote.s32 $0x1  }
0xc0: {  	_ =	sfence.sel $0xFFFF  }
0xc1: {  	[dreg:$0x0] =	wrdreg $0xFFFFFFFF;
	(pc) =	sbr.abs _section_cstart, $3  }
0xc2: {  	[dreg:$0x1] =	wrdreg $0xFFFFFFFF  }
0xc3: {  	_ =	task.clear_ibuf [dreg:s7], $0x2FFFF;
	_ =	strace $0x9FFFFFFF  }
0xc4: {  	(tm) =	ssettm $0x7FFFFFFF  }
0xc5: {  	_ =	shalt  }
tec
execute0_lowered:
.L_overlay_start_1:
0x0: {  	(tag) =	ssettag $0x1  }
0x1: {  	s0 =	rddreg [dreg:$0x0];
	s13 =	stileid.u32  }
0x2: {  	s1 =	srdreg.scid;
	s4 =	rddreg [dreg:$0x1]  }
0x3: {  	s2 =	rddreg [dreg:$0x2];
	s8 =	simm.s32 $0x0;
	s16 =	simm.s32 $0x80  }
0x4: {  	s14 =	simm.s32 $0x4F00;
	s17 =	simm.s32 $0x5700;
	s18 =	simm.s32 $0x5F00  }
0x5: {  	s19 =	simm.s32 $0x6700;
	s20 =	simm.s32 $0x6F00;
	s21 =	simm.s32 $0x7700  }
0x6: {  	s1 =	sand.u32 $0x1, s1;
	s3 =	sshll.u32 s13, $0x1;
	s5 =	smul.u32 $0x2710, s13  }
0x7: {  	s7 =	smul.u32 $0x2780, s13;
	[smem:$0x7FF] =	sst s8;
	s30 =	sshll.u32 s13, $0x6  }
0x8: {  	s6 =	sor.u32 s1, s3;
	s3 =	rddreg [dreg:$0x3];
	s9 =	smul.u32 $0x27800, s1  }
0x9: {  	_ =	strace $0x8000004D;
	s1 =	ssub.s32 $0x2, s1;
	s13 =	sor.u32 $0x1C11, s30  }
0xa: {  	s6 =	smul.u32 $0x4F0, s6;
	s22 =	sshrl.u32 s5, $0x3;
	s11 =	sshrl.u32 s7, $0x3  }
0xb: {  	s12 =	sshrl.u32 s1, $0x1;
	s24 =	sadd.s32 s5, s2;
	s26 =	sadd.s32 s7, s3  }
0xc: {  	s8 =	sadd.s32 s22, s0;
	s9 =	sadd.s32 s7, s9;
	s11 =	sadd.s32 s11, s0  }
0xd: {  	s1 =	ssub.s32 s1, s12;
	s31 =	sshrl.u32 s24, $0x3;
	s15 =	sshrl.u32 s26, $0x3  }
0xe: {  	s22 =	simm.s32 $0x7F00;
	s7 =	simm.s32 $0xC;
	s12 =	simm.s32 $0xE  }
0xf: {  	s10 =	sadd.s32 s6, s0;
	s4 =	sadd.s32 s4, s6;
	[dreg:$0xb] =	wrdreg s31  }
0x10: {  	s9 =	sshrl.u32 s9, $0x3;
	s25 =	sadd.s32 $0x9400, s8;
	[dreg:$0x6] =	wrdreg s4  }
0x11: {  	s28 =	sadd.s32 $0x4400, s11;
	s29 =	smax.u32 s1, $0x1;
	[dreg:$0x7] =	wrdreg s25  }
0x12: {  	s11 =	simm.s32 $0x11;
	s1 =	simm.s32 $0x1;
	[dreg:$0x8] =	wrdreg s28  }
0x13: {  	s0 =	sadd.s32 s9, s0;
	s23 =	sadd.s32 $0x13400, s10;
	[dreg:$0xa] =	wrdreg s29  }
0x14: {  	s8 =	simm.s32 $0xD;
	[dreg:$0x5] =	wrdreg s23;
	s0 =	sadd.s32 $0x1D200, s0  }
0x15: {  	s9 =	simm.s32 $0xF;
	s10 =	simm.s32 $0x0;
	[dreg:$0x9] =	wrdreg s0  }
.LBB2_1:
0x16: {  	s0 =	simm.s32 $0x0;
	s4 =	rddreg [dreg:$0x5]  }
0x17: {  	[tilespmem:s0], [sflag:$0x11] =	stream.linear.gather [hbm4b:s4+s0], $0x2780, $0x38;
	[tilespmem:$0xDD90] =	vst v63  }
0x18: {  	_ =	swait.ge [sflag:s11], $0x2780  }
0x19: {  	[sflag:s11] =	ssyncset.done $0x0  }
0x1a: {  	s5 =	simm.s32 $0x2780;
	s30 =	rddreg [dreg:$0x6];
	[sflag:s11] =	ssyncadd.s32 $0xFFFFD880  }
0x1b: {  	[tilespmem:s5], [sflag:$0x11] =	stream.linear.gather [hbm4b:s30+s0], $0x2780, $0x38;
	[tilespmem:$0xDD90] =	vst v63  }
0x1c: {  	_ =	swait.ge [sflag:s11], $0x2780  }
0x1d: {  	[sflag:s11] =	ssyncset.done $0x0;
	s31 =	rddreg [dreg:$0x7]  }
0x1e: {  	s6 =	rddreg [dreg:$0xb];
	[sflag:s11] =	ssyncadd.s32 $0xFFFFD880  }
0x1f: {  	[spmem:s6], [sflag:s13] =	dma.local [hbm:s31], $0x4E2  }
0x20: {  	_ =	swait.ge [sflag:s11], $0x4E2  }
0x21: {  	[sflag:s11] =	ssyncset.done $0x0  }
0x22: {  	s6 =	rddreg [dreg:$0x8];
	[sflag:s11] =	ssyncadd.s32 $0xFFFFFB1E  }
0x23: {  	[spmem:s15], [sflag:s13] =	dma.local [hbm:s6], $0x4F0  }
0x24: {  	_ =	swait.ge [sflag:s11], $0x4F0  }
0x25: {  	[sflag:s11] =	ssyncset.done $0x0  }
0x26: {  	[sflag:s11] =	ssyncadd.s32 $0xFFFFFB10  }
0x27: {  	s30 =	simm.s32 $0x0;
	[bflag:$0x0] =	sbarrier.arrive $0xFFFF  }
0x28: {  	[tilespmem:s14], [sflag:$0x1] =	stream.indirect.gather [spmem:s2], $0x10, s0, s16, $0xb8;
	[tilespmem:$0xDD90] =	vst v63  }
0x29: {  	s4 =	sand.u32 $0x7, s30  }
0x2a: {  	[tilespmem:s17], [sflag:$0x2] =	stream.indirect.gather [spmem:s2], $0x10, s16, s16, $0xb8;
	[tilespmem:$0xDD90] =	vst v63  }
0x2b: {  	s4 =	sadd.s32 $0x0, s4;
	s17 =	simm.s32 $0x100  }
0x2c: {  	[tilespmem:s18], [sflag:$0x3] =	stream.indirect.gather [spmem:s2], $0x10, s17, s16, $0xb8;
	[tilespmem:$0xDD90] =	vst v63  }
0x2d: {  	s4 =	sand.u32 $0xF8, s4;
	s18 =	simm.s32 $0x180  }
0x2e: {  	[tilespmem:s19], [sflag:$0x4] =	stream.indirect.gather [spmem:s2], $0x10, s18, s16, $0xb8;
	[tilespmem:$0xDD90] =	vst v63  }
0x2f: {  	s4 =	ssub.s32 $0x0, s4;
	s19 =	simm.s32 $0x200  }
0x30: {  	[tilespmem:s20], [sflag:$0x5] =	stream.indirect.gather [spmem:s2], $0x10, s19, s16, $0xb8;
	[tilespmem:$0xDD90] =	vst v63  }
0x31: {  	s23 =	simm.s32 $0x280;
	s4 =	sshll.u32 s4, $0x18  }
0x32: {  	[tilespmem:s21], [sflag:$0x6] =	stream.indirect.gather [spmem:s2], $0x10, s23, s16, $0xb8;
	[tilespmem:$0xDD90] =	vst v63  }
0x33: {  	s24 =	simm.s32 $0x300;
	s25 =	simm.s32 $0x380;
	s4 =	sshra.s32 s4, $0x18  }
0x34: {  	[tilespmem:s22], [sflag:$0x7] =	stream.indirect.gather [spmem:s2], $0x10, s24, s16, $0xb8;
	[tilespmem:$0xDD90] =	vst v63  }
0x35: {  	s26 =	simm.s32 $0x8700;
	s29 =	sand.u32 $0x7, s1;
	s31 =	sshll.u32 s4, $0xD  }
0x36: {  	[tilespmem:s26], [sflag:$0x8] =	stream.indirect.gather [spmem:s2], $0x10, s25, s16, $0xb8;
	[tilespmem:$0xDD90] =	vst v63  }
0x37: {  	s28 =	simm.s32 $0x3;
	s17 =	sshra.s32 s31, $0x2;
	_ =	swait.ge [sflag:s1], $0x800  }
0x38: {  	s18 =	simm.s32 $0x400;
	s20 =	simm.s32 $0x2;
	[sflag:s1] =	ssyncset.done $0x0  }
0x39: {  	s19 =	sadd.s32 $0x1, s29;
	s23 =	sshll.u32 s29, $0xB;
	[sflag:s1] =	ssyncadd.s32 $0xFFFFF800  }
0x3a: {  	[spmem:s3] =	stream.indirect.scatter.add.f32 [tilespmem:s14], [sflag:$0x9], $0x10, s5, s16, $0xb8;
	[tilespmem:$0xDD90] =	vst v63  }
0x3b: {  	s24 =	simm.s32 $0x2800;
	s22 =	simm.s32 $0x2880;
	_ =	swait.ge [sflag:s19], $0x800  }
0x3c: {  	s26 =	simm.s32 $0x400;
	s14 =	simm.s32 $0x1;
	[sflag:s19] =	ssyncset.done $0x0  }
.LBB2_2:
0x3d: {  	s18 =	sadd.s32 $0x80, s18;
	s31 =	smov.u32 s14;
	s14 =	sadd.s32 $0xFFFFFFFF, s28  }
0x3e: {  	s21 =	smov.u32 s20;
	s20 =	smov.u32 s28;
	s30 =	sadd.s32 $0x1, s28  }
0x3f: {  	p0 =	sne.s32 s28, $0x47;
	s25 =	smov.u32 s26;
	s28 =	sshll.u32 s31, $0x18  }
0x40: {  	s0 =	smov.u32 s24;
	s26 =	smov.u32 s18;
	s28 =	sshra.s32 s28, $0x1F  }
0x41: {  	s5 =	sadd.s32 $0x1, s4;
	s24 =	smov.u32 s22;
	s28 =	sand.u32 $0x7, s28  }
0x42: {  	s23 =	sadd.s32 $0x4F00, s23;
	s29 =	sadd.s32 $0x9, s29;
	s28 =	sadd.s32 s28, s31  }
0x43: {  	s6 =	sadd.s32 $0x9, s4;
	s28 =	sand.u32 $0xF8, s28;
	[sflag:s19] =	ssyncadd.s32 $0xFFFFF800  }
0x44: {  	[spmem:s3] =	stream.indirect.scatter.add.f32 [tilespmem:s23], [sflag:s29], $0x10, s0, s16, $0xb8;
	[tilespmem:$0xDD90] =	vst v63  }
0x45: {  	s22 =	sadd.s32 $0x80, s22;
	s0 =	ssub.s32 s31, s28  }
0x46: {  	s29 =	sand.u32 $0x7, s21;
	_ =	swait.ge [sflag:s6], $0x800;
	s0 =	sshll.u32 s0, $0x18  }
.Ltmp0:
0x47: {  	s19 =	sadd.s32 $0x1, s29;
	[sflag:s6] =	ssyncset.done $0x0;
	(pc) =	sbr.rel @p0 .LBB2_2-.Ltmp0, $4  }
0x48: {  	s4 =	sshra.s32 s0, $0x18;
	s0 =	sadd.s32 $0x4F00, s17;
	[sflag:s6] =	ssyncadd.s32 $0xFFFFF800  }
0x49: {  	[tilespmem:s0], [sflag:s5] =	stream.indirect.gather [spmem:s2], $0x10, s25, s16, $0xb8;
	[tilespmem:$0xDD90] =	vst v63  }
0x4a: {  	s23 =	sshll.u32 s29, $0xB;
	s0 =	sshll.u32 s4, $0xD;
	_ =	swait.ge [sflag:s19], $0x800  }
0x4b: {  	s28 =	smov.u32 s30;
	s17 =	sshra.s32 s0, $0x2;
	[sflag:s19] =	ssyncset.done $0x0  }
0x4c: {  	[sflag:s19] =	ssyncadd.s32 $0xFFFFF800  }
0x4d: {  	s0 =	sadd.s32 $0x4F00, s23;
	s5 =	sadd.s32 $0x9, s29;
	s28 =	sadd.s32 $0x9, s4  }
0x4e: {  	[spmem:s3] =	stream.indirect.scatter.add.f32 [tilespmem:s0], [sflag:s5], $0x10, s24, s16, $0xb8;
	[tilespmem:$0xDD90] =	vst v63  }
0x4f: {  	_ =	swait.ge [sflag:s28], $0x800  }
0x50: {  	s29 =	sadd.s32 $0x1, s4;
	s31 =	sand.u32 $0x7, s20;
	[sflag:s28] =	ssyncset.done $0x0  }
0x51: {  	s30 =	sadd.s32 $0x4F00, s17;
	s6 =	sadd.s32 $0x1, s31;
	[sflag:s28] =	ssyncadd.s32 $0xFFFFF800  }
0x52: {  	[tilespmem:s30], [sflag:s29] =	stream.indirect.gather [spmem:s2], $0x10, s26, s16, $0xb8;
	[tilespmem:$0xDD90] =	vst v63  }
0x53: {  	_ =	swait.ge [sflag:s6], $0x800  }
0x54: {  	s20 =	sshll.u32 s14, $0x18;
	s17 =	sshll.u32 s31, $0xB;
	[sflag:s6] =	ssyncset.done $0x0  }
0x55: {  	s0 =	sadd.s32 $0x9, s31;
	s19 =	sadd.s32 $0x4F00, s17;
	[sflag:s6] =	ssyncadd.s32 $0xFFFFF800  }
0x56: {  	[spmem:s3] =	stream.indirect.scatter.add.f32 [tilespmem:s19], [sflag:s0], $0x10, s22, s16, $0xb8;
	[tilespmem:$0xDD90] =	vst v63  }
0x57: {  	s0 =	sshra.s32 s20, $0x1F  }
0x58: {  	s0 =	sand.u32 $0x7, s0  }
0x59: {  	s0 =	sadd.s32 s0, s14  }
0x5a: {  	s0 =	sand.u32 $0xF8, s0  }
0x5b: {  	s0 =	ssub.s32 s14, s0  }
0x5c: {  	s0 =	sshll.u32 s0, $0x18  }
0x5d: {  	s0 =	sshra.s32 s0, $0x18  }
0x5e: {  	s21 =	sadd.s32 $0x9, s0  }
0x5f: {  	s22 =	sshll.u32 s0, $0xD;
	_ =	swait.ge [sflag:s21], $0x800  }
0x60: {  	s24 =	sadd.s32 $0x80, s18;
	s23 =	sshra.s32 s22, $0x2;
	[sflag:s21] =	ssyncset.done $0x0  }
0x61: {  	s0 =	sadd.s32 $0x1, s0;
	s4 =	sadd.s32 $0x4F00, s23;
	[sflag:s21] =	ssyncadd.s32 $0xFFFFF800  }
0x62: {  	[tilespmem:s4], [sflag:s0] =	stream.indirect.gather [spmem:s2], $0x10, s24, s16, $0xb8;
	[tilespmem:$0xDD90] =	vst v63  }
0x63: {  	_ =	swait.ge [sflag:s1], $0x800  }
0x64: {  	s25 =	simm.s32 $0x4B80;
	[sflag:s1] =	ssyncset.done $0x0  }
0x65: {  	s26 =	simm.s32 $0x2;
	s14 =	simm.s32 $0x4F00;
	[sflag:s1] =	ssyncadd.s32 $0xFFFFF800  }
0x66: {  	[spmem:s3] =	stream.indirect.scatter.add.f32 [tilespmem:s14], [sflag:$0x9], $0x10, s25, s16, $0xb8;
	[tilespmem:$0xDD90] =	vst v63  }
0x67: {  	_ =	swait.ge [sflag:s26], $0x800  }
0x68: {  	s17 =	simm.s32 $0x5700;
	[sflag:s26] =	ssyncset.done $0x0  }
0x69: {  	s28 =	simm.s32 $0x4C00;
	s29 =	simm.s32 $0x3;
	[sflag:s26] =	ssyncadd.s32 $0xFFFFF800  }
0x6a: {  	[spmem:s3] =	stream.indirect.scatter.add.f32 [tilespmem:s17], [sflag:$0xA], $0x10, s28, s16, $0xb8;
	[tilespmem:$0xDD90] =	vst v63  }
0x6b: {  	_ =	swait.ge [sflag:s29], $0x800  }
0x6c: {  	s18 =	simm.s32 $0x5F00;
	[sflag:s29] =	ssyncset.done $0x0  }
0x6d: {  	s31 =	simm.s32 $0x4;
	s30 =	simm.s32 $0x4C80;
	[sflag:s29] =	ssyncadd.s32 $0xFFFFF800  }
0x6e: {  	[spmem:s3] =	stream.indirect.scatter.add.f32 [tilespmem:s18], [sflag:$0xB], $0x10, s30, s16, $0xb8;
	[tilespmem:$0xDD90] =	vst v63  }
0x6f: {  	_ =	swait.ge [sflag:s31], $0x800  }
0x70: {  	s5 =	simm.s32 $0x5;
	[sflag:s31] =	ssyncset.done $0x0  }
0x71: {  	s19 =	simm.s32 $0x6700;
	s4 =	simm.s32 $0x4D00;
	[sflag:s31] =	ssyncadd.s32 $0xFFFFF800  }
0x72: {  	[spmem:s3] =	stream.indirect.scatter.add.f32 [tilespmem:s19], [sflag:$0xC], $0x10, s4, s16, $0xb8;
	[tilespmem:$0xDD90] =	vst v63  }
0x73: {  	_ =	swait.ge [sflag:s5], $0x800  }
0x74: {  	s6 =	simm.s32 $0x4D80;
	[sflag:s5] =	ssyncset.done $0x0  }
0x75: {  	s20 =	simm.s32 $0x6F00;
	s21 =	simm.s32 $0x6;
	[sflag:s5] =	ssyncadd.s32 $0xFFFFF800  }
0x76: {  	[spmem:s3] =	stream.indirect.scatter.add.f32 [tilespmem:s20], [sflag:$0xD], $0x10, s6, s16, $0xb8;
	[tilespmem:$0xDD90] =	vst v63  }
0x77: {  	_ =	swait.ge [sflag:s21], $0x800  }
0x78: {  	s22 =	simm.s32 $0x4E00;
	[sflag:s21] =	ssyncset.done $0x0  }
0x79: {  	s23 =	simm.s32 $0x7;
	[sflag:s21] =	ssyncadd.s32 $0xFFFFF800;
	s21 =	simm.s32 $0x7700  }
0x7a: {  	[spmem:s3] =	stream.indirect.scatter.add.f32 [tilespmem:s21], [sflag:$0xE], $0x10, s22, s16, $0xb8;
	[tilespmem:$0xDD90] =	vst v63  }
0x7b: {  	_ =	swait.ge [sflag:s23], $0x800  }
0x7c: {  	s24 =	simm.s32 $0x4E80;
	[sflag:s23] =	ssyncset.done $0x0  }
0x7d: {  	s25 =	simm.s32 $0x10;
	s22 =	simm.s32 $0x7F00;
	[sflag:s23] =	ssyncadd.s32 $0xFFFFF800  }
0x7e: {  	[spmem:s3] =	stream.indirect.scatter.add.f32 [tilespmem:s22], [sflag:$0xF], $0x10, s24, s16, $0xb8;
	[tilespmem:$0xDD90] =	vst v63  }
0x7f: {  	_ =	swait.ge [sflag:s25], $0x800  }
0x80: {  	[sflag:s25] =	ssyncset.done $0x0  }
0x81: {  	s26 =	simm.s32 $0x9;
	[sflag:s25] =	ssyncadd.s32 $0xFFFFF800  }
0x82: {  	_ =	swait.ge [sflag:s26], $0x800  }
0x83: {  	[sflag:s26] =	ssyncset.done $0x0  }
0x84: {  	s28 =	simm.s32 $0xA;
	[sflag:s26] =	ssyncadd.s32 $0xFFFFF800  }
0x85: {  	_ =	swait.ge [sflag:s28], $0x800  }
0x86: {  	[sflag:s28] =	ssyncset.done $0x0  }
0x87: {  	s29 =	simm.s32 $0xB;
	[sflag:s28] =	ssyncadd.s32 $0xFFFFF800  }
0x88: {  	_ =	swait.ge [sflag:s29], $0x800  }
0x89: {  	[sflag:s29] =	ssyncset.done $0x0  }
0x8a: {  	[sflag:s29] =	ssyncadd.s32 $0xFFFFF800  }
0x8b: {  	_ =	swait.ge [sflag:s7], $0x800  }
0x8c: {  	[sflag:s7] =	ssyncset.done $0x0  }
0x8d: {  	[sflag:s7] =	ssyncadd.s32 $0xFFFFF800  }
0x8e: {  	_ =	swait.ge [sflag:s8], $0x800  }
0x8f: {  	[sflag:s8] =	ssyncset.done $0x0  }
0x90: {  	[sflag:s8] =	ssyncadd.s32 $0xFFFFF800  }
0x91: {  	_ =	swait.ge [sflag:s12], $0x800  }
0x92: {  	[sflag:s12] =	ssyncset.done $0x0  }
0x93: {  	[sflag:s12] =	ssyncadd.s32 $0xFFFFF800  }
0x94: {  	_ =	swait.ge [sflag:s9], $0x800  }
0x95: {  	[sflag:s9] =	ssyncset.done $0x0  }
0x96: {  	[sflag:s9] =	ssyncadd.s32 $0xFFFFF800  }
0x97: {  	[bflag:$0x0] =	sbarrier.arrive $0xFFFF  }
0x98: {  	s30 =	rddreg [dreg:$0x9]  }
0x99: {  	[hbm:s30], [sflag:s13] =	dma.local [spmem:s15], $0x4F0  }
0x9a: {  	_ =	swait.ge [sflag:s11], $0x4F0  }
0x9b: {  	s10 =	sadd.s32 $0x1, s10;
	s31 =	rddreg [dreg:$0xa]  }
0x9c: {  	p0 =	sne.s32 s10, s31  }
.Ltmp1:
0x9d: {  	_ = 	snop;
	(pc) =	sbr.rel @p0 .LBB2_1-.Ltmp1, $3  }
0x9e: {  	_ =	sdelay $0x1  }
0x9f: {  	[sflag:s11] =	ssyncset.done $0x0  }
0xa0: {  	[sflag:s11] =	ssyncadd.s32 $0xFFFFFB10  }
0xa1: {  	_ =	sfence.sel $0x180000  }
0xa2: {  	[bflag:$0x0] =	sbarrier.arrive $0xFFFF  }
0xa3: {  	_ =	strace $0x9000004D  }
0xa4: {  	s0 =	stileid.u32;
	[bflag:$0x2] =	sbarrier.arrive $0xFFFF  }
0xa5: {  	p0 =	sne.s32 s0, $0x0;
	s0 =	rddreg [dreg:$0x4]  }
0xa6: {  	s0 =	sadd.s32 @!p0 $0x100000, s0  }
0xa7: {  	[sflag:s0] =	ssyncadd.tile.s32 @!p0 $0x1;
	_ =	shalt  }
.Lfunc_end2:
_tile_overlayer_lowered:
.L_overlay_start_2:
0xa8: {  	(tag) =	ssettag $0x2  }
0xa9: {  	s0 =	rddreg [dreg:$0x0];
	s2 =	stileid.u32  }
0xaa: {  	s1 =	rddreg [dreg:$0x1];
	p0 =	sne.s32 s2, $0x0  }
0xab: {  	s3 =	rddreg [dreg:$0x2];
	[bflag:$0x3] =	sbarrier.arrive $0xFFFF;
	s2 =	simm.s32 @!p0 $0x1C11  }
0xac: {  	[timem:s3], [sflag:s2] =	dma.local @!p0 [hbm:s0], s1  }
0xad: {  	s0 =	simm.s32 @!p0 $0x11  }
0xae: {  	_ =	swait.ge @!p0 [sflag:s0], s1  }
0xaf: {  	s1 =	ssub.s32 @!p0 $0x0, s1;
	[sflag:s0] =	ssyncset.done @!p0 $0x0  }
0xb0: {  	[sflag:s0] =	ssyncadd.s32 @!p0 s1  }
0xb1: {  	[bflag:$0x3] =	sbarrier.arrive $0xFFFF  }
0xb2: {  	_ =	shalt  }

// kernel: kernel.20.cloned.1.call-start
scs
__scs_entry_jumppad:
0x0: {  	(pc) =	sbr.rel $0x88, $3  }
0x1: {  	(tag) =	ssettag $0x0;
	lr =	simm.s32 $0x1  }
0x2: {  	[smem:$0x3F93] =	sst lr;
	_ =	strace $0xD0000000  }
0x3: {  	_ = 	snop  }
0x4: {  	_ = 	snop  }
0x5: {  	_ = 	snop  }
0x6: {  	_ = 	snop  }
0x7: {  	_ = 	snop  }
__scs_overlays_trampoline_lowered:
0x8: {  	[smem:$0x3FA2] =	sst s0  }
0x9: {  	[smem:$0x3FA3] =	sst s1  }
0xa: {  	[smem:$0x3FA4] =	sst s2  }
0xb: {  	[smem:$0x3FA5] =	sst s3  }
0xc: {  	[smem:$0x3FA6] =	sst s4  }
0xd: {  	[smem:$0x3FA7] =	sst s5  }
0xe: {  	[smem:$0x3FA8] =	sst s6  }
0xf: {  	[smem:$0x3FA9] =	sst s7  }
0x10: {  	[smem:$0x3FAA] =	sst s8  }
0x11: {  	[smem:$0x3FAB] =	sst s9;
	s0 =	simm.s32 @!p0 $0x0  }
0x12: {  	s1 =	sld [smem:$0x3F91];
	s0 =	simm.s32 @p0 $0x1  }
0x13: {  	[smem:$0x3FAC] =	sst s0;
	s0 =	simm.s32 @!p1 $0x0  }
0x14: {  	s2 =	sld [smem:$0x3F90];
	s0 =	simm.s32 @p1 $0x1  }
0x15: {  	[smem:$0x3FAD] =	sst s0;
	s0 =	simm.s32 @!p2 $0x0  }
0x16: {  	s3 =	sld [smem:$0x3FDB];
	s0 =	simm.s32 @p2 $0x1  }
0x17: {  	s4 =	simm.s32 $0x1BF5;
	[smem:$0x3FAF] =	sst s0  }
0x18: {  	s0 =	sld [smem:$0x3F92];
	_ =	swait.ge [sflag:s4], $0x0  }
0x19: {  	s7 =	sld [smem:$0x3F93]  }
0x1a: {  	s8 =	sadd.s32 $0xFFFFE003, lr  }
0x1b: {  	s9 =	sadd.s32 $0xFFFFFEF7, lr;
	s5 =	simm.s32 $0xFFFFFFFF;
	p2 =	slt.u32 s8, $0xFFFFF086  }
0x1c: {  	p1 =	slt.u32 s9, $0xF7A;
	s5 =	simm.s32 @!p2 $0x0  }
0x1d: {  	s5 =	simm.s32 @p1 $0x1;
	p0 =	seq.s32 s7, s2  }
0x1e: {  	s7 =	smul.u32 @!p0 $0xF7A, s2;
	p2 =	seq.s32 @!p0 s5, $0x0  }
0x1f: {  	s9 =	smul.u32 $0xF7A, s1;
	s8 =	simm.s32 @!p0 $0x1BF5;
	p2 =	por !p2, p0  }
0x20: {  	[sflag:s8] =	ssyncset.s32 @!p0 $0xFFFFF086;
	s6 =	sadd.s32 @!p0 s3, s7;
	s7 =	simm.s32 @!p0 $0x108  }
0x21: {  	s3 =	sadd.s32 s3, s9;
	s6 =	sadd.s32 @!p0 $0x88, s6;
	s7 =	simm.s32 @p2 $0x1082  }
0x22: {  	[simem:s7], [sflag:s8] =	dma.local @!p0 [hbm:s6], $0xF7A  }
0x23: {  	s9 =	sor.u32 $0xD0000000, s2;
	s6 =	simm.s32 $0x108;
	_ =	swait.ge @!p0 [sflag:s8], $0x0  }
0x24: {  	s3 =	sadd.s32 $0x88, s3;
	s6 =	simm.s32 @!p1 $0x1082;
	[sflag:s4] =	ssyncset.s32 $0xFFFFF086  }
0x25: {  	[simem:s6], [sflag:s4] =	dma.local [hbm:s3], $0xF7A  }
0x26: {  	[smem:$0x3F93] =	sst s1;
	(tag) =	ssettag s2;
	_ =	strace s9  }
0x27: {  	s1 =	sld [smem:$0x3FA3]  }
0x28: {  	s2 =	sld [smem:$0x3FA4]  }
0x29: {  	s4 =	sld [smem:$0x3FA6]  }
0x2a: {  	p0 =	seq.s32 s5, $0x0;
	s5 =	sld [smem:$0x3FA7]  }
0x2b: {  	s6 =	sld [smem:$0x3FA8]  }
0x2c: {  	s7 =	sld [smem:$0x3FA9]  }
0x2d: {  	s3 =	simm.s32 $0x108;
	s8 =	sld [smem:$0x3FAA]  }
0x2e: {  	s3 =	simm.s32 @!p0 $0x1082;
	s9 =	sld [smem:$0x3FAB]  }
0x2f: {  	lr =	sadd.s32 s0, s3;
	s0 =	sld [smem:$0x3FA2]  }
0x30: {  	s3 =	sld [smem:$0x3FA5]  }
0x31: {  	[smem:$0x3FAE] =	sst s10  }
0x32: {  	s10 =	sld [smem:$0x3FAC];
	_ =	sdelay $0x3  }
0x33: {  	p0 =	seq.s32 s10, $0x1;
	s10 =	sld [smem:$0x3FAE];
	_ =	sdelay $0x3  }
0x34: {  	[smem:$0x3FAE] =	sst s10  }
0x35: {  	s10 =	sld [smem:$0x3FAD];
	_ =	sdelay $0x3  }
0x36: {  	p1 =	seq.s32 s10, $0x1;
	s10 =	sld [smem:$0x3FAE];
	_ =	sdelay $0x3  }
0x37: {  	[smem:$0x3FAE] =	sst s10  }
0x38: {  	s10 =	sld [smem:$0x3FAF]  }
0x39: {  	_ = 	snop;
	(pc) =	sbr.ind lr, $3  }
0x3a: {  	_ = 	snop  }
0x3b: {  	_ = 	snop  }
0x3c: {  	p2 =	seq.s32 s10, $0x1;
	s10 =	sld [smem:$0x3FAE]  }
0x3d: {  	_ =	shalt  }
0x3e: {  	_ =	shalt  }
0x3f: {  	_ =	shalt  }
0x40: {  	_ =	shalt  }
0x41: {  	_ =	shalt  }
0x42: {  	_ =	shalt  }
0x43: {  	_ =	shalt  }
0x44: {  	_ =	shalt  }
0x45: {  	_ =	shalt  }
0x46: {  	_ =	shalt  }
0x47: {  	_ =	shalt  }
0x48: {  	_ =	shalt  }
0x49: {  	_ =	shalt  }
0x4a: {  	_ =	shalt  }
0x4b: {  	_ =	shalt  }
0x4c: {  	_ =	shalt  }
0x4d: {  	_ =	shalt  }
0x4e: {  	_ =	shalt  }
0x4f: {  	_ =	shalt  }
0x50: {  	_ =	shalt  }
0x51: {  	_ =	shalt  }
0x52: {  	_ =	shalt  }
0x53: {  	_ =	shalt  }
0x54: {  	_ =	shalt  }
0x55: {  	_ =	shalt  }
0x56: {  	_ =	shalt  }
0x57: {  	_ =	shalt  }
0x58: {  	_ =	shalt  }
0x59: {  	_ =	shalt  }
0x5a: {  	_ =	shalt  }
0x5b: {  	_ =	shalt  }
0x5c: {  	_ =	shalt  }
0x5d: {  	_ =	shalt  }
0x5e: {  	_ =	shalt  }
0x5f: {  	_ =	shalt  }
0x60: {  	_ =	shalt  }
0x61: {  	_ =	shalt  }
0x62: {  	_ =	shalt  }
0x63: {  	_ =	shalt  }
0x64: {  	_ =	shalt  }
0x65: {  	_ =	shalt  }
0x66: {  	_ =	shalt  }
0x67: {  	_ =	shalt  }
0x68: {  	_ =	shalt  }
0x69: {  	_ =	shalt  }
0x6a: {  	_ =	shalt  }
0x6b: {  	_ =	shalt  }
0x6c: {  	_ =	shalt  }
0x6d: {  	_ =	shalt  }
0x6e: {  	_ =	shalt  }
0x6f: {  	_ =	shalt  }
0x70: {  	_ =	shalt  }
0x71: {  	_ =	shalt  }
0x72: {  	_ =	shalt  }
0x73: {  	_ =	shalt  }
0x74: {  	_ =	shalt  }
0x75: {  	_ =	shalt  }
0x76: {  	_ =	shalt  }
0x77: {  	_ =	shalt  }
0x78: {  	_ =	shalt  }
0x79: {  	_ =	shalt  }
0x7a: {  	_ =	shalt  }
0x7b: {  	_ =	shalt  }
0x7c: {  	_ =	shalt  }
0x7d: {  	_ =	shalt  }
0x7e: {  	_ =	shalt  }
0x7f: {  	_ =	shalt  }
0x80: {  	_ =	shalt  }
0x81: {  	_ =	shalt  }
0x82: {  	_ =	shalt  }
0x83: {  	_ =	shalt  }
0x84: {  	_ =	shalt  }
0x85: {  	_ =	shalt  }
0x86: {  	_ =	shalt  }
0x87: {  	_ =	shalt  }
.Lfunc_end0:
.L_simem_size_0:
called_computation.3_lowered:
.L_overlay_start_0:
0x88: {  	s2 =	sld [smem:$0x3FD9]  }
0x89: {  	s3 =	sld [smem:$0x3FFE];
	_ =	sdelay $0x1  }
0x8a: {  	s1 =	srdreg.scid  }
0x8b: {  	s0 =	sand.u32 $0x1, s1  }
0x8c: {  	s17 =	sshll.u32 s0, $0xA;
	s2 =	sadd.s32 s3, s2  }
0x8d: {  	s2 =	sadd.s32 s2, s17  }
0x8e: {  	[smem:$0x3FBA] =	sst s2  }
0x8f: {  	_ = 	snop  }
0x90: {  	s2 =	sld [smem:$0x3FD0];
	(tm) =	ssettm $0x1  }
0x91: {  	s18 =	sld [smem:$0x3FFB];
	_ =	sdelay $0x3  }
0x92: {  	_ =	strace s18  }
0x93: {  	s3 =	sld [smem:$0x3FFC];
	_ =	sdelay $0x3  }
0x94: {  	_ =	strace s3  }
0x95: {  	s3 =	sld [smem:$0x3FFD];
	_ =	sdelay $0x3  }
0x96: {  	_ =	strace s3  }
0x97: {  	_ =	strace $0x8FFFFFFF  }
0x98: {  	s19 =	sld [smem:$0x3FDB];
	_ =	sdelay $0x1  }
0x99: {  	s4 =	simm.s32 $_scs_section_size  }
0x9a: {  	s5 =	simm.s32 $_size__tile_overlayer_lowered;
	s6 =	simm.s32 $_tile_overlayer_lowered  }
0x9b: {  	s22 =	simm.s32 $0x1BFF;
	s21 =	sshll.u32 s6, $0x1;
	s3 =	sadd.s32 s4, s19  }
0x9c: {  	s7 =	simm.s32 $0x0;
	s20 =	sshll.u32 s5, $0x1;
	s5 =	sadd.s32 s21, s3  }
0x9d: {  	[timem:s7], [sflag:s22] =	dma.local [hbm:s5], s20  }
0x9e: {  	_ =	swait.ge [sflag:s22], s20  }
0x9f: {  	s4 =	ssub.s32 $0x0, s20;
	[sflag:s22] =	ssyncset.done $0x0  }
0xa0: {  	[sflag:s22] =	ssyncadd.s32 s4;
	_ =	sdelay $0x1  }
0xa1: {  	s23 =	simm.s32 $0x1B8B  }
0xa2: {  	_ =	swait.ge [sflag:s23], $0x1  }
0xa3: {  	[sflag:s23] =	ssyncset.done $0x0  }
0xa4: {  	s25 =	simm.s32 $0x1B8E;
	s24 =	sld [smem:$0x3FFE];
	[sflag:s23] =	ssyncadd.s32 $0xFFFFFFFF  }
0xa5: {  	s26 =	simm.s32 $execute0_lowered;
	[smem:$0x3FD2] =	sst s25  }
0xa6: {  	s5 =	sshll.u32 s26, $0x1;
	_ =	strace $0x8000004F;
	[dreg:$0x1] =	wrdreg $0xFFFFFFFF  }
0xa7: {  	s28 =	simm.s32 $_size_execute0_lowered;
	s3 =	sadd.s32 s3, s5;
	[dreg:$0x0] =	wrdreg $0x0  }
0xa8: {  	s5 =	sshll.u32 s28, $0x1;
	[dreg:$0x2] =	wrdreg s3  }
0xa9: {  	[dreg:$0x3] =	wrdreg s5  }
0xaa: {  	[dreg:$0x4] =	wrdreg $0xC0  }
0xab: {  	_ =	task [dreg:s7], $0x5FFFF  }
0xac: {  	[dreg:$0x1] =	wrdreg $0xFFFFFFFF  }
0xad: {  	[dreg:$0x0] =	wrdreg $0x60  }
0xae: {  	[dreg:$0x2] =	wrdreg s24  }
0xaf: {  	[dreg:$0x3] =	wrdreg s2  }
0xb0: {  	[dreg:$0x4] =	wrdreg $0xB6800  }
0xb1: {  	[dreg:$0x5] =	wrdreg $0x8F000  }
0xb2: {  	[dreg:$0x6] =	wrdreg $0x9  }
0xb3: {  	_ =	task.clear_ibuf [dreg:s7], $0x7FFFF;
	_ =	strace $0x9000004F  }
0xb4: {  	s29 =	simm.s32 $0x9;
	_ =	strace $0x80000051  }
0xb5: {  	_ =	swait.ge [sflag:s29], $0x1  }
0xb6: {  	[sflag:s29] =	ssyncadd.s32 $0xFFFFFFFF  }
0xb7: {  	_ =	strace $0x90000051  }
0xb8: {  	_ =	sfence  }
0xb9: {  	s30 =	sld [smem:$0x0];
	_ =	sdelay $0x2  }
0xba: {  	s31 =	sshll.u32 s1, $0xD;
	s1 =	sshrl.u32 s1, $0x2  }
0xbb: {  	s3 =	sand.u32 $0x4000, s31;
	s1 =	sadd.s32 s1, s30  }
0xbc: {  	s0 =	sor.u32 s3, s0;
	s1 =	sshll.u32 s1, $0x11  }
0xbd: {  	s0 =	sor.u32 s1, s0  }
0xbe: {  	s0 =	sadd.s32 $0x8F2B, s0  }
0xbf: {  	[sflag:s0] =	ssyncadd.remote.s32 $0x1  }
0xc0: {  	_ =	sfence.sel $0xFFFF  }
0xc1: {  	[dreg:$0x0] =	wrdreg $0xFFFFFFFF;
	(pc) =	sbr.abs _section_cstart, $3  }
0xc2: {  	[dreg:$0x1] =	wrdreg $0xFFFFFFFF  }
0xc3: {  	_ =	task.clear_ibuf [dreg:s7], $0x2FFFF;
	_ =	strace $0x9FFFFFFF  }
0xc4: {  	(tm) =	ssettm $0x7FFFFFFF  }
0xc5: {  	_ =	shalt  }
tec
execute0_lowered:
.L_overlay_start_1:
0x0: {  	(tag) =	ssettag $0x1  }
0x1: {  	s0 =	rddreg [dreg:$0x0];
	s13 =	stileid.u32  }
0x2: {  	s1 =	srdreg.scid;
	s4 =	rddreg [dreg:$0x1]  }
0x3: {  	s2 =	rddreg [dreg:$0x2];
	s8 =	simm.s32 $0x0;
	s16 =	simm.s32 $0x80  }
0x4: {  	s14 =	simm.s32 $0x4F00;
	s17 =	simm.s32 $0x5700;
	s18 =	simm.s32 $0x5F00  }
0x5: {  	s19 =	simm.s32 $0x6700;
	s20 =	simm.s32 $0x6F00;
	s21 =	simm.s32 $0x7700  }
0x6: {  	s1 =	sand.u32 $0x1, s1;
	s3 =	sshll.u32 s13, $0x1;
	s5 =	smul.u32 $0x2710, s13  }
0x7: {  	s7 =	smul.u32 $0x2780, s13;
	[smem:$0x7FF] =	sst s8;
	s30 =	sshll.u32 s13, $0x6  }
0x8: {  	s6 =	sor.u32 s1, s3;
	s3 =	rddreg [dreg:$0x3];
	s9 =	smul.u32 $0x27800, s1  }
0x9: {  	_ =	strace $0x80000050;
	s1 =	ssub.s32 $0x2, s1;
	s13 =	sor.u32 $0x1C11, s30  }
0xa: {  	s6 =	smul.u32 $0x4F0, s6;
	s22 =	sshrl.u32 s5, $0x3;
	s11 =	sshrl.u32 s7, $0x3  }
0xb: {  	s12 =	sshrl.u32 s1, $0x1;
	s24 =	sadd.s32 s5, s2;
	s26 =	sadd.s32 s7, s3  }
0xc: {  	s8 =	sadd.s32 s22, s0;
	s9 =	sadd.s32 s7, s9;
	s11 =	sadd.s32 s11, s0  }
0xd: {  	s1 =	ssub.s32 s1, s12;
	s31 =	sshrl.u32 s24, $0x3;
	s15 =	sshrl.u32 s26, $0x3  }
0xe: {  	s22 =	simm.s32 $0x7F00;
	s7 =	simm.s32 $0xC;
	s12 =	simm.s32 $0xE  }
0xf: {  	s10 =	sadd.s32 s6, s0;
	s4 =	sadd.s32 s4, s6;
	[dreg:$0xb] =	wrdreg s31  }
0x10: {  	s9 =	sshrl.u32 s9, $0x3;
	s25 =	sadd.s32 $0x9400, s8;
	[dreg:$0x6] =	wrdreg s4  }
0x11: {  	s28 =	sadd.s32 $0x4400, s11;
	s29 =	smax.u32 s1, $0x1;
	[dreg:$0x7] =	wrdreg s25  }
0x12: {  	s11 =	simm.s32 $0x11;
	s1 =	simm.s32 $0x1;
	[dreg:$0x8] =	wrdreg s28  }
0x13: {  	s0 =	sadd.s32 s9, s0;
	s23 =	sadd.s32 $0x13400, s10;
	[dreg:$0xa] =	wrdreg s29  }
0x14: {  	s8 =	simm.s32 $0xD;
	[dreg:$0x5] =	wrdreg s23;
	s0 =	sadd.s32 $0x1D200, s0  }
0x15: {  	s9 =	simm.s32 $0xF;
	s10 =	simm.s32 $0x0;
	[dreg:$0x9] =	wrdreg s0  }
.LBB2_1:
0x16: {  	s0 =	simm.s32 $0x0;
	s4 =	rddreg [dreg:$0x5]  }
0x17: {  	[tilespmem:s0], [sflag:$0x11] =	stream.linear.gather [hbm4b:s4+s0], $0x2780, $0x38;
	[tilespmem:$0xDD90] =	vst v63  }
0x18: {  	_ =	swait.ge [sflag:s11], $0x2780  }
0x19: {  	[sflag:s11] =	ssyncset.done $0x0  }
0x1a: {  	s5 =	simm.s32 $0x2780;
	s30 =	rddreg [dreg:$0x6];
	[sflag:s11] =	ssyncadd.s32 $0xFFFFD880  }
0x1b: {  	[tilespmem:s5], [sflag:$0x11] =	stream.linear.gather [hbm4b:s30+s0], $0x2780, $0x38;
	[tilespmem:$0xDD90] =	vst v63  }
0x1c: {  	_ =	swait.ge [sflag:s11], $0x2780  }
0x1d: {  	[sflag:s11] =	ssyncset.done $0x0;
	s31 =	rddreg [dreg:$0x7]  }
0x1e: {  	s6 =	rddreg [dreg:$0xb];
	[sflag:s11] =	ssyncadd.s32 $0xFFFFD880  }
0x1f: {  	[spmem:s6], [sflag:s13] =	dma.local [hbm:s31], $0x4E2  }
0x20: {  	_ =	swait.ge [sflag:s11], $0x4E2  }
0x21: {  	[sflag:s11] =	ssyncset.done $0x0  }
0x22: {  	s6 =	rddreg [dreg:$0x8];
	[sflag:s11] =	ssyncadd.s32 $0xFFFFFB1E  }
0x23: {  	[spmem:s15], [sflag:s13] =	dma.local [hbm:s6], $0x4F0  }
0x24: {  	_ =	swait.ge [sflag:s11], $0x4F0  }
0x25: {  	[sflag:s11] =	ssyncset.done $0x0  }
0x26: {  	[sflag:s11] =	ssyncadd.s32 $0xFFFFFB10  }
0x27: {  	s30 =	simm.s32 $0x0;
	[bflag:$0x0] =	sbarrier.arrive $0xFFFF  }
0x28: {  	[tilespmem:s14], [sflag:$0x1] =	stream.indirect.gather [spmem:s2], $0x10, s0, s16, $0xb8;
	[tilespmem:$0xDD90] =	vst v63  }
0x29: {  	s4 =	sand.u32 $0x7, s30  }
0x2a: {  	[tilespmem:s17], [sflag:$0x2] =	stream.indirect.gather [spmem:s2], $0x10, s16, s16, $0xb8;
	[tilespmem:$0xDD90] =	vst v63  }
0x2b: {  	s4 =	sadd.s32 $0x0, s4;
	s17 =	simm.s32 $0x100  }
0x2c: {  	[tilespmem:s18], [sflag:$0x3] =	stream.indirect.gather [spmem:s2], $0x10, s17, s16, $0xb8;
	[tilespmem:$0xDD90] =	vst v63  }
0x2d: {  	s4 =	sand.u32 $0xF8, s4;
	s18 =	simm.s32 $0x180  }
0x2e: {  	[tilespmem:s19], [sflag:$0x4] =	stream.indirect.gather [spmem:s2], $0x10, s18, s16, $0xb8;
	[tilespmem:$0xDD90] =	vst v63  }
0x2f: {  	s4 =	ssub.s32 $0x0, s4;
	s19 =	simm.s32 $0x200  }
0x30: {  	[tilespmem:s20], [sflag:$0x5] =	stream.indirect.gather [spmem:s2], $0x10, s19, s16, $0xb8;
	[tilespmem:$0xDD90] =	vst v63  }
0x31: {  	s23 =	simm.s32 $0x280;
	s4 =	sshll.u32 s4, $0x18  }
0x32: {  	[tilespmem:s21], [sflag:$0x6] =	stream.indirect.gather [spmem:s2], $0x10, s23, s16, $0xb8;
	[tilespmem:$0xDD90] =	vst v63  }
0x33: {  	s24 =	simm.s32 $0x300;
	s25 =	simm.s32 $0x380;
	s4 =	sshra.s32 s4, $0x18  }
0x34: {  	[tilespmem:s22], [sflag:$0x7] =	stream.indirect.gather [spmem:s2], $0x10, s24, s16, $0xb8;
	[tilespmem:$0xDD90] =	vst v63  }
0x35: {  	s26 =	simm.s32 $0x8700;
	s29 =	sand.u32 $0x7, s1;
	s31 =	sshll.u32 s4, $0xD  }
0x36: {  	[tilespmem:s26], [sflag:$0x8] =	stream.indirect.gather [spmem:s2], $0x10, s25, s16, $0xb8;
	[tilespmem:$0xDD90] =	vst v63  }
0x37: {  	s28 =	simm.s32 $0x3;
	s17 =	sshra.s32 s31, $0x2;
	_ =	swait.ge [sflag:s1], $0x800  }
0x38: {  	s18 =	simm.s32 $0x400;
	s20 =	simm.s32 $0x2;
	[sflag:s1] =	ssyncset.done $0x0  }
0x39: {  	s19 =	sadd.s32 $0x1, s29;
	s23 =	sshll.u32 s29, $0xB;
	[sflag:s1] =	ssyncadd.s32 $0xFFFFF800  }
0x3a: {  	[spmem:s3] =	stream.indirect.scatter.add.f32 [tilespmem:s14], [sflag:$0x9], $0x10, s5, s16, $0xb8;
	[tilespmem:$0xDD90] =	vst v63  }
0x3b: {  	s24 =	simm.s32 $0x2800;
	s22 =	simm.s32 $0x2880;
	_ =	swait.ge [sflag:s19], $0x800  }
0x3c: {  	s26 =	simm.s32 $0x400;
	s14 =	simm.s32 $0x1;
	[sflag:s19] =	ssyncset.done $0x0  }
.LBB2_2:
0x3d: {  	s18 =	sadd.s32 $0x80, s18;
	s31 =	smov.u32 s14;
	s14 =	sadd.s32 $0xFFFFFFFF, s28  }
0x3e: {  	s21 =	smov.u32 s20;
	s20 =	smov.u32 s28;
	s30 =	sadd.s32 $0x1, s28  }
0x3f: {  	p0 =	sne.s32 s28, $0x47;
	s25 =	smov.u32 s26;
	s28 =	sshll.u32 s31, $0x18  }
0x40: {  	s0 =	smov.u32 s24;
	s26 =	smov.u32 s18;
	s28 =	sshra.s32 s28, $0x1F  }
0x41: {  	s5 =	sadd.s32 $0x1, s4;
	s24 =	smov.u32 s22;
	s28 =	sand.u32 $0x7, s28  }
0x42: {  	s23 =	sadd.s32 $0x4F00, s23;
	s29 =	sadd.s32 $0x9, s29;
	s28 =	sadd.s32 s28, s31  }
0x43: {  	s6 =	sadd.s32 $0x9, s4;
	s28 =	sand.u32 $0xF8, s28;
	[sflag:s19] =	ssyncadd.s32 $0xFFFFF800  }
0x44: {  	[spmem:s3] =	stream.indirect.scatter.add.f32 [tilespmem:s23], [sflag:s29], $0x10, s0, s16, $0xb8;
	[tilespmem:$0xDD90] =	vst v63  }
0x45: {  	s22 =	sadd.s32 $0x80, s22;
	s0 =	ssub.s32 s31, s28  }
0x46: {  	s29 =	sand.u32 $0x7, s21;
	_ =	swait.ge [sflag:s6], $0x800;
	s0 =	sshll.u32 s0, $0x18  }
.Ltmp0:
0x47: {  	s19 =	sadd.s32 $0x1, s29;
	[sflag:s6] =	ssyncset.done $0x0;
	(pc) =	sbr.rel @p0 .LBB2_2-.Ltmp0, $4  }
0x48: {  	s4 =	sshra.s32 s0, $0x18;
	s0 =	sadd.s32 $0x4F00, s17;
	[sflag:s6] =	ssyncadd.s32 $0xFFFFF800  }
0x49: {  	[tilespmem:s0], [sflag:s5] =	stream.indirect.gather [spmem:s2], $0x10, s25, s16, $0xb8;
	[tilespmem:$0xDD90] =	vst v63  }
0x4a: {  	s23 =	sshll.u32 s29, $0xB;
	s0 =	sshll.u32 s4, $0xD;
	_ =	swait.ge [sflag:s19], $0x800  }
0x4b: {  	s28 =	smov.u32 s30;
	s17 =	sshra.s32 s0, $0x2;
	[sflag:s19] =	ssyncset.done $0x0  }
0x4c: {  	[sflag:s19] =	ssyncadd.s32 $0xFFFFF800  }
0x4d: {  	s0 =	sadd.s32 $0x4F00, s23;
	s5 =	sadd.s32 $0x9, s29;
	s28 =	sadd.s32 $0x9, s4  }
0x4e: {  	[spmem:s3] =	stream.indirect.scatter.add.f32 [tilespmem:s0], [sflag:s5], $0x10, s24, s16, $0xb8;
	[tilespmem:$0xDD90] =	vst v63  }
0x4f: {  	_ =	swait.ge [sflag:s28], $0x800  }
0x50: {  	s29 =	sadd.s32 $0x1, s4;
	s31 =	sand.u32 $0x7, s20;
	[sflag:s28] =	ssyncset.done $0x0  }
0x51: {  	s30 =	sadd.s32 $0x4F00, s17;
	s6 =	sadd.s32 $0x1, s31;
	[sflag:s28] =	ssyncadd.s32 $0xFFFFF800  }
0x52: {  	[tilespmem:s30], [sflag:s29] =	stream.indirect.gather [spmem:s2], $0x10, s26, s16, $0xb8;
	[tilespmem:$0xDD90] =	vst v63  }
0x53: {  	_ =	swait.ge [sflag:s6], $0x800  }
0x54: {  	s20 =	sshll.u32 s14, $0x18;
	s17 =	sshll.u32 s31, $0xB;
	[sflag:s6] =	ssyncset.done $0x0  }
0x55: {  	s0 =	sadd.s32 $0x9, s31;
	s19 =	sadd.s32 $0x4F00, s17;
	[sflag:s6] =	ssyncadd.s32 $0xFFFFF800  }
0x56: {  	[spmem:s3] =	stream.indirect.scatter.add.f32 [tilespmem:s19], [sflag:s0], $0x10, s22, s16, $0xb8;
	[tilespmem:$0xDD90] =	vst v63  }
0x57: {  	s0 =	sshra.s32 s20, $0x1F  }
0x58: {  	s0 =	sand.u32 $0x7, s0  }
0x59: {  	s0 =	sadd.s32 s0, s14  }
0x5a: {  	s0 =	sand.u32 $0xF8, s0  }
0x5b: {  	s0 =	ssub.s32 s14, s0  }
0x5c: {  	s0 =	sshll.u32 s0, $0x18  }
0x5d: {  	s0 =	sshra.s32 s0, $0x18  }
0x5e: {  	s21 =	sadd.s32 $0x9, s0  }
0x5f: {  	s22 =	sshll.u32 s0, $0xD;
	_ =	swait.ge [sflag:s21], $0x800  }
0x60: {  	s24 =	sadd.s32 $0x80, s18;
	s23 =	sshra.s32 s22, $0x2;
	[sflag:s21] =	ssyncset.done $0x0  }
0x61: {  	s0 =	sadd.s32 $0x1, s0;
	s4 =	sadd.s32 $0x4F00, s23;
	[sflag:s21] =	ssyncadd.s32 $0xFFFFF800  }
0x62: {  	[tilespmem:s4], [sflag:s0] =	stream.indirect.gather [spmem:s2], $0x10, s24, s16, $0xb8;
	[tilespmem:$0xDD90] =	vst v63  }
0x63: {  	_ =	swait.ge [sflag:s1], $0x800  }
0x64: {  	s25 =	simm.s32 $0x4B80;
	[sflag:s1] =	ssyncset.done $0x0  }
0x65: {  	s26 =	simm.s32 $0x2;
	s14 =	simm.s32 $0x4F00;
	[sflag:s1] =	ssyncadd.s32 $0xFFFFF800  }
0x66: {  	[spmem:s3] =	stream.indirect.scatter.add.f32 [tilespmem:s14], [sflag:$0x9], $0x10, s25, s16, $0xb8;
	[tilespmem:$0xDD90] =	vst v63  }
0x67: {  	_ =	swait.ge [sflag:s26], $0x800  }
0x68: {  	s17 =	simm.s32 $0x5700;
	[sflag:s26] =	ssyncset.done $0x0  }
0x69: {  	s28 =	simm.s32 $0x4C00;
	s29 =	simm.s32 $0x3;
	[sflag:s26] =	ssyncadd.s32 $0xFFFFF800  }
0x6a: {  	[spmem:s3] =	stream.indirect.scatter.add.f32 [tilespmem:s17], [sflag:$0xA], $0x10, s28, s16, $0xb8;
	[tilespmem:$0xDD90] =	vst v63  }
0x6b: {  	_ =	swait.ge [sflag:s29], $0x800  }
0x6c: {  	s18 =	simm.s32 $0x5F00;
	[sflag:s29] =	ssyncset.done $0x0  }
0x6d: {  	s31 =	simm.s32 $0x4;
	s30 =	simm.s32 $0x4C80;
	[sflag:s29] =	ssyncadd.s32 $0xFFFFF800  }
0x6e: {  	[spmem:s3] =	stream.indirect.scatter.add.f32 [tilespmem:s18], [sflag:$0xB], $0x10, s30, s16, $0xb8;
	[tilespmem:$0xDD90] =	vst v63  }
0x6f: {  	_ =	swait.ge [sflag:s31], $0x800  }
0x70: {  	s5 =	simm.s32 $0x5;
	[sflag:s31] =	ssyncset.done $0x0  }
0x71: {  	s19 =	simm.s32 $0x6700;
	s4 =	simm.s32 $0x4D00;
	[sflag:s31] =	ssyncadd.s32 $0xFFFFF800  }
0x72: {  	[spmem:s3] =	stream.indirect.scatter.add.f32 [tilespmem:s19], [sflag:$0xC], $0x10, s4, s16, $0xb8;
	[tilespmem:$0xDD90] =	vst v63  }
0x73: {  	_ =	swait.ge [sflag:s5], $0x800  }
0x74: {  	s6 =	simm.s32 $0x4D80;
	[sflag:s5] =	ssyncset.done $0x0  }
0x75: {  	s20 =	simm.s32 $0x6F00;
	s21 =	simm.s32 $0x6;
	[sflag:s5] =	ssyncadd.s32 $0xFFFFF800  }
0x76: {  	[spmem:s3] =	stream.indirect.scatter.add.f32 [tilespmem:s20], [sflag:$0xD], $0x10, s6, s16, $0xb8;
	[tilespmem:$0xDD90] =	vst v63  }
0x77: {  	_ =	swait.ge [sflag:s21], $0x800  }
0x78: {  	s22 =	simm.s32 $0x4E00;
	[sflag:s21] =	ssyncset.done $0x0  }
0x79: {  	s23 =	simm.s32 $0x7;
	[sflag:s21] =	ssyncadd.s32 $0xFFFFF800;
	s21 =	simm.s32 $0x7700  }
0x7a: {  	[spmem:s3] =	stream.indirect.scatter.add.f32 [tilespmem:s21], [sflag:$0xE], $0x10, s22, s16, $0xb8;
	[tilespmem:$0xDD90] =	vst v63  }
0x7b: {  	_ =	swait.ge [sflag:s23], $0x800  }
0x7c: {  	s24 =	simm.s32 $0x4E80;
	[sflag:s23] =	ssyncset.done $0x0  }
0x7d: {  	s25 =	simm.s32 $0x10;
	s22 =	simm.s32 $0x7F00;
	[sflag:s23] =	ssyncadd.s32 $0xFFFFF800  }
0x7e: {  	[spmem:s3] =	stream.indirect.scatter.add.f32 [tilespmem:s22], [sflag:$0xF], $0x10, s24, s16, $0xb8;
	[tilespmem:$0xDD90] =	vst v63  }
0x7f: {  	_ =	swait.ge [sflag:s25], $0x800  }
0x80: {  	[sflag:s25] =	ssyncset.done $0x0  }
0x81: {  	s26 =	simm.s32 $0x9;
	[sflag:s25] =	ssyncadd.s32 $0xFFFFF800  }
0x82: {  	_ =	swait.ge [sflag:s26], $0x800  }
0x83: {  	[sflag:s26] =	ssyncset.done $0x0  }
0x84: {  	s28 =	simm.s32 $0xA;
	[sflag:s26] =	ssyncadd.s32 $0xFFFFF800  }
0x85: {  	_ =	swait.ge [sflag:s28], $0x800  }
0x86: {  	[sflag:s28] =	ssyncset.done $0x0  }
0x87: {  	s29 =	simm.s32 $0xB;
	[sflag:s28] =	ssyncadd.s32 $0xFFFFF800  }
0x88: {  	_ =	swait.ge [sflag:s29], $0x800  }
0x89: {  	[sflag:s29] =	ssyncset.done $0x0  }
0x8a: {  	[sflag:s29] =	ssyncadd.s32 $0xFFFFF800  }
0x8b: {  	_ =	swait.ge [sflag:s7], $0x800  }
0x8c: {  	[sflag:s7] =	ssyncset.done $0x0  }
0x8d: {  	[sflag:s7] =	ssyncadd.s32 $0xFFFFF800  }
0x8e: {  	_ =	swait.ge [sflag:s8], $0x800  }
0x8f: {  	[sflag:s8] =	ssyncset.done $0x0  }
0x90: {  	[sflag:s8] =	ssyncadd.s32 $0xFFFFF800  }
0x91: {  	_ =	swait.ge [sflag:s12], $0x800  }
0x92: {  	[sflag:s12] =	ssyncset.done $0x0  }
0x93: {  	[sflag:s12] =	ssyncadd.s32 $0xFFFFF800  }
0x94: {  	_ =	swait.ge [sflag:s9], $0x800  }
0x95: {  	[sflag:s9] =	ssyncset.done $0x0  }
0x96: {  	[sflag:s9] =	ssyncadd.s32 $0xFFFFF800  }
0x97: {  	[bflag:$0x0] =	sbarrier.arrive $0xFFFF  }
0x98: {  	s30 =	rddreg [dreg:$0x9]  }
0x99: {  	[hbm:s30], [sflag:s13] =	dma.local [spmem:s15], $0x4F0  }
0x9a: {  	_ =	swait.ge [sflag:s11], $0x4F0  }
0x9b: {  	s10 =	sadd.s32 $0x1, s10;
	s31 =	rddreg [dreg:$0xa]  }
0x9c: {  	p0 =	sne.s32 s10, s31  }
.Ltmp1:
0x9d: {  	_ = 	snop;
	(pc) =	sbr.rel @p0 .LBB2_1-.Ltmp1, $3  }
0x9e: {  	_ =	sdelay $0x1  }
0x9f: {  	[sflag:s11] =	ssyncset.done $0x0  }
0xa0: {  	[sflag:s11] =	ssyncadd.s32 $0xFFFFFB10  }
0xa1: {  	_ =	sfence.sel $0x180000  }
0xa2: {  	[bflag:$0x0] =	sbarrier.arrive $0xFFFF  }
0xa3: {  	_ =	strace $0x90000050  }
0xa4: {  	s0 =	stileid.u32;
	[bflag:$0x2] =	sbarrier.arrive $0xFFFF  }
0xa5: {  	p0 =	sne.s32 s0, $0x0;
	s0 =	rddreg [dreg:$0x4]  }
0xa6: {  	s0 =	sadd.s32 @!p0 $0x100000, s0  }
0xa7: {  	[sflag:s0] =	ssyncadd.tile.s32 @!p0 $0x1;
	_ =	shalt  }
.Lfunc_end2:
_tile_overlayer_lowered:
.L_overlay_start_2:
0xa8: {  	(tag) =	ssettag $0x2  }
0xa9: {  	s0 =	rddreg [dreg:$0x0];
	s2 =	stileid.u32  }
0xaa: {  	s1 =	rddreg [dreg:$0x1];
	p0 =	sne.s32 s2, $0x0  }
0xab: {  	s3 =	rddreg [dreg:$0x2];
	[bflag:$0x3] =	sbarrier.arrive $0xFFFF;
	s2 =	simm.s32 @!p0 $0x1C11  }
0xac: {  	[timem:s3], [sflag:s2] =	dma.local @!p0 [hbm:s0], s1  }
0xad: {  	s0 =	simm.s32 @!p0 $0x11  }
0xae: {  	_ =	swait.ge @!p0 [sflag:s0], s1  }
0xaf: {  	s1 =	ssub.s32 @!p0 $0x0, s1;
	[sflag:s0] =	ssyncset.done @!p0 $0x0  }
0xb0: {  	[sflag:s0] =	ssyncadd.s32 @!p0 s1  }
0xb1: {  	[bflag:$0x3] =	sbarrier.arrive $0xFFFF  }
0xb2: {  	_ =	shalt  }

</sc_bundles>
